<compile_context>
chip_gen: v7x
topology: tpu7x:2x2x1
jax: 0.10.2.dev20260603
libtpu: 0.0.44.dev20260713+nightly
codegen_flags: <defaults>
</compile_context>

<pallas_src>
import jax
import jax.numpy as jnp
from jax import lax
from jax.experimental import pallas as pl
from jax.experimental.pallas import tpu as pltpu
from jax.experimental.pallas import tpu_sc as plsc

B, C, HW = 8, 3, 96 * 96
P = B * HW
D = 128
NSEG = 8192
E = NSEG * 16
NC, NS = 2, 16
NW = NC * NS
PIX_W = P // NW
PIX_S = P // NS
EDGE_W = E // NW

_mesh = plsc.VectorSubcoreMesh(
    core_axis_name="c", subcore_axis_name="s", num_cores=NC, num_subcores=NS)
_sc_params = pltpu.CompilerParams(needs_layout_passes=False)

_f32 = jnp.float32
_i32 = jnp.int32


def _take(v, idx):
    dn = lax.GatherDimensionNumbers(
        offset_dims=(), collapsed_slice_dims=(0,), start_index_map=(0,))
    return lax.gather(v, idx[:, None], dn, slice_sizes=(1,),
                      mode=lax.GatherScatterMode.PROMISE_IN_BOUNDS)


def _bcast_last(v):
    return _take(v, jnp.full((16,), 15, _i32))


def _allmax(v):
    ar = jnp.arange(16, dtype=_i32)
    for s in (8, 4, 2, 1):
        v = jnp.maximum(v, _take(v, ar ^ s))
    return v


def _k1_body(pix_ref, wbb_ref, wseg_ref, emb_ref, pred_ref):
    x = pix_ref[...]
    emb_ref[...] = jnp.dot(x, wbb_ref[...], preferred_element_type=_f32)
    pred_ref[...] = jnp.dot(x, wseg_ref[...], preferred_element_type=_f32)


def _k1(pix, wbb, wseg):
    blk = 2048
    return pl.pallas_call(
        _k1_body,
        grid=(P // blk,),
        in_specs=[
            pl.BlockSpec((blk, C), lambda i: (i, 0)),
            pl.BlockSpec((C, D), lambda i: (0, 0)),
            pl.BlockSpec((C, 1), lambda i: (0, 0)),
        ],
        out_specs=[
            pl.BlockSpec((blk, D), lambda i: (i, 0)),
            pl.BlockSpec((blk, 1), lambda i: (i, 0)),
        ],
        out_shape=[
            jax.ShapeDtypeStruct((P, D), _f32),
            jax.ShapeDtypeStruct((P, 1), _f32),
        ],
    )(pix, wbb, wseg)


def _k2_body(spf_ref, out_ref, chunk, hist, hs, rankl, rankv, outb,
             v128, mx, tt, idx64, sh_hist, sh_rank, sh_max, sh_tot):
    cid = lax.axis_index("c")
    sid = lax.axis_index("s")
    ar = jnp.arange(16, dtype=_i32)
    zi = jnp.zeros((16,), _i32)
    ones = jnp.ones((16,), _i32)

    pltpu.sync_copy(spf_ref.at[pl.ds(sid * PIX_S, PIX_S)], chunk)

    def zrow(i, _):
        for k in range(8):
            hist[i, pl.ds(k * 16, 16)] = zi
        return 0
    lax.fori_loop(0, 64, zrow, 0)

    def mx_body(i, m):
        return jnp.maximum(m, chunk[pl.ds(i * 16, 16)])
    m = lax.fori_loop(0, PIX_S // 16, mx_body, zi)
    for k in range(8):
        v128[pl.ds(k * 16, 16)] = m
    pltpu.sync_copy(v128, sh_max.at[sid])

    @pl.when(sid == 0)
    def _():
        pltpu.sync_copy(hist, sh_hist)
    plsc.subcore_barrier()

    pltpu.sync_copy(sh_max, mx)
    vm = zi
    for i in range(16):
        vm = jnp.maximum(vm, mx[i, pl.ds(0, 16)])
    gmax = _allmax(vm)
    off_add = (gmax + 1) * (sid // 2)

    def hist_body(i, _):
        v = chunk[pl.ds(i * 16, 16)] + off_add
        chunk[pl.ds(i * 16, 16)] = v
        plsc.addupdate_scatter(hist, [v >> 7, v & 127], ones)
        return 0
    lax.fori_loop(0, PIX_S // 16, hist_body, 0)

    for k in range(4):
        idx64[pl.ds(k * 16, 16)] = ar + k * 16
    pltpu.sync_copy(hist, sh_hist.at[idx64], add=True)
    plsc.subcore_barrier()

    pltpu.sync_copy(sh_hist.at[pl.ds(sid * 4, 4)], hs)
    off = zi
    for r in range(4):
        for k in range(8):
            h = hs[r, pl.ds(k * 16, 16)]
            p = jnp.where(h > 0, ones, zi)
            cs = plsc.cumsum(p)
            rankl[r, pl.ds(k * 16, 16)] = cs - p + off
            off = off + _bcast_last(cs)
    for k in range(8):
        v128[pl.ds(k * 16, 16)] = off
    pltpu.sync_copy(v128, sh_tot.at[sid])
    plsc.subcore_barrier()

    pltpu.sync_copy(sh_tot, tt)
    t = plsc.load_gather(tt, [ar, zi])
    ec = plsc.cumsum(t) - t
    base = _take(ec, jnp.full((16,), sid, _i32))
    for r in range(4):
        for k in range(8):
            rankl[r, pl.ds(k * 16, 16)] = rankl[r, pl.ds(k * 16, 16)] + base
    pltpu.sync_copy(rankl, sh_rank.at[pl.ds(sid * 4, 4)])
    plsc.subcore_barrier()

    pltpu.sync_copy(sh_rank, rankv)
    cbase = cid * PIX_W

    def gbody(i, _):
        v = chunk[pl.ds(cbase + i * 16, 16)]
        outb[pl.ds(i * 16, 16)] = plsc.load_gather(rankv, [v >> 7, v & 127])
        return 0
    lax.fori_loop(0, PIX_W // 16, gbody, 0)
    wid = sid * 2 + cid
    pltpu.sync_copy(outb, out_ref.at[pl.ds(wid * PIX_W, PIX_W)])


def _k2(spf):
    fn = pl.kernel(
        _k2_body,
        compiler_params=_sc_params,
        out_type=jax.ShapeDtypeStruct((P,), _i32),
        mesh=_mesh,
        scratch_types=[
            pltpu.VMEM((PIX_S,), _i32),
            pltpu.VMEM((64, 128), _i32),
            pltpu.VMEM((4, 128), _i32),
            pltpu.VMEM((4, 128), _i32),
            pltpu.VMEM((64, 128), _i32),
            pltpu.VMEM((PIX_W,), _i32),
            pltpu.VMEM((128,), _i32),
            pltpu.VMEM((16, 128), _i32),
            pltpu.VMEM((16, 128), _i32),
            pltpu.VMEM((64,), _i32),
            pltpu.VMEM_SHARED((64, 128), _i32),
            pltpu.VMEM_SHARED((64, 128), _i32),
            pltpu.VMEM_SHARED((16, 128), _i32),
            pltpu.VMEM_SHARED((16, 128), _i32),
        ],
    )
    return fn(spf)


def _k3_body(emb_ref, seg_ref, psum_ref, pcnt_ref,
             buf, ids, ids2, cnt, zbuf, obuf, idx64, sem, sh_sum, sh_cnt):
    cid = lax.axis_index("c")
    sid = lax.axis_index("s")
    wid = sid * 2 + cid
    ar = jnp.arange(16, dtype=_i32)
    zf = jnp.zeros((16,), _f32)
    ones_f = jnp.ones((16,), _f32)

    def zb(i, _):
        for k in range(8):
            zbuf[i, pl.ds(k * 16, 16)] = zf
        return 0
    lax.fori_loop(0, 128, zb, 0)

    def zc(i, _):
        for k in range(8):
            cnt[i, pl.ds(k * 16, 16)] = zf
        return 0
    lax.fori_loop(0, 64, zc, 0)

    def zs(i, _):
        pltpu.sync_copy(zbuf, sh_sum.at[pl.ds(sid * 512 + i * 128, 128)])
        return 0
    lax.fori_loop(0, 4, zs, 0)

    @pl.when(sid == 0)
    def _():
        pltpu.sync_copy(cnt, sh_cnt)
    plsc.subcore_barrier()

    for k in range(4):
        idx64[pl.ds(k * 16, 16)] = ar + k * 16

    pix0 = wid * PIX_W
    nit = PIX_W // 256

    def hist8(idsref):
        for k in range(8):
            v = idsref[pl.ds(k * 16, 16)]
            plsc.addupdate_scatter(cnt, [v >> 7, v & 127], ones_f)

    pltpu.sync_copy(seg_ref.at[pl.ds(pix0, 128)], ids)
    pltpu.async_copy(emb_ref.at[pl.ds(pix0, 128)], buf, sem)

    def chunk_body(j, _):
        s1 = pix0 + (2 * j + 1) * 128
        pltpu.sync_copy(seg_ref.at[pl.ds(s1, 128)], ids2)
        pltpu.make_async_copy(emb_ref.at[pl.ds(pix0, 128)], buf, sem).wait()
        pltpu.async_copy(emb_ref.at[pl.ds(s1, 128)], zbuf, sem)
        pltpu.sync_copy(buf, sh_sum.at[ids], add=True)
        hist8(ids)

        @pl.when(j < nit - 1)
        def _():
            s2 = pix0 + (2 * j + 2) * 128
            pltpu.sync_copy(seg_ref.at[pl.ds(s2, 128)], ids)
        pltpu.make_async_copy(emb_ref.at[pl.ds(s1, 128)], zbuf, sem).wait()

        @pl.when(j < nit - 1)
        def _():
            s2 = pix0 + (2 * j + 2) * 128
            pltpu.async_copy(emb_ref.at[pl.ds(s2, 128)], buf, sem)
        pltpu.sync_copy(zbuf, sh_sum.at[ids2], add=True)
        hist8(ids2)
        return 0
    lax.fori_loop(0, nit, chunk_body, 0)

    pltpu.sync_copy(cnt, sh_cnt.at[idx64], add=True)
    plsc.subcore_barrier()

    def wr(i, _):
        r0 = sid * 512 + i * 128
        pltpu.sync_copy(sh_sum.at[pl.ds(r0, 128)], obuf)
        pltpu.sync_copy(obuf, psum_ref.at[cid, pl.ds(r0, 128)])
        return 0
    lax.fori_loop(0, 4, wr, 0)

    @pl.when(sid == 0)
    def _():
        pltpu.sync_copy(sh_cnt, cnt)
        pltpu.sync_copy(cnt, pcnt_ref.at[cid])


def _k3(emb, seg):
    fn = pl.kernel(
        _k3_body,
        compiler_params=_sc_params,
        out_type=[
            jax.ShapeDtypeStruct((NC, NSEG, D), _f32),
            jax.ShapeDtypeStruct((NC, 64, 128), _f32),
        ],
        mesh=_mesh,
        scratch_types=[
            pltpu.VMEM((128, D), _f32),
            pltpu.VMEM((128,), _i32),
            pltpu.VMEM((128,), _i32),
            pltpu.VMEM((64, 128), _f32),
            pltpu.VMEM((128, D), _f32),
            pltpu.VMEM((128, D), _f32),
            pltpu.VMEM((64,), _i32),
            pltpu.SemaphoreType.DMA,
            pltpu.VMEM_SHARED((NSEG, D), _f32),
            pltpu.VMEM_SHARED((64, 128), _f32),
        ],
    )
    return fn(emb, seg)


def _k4_body(ps_ref, pc_ref, o_ref):
    s = ps_ref[0] + ps_ref[1]
    c = pc_ref[0] + pc_ref[1]
    o_ref[...] = s / jnp.maximum(c, 1.0)


def _k4(psum, pcnt):
    blk = 256
    return pl.pallas_call(
        _k4_body,
        grid=(NSEG // blk,),
        in_specs=[
            pl.BlockSpec((NC, blk, D), lambda i: (0, i, 0)),
            pl.BlockSpec((NC, blk, 1), lambda i: (0, i, 0)),
        ],
        out_specs=pl.BlockSpec((blk, D), lambda i: (i, 0)),
        out_shape=jax.ShapeDtypeStruct((NSEG, D), _f32),
    )(psum, pcnt)


def _k5_body(fsp_ref, src_ref, dst_ref, pagg_ref, pdeg_ref,
             bufg, idxs, idxd, idxs2, idxd2, deg, zbuf, obuf, idx64, sem,
             sh_agg, sh_deg):
    cid = lax.axis_index("c")
    sid = lax.axis_index("s")
    wid = sid * 2 + cid
    ar = jnp.arange(16, dtype=_i32)
    zf = jnp.zeros((16,), _f32)
    ones_f = jnp.ones((16,), _f32)

    def zb(i, _):
        for k in range(8):
            zbuf[i, pl.ds(k * 16, 16)] = zf
        return 0
    lax.fori_loop(0, 128, zb, 0)

    def zc(i, _):
        for k in range(8):
            deg[i, pl.ds(k * 16, 16)] = zf
        return 0
    lax.fori_loop(0, 64, zc, 0)

    def zs(i, _):
        pltpu.sync_copy(zbuf, sh_agg.at[pl.ds(sid * 512 + i * 128, 128)])
        return 0
    lax.fori_loop(0, 4, zs, 0)

    @pl.when(sid == 0)
    def _():
        pltpu.sync_copy(deg, sh_deg)
    plsc.subcore_barrier()

    for k in range(4):
        idx64[pl.ds(k * 16, 16)] = ar + k * 16

    e0 = wid * EDGE_W
    nit = EDGE_W // 256

    def hist8(idsref):
        for k in range(8):
            v = idsref[pl.ds(k * 16, 16)]
            plsc.addupdate_scatter(deg, [v >> 7, v & 127], ones_f)

    pltpu.sync_copy(src_ref.at[pl.ds(e0, 128)], idxs)
    pltpu.sync_copy(dst_ref.at[pl.ds(e0, 128)], idxd)
    pltpu.async_copy(fsp_ref.at[idxs], bufg, sem)

    def chunk_body(j, _):
        s1 = e0 + (2 * j + 1) * 128
        pltpu.sync_copy(src_ref.at[pl.ds(s1, 128)], idxs2)
        pltpu.sync_copy(dst_ref.at[pl.ds(s1, 128)], idxd2)
        pltpu.make_async_copy(fsp_ref.at[idxs], bufg, sem).wait()
        pltpu.async_copy(fsp_ref.at[idxs2], zbuf, sem)
        pltpu.sync_copy(bufg, sh_agg.at[idxd], add=True)
        hist8(idxd)

        @pl.when(j < nit - 1)
        def _():
            s2 = e0 + (2 * j + 2) * 128
            pltpu.sync_copy(src_ref.at[pl.ds(s2, 128)], idxs)
            pltpu.sync_copy(dst_ref.at[pl.ds(s2, 128)], idxd)
        pltpu.make_async_copy(fsp_ref.at[idxs2], zbuf, sem).wait()

        @pl.when(j < nit - 1)
        def _():
            pltpu.async_copy(fsp_ref.at[idxs], bufg, sem)
        pltpu.sync_copy(zbuf, sh_agg.at[idxd2], add=True)
        hist8(idxd2)
        return 0
    lax.fori_loop(0, nit, chunk_body, 0)

    pltpu.sync_copy(deg, sh_deg.at[idx64], add=True)
    plsc.subcore_barrier()

    def wr(i, _):
        r0 = sid * 512 + i * 128
        pltpu.sync_copy(sh_agg.at[pl.ds(r0, 128)], obuf)
        pltpu.sync_copy(obuf, pagg_ref.at[cid, pl.ds(r0, 128)])
        return 0
    lax.fori_loop(0, 4, wr, 0)

    @pl.when(sid == 0)
    def _():
        pltpu.sync_copy(sh_deg, deg)
        pltpu.sync_copy(deg, pdeg_ref.at[cid])


def _k5(fsp, src, dst):
    fn = pl.kernel(
        _k5_body,
        compiler_params=_sc_params,
        out_type=[
            jax.ShapeDtypeStruct((NC, NSEG, D), _f32),
            jax.ShapeDtypeStruct((NC, 64, 128), _f32),
        ],
        mesh=_mesh,
        scratch_types=[
            pltpu.VMEM((128, D), _f32),
            pltpu.VMEM((128,), _i32),
            pltpu.VMEM((128,), _i32),
            pltpu.VMEM((128,), _i32),
            pltpu.VMEM((128,), _i32),
            pltpu.VMEM((64, 128), _f32),
            pltpu.VMEM((128, D), _f32),
            pltpu.VMEM((128, D), _f32),
            pltpu.VMEM((64,), _i32),
            pltpu.SemaphoreType.DMA,
            pltpu.VMEM_SHARED((NSEG, D), _f32),
            pltpu.VMEM_SHARED((64, 128), _f32),
        ],
    )
    return fn(fsp, src, dst)


def _k6_body(pa_ref, pd_ref, f_ref, w_ref, o_ref):
    a = pa_ref[0] + pa_ref[1]
    d = pd_ref[0] + pd_ref[1]
    h = a / jnp.maximum(d, 1.0) + f_ref[...]
    o_ref[...] = jnp.maximum(
        jnp.dot(h, w_ref[...], preferred_element_type=_f32), 0.0)


def _k6(pagg, pdeg, fsp, wgcn):
    blk = 256
    return pl.pallas_call(
        _k6_body,
        grid=(NSEG // blk,),
        in_specs=[
            pl.BlockSpec((NC, blk, D), lambda i: (0, i, 0)),
            pl.BlockSpec((NC, blk, 1), lambda i: (0, i, 0)),
            pl.BlockSpec((blk, D), lambda i: (i, 0)),
            pl.BlockSpec((D, D), lambda i: (0, 0)),
        ],
        out_specs=pl.BlockSpec((blk, D), lambda i: (i, 0)),
        out_shape=jax.ShapeDtypeStruct((NSEG, D), _f32),
    )(pagg, pdeg, fsp, wgcn)


@jax.jit
def kernel(img, sp_seg, edge_index, W_bb, W_seg, W_gcn):
    pix = jnp.transpose(img.reshape(B, C, HW), (0, 2, 1)).reshape(P, C)
    spf = sp_seg.reshape(P)
    src = edge_index[0]
    dst = edge_index[1]

    emb, pred = _k1(pix, W_bb, W_seg)
    seg_mapped = _k2(spf)
    psum, pcnt = _k3(emb, seg_mapped)
    fsp = _k4(psum, pcnt.reshape(NC, NSEG, 1))
    pagg, pdeg = _k5(fsp, src, dst)
    features = _k6(pagg, pdeg.reshape(NC, NSEG, 1), fsp, W_gcn)

    pred_cam = pred.reshape(B, 96, 96)[:, None, :, :]
    return features, pred_cam, seg_mapped

# --- scband reference (transcript-rebuilt; emitter-appended) ---
"""Pipeline reference for scband-seg-gcn-64441689309410 (READ-ONLY COPY).

The authoritative reference and input builder live on the scoring server;
editing this copy changes nothing except your own understanding.
"""

import jax, jax.numpy as jnp
import numpy as np

def setup_inputs(seed: int = 0) -> dict:
    key = jax.random.key(seed)
    ks = jax.random.split(key, 6)
    B, C, H, W = 8, 3, 96, 96
    D = 128
    S = 1024
    NSEG = B * S
    E = NSEG * 16
    img = jax.random.normal(ks[0], (B, C, H, W), dtype=jnp.float32)
    sp_seg = jax.random.randint(ks[1], (B, H, W), 0, S, dtype=jnp.int32)
    edge_index = jax.random.randint(ks[2], (2, E), 0, NSEG, dtype=jnp.int32)
    W_bb = jax.random.normal(ks[3], (C, D), dtype=jnp.float32) * 0.1
    W_seg = jax.random.normal(ks[4], (C, 1), dtype=jnp.float32) * 0.1
    W_gcn = jax.random.normal(ks[5], (D, D), dtype=jnp.float32) * 0.05
    return {"img": img, "sp_seg": sp_seg, "edge_index": edge_index, "W_bb": W_bb, "W_seg": W_seg, "W_gcn": W_gcn}

def reference(img, sp_seg, edge_index, W_bb, W_seg, W_gcn):
    # SegGCN.forward_val with a minimal linear backbone stub and one mean-aggregation GCN layer
    B = img.shape[0]
    D = W_bb.shape[1]
    # backbone: per-pixel projections producing 'embeddings' and 'seg'
    embeddings = jnp.einsum('bchw,cd->bdhw', img, W_bb)
    pred_cam = jnp.einsum('bchw,cs->bshw', img, W_seg)
    # rearrange 'b d h w -> (b h w) d'
    emb = jnp.transpose(embeddings, (0, 2, 3, 1)).reshape(-1, D)
    # offset superpixel ids per-batch, flatten
    offset = (sp_seg.max() + 1) * jnp.arange(B, dtype=sp_seg.dtype)
    sp = (sp_seg + offset[:, None, None]).reshape(-1)
    NSEG = 8 * 1024
    # unique-remap to contiguous segment ids (map_ dict in the original)
    uniq = jnp.unique(sp, size=NSEG, fill_value=jnp.iinfo(sp.dtype).max)
    seg_mapped = jnp.searchsorted(uniq, sp).astype(jnp.int32)
    # scatter_mean of pixel embeddings into superpixel features
    ones = jnp.ones((sp.shape[0],), jnp.float32)
    sums = jax.ops.segment_sum(emb, seg_mapped, num_segments=NSEG)
    cnts = jax.ops.segment_sum(ones, seg_mapped, num_segments=NSEG)
    features_sp = sums / jnp.maximum(cnts, 1.0)[:, None]
    # graph network: mean neighbor aggregation + self loop + linear + relu
    src = edge_index[0]
    dst = edge_index[1]
    msg = jnp.take(features_sp, src, axis=0)
    agg = jax.ops.segment_sum(msg, dst, num_segments=NSEG)
    deg = jax.ops.segment_sum(jnp.ones((src.shape[0],), jnp.float32), dst, num_segments=NSEG)
    h = (agg / jnp.maximum(deg, 1.0)[:, None] + features_sp) @ W_gcn
    features = jax.nn.relu(h)
    return features, pred_cam, seg_mapped

if __name__ == "__main__":
    import jax
    _d = setup_inputs()
    print(jax.jit(kernel)(*tuple(_d.values())))

</pallas_src>

<mosaic_0001>
#map = affine_map<(d0, d1) -> (0)>
module attributes {stable_mosaic.version = 14 : i64} {
  func.func @_k2_body(%arg0: i32, %arg1: i32, %arg2: memref<73728xi32, #tpu.memory_space<hbm>>, %arg3: memref<73728xi32, #tpu.memory_space<hbm>>, %arg4: memref<4608xi32, #tpu.memory_space<vmem>>, %arg5: memref<64x128xi32, #tpu.memory_space<vmem>>, %arg6: memref<4x128xi32, #tpu.memory_space<vmem>>, %arg7: memref<4x128xi32, #tpu.memory_space<vmem>>, %arg8: memref<64x128xi32, #tpu.memory_space<vmem>>, %arg9: memref<2304xi32, #tpu.memory_space<vmem>>, %arg10: memref<128xi32, #tpu.memory_space<vmem>>, %arg11: memref<16x128xi32, #tpu.memory_space<vmem>>, %arg12: memref<16x128xi32, #tpu.memory_space<vmem>>, %arg13: memref<64xi32, #tpu.memory_space<vmem>>, %arg14: memref<64x128xi32, #tpu.memory_space<vmem_shared>>, %arg15: memref<64x128xi32, #tpu.memory_space<vmem_shared>>, %arg16: memref<16x128xi32, #tpu.memory_space<vmem_shared>>, %arg17: memref<16x128xi32, #tpu.memory_space<vmem_shared>>) attributes {dimension_semantics = [#tpu.dimension_semantics<core_parallel>, #tpu.dimension_semantics<subcore_parallel>], iteration_bounds = array<i64: 2, 16>, scalar_prefetch = 0 : i64, scratch_operands = 14 : i64, tpu.core_type = #tpu.core_type<sc_vector_subcore>, window_params = [{transform_indices = #map}, {transform_indices = #map}]} {
    %iota3A = tpu.iota {dimensions = array<i32: 0>} : vector<16xi32>
    %broadcast_in_dim3A = arith.constant 0 : i32
    %broadcast_in_dim3A_0 = vector.broadcast %broadcast_in_dim3A : i32 to vector<16xi32>
    %broadcast_in_dim3A_1 = arith.constant 1 : i32
    %broadcast_in_dim3A_2 = vector.broadcast %broadcast_in_dim3A_1 : i32 to vector<16xi32>
    %mul3A = arith.constant 4608 : i32
    %mul3A_3 = arith.muli %arg1, %mul3A : i32
    "tpu.region"() ({
      %run_scoped3A = tpu.sem_alloc : memref<!tpu.dma_semaphore, #tpu.memory_space<semaphore_mem>>
      %dma_start3A = tpu.memref_slice %arg2[%mul3A_3] : memref<73728xi32, #tpu.memory_space<hbm>> -> memref<4608xi32, #tpu.memory_space<hbm>>
      %dma_start3A_1253 = tpu.memref_slice %arg2[%mul3A_3] : memref<73728xi32, #tpu.memory_space<hbm>> -> memref<4608xi32, #tpu.memory_space<hbm>>
      tpu.enqueue_dma source(%dma_start3A_1253 : memref<4608xi32, #tpu.memory_space<hbm>>) target(%arg4 : memref<4608xi32, #tpu.memory_space<vmem>>) target_semaphore(%run_scoped3A : memref<!tpu.dma_semaphore, #tpu.memory_space<semaphore_mem>>)
      %dma_wait3A = tpu.memref_slice %arg2[%mul3A_3] : memref<73728xi32, #tpu.memory_space<hbm>> -> memref<4608xi32, #tpu.memory_space<hbm>>
      %dma_wait3A_1254 = tpu.memref_slice %arg2[%mul3A_3] : memref<73728xi32, #tpu.memory_space<hbm>> -> memref<4608xi32, #tpu.memory_space<hbm>>
      tpu.wait_dma2 semaphore(%run_scoped3A : memref<!tpu.dma_semaphore, #tpu.memory_space<semaphore_mem>>) src(%dma_wait3A_1254 : memref<4608xi32, #tpu.memory_space<hbm>>) dst(%arg4 : memref<4608xi32, #tpu.memory_space<vmem>>)
      tpu.yield
    }) : () -> ()
    %scan3A = arith.constant 0 : i32
    %scan3A_4 = arith.constant 0 : i32
    %scan3A_5 = arith.constant 64 : i32
    %scan3A_6 = arith.addi %scan3A_4, %scan3A_5 : i32
    %scan3A_7 = arith.constant 1 : i32
    %scan3A_8 = scf.for %scan3A_1253 = %scan3A_4 to %scan3A_6 step %scan3A_7 iter_args(%scan3A_1254 = %scan3A) -> (i32)  : i32 {
      %swap3A_1255 = arith.index_cast %scan3A_1253 : i32 to index
      %swap3A_1256 = arith.constant 0 : index
      %swap3A_1257 = tpu.vector_load %arg5[%swap3A_1255, %swap3A_1256] {strides = array<i32>} : memref<64x128xi32, #tpu.memory_space<vmem>>, vector<16xi32>,
      tpu.vector_store %arg5[%swap3A_1255, %swap3A_1256], %broadcast_in_dim3A_0 {strides = array<i32>} : memref<64x128xi32, #tpu.memory_space<vmem>>, vector<16xi32>,
      %swap3A_1258 = arith.index_cast %scan3A_1253 : i32 to index
      %swap3A_1259 = arith.constant 16 : index
      %swap3A_1260 = tpu.vector_load %arg5[%swap3A_1258, %swap3A_1259] {strides = array<i32>} : memref<64x128xi32, #tpu.memory_space<vmem>>, vector<16xi32>,
      tpu.vector_store %arg5[%swap3A_1258, %swap3A_1259], %broadcast_in_dim3A_0 {strides = array<i32>} : memref<64x128xi32, #tpu.memory_space<vmem>>, vector<16xi32>,
      %swap3A_1261 = arith.index_cast %scan3A_1253 : i32 to index
      %swap3A_1262 = arith.constant 32 : index
      %swap3A_1263 = tpu.vector_load %arg5[%swap3A_1261, %swap3A_1262] {strides = array<i32>} : memref<64x128xi32, #tpu.memory_space<vmem>>, vector<16xi32>,
      tpu.vector_store %arg5[%swap3A_1261, %swap3A_1262], %broadcast_in_dim3A_0 {strides = array<i32>} : memref<64x128xi32, #tpu.memory_space<vmem>>, vector<16xi32>,
      %swap3A_1264 = arith.index_cast %scan3A_1253 : i32 to index
      %swap3A_1265 = arith.constant 48 : index
      %swap3A_1266 = tpu.vector_load %arg5[%swap3A_1264, %swap3A_1265] {strides = array<i32>} : memref<64x128xi32, #tpu.memory_space<vmem>>, vector<16xi32>,
      tpu.vector_store %arg5[%swap3A_1264, %swap3A_1265], %broadcast_in_dim3A_0 {strides = array<i32>} : memref<64x128xi32, #tpu.memory_space<vmem>>, vector<16xi32>,
      %swap3A_1267 = arith.index_cast %scan3A_1253 : i32 to index
      %swap3A_1268 = arith.constant 64 : index
      %swap3A_1269 = tpu.vector_load %arg5[%swap3A_1267, %swap3A_1268] {strides = array<i32>} : memref<64x128xi32, #tpu.memory_space<vmem>>, vector<16xi32>,
      tpu.vector_store %arg5[%swap3A_1267, %swap3A_1268], %broadcast_in_dim3A_0 {strides = array<i32>} : memref<64x128xi32, #tpu.memory_space<vmem>>, vector<16xi32>,
      %swap3A_1270 = arith.index_cast %scan3A_1253 : i32 to index
      %swap3A_1271 = arith.constant 80 : index
      %swap3A_1272 = tpu.vector_load %arg5[%swap3A_1270, %swap3A_1271] {strides = array<i32>} : memref<64x128xi32, #tpu.memory_space<vmem>>, vector<16xi32>,
      tpu.vector_store %arg5[%swap3A_1270, %swap3A_1271], %broadcast_in_dim3A_0 {strides = array<i32>} : memref<64x128xi32, #tpu.memory_space<vmem>>, vector<16xi32>,
      %swap3A_1273 = arith.index_cast %scan3A_1253 : i32 to index
      %swap3A_1274 = arith.constant 96 : index
      %swap3A_1275 = tpu.vector_load %arg5[%swap3A_1273, %swap3A_1274] {strides = array<i32>} : memref<64x128xi32, #tpu.memory_space<vmem>>, vector<16xi32>,
      tpu.vector_store %arg5[%swap3A_1273, %swap3A_1274], %broadcast_in_dim3A_0 {strides = array<i32>} : memref<64x128xi32, #tpu.memory_space<vmem>>, vector<16xi32>,
      %swap3A_1276 = arith.index_cast %scan3A_1253 : i32 to index
      %swap3A_1277 = arith.constant 112 : index
      %swap3A_1278 = tpu.vector_load %arg5[%swap3A_1276, %swap3A_1277] {strides = array<i32>} : memref<64x128xi32, #tpu.memory_space<vmem>>, vector<16xi32>,
      tpu.vector_store %arg5[%swap3A_1276, %swap3A_1277], %broadcast_in_dim3A_0 {strides = array<i32>} : memref<64x128xi32, #tpu.memory_space<vmem>>, vector<16xi32>,
      %scan3A_1279 = arith.constant 0 : i32
      scf.yield %scan3A_1279 : i32
    }
    %scan3A_9 = arith.constant 64 : i32
    %scan3A_10 = arith.constant 0 : i32
    %scan3A_11 = arith.constant 288 : i32
    %scan3A_12 = arith.addi %scan3A_10, %scan3A_11 : i32
    %scan3A_13 = arith.constant 1 : i32
    %scan3A_14 = scf.for %scan3A_1253 = %scan3A_10 to %scan3A_12 step %scan3A_13 iter_args(%scan3A_1254 = %broadcast_in_dim3A_0) -> (vector<16xi32>)  : i32 {
      %mul3A_1255 = arith.constant 16 : i32
      %mul3A_1256 = arith.muli %scan3A_1253, %mul3A_1255 : i32
      %get3A_1257 = arith.index_cast %mul3A_1256 : i32 to index
      %get3A_1258 = tpu.vector_load %arg4[%get3A_1257] {strides = array<i32>} : memref<4608xi32, #tpu.memory_space<vmem>>, vector<16xi32>,
      %max3A_1259 = arith.maxsi %scan3A_1254, %get3A_1258 : vector<16xi32>
      scf.yield %max3A_1259 : vector<16xi32>
    }
    %scan3A_15 = arith.constant 288 : i32
    %swap3A = arith.constant 0 : index
    %swap3A_16 = tpu.vector_load %arg10[%swap3A] {strides = array<i32>} : memref<128xi32, #tpu.memory_space<vmem>>, vector<16xi32>,
    tpu.vector_store %arg10[%swap3A], %scan3A_14 {strides = array<i32>} : memref<128xi32, #tpu.memory_space<vmem>>, vector<16xi32>,
    %swap3A_17 = arith.constant 16 : index
    %swap3A_18 = tpu.vector_load %arg10[%swap3A_17] {strides = array<i32>} : memref<128xi32, #tpu.memory_space<vmem>>, vector<16xi32>,
    tpu.vector_store %arg10[%swap3A_17], %scan3A_14 {strides = array<i32>} : memref<128xi32, #tpu.memory_space<vmem>>, vector<16xi32>,
    %swap3A_19 = arith.constant 32 : index
    %swap3A_20 = tpu.vector_load %arg10[%swap3A_19] {strides = array<i32>} : memref<128xi32, #tpu.memory_space<vmem>>, vector<16xi32>,
    tpu.vector_store %arg10[%swap3A_19], %scan3A_14 {strides = array<i32>} : memref<128xi32, #tpu.memory_space<vmem>>, vector<16xi32>,
    %swap3A_21 = arith.constant 48 : index
    %swap3A_22 = tpu.vector_load %arg10[%swap3A_21] {strides = array<i32>} : memref<128xi32, #tpu.memory_space<vmem>>, vector<16xi32>,
    tpu.vector_store %arg10[%swap3A_21], %scan3A_14 {strides = array<i32>} : memref<128xi32, #tpu.memory_space<vmem>>, vector<16xi32>,
    %swap3A_23 = arith.constant 64 : index
    %swap3A_24 = tpu.vector_load %arg10[%swap3A_23] {strides = array<i32>} : memref<128xi32, #tpu.memory_space<vmem>>, vector<16xi32>,
    tpu.vector_store %arg10[%swap3A_23], %scan3A_14 {strides = array<i32>} : memref<128xi32, #tpu.memory_space<vmem>>, vector<16xi32>,
    %swap3A_25 = arith.constant 80 : index
    %swap3A_26 = tpu.vector_load %arg10[%swap3A_25] {strides = array<i32>} : memref<128xi32, #tpu.memory_space<vmem>>, vector<16xi32>,
    tpu.vector_store %arg10[%swap3A_25], %scan3A_14 {strides = array<i32>} : memref<128xi32, #tpu.memory_space<vmem>>, vector<16xi32>,
    %swap3A_27 = arith.constant 96 : index
    %swap3A_28 = tpu.vector_load %arg10[%swap3A_27] {strides = array<i32>} : memref<128xi32, #tpu.memory_space<vmem>>, vector<16xi32>,
    tpu.vector_store %arg10[%swap3A_27], %scan3A_14 {strides = array<i32>} : memref<128xi32, #tpu.memory_space<vmem>>, vector<16xi32>,
    %swap3A_29 = arith.constant 112 : index
    %swap3A_30 = tpu.vector_load %arg10[%swap3A_29] {strides = array<i32>} : memref<128xi32, #tpu.memory_space<vmem>>, vector<16xi32>,
    tpu.vector_store %arg10[%swap3A_29], %scan3A_14 {strides = array<i32>} : memref<128xi32, #tpu.memory_space<vmem>>, vector<16xi32>,
    "tpu.region"() ({
      %run_scoped3A = tpu.sem_alloc : memref<!tpu.dma_semaphore, #tpu.memory_space<semaphore_mem>>
      %dma_start3A = arith.constant 0 : i32
      %dma_start3A_1253 = tpu.memref_slice %arg16[%arg1, %dma_start3A] : memref<16x128xi32, #tpu.memory_space<vmem_shared>> -> memref<1x128xi32, #tpu.memory_space<vmem_shared>>
      %dma_start3A_1254 = tpu.memref_squeeze %dma_start3A_1253 : memref<1x128xi32, #tpu.memory_space<vmem_shared>> -> memref<128xi32, #tpu.memory_space<vmem_shared>>
      %dma_start3A_1255 = arith.constant 0 : i32
      %dma_start3A_1256 = tpu.memref_slice %arg16[%arg1, %dma_start3A_1255] : memref<16x128xi32, #tpu.memory_space<vmem_shared>> -> memref<1x128xi32, #tpu.memory_space<vmem_shared>>
      %dma_start3A_1257 = tpu.memref_squeeze %dma_start3A_1256 : memref<1x128xi32, #tpu.memory_space<vmem_shared>> -> memref<128xi32, #tpu.memory_space<vmem_shared>>
      tpu.enqueue_dma source(%arg10 : memref<128xi32, #tpu.memory_space<vmem>>) target(%dma_start3A_1257 : memref<128xi32, #tpu.memory_space<vmem_shared>>) target_semaphore(%run_scoped3A : memref<!tpu.dma_semaphore, #tpu.memory_space<semaphore_mem>>)
      %dma_wait3A = arith.constant 0 : i32
      %dma_wait3A_1258 = tpu.memref_slice %arg16[%arg1, %dma_wait3A] : memref<16x128xi32, #tpu.memory_space<vmem_shared>> -> memref<1x128xi32, #tpu.memory_space<vmem_shared>>
      %dma_wait3A_1259 = tpu.memref_squeeze %dma_wait3A_1258 : memref<1x128xi32, #tpu.memory_space<vmem_shared>> -> memref<128xi32, #tpu.memory_space<vmem_shared>>
      %dma_wait3A_1260 = arith.constant 0 : i32
      %dma_wait3A_1261 = tpu.memref_slice %arg16[%arg1, %dma_wait3A_1260] : memref<16x128xi32, #tpu.memory_space<vmem_shared>> -> memref<1x128xi32, #tpu.memory_space<vmem_shared>>
      %dma_wait3A_1262 = tpu.memref_squeeze %dma_wait3A_1261 : memref<1x128xi32, #tpu.memory_space<vmem_shared>> -> memref<128xi32, #tpu.memory_space<vmem_shared>>
      tpu.wait_dma2 semaphore(%run_scoped3A : memref<!tpu.dma_semaphore, #tpu.memory_space<semaphore_mem>>) src(%arg10 : memref<128xi32, #tpu.memory_space<vmem>>) dst(%dma_wait3A_1262 : memref<128xi32, #tpu.memory_space<vmem_shared>>)
      tpu.yield
    }) : () -> ()
    %eq3A = arith.constant 0 : i32
    %eq3A_31 = arith.cmpi eq, %arg1, %eq3A : i32
    %convert_element_type3A = arith.extui %eq3A_31 : i1 to i32
    %cond3A = arith.constant 0 : i32
    %cond3A_32 = arith.cmpi ne, %convert_element_type3A, %cond3A : i32
    scf.if %cond3A_32 {
      "tpu.region"() ({
        %run_scoped3A = tpu.sem_alloc : memref<!tpu.dma_semaphore, #tpu.memory_space<semaphore_mem>>
        tpu.enqueue_dma source(%arg5 : memref<64x128xi32, #tpu.memory_space<vmem>>) target(%arg14 : memref<64x128xi32, #tpu.memory_space<vmem_shared>>) target_semaphore(%run_scoped3A : memref<!tpu.dma_semaphore, #tpu.memory_space<semaphore_mem>>)
        tpu.wait_dma2 semaphore(%run_scoped3A : memref<!tpu.dma_semaphore, #tpu.memory_space<semaphore_mem>>) src(%arg5 : memref<64x128xi32, #tpu.memory_space<vmem>>) dst(%arg14 : memref<64x128xi32, #tpu.memory_space<vmem_shared>>)
        tpu.yield
      }) : () -> ()
    } else {
    }
    %barrier3A = arith.constant 0 : index
    tpu.barrier barrier_id(%barrier3A)
    "tpu.region"() ({
      %run_scoped3A = tpu.sem_alloc : memref<!tpu.dma_semaphore, #tpu.memory_space<semaphore_mem>>
      tpu.enqueue_dma source(%arg16 : memref<16x128xi32, #tpu.memory_space<vmem_shared>>) target(%arg11 : memref<16x128xi32, #tpu.memory_space<vmem>>) target_semaphore(%run_scoped3A : memref<!tpu.dma_semaphore, #tpu.memory_space<semaphore_mem>>)
      tpu.wait_dma2 semaphore(%run_scoped3A : memref<!tpu.dma_semaphore, #tpu.memory_space<semaphore_mem>>) src(%arg16 : memref<16x128xi32, #tpu.memory_space<vmem_shared>>) dst(%arg11 : memref<16x128xi32, #tpu.memory_space<vmem>>)
      tpu.yield
    }) : () -> ()
    %get3A = arith.constant 0 : i32
    %get3A_33 = arith.index_cast %get3A : i32 to index
    %get3A_34 = arith.constant 0 : index
    %get3A_35 = tpu.vector_load %arg11[%get3A_33, %get3A_34] {strides = array<i32>} : memref<16x128xi32, #tpu.memory_space<vmem>>, vector<16xi32>,
    %max3A = arith.maxsi %broadcast_in_dim3A_0, %get3A_35 : vector<16xi32>
    %get3A_36 = arith.constant 1 : i32
    %get3A_37 = arith.index_cast %get3A_36 : i32 to index
    %get3A_38 = arith.constant 0 : index
    %get3A_39 = tpu.vector_load %arg11[%get3A_37, %get3A_38] {strides = array<i32>} : memref<16x128xi32, #tpu.memory_space<vmem>>, vector<16xi32>,
    %max3A_40 = arith.maxsi %max3A, %get3A_39 : vector<16xi32>
    %get3A_41 = arith.constant 2 : i32
    %get3A_42 = arith.index_cast %get3A_41 : i32 to index
    %get3A_43 = arith.constant 0 : index
    %get3A_44 = tpu.vector_load %arg11[%get3A_42, %get3A_43] {strides = array<i32>} : memref<16x128xi32, #tpu.memory_space<vmem>>, vector<16xi32>,
    %max3A_45 = arith.maxsi %max3A_40, %get3A_44 : vector<16xi32>
    %get3A_46 = arith.constant 3 : i32
    %get3A_47 = arith.index_cast %get3A_46 : i32 to index
    %get3A_48 = arith.constant 0 : index
    %get3A_49 = tpu.vector_load %arg11[%get3A_47, %get3A_48] {strides = array<i32>} : memref<16x128xi32, #tpu.memory_space<vmem>>, vector<16xi32>,
    %max3A_50 = arith.maxsi %max3A_45, %get3A_49 : vector<16xi32>
    %get3A_51 = arith.constant 4 : i32
    %get3A_52 = arith.index_cast %get3A_51 : i32 to index
    %get3A_53 = arith.constant 0 : index
    %get3A_54 = tpu.vector_load %arg11[%get3A_52, %get3A_53] {strides = array<i32>} : memref<16x128xi32, #tpu.memory_space<vmem>>, vector<16xi32>,
    %max3A_55 = arith.maxsi %max3A_50, %get3A_54 : vector<16xi32>
    %get3A_56 = arith.constant 5 : i32
    %get3A_57 = arith.index_cast %get3A_56 : i32 to index
    %get3A_58 = arith.constant 0 : index
    %get3A_59 = tpu.vector_load %arg11[%get3A_57, %get3A_58] {strides = array<i32>} : memref<16x128xi32, #tpu.memory_space<vmem>>, vector<16xi32>,
    %max3A_60 = arith.maxsi %max3A_55, %get3A_59 : vector<16xi32>
    %get3A_61 = arith.constant 6 : i32
    %get3A_62 = arith.index_cast %get3A_61 : i32 to index
    %get3A_63 = arith.constant 0 : index
    %get3A_64 = tpu.vector_load %arg11[%get3A_62, %get3A_63] {strides = array<i32>} : memref<16x128xi32, #tpu.memory_space<vmem>>, vector<16xi32>,
    %max3A_65 = arith.maxsi %max3A_60, %get3A_64 : vector<16xi32>
    %get3A_66 = arith.constant 7 : i32
    %get3A_67 = arith.index_cast %get3A_66 : i32 to index
    %get3A_68 = arith.constant 0 : index
    %get3A_69 = tpu.vector_load %arg11[%get3A_67, %get3A_68] {strides = array<i32>} : memref<16x128xi32, #tpu.memory_space<vmem>>, vector<16xi32>,
    %max3A_70 = arith.maxsi %max3A_65, %get3A_69 : vector<16xi32>
    %get3A_71 = arith.constant 8 : i32
    %get3A_72 = arith.index_cast %get3A_71 : i32 to index
    %get3A_73 = arith.constant 0 : index
    %get3A_74 = tpu.vector_load %arg11[%get3A_72, %get3A_73] {strides = array<i32>} : memref<16x128xi32, #tpu.memory_space<vmem>>, vector<16xi32>,
    %max3A_75 = arith.maxsi %max3A_70, %get3A_74 : vector<16xi32>
    %get3A_76 = arith.constant 9 : i32
    %get3A_77 = arith.index_cast %get3A_76 : i32 to index
    %get3A_78 = arith.constant 0 : index
    %get3A_79 = tpu.vector_load %arg11[%get3A_77, %get3A_78] {strides = array<i32>} : memref<16x128xi32, #tpu.memory_space<vmem>>, vector<16xi32>,
    %max3A_80 = arith.maxsi %max3A_75, %get3A_79 : vector<16xi32>
    %get3A_81 = arith.constant 10 : i32
    %get3A_82 = arith.index_cast %get3A_81 : i32 to index
    %get3A_83 = arith.constant 0 : index
    %get3A_84 = tpu.vector_load %arg11[%get3A_82, %get3A_83] {strides = array<i32>} : memref<16x128xi32, #tpu.memory_space<vmem>>, vector<16xi32>,
    %max3A_85 = arith.maxsi %max3A_80, %get3A_84 : vector<16xi32>
    %get3A_86 = arith.constant 11 : i32
    %get3A_87 = arith.index_cast %get3A_86 : i32 to index
    %get3A_88 = arith.constant 0 : index
    %get3A_89 = tpu.vector_load %arg11[%get3A_87, %get3A_88] {strides = array<i32>} : memref<16x128xi32, #tpu.memory_space<vmem>>, vector<16xi32>,
    %max3A_90 = arith.maxsi %max3A_85, %get3A_89 : vector<16xi32>
    %get3A_91 = arith.constant 12 : i32
    %get3A_92 = arith.index_cast %get3A_91 : i32 to index
    %get3A_93 = arith.constant 0 : index
    %get3A_94 = tpu.vector_load %arg11[%get3A_92, %get3A_93] {strides = array<i32>} : memref<16x128xi32, #tpu.memory_space<vmem>>, vector<16xi32>,
    %max3A_95 = arith.maxsi %max3A_90, %get3A_94 : vector<16xi32>
    %get3A_96 = arith.constant 13 : i32
    %get3A_97 = arith.index_cast %get3A_96 : i32 to index
    %get3A_98 = arith.constant 0 : index
    %get3A_99 = tpu.vector_load %arg11[%get3A_97, %get3A_98] {strides = array<i32>} : memref<16x128xi32, #tpu.memory_space<vmem>>, vector<16xi32>,
    %max3A_100 = arith.maxsi %max3A_95, %get3A_99 : vector<16xi32>
    %get3A_101 = arith.constant 14 : i32
    %get3A_102 = arith.index_cast %get3A_101 : i32 to index
    %get3A_103 = arith.constant 0 : index
    %get3A_104 = tpu.vector_load %arg11[%get3A_102, %get3A_103] {strides = array<i32>} : memref<16x128xi32, #tpu.memory_space<vmem>>, vector<16xi32>,
    %max3A_105 = arith.maxsi %max3A_100, %get3A_104 : vector<16xi32>
    %get3A_106 = arith.constant 15 : i32
    %get3A_107 = arith.index_cast %get3A_106 : i32 to index
    %get3A_108 = arith.constant 0 : index
    %get3A_109 = tpu.vector_load %arg11[%get3A_107, %get3A_108] {strides = array<i32>} : memref<16x128xi32, #tpu.memory_space<vmem>>, vector<16xi32>,
    %max3A_110 = arith.maxsi %max3A_105, %get3A_109 : vector<16xi32>
    %iota3A_111 = tpu.iota {dimensions = array<i32: 0>} : vector<16xi32>
    %xor3A = arith.constant 8 : i32
    %xor3A_112 = vector.broadcast %xor3A : i32 to vector<16xi32>
    %xor3A_113 = arith.xori %iota3A_111, %xor3A_112 : vector<16xi32>
    %broadcast_in_dim3A_114 = vector.shape_cast %xor3A_113 : vector<16xi32> to vector<16x1xi32>
    %gather3A = vector.shape_cast %broadcast_in_dim3A_114 : vector<16x1xi32> to vector<16xi32>
    %gather3A_115 = tpu.dynamic_gather %max3A_110[%gather3A] in [0] : vector<16xi32>, vector<16xi32> -> vector<16xi32>
    %max3A_116 = arith.maxsi %max3A_110, %gather3A_115 : vector<16xi32>
    %xor3A_117 = arith.constant 4 : i32
    %xor3A_118 = vector.broadcast %xor3A_117 : i32 to vector<16xi32>
    %xor3A_119 = arith.xori %iota3A_111, %xor3A_118 : vector<16xi32>
    %broadcast_in_dim3A_120 = vector.shape_cast %xor3A_119 : vector<16xi32> to vector<16x1xi32>
    %gather3A_121 = vector.shape_cast %broadcast_in_dim3A_120 : vector<16x1xi32> to vector<16xi32>
    %gather3A_122 = tpu.dynamic_gather %max3A_116[%gather3A_121] in [0] : vector<16xi32>, vector<16xi32> -> vector<16xi32>
    %max3A_123 = arith.maxsi %max3A_116, %gather3A_122 : vector<16xi32>
    %xor3A_124 = arith.constant 2 : i32
    %xor3A_125 = vector.broadcast %xor3A_124 : i32 to vector<16xi32>
    %xor3A_126 = arith.xori %iota3A_111, %xor3A_125 : vector<16xi32>
    %broadcast_in_dim3A_127 = vector.shape_cast %xor3A_126 : vector<16xi32> to vector<16x1xi32>
    %gather3A_128 = vector.shape_cast %broadcast_in_dim3A_127 : vector<16x1xi32> to vector<16xi32>
    %gather3A_129 = tpu.dynamic_gather %max3A_123[%gather3A_128] in [0] : vector<16xi32>, vector<16xi32> -> vector<16xi32>
    %max3A_130 = arith.maxsi %max3A_123, %gather3A_129 : vector<16xi32>
    %xor3A_131 = arith.constant 1 : i32
    %xor3A_132 = vector.broadcast %xor3A_131 : i32 to vector<16xi32>
    %xor3A_133 = arith.xori %iota3A_111, %xor3A_132 : vector<16xi32>
    %broadcast_in_dim3A_134 = vector.shape_cast %xor3A_133 : vector<16xi32> to vector<16x1xi32>
    %gather3A_135 = vector.shape_cast %broadcast_in_dim3A_134 : vector<16x1xi32> to vector<16xi32>
    %gather3A_136 = tpu.dynamic_gather %max3A_130[%gather3A_135] in [0] : vector<16xi32>, vector<16xi32> -> vector<16xi32>
    %max3A_137 = arith.maxsi %max3A_130, %gather3A_136 : vector<16xi32>
    %add3A = arith.constant 1 : i32
    %add3A_138 = vector.broadcast %add3A : i32 to vector<16xi32>
    %add3A_139 = arith.addi %max3A_137, %add3A_138 : vector<16xi32>
    %jit3A = arith.constant 2 : i32
    %div3A = arith.divsi %arg1, %jit3A : i32
    %sign3A = arith.constant 0 : i32
    %sign3A_140 = arith.cmpi sgt, %arg1, %sign3A : i32
    %sign3A_141 = arith.extui %sign3A_140 : i1 to i32
    %sign3A_142 = arith.constant 0 : i32
    %sign3A_143 = arith.cmpi slt, %arg1, %sign3A_142 : i32
    %sign3A_144 = arith.extui %sign3A_143 : i1 to i32
    %sign3A_145 = arith.subi %sign3A_141, %sign3A_144 : i32
    %sign3A_146 = arith.constant 0 : i32
    %sign3A_147 = arith.cmpi sgt, %jit3A, %sign3A_146 : i32
    %sign3A_148 = arith.extui %sign3A_147 : i1 to i32
    %sign3A_149 = arith.constant 0 : i32
    %sign3A_150 = arith.cmpi slt, %jit3A, %sign3A_149 : i32
    %sign3A_151 = arith.extui %sign3A_150 : i1 to i32
    %sign3A_152 = arith.subi %sign3A_148, %sign3A_151 : i32
    %ne3A = arith.cmpi ne, %sign3A_145, %sign3A_152 : i32
    %rem3A = arith.remsi %arg1, %jit3A : i32
    %ne3A_153 = arith.constant 0 : i32
    %ne3A_154 = arith.cmpi ne, %rem3A, %ne3A_153 : i32
    %and3A = arith.andi %ne3A, %ne3A_154 : i1
    %sub3A = arith.constant 1 : i32
    %sub3A_155 = arith.subi %div3A, %sub3A : i32
    %select_n3A = arith.select %and3A, %sub3A_155, %div3A : i32
    %mul3A_156 = vector.broadcast %select_n3A : i32 to vector<16xi32>
    %mul3A_157 = arith.muli %add3A_139, %mul3A_156 : vector<16xi32>
    %scan3A_158 = arith.constant 0 : i32
    %scan3A_159 = arith.constant 0 : i32
    %scan3A_160 = arith.constant 288 : i32
    %scan3A_161 = arith.addi %scan3A_159, %scan3A_160 : i32
    %scan3A_162 = arith.constant 1 : i32
    %scan3A_163 = scf.for %scan3A_1253 = %scan3A_159 to %scan3A_161 step %scan3A_162 iter_args(%scan3A_1254 = %scan3A_158) -> (i32)  : i32 {
      %mul3A_1255 = arith.constant 16 : i32
      %mul3A_1256 = arith.muli %scan3A_1253, %mul3A_1255 : i32
      %get3A_1257 = arith.index_cast %mul3A_1256 : i32 to index
      %get3A_1258 = tpu.vector_load %arg4[%get3A_1257] {strides = array<i32>} : memref<4608xi32, #tpu.memory_space<vmem>>, vector<16xi32>,
      %add3A_1259 = arith.addi %get3A_1258, %mul3A_157 : vector<16xi32>
      %mul3A_1260 = arith.constant 16 : i32
      %mul3A_1261 = arith.muli %scan3A_1253, %mul3A_1260 : i32
      %swap3A_1262 = arith.index_cast %mul3A_1261 : i32 to index
      %swap3A_1263 = tpu.vector_load %arg4[%swap3A_1262] {strides = array<i32>} : memref<4608xi32, #tpu.memory_space<vmem>>, vector<16xi32>,
      tpu.vector_store %arg4[%swap3A_1262], %add3A_1259 {strides = array<i32>} : memref<4608xi32, #tpu.memory_space<vmem>>, vector<16xi32>,
      %shift_right_arithmetic3A = arith.constant 7 : i32
      %shift_right_arithmetic3A_1264 = vector.broadcast %shift_right_arithmetic3A : i32 to vector<16xi32>
      %shift_right_arithmetic3A_1265 = arith.shrsi %add3A_1259, %shift_right_arithmetic3A_1264 : vector<16xi32>
      %and3A_1266 = arith.constant 127 : i32
      %and3A_1267 = vector.broadcast %and3A_1266 : i32 to vector<16xi32>
      %and3A_1268 = arith.andi %add3A_1259, %and3A_1267 : vector<16xi32>
      tpu.vector_store_idx %arg5[%shift_right_arithmetic3A_1265, %and3A_1268], %broadcast_in_dim3A_2 {add = true} : memref<64x128xi32, #tpu.memory_space<vmem>>[vector<16xi32>, vector<16xi32>], vector<16xi32>,
      %scan3A_1269 = arith.constant 0 : i32
      scf.yield %scan3A_1269 : i32
    }
    %scan3A_164 = arith.constant 288 : i32
    %add3A_165 = arith.constant 0 : i32
    %add3A_166 = vector.broadcast %add3A_165 : i32 to vector<16xi32>
    %add3A_167 = arith.addi %iota3A, %add3A_166 : vector<16xi32>
    %swap3A_168 = arith.constant 0 : index
    %swap3A_169 = tpu.vector_load %arg13[%swap3A_168] {strides = array<i32>} : memref<64xi32, #tpu.memory_space<vmem>>, vector<16xi32>,
    tpu.vector_store %arg13[%swap3A_168], %add3A_167 {strides = array<i32>} : memref<64xi32, #tpu.memory_space<vmem>>, vector<16xi32>,
    %add3A_170 = arith.constant 16 : i32
    %add3A_171 = vector.broadcast %add3A_170 : i32 to vector<16xi32>
    %add3A_172 = arith.addi %iota3A, %add3A_171 : vector<16xi32>
    %swap3A_173 = arith.constant 16 : index
    %swap3A_174 = tpu.vector_load %arg13[%swap3A_173] {strides = array<i32>} : memref<64xi32, #tpu.memory_space<vmem>>, vector<16xi32>,
    tpu.vector_store %arg13[%swap3A_173], %add3A_172 {strides = array<i32>} : memref<64xi32, #tpu.memory_space<vmem>>, vector<16xi32>,
    %add3A_175 = arith.constant 32 : i32
    %add3A_176 = vector.broadcast %add3A_175 : i32 to vector<16xi32>
    %add3A_177 = arith.addi %iota3A, %add3A_176 : vector<16xi32>
    %swap3A_178 = arith.constant 32 : index
    %swap3A_179 = tpu.vector_load %arg13[%swap3A_178] {strides = array<i32>} : memref<64xi32, #tpu.memory_space<vmem>>, vector<16xi32>,
    tpu.vector_store %arg13[%swap3A_178], %add3A_177 {strides = array<i32>} : memref<64xi32, #tpu.memory_space<vmem>>, vector<16xi32>,
    %add3A_180 = arith.constant 48 : i32
    %add3A_181 = vector.broadcast %add3A_180 : i32 to vector<16xi32>
    %add3A_182 = arith.addi %iota3A, %add3A_181 : vector<16xi32>
    %swap3A_183 = arith.constant 48 : index
    %swap3A_184 = tpu.vector_load %arg13[%swap3A_183] {strides = array<i32>} : memref<64xi32, #tpu.memory_space<vmem>>, vector<16xi32>,
    tpu.vector_store %arg13[%swap3A_183], %add3A_182 {strides = array<i32>} : memref<64xi32, #tpu.memory_space<vmem>>, vector<16xi32>,
    "tpu.region"() ({
      %run_scoped3A = tpu.sem_alloc : memref<!tpu.dma_semaphore, #tpu.memory_space<semaphore_mem>>
      %dma_start3A = arith.constant 0 : i32
      %dma_start3A_1253 = arith.constant 0 : i32
      %dma_start3A_1254 = tpu.memref_slice %arg14[%dma_start3A, %dma_start3A_1253] : memref<64x128xi32, #tpu.memory_space<vmem_shared>> -> memref<64x128xi32, #tpu.memory_space<vmem_shared>>
      tpu.enqueue_indirect_dma source(%arg5 : memref<64x128xi32, #tpu.memory_space<vmem>>) target(%dma_start3A_1254 : memref<64x128xi32, #tpu.memory_space<vmem_shared>>) offsets(%arg13 : memref<64xi32, #tpu.memory_space<vmem>>) semaphore(%run_scoped3A : memref<!tpu.dma_semaphore, #tpu.memory_space<semaphore_mem>>) {add = true}
      %dma_wait3A = arith.constant 0 : i32
      %dma_wait3A_1255 = arith.constant 0 : i32
      %dma_wait3A_1256 = tpu.memref_slice %arg14[%dma_wait3A, %dma_wait3A_1255] : memref<64x128xi32, #tpu.memory_space<vmem_shared>> -> memref<64x128xi32, #tpu.memory_space<vmem_shared>>
      tpu.wait_indirect_dma semaphore(%run_scoped3A : memref<!tpu.dma_semaphore, #tpu.memory_space<semaphore_mem>>) src(%arg5 : memref<64x128xi32, #tpu.memory_space<vmem>>) dst(%dma_wait3A_1256 : memref<64x128xi32, #tpu.memory_space<vmem_shared>>)
      tpu.yield
    }) : () -> ()
    %barrier3A_185 = arith.constant 0 : index
    tpu.barrier barrier_id(%barrier3A_185)
    %mul3A_186 = arith.constant 4 : i32
    %mul3A_187 = arith.muli %arg1, %mul3A_186 : i32
    "tpu.region"() ({
      %run_scoped3A = tpu.sem_alloc : memref<!tpu.dma_semaphore, #tpu.memory_space<semaphore_mem>>
      %dma_start3A = arith.constant 0 : i32
      %dma_start3A_1253 = tpu.memref_slice %arg14[%mul3A_187, %dma_start3A] : memref<64x128xi32, #tpu.memory_space<vmem_shared>> -> memref<4x128xi32, #tpu.memory_space<vmem_shared>>
      %dma_start3A_1254 = arith.constant 0 : i32
      %dma_start3A_1255 = tpu.memref_slice %arg14[%mul3A_187, %dma_start3A_1254] : memref<64x128xi32, #tpu.memory_space<vmem_shared>> -> memref<4x128xi32, #tpu.memory_space<vmem_shared>>
      tpu.enqueue_dma source(%dma_start3A_1255 : memref<4x128xi32, #tpu.memory_space<vmem_shared>>) target(%arg6 : memref<4x128xi32, #tpu.memory_space<vmem>>) target_semaphore(%run_scoped3A : memref<!tpu.dma_semaphore, #tpu.memory_space<semaphore_mem>>)
      %dma_wait3A = arith.constant 0 : i32
      %dma_wait3A_1256 = tpu.memref_slice %arg14[%mul3A_187, %dma_wait3A] : memref<64x128xi32, #tpu.memory_space<vmem_shared>> -> memref<4x128xi32, #tpu.memory_space<vmem_shared>>
      %dma_wait3A_1257 = arith.constant 0 : i32
      %dma_wait3A_1258 = tpu.memref_slice %arg14[%mul3A_187, %dma_wait3A_1257] : memref<64x128xi32, #tpu.memory_space<vmem_shared>> -> memref<4x128xi32, #tpu.memory_space<vmem_shared>>
      tpu.wait_dma2 semaphore(%run_scoped3A : memref<!tpu.dma_semaphore, #tpu.memory_space<semaphore_mem>>) src(%dma_wait3A_1258 : memref<4x128xi32, #tpu.memory_space<vmem_shared>>) dst(%arg6 : memref<4x128xi32, #tpu.memory_space<vmem>>)
      tpu.yield
    }) : () -> ()
    %get3A_188 = arith.constant 0 : i32
    %get3A_189 = arith.index_cast %get3A_188 : i32 to index
    %get3A_190 = arith.constant 0 : index
    %get3A_191 = tpu.vector_load %arg6[%get3A_189, %get3A_190] {strides = array<i32>} : memref<4x128xi32, #tpu.memory_space<vmem>>, vector<16xi32>,
    %gt3A = arith.constant 0 : i32
    %gt3A_192 = vector.broadcast %gt3A : i32 to vector<16xi32>
    %gt3A_193 = arith.cmpi sgt, %get3A_191, %gt3A_192 : vector<16xi32>
    %select_n3A_194 = arith.select %gt3A_193, %broadcast_in_dim3A_2, %broadcast_in_dim3A_0 : vector<16xi1>, vector<16xi32>
    %broadcast_in_dim3A_195 = arith.constant true
    %broadcast_in_dim3A_196 = vector.broadcast %broadcast_in_dim3A_195 : i1 to vector<16xi1>
    %masked_cumsum3A = tpu.scan <sum>, %select_n3A_194 masked %broadcast_in_dim3A_196 : vector<16xi32>, vector<16xi1> -> vector<16xi32>
    %sub3A_197 = arith.subi %masked_cumsum3A, %select_n3A_194 : vector<16xi32>
    %add3A_198 = arith.addi %sub3A_197, %broadcast_in_dim3A_0 : vector<16xi32>
    %swap3A_199 = arith.constant 0 : i32
    %swap3A_200 = arith.index_cast %swap3A_199 : i32 to index
    %swap3A_201 = arith.constant 0 : index
    %swap3A_202 = tpu.vector_load %arg7[%swap3A_200, %swap3A_201] {strides = array<i32>} : memref<4x128xi32, #tpu.memory_space<vmem>>, vector<16xi32>,
    tpu.vector_store %arg7[%swap3A_200, %swap3A_201], %add3A_198 {strides = array<i32>} : memref<4x128xi32, #tpu.memory_space<vmem>>, vector<16xi32>,
    %broadcast_in_dim3A_203 = arith.constant 15 : i32
    %broadcast_in_dim3A_204 = vector.broadcast %broadcast_in_dim3A_203 : i32 to vector<16xi32>
    %broadcast_in_dim3A_205 = vector.shape_cast %broadcast_in_dim3A_204 : vector<16xi32> to vector<16x1xi32>
    %gather3A_206 = vector.shape_cast %broadcast_in_dim3A_205 : vector<16x1xi32> to vector<16xi32>
    %gather3A_207 = tpu.dynamic_gather %masked_cumsum3A[%gather3A_206] in [0] : vector<16xi32>, vector<16xi32> -> vector<16xi32>
    %add3A_208 = arith.addi %broadcast_in_dim3A_0, %gather3A_207 : vector<16xi32>
    %get3A_209 = arith.constant 0 : i32
    %get3A_210 = arith.index_cast %get3A_209 : i32 to index
    %get3A_211 = arith.constant 16 : index
    %get3A_212 = tpu.vector_load %arg6[%get3A_210, %get3A_211] {strides = array<i32>} : memref<4x128xi32, #tpu.memory_space<vmem>>, vector<16xi32>,
    %gt3A_213 = arith.constant 0 : i32
    %gt3A_214 = vector.broadcast %gt3A_213 : i32 to vector<16xi32>
    %gt3A_215 = arith.cmpi sgt, %get3A_212, %gt3A_214 : vector<16xi32>
    %select_n3A_216 = arith.select %gt3A_215, %broadcast_in_dim3A_2, %broadcast_in_dim3A_0 : vector<16xi1>, vector<16xi32>
    %broadcast_in_dim3A_217 = arith.constant true
    %broadcast_in_dim3A_218 = vector.broadcast %broadcast_in_dim3A_217 : i1 to vector<16xi1>
    %masked_cumsum3A_219 = tpu.scan <sum>, %select_n3A_216 masked %broadcast_in_dim3A_218 : vector<16xi32>, vector<16xi1> -> vector<16xi32>
    %sub3A_220 = arith.subi %masked_cumsum3A_219, %select_n3A_216 : vector<16xi32>
    %add3A_221 = arith.addi %sub3A_220, %add3A_208 : vector<16xi32>
    %swap3A_222 = arith.constant 0 : i32
    %swap3A_223 = arith.index_cast %swap3A_222 : i32 to index
    %swap3A_224 = arith.constant 16 : index
    %swap3A_225 = tpu.vector_load %arg7[%swap3A_223, %swap3A_224] {strides = array<i32>} : memref<4x128xi32, #tpu.memory_space<vmem>>, vector<16xi32>,
    tpu.vector_store %arg7[%swap3A_223, %swap3A_224], %add3A_221 {strides = array<i32>} : memref<4x128xi32, #tpu.memory_space<vmem>>, vector<16xi32>,
    %broadcast_in_dim3A_226 = arith.constant 15 : i32
    %broadcast_in_dim3A_227 = vector.broadcast %broadcast_in_dim3A_226 : i32 to vector<16xi32>
    %broadcast_in_dim3A_228 = vector.shape_cast %broadcast_in_dim3A_227 : vector<16xi32> to vector<16x1xi32>
    %gather3A_229 = vector.shape_cast %broadcast_in_dim3A_228 : vector<16x1xi32> to vector<16xi32>
    %gather3A_230 = tpu.dynamic_gather %masked_cumsum3A_219[%gather3A_229] in [0] : vector<16xi32>, vector<16xi32> -> vector<16xi32>
    %add3A_231 = arith.addi %add3A_208, %gather3A_230 : vector<16xi32>
    %get3A_232 = arith.constant 0 : i32
    %get3A_233 = arith.index_cast %get3A_232 : i32 to index
    %get3A_234 = arith.constant 32 : index
    %get3A_235 = tpu.vector_load %arg6[%get3A_233, %get3A_234] {strides = array<i32>} : memref<4x128xi32, #tpu.memory_space<vmem>>, vector<16xi32>,
    %gt3A_236 = arith.constant 0 : i32
    %gt3A_237 = vector.broadcast %gt3A_236 : i32 to vector<16xi32>
    %gt3A_238 = arith.cmpi sgt, %get3A_235, %gt3A_237 : vector<16xi32>
    %select_n3A_239 = arith.select %gt3A_238, %broadcast_in_dim3A_2, %broadcast_in_dim3A_0 : vector<16xi1>, vector<16xi32>
    %broadcast_in_dim3A_240 = arith.constant true
    %broadcast_in_dim3A_241 = vector.broadcast %broadcast_in_dim3A_240 : i1 to vector<16xi1>
    %masked_cumsum3A_242 = tpu.scan <sum>, %select_n3A_239 masked %broadcast_in_dim3A_241 : vector<16xi32>, vector<16xi1> -> vector<16xi32>
    %sub3A_243 = arith.subi %masked_cumsum3A_242, %select_n3A_239 : vector<16xi32>
    %add3A_244 = arith.addi %sub3A_243, %add3A_231 : vector<16xi32>
    %swap3A_245 = arith.constant 0 : i32
    %swap3A_246 = arith.index_cast %swap3A_245 : i32 to index
    %swap3A_247 = arith.constant 32 : index
    %swap3A_248 = tpu.vector_load %arg7[%swap3A_246, %swap3A_247] {strides = array<i32>} : memref<4x128xi32, #tpu.memory_space<vmem>>, vector<16xi32>,
    tpu.vector_store %arg7[%swap3A_246, %swap3A_247], %add3A_244 {strides = array<i32>} : memref<4x128xi32, #tpu.memory_space<vmem>>, vector<16xi32>,
    %broadcast_in_dim3A_249 = arith.constant 15 : i32
    %broadcast_in_dim3A_250 = vector.broadcast %broadcast_in_dim3A_249 : i32 to vector<16xi32>
    %broadcast_in_dim3A_251 = vector.shape_cast %broadcast_in_dim3A_250 : vector<16xi32> to vector<16x1xi32>
    %gather3A_252 = vector.shape_cast %broadcast_in_dim3A_251 : vector<16x1xi32> to vector<16xi32>
    %gather3A_253 = tpu.dynamic_gather %masked_cumsum3A_242[%gather3A_252] in [0] : vector<16xi32>, vector<16xi32> -> vector<16xi32>
    %add3A_254 = arith.addi %add3A_231, %gather3A_253 : vector<16xi32>
    %get3A_255 = arith.constant 0 : i32
    %get3A_256 = arith.index_cast %get3A_255 : i32 to index
    %get3A_257 = arith.constant 48 : index
    %get3A_258 = tpu.vector_load %arg6[%get3A_256, %get3A_257] {strides = array<i32>} : memref<4x128xi32, #tpu.memory_space<vmem>>, vector<16xi32>,
    %gt3A_259 = arith.constant 0 : i32
    %gt3A_260 = vector.broadcast %gt3A_259 : i32 to vector<16xi32>
    %gt3A_261 = arith.cmpi sgt, %get3A_258, %gt3A_260 : vector<16xi32>
    %select_n3A_262 = arith.select %gt3A_261, %broadcast_in_dim3A_2, %broadcast_in_dim3A_0 : vector<16xi1>, vector<16xi32>
    %broadcast_in_dim3A_263 = arith.constant true
    %broadcast_in_dim3A_264 = vector.broadcast %broadcast_in_dim3A_263 : i1 to vector<16xi1>
    %masked_cumsum3A_265 = tpu.scan <sum>, %select_n3A_262 masked %broadcast_in_dim3A_264 : vector<16xi32>, vector<16xi1> -> vector<16xi32>
    %sub3A_266 = arith.subi %masked_cumsum3A_265, %select_n3A_262 : vector<16xi32>
    %add3A_267 = arith.addi %sub3A_266, %add3A_254 : vector<16xi32>
    %swap3A_268 = arith.constant 0 : i32
    %swap3A_269 = arith.index_cast %swap3A_268 : i32 to index
    %swap3A_270 = arith.constant 48 : index
    %swap3A_271 = tpu.vector_load %arg7[%swap3A_269, %swap3A_270] {strides = array<i32>} : memref<4x128xi32, #tpu.memory_space<vmem>>, vector<16xi32>,
    tpu.vector_store %arg7[%swap3A_269, %swap3A_270], %add3A_267 {strides = array<i32>} : memref<4x128xi32, #tpu.memory_space<vmem>>, vector<16xi32>,
    %broadcast_in_dim3A_272 = arith.constant 15 : i32
    %broadcast_in_dim3A_273 = vector.broadcast %broadcast_in_dim3A_272 : i32 to vector<16xi32>
    %broadcast_in_dim3A_274 = vector.shape_cast %broadcast_in_dim3A_273 : vector<16xi32> to vector<16x1xi32>
    %gather3A_275 = vector.shape_cast %broadcast_in_dim3A_274 : vector<16x1xi32> to vector<16xi32>
    %gather3A_276 = tpu.dynamic_gather %masked_cumsum3A_265[%gather3A_275] in [0] : vector<16xi32>, vector<16xi32> -> vector<16xi32>
    %add3A_277 = arith.addi %add3A_254, %gather3A_276 : vector<16xi32>
    %get3A_278 = arith.constant 0 : i32
    %get3A_279 = arith.index_cast %get3A_278 : i32 to index
    %get3A_280 = arith.constant 64 : index
    %get3A_281 = tpu.vector_load %arg6[%get3A_279, %get3A_280] {strides = array<i32>} : memref<4x128xi32, #tpu.memory_space<vmem>>, vector<16xi32>,
    %gt3A_282 = arith.constant 0 : i32
    %gt3A_283 = vector.broadcast %gt3A_282 : i32 to vector<16xi32>
    %gt3A_284 = arith.cmpi sgt, %get3A_281, %gt3A_283 : vector<16xi32>
    %select_n3A_285 = arith.select %gt3A_284, %broadcast_in_dim3A_2, %broadcast_in_dim3A_0 : vector<16xi1>, vector<16xi32>
    %broadcast_in_dim3A_286 = arith.constant true
    %broadcast_in_dim3A_287 = vector.broadcast %broadcast_in_dim3A_286 : i1 to vector<16xi1>
    %masked_cumsum3A_288 = tpu.scan <sum>, %select_n3A_285 masked %broadcast_in_dim3A_287 : vector<16xi32>, vector<16xi1> -> vector<16xi32>
    %sub3A_289 = arith.subi %masked_cumsum3A_288, %select_n3A_285 : vector<16xi32>
    %add3A_290 = arith.addi %sub3A_289, %add3A_277 : vector<16xi32>
    %swap3A_291 = arith.constant 0 : i32
    %swap3A_292 = arith.index_cast %swap3A_291 : i32 to index
    %swap3A_293 = arith.constant 64 : index
    %swap3A_294 = tpu.vector_load %arg7[%swap3A_292, %swap3A_293] {strides = array<i32>} : memref<4x128xi32, #tpu.memory_space<vmem>>, vector<16xi32>,
    tpu.vector_store %arg7[%swap3A_292, %swap3A_293], %add3A_290 {strides = array<i32>} : memref<4x128xi32, #tpu.memory_space<vmem>>, vector<16xi32>,
    %broadcast_in_dim3A_295 = arith.constant 15 : i32
    %broadcast_in_dim3A_296 = vector.broadcast %broadcast_in_dim3A_295 : i32 to vector<16xi32>
    %broadcast_in_dim3A_297 = vector.shape_cast %broadcast_in_dim3A_296 : vector<16xi32> to vector<16x1xi32>
    %gather3A_298 = vector.shape_cast %broadcast_in_dim3A_297 : vector<16x1xi32> to vector<16xi32>
    %gather3A_299 = tpu.dynamic_gather %masked_cumsum3A_288[%gather3A_298] in [0] : vector<16xi32>, vector<16xi32> -> vector<16xi32>
    %add3A_300 = arith.addi %add3A_277, %gather3A_299 : vector<16xi32>
    %get3A_301 = arith.constant 0 : i32
    %get3A_302 = arith.index_cast %get3A_301 : i32 to index
    %get3A_303 = arith.constant 80 : index
    %get3A_304 = tpu.vector_load %arg6[%get3A_302, %get3A_303] {strides = array<i32>} : memref<4x128xi32, #tpu.memory_space<vmem>>, vector<16xi32>,
    %gt3A_305 = arith.constant 0 : i32
    %gt3A_306 = vector.broadcast %gt3A_305 : i32 to vector<16xi32>
    %gt3A_307 = arith.cmpi sgt, %get3A_304, %gt3A_306 : vector<16xi32>
    %select_n3A_308 = arith.select %gt3A_307, %broadcast_in_dim3A_2, %broadcast_in_dim3A_0 : vector<16xi1>, vector<16xi32>
    %broadcast_in_dim3A_309 = arith.constant true
    %broadcast_in_dim3A_310 = vector.broadcast %broadcast_in_dim3A_309 : i1 to vector<16xi1>
    %masked_cumsum3A_311 = tpu.scan <sum>, %select_n3A_308 masked %broadcast_in_dim3A_310 : vector<16xi32>, vector<16xi1> -> vector<16xi32>
    %sub3A_312 = arith.subi %masked_cumsum3A_311, %select_n3A_308 : vector<16xi32>
    %add3A_313 = arith.addi %sub3A_312, %add3A_300 : vector<16xi32>
    %swap3A_314 = arith.constant 0 : i32
    %swap3A_315 = arith.index_cast %swap3A_314 : i32 to index
    %swap3A_316 = arith.constant 80 : index
    %swap3A_317 = tpu.vector_load %arg7[%swap3A_315, %swap3A_316] {strides = array<i32>} : memref<4x128xi32, #tpu.memory_space<vmem>>, vector<16xi32>,
    tpu.vector_store %arg7[%swap3A_315, %swap3A_316], %add3A_313 {strides = array<i32>} : memref<4x128xi32, #tpu.memory_space<vmem>>, vector<16xi32>,
    %broadcast_in_dim3A_318 = arith.constant 15 : i32
    %broadcast_in_dim3A_319 = vector.broadcast %broadcast_in_dim3A_318 : i32 to vector<16xi32>
    %broadcast_in_dim3A_320 = vector.shape_cast %broadcast_in_dim3A_319 : vector<16xi32> to vector<16x1xi32>
    %gather3A_321 = vector.shape_cast %broadcast_in_dim3A_320 : vector<16x1xi32> to vector<16xi32>
    %gather3A_322 = tpu.dynamic_gather %masked_cumsum3A_311[%gather3A_321] in [0] : vector<16xi32>, vector<16xi32> -> vector<16xi32>
    %add3A_323 = arith.addi %add3A_300, %gather3A_322 : vector<16xi32>
    %get3A_324 = arith.constant 0 : i32
    %get3A_325 = arith.index_cast %get3A_324 : i32 to index
    %get3A_326 = arith.constant 96 : index
    %get3A_327 = tpu.vector_load %arg6[%get3A_325, %get3A_326] {strides = array<i32>} : memref<4x128xi32, #tpu.memory_space<vmem>>, vector<16xi32>,
    %gt3A_328 = arith.constant 0 : i32
    %gt3A_329 = vector.broadcast %gt3A_328 : i32 to vector<16xi32>
    %gt3A_330 = arith.cmpi sgt, %get3A_327, %gt3A_329 : vector<16xi32>
    %select_n3A_331 = arith.select %gt3A_330, %broadcast_in_dim3A_2, %broadcast_in_dim3A_0 : vector<16xi1>, vector<16xi32>
    %broadcast_in_dim3A_332 = arith.constant true
    %broadcast_in_dim3A_333 = vector.broadcast %broadcast_in_dim3A_332 : i1 to vector<16xi1>
    %masked_cumsum3A_334 = tpu.scan <sum>, %select_n3A_331 masked %broadcast_in_dim3A_333 : vector<16xi32>, vector<16xi1> -> vector<16xi32>
    %sub3A_335 = arith.subi %masked_cumsum3A_334, %select_n3A_331 : vector<16xi32>
    %add3A_336 = arith.addi %sub3A_335, %add3A_323 : vector<16xi32>
    %swap3A_337 = arith.constant 0 : i32
    %swap3A_338 = arith.index_cast %swap3A_337 : i32 to index
    %swap3A_339 = arith.constant 96 : index
    %swap3A_340 = tpu.vector_load %arg7[%swap3A_338, %swap3A_339] {strides = array<i32>} : memref<4x128xi32, #tpu.memory_space<vmem>>, vector<16xi32>,
    tpu.vector_store %arg7[%swap3A_338, %swap3A_339], %add3A_336 {strides = array<i32>} : memref<4x128xi32, #tpu.memory_space<vmem>>, vector<16xi32>,
    %broadcast_in_dim3A_341 = arith.constant 15 : i32
    %broadcast_in_dim3A_342 = vector.broadcast %broadcast_in_dim3A_341 : i32 to vector<16xi32>
    %broadcast_in_dim3A_343 = vector.shape_cast %broadcast_in_dim3A_342 : vector<16xi32> to vector<16x1xi32>
    %gather3A_344 = vector.shape_cast %broadcast_in_dim3A_343 : vector<16x1xi32> to vector<16xi32>
    %gather3A_345 = tpu.dynamic_gather %masked_cumsum3A_334[%gather3A_344] in [0] : vector<16xi32>, vector<16xi32> -> vector<16xi32>
    %add3A_346 = arith.addi %add3A_323, %gather3A_345 : vector<16xi32>
    %get3A_347 = arith.constant 0 : i32
    %get3A_348 = arith.index_cast %get3A_347 : i32 to index
    %get3A_349 = arith.constant 112 : index
    %get3A_350 = tpu.vector_load %arg6[%get3A_348, %get3A_349] {strides = array<i32>} : memref<4x128xi32, #tpu.memory_space<vmem>>, vector<16xi32>,
    %gt3A_351 = arith.constant 0 : i32
    %gt3A_352 = vector.broadcast %gt3A_351 : i32 to vector<16xi32>
    %gt3A_353 = arith.cmpi sgt, %get3A_350, %gt3A_352 : vector<16xi32>
    %select_n3A_354 = arith.select %gt3A_353, %broadcast_in_dim3A_2, %broadcast_in_dim3A_0 : vector<16xi1>, vector<16xi32>
    %broadcast_in_dim3A_355 = arith.constant true
    %broadcast_in_dim3A_356 = vector.broadcast %broadcast_in_dim3A_355 : i1 to vector<16xi1>
    %masked_cumsum3A_357 = tpu.scan <sum>, %select_n3A_354 masked %broadcast_in_dim3A_356 : vector<16xi32>, vector<16xi1> -> vector<16xi32>
    %sub3A_358 = arith.subi %masked_cumsum3A_357, %select_n3A_354 : vector<16xi32>
    %add3A_359 = arith.addi %sub3A_358, %add3A_346 : vector<16xi32>
    %swap3A_360 = arith.constant 0 : i32
    %swap3A_361 = arith.index_cast %swap3A_360 : i32 to index
    %swap3A_362 = arith.constant 112 : index
    %swap3A_363 = tpu.vector_load %arg7[%swap3A_361, %swap3A_362] {strides = array<i32>} : memref<4x128xi32, #tpu.memory_space<vmem>>, vector<16xi32>,
    tpu.vector_store %arg7[%swap3A_361, %swap3A_362], %add3A_359 {strides = array<i32>} : memref<4x128xi32, #tpu.memory_space<vmem>>, vector<16xi32>,
    %broadcast_in_dim3A_364 = arith.constant 15 : i32
    %broadcast_in_dim3A_365 = vector.broadcast %broadcast_in_dim3A_364 : i32 to vector<16xi32>
    %broadcast_in_dim3A_366 = vector.shape_cast %broadcast_in_dim3A_365 : vector<16xi32> to vector<16x1xi32>
    %gather3A_367 = vector.shape_cast %broadcast_in_dim3A_366 : vector<16x1xi32> to vector<16xi32>
    %gather3A_368 = tpu.dynamic_gather %masked_cumsum3A_357[%gather3A_367] in [0] : vector<16xi32>, vector<16xi32> -> vector<16xi32>
    %add3A_369 = arith.addi %add3A_346, %gather3A_368 : vector<16xi32>
    %get3A_370 = arith.constant 1 : i32
    %get3A_371 = arith.index_cast %get3A_370 : i32 to index
    %get3A_372 = arith.constant 0 : index
    %get3A_373 = tpu.vector_load %arg6[%get3A_371, %get3A_372] {strides = array<i32>} : memref<4x128xi32, #tpu.memory_space<vmem>>, vector<16xi32>,
    %gt3A_374 = arith.constant 0 : i32
    %gt3A_375 = vector.broadcast %gt3A_374 : i32 to vector<16xi32>
    %gt3A_376 = arith.cmpi sgt, %get3A_373, %gt3A_375 : vector<16xi32>
    %select_n3A_377 = arith.select %gt3A_376, %broadcast_in_dim3A_2, %broadcast_in_dim3A_0 : vector<16xi1>, vector<16xi32>
    %broadcast_in_dim3A_378 = arith.constant true
    %broadcast_in_dim3A_379 = vector.broadcast %broadcast_in_dim3A_378 : i1 to vector<16xi1>
    %masked_cumsum3A_380 = tpu.scan <sum>, %select_n3A_377 masked %broadcast_in_dim3A_379 : vector<16xi32>, vector<16xi1> -> vector<16xi32>
    %sub3A_381 = arith.subi %masked_cumsum3A_380, %select_n3A_377 : vector<16xi32>
    %add3A_382 = arith.addi %sub3A_381, %add3A_369 : vector<16xi32>
    %swap3A_383 = arith.constant 1 : i32
    %swap3A_384 = arith.index_cast %swap3A_383 : i32 to index
    %swap3A_385 = arith.constant 0 : index
    %swap3A_386 = tpu.vector_load %arg7[%swap3A_384, %swap3A_385] {strides = array<i32>} : memref<4x128xi32, #tpu.memory_space<vmem>>, vector<16xi32>,
    tpu.vector_store %arg7[%swap3A_384, %swap3A_385], %add3A_382 {strides = array<i32>} : memref<4x128xi32, #tpu.memory_space<vmem>>, vector<16xi32>,
    %broadcast_in_dim3A_387 = arith.constant 15 : i32
    %broadcast_in_dim3A_388 = vector.broadcast %broadcast_in_dim3A_387 : i32 to vector<16xi32>
    %broadcast_in_dim3A_389 = vector.shape_cast %broadcast_in_dim3A_388 : vector<16xi32> to vector<16x1xi32>
    %gather3A_390 = vector.shape_cast %broadcast_in_dim3A_389 : vector<16x1xi32> to vector<16xi32>
    %gather3A_391 = tpu.dynamic_gather %masked_cumsum3A_380[%gather3A_390] in [0] : vector<16xi32>, vector<16xi32> -> vector<16xi32>
    %add3A_392 = arith.addi %add3A_369, %gather3A_391 : vector<16xi32>
    %get3A_393 = arith.constant 1 : i32
    %get3A_394 = arith.index_cast %get3A_393 : i32 to index
    %get3A_395 = arith.constant 16 : index
    %get3A_396 = tpu.vector_load %arg6[%get3A_394, %get3A_395] {strides = array<i32>} : memref<4x128xi32, #tpu.memory_space<vmem>>, vector<16xi32>,
    %gt3A_397 = arith.constant 0 : i32
    %gt3A_398 = vector.broadcast %gt3A_397 : i32 to vector<16xi32>
    %gt3A_399 = arith.cmpi sgt, %get3A_396, %gt3A_398 : vector<16xi32>
    %select_n3A_400 = arith.select %gt3A_399, %broadcast_in_dim3A_2, %broadcast_in_dim3A_0 : vector<16xi1>, vector<16xi32>
    %broadcast_in_dim3A_401 = arith.constant true
    %broadcast_in_dim3A_402 = vector.broadcast %broadcast_in_dim3A_401 : i1 to vector<16xi1>
    %masked_cumsum3A_403 = tpu.scan <sum>, %select_n3A_400 masked %broadcast_in_dim3A_402 : vector<16xi32>, vector<16xi1> -> vector<16xi32>
    %sub3A_404 = arith.subi %masked_cumsum3A_403, %select_n3A_400 : vector<16xi32>
    %add3A_405 = arith.addi %sub3A_404, %add3A_392 : vector<16xi32>
    %swap3A_406 = arith.constant 1 : i32
    %swap3A_407 = arith.index_cast %swap3A_406 : i32 to index
    %swap3A_408 = arith.constant 16 : index
    %swap3A_409 = tpu.vector_load %arg7[%swap3A_407, %swap3A_408] {strides = array<i32>} : memref<4x128xi32, #tpu.memory_space<vmem>>, vector<16xi32>,
    tpu.vector_store %arg7[%swap3A_407, %swap3A_408], %add3A_405 {strides = array<i32>} : memref<4x128xi32, #tpu.memory_space<vmem>>, vector<16xi32>,
    %broadcast_in_dim3A_410 = arith.constant 15 : i32
    %broadcast_in_dim3A_411 = vector.broadcast %broadcast_in_dim3A_410 : i32 to vector<16xi32>
    %broadcast_in_dim3A_412 = vector.shape_cast %broadcast_in_dim3A_411 : vector<16xi32> to vector<16x1xi32>
    %gather3A_413 = vector.shape_cast %broadcast_in_dim3A_412 : vector<16x1xi32> to vector<16xi32>
    %gather3A_414 = tpu.dynamic_gather %masked_cumsum3A_403[%gather3A_413] in [0] : vector<16xi32>, vector<16xi32> -> vector<16xi32>
    %add3A_415 = arith.addi %add3A_392, %gather3A_414 : vector<16xi32>
    %get3A_416 = arith.constant 1 : i32
    %get3A_417 = arith.index_cast %get3A_416 : i32 to index
    %get3A_418 = arith.constant 32 : index
    %get3A_419 = tpu.vector_load %arg6[%get3A_417, %get3A_418] {strides = array<i32>} : memref<4x128xi32, #tpu.memory_space<vmem>>, vector<16xi32>,
    %gt3A_420 = arith.constant 0 : i32
    %gt3A_421 = vector.broadcast %gt3A_420 : i32 to vector<16xi32>
    %gt3A_422 = arith.cmpi sgt, %get3A_419, %gt3A_421 : vector<16xi32>
    %select_n3A_423 = arith.select %gt3A_422, %broadcast_in_dim3A_2, %broadcast_in_dim3A_0 : vector<16xi1>, vector<16xi32>
    %broadcast_in_dim3A_424 = arith.constant true
    %broadcast_in_dim3A_425 = vector.broadcast %broadcast_in_dim3A_424 : i1 to vector<16xi1>
    %masked_cumsum3A_426 = tpu.scan <sum>, %select_n3A_423 masked %broadcast_in_dim3A_425 : vector<16xi32>, vector<16xi1> -> vector<16xi32>
    %sub3A_427 = arith.subi %masked_cumsum3A_426, %select_n3A_423 : vector<16xi32>
    %add3A_428 = arith.addi %sub3A_427, %add3A_415 : vector<16xi32>
    %swap3A_429 = arith.constant 1 : i32
    %swap3A_430 = arith.index_cast %swap3A_429 : i32 to index
    %swap3A_431 = arith.constant 32 : index
    %swap3A_432 = tpu.vector_load %arg7[%swap3A_430, %swap3A_431] {strides = array<i32>} : memref<4x128xi32, #tpu.memory_space<vmem>>, vector<16xi32>,
    tpu.vector_store %arg7[%swap3A_430, %swap3A_431], %add3A_428 {strides = array<i32>} : memref<4x128xi32, #tpu.memory_space<vmem>>, vector<16xi32>,
    %broadcast_in_dim3A_433 = arith.constant 15 : i32
    %broadcast_in_dim3A_434 = vector.broadcast %broadcast_in_dim3A_433 : i32 to vector<16xi32>
    %broadcast_in_dim3A_435 = vector.shape_cast %broadcast_in_dim3A_434 : vector<16xi32> to vector<16x1xi32>
    %gather3A_436 = vector.shape_cast %broadcast_in_dim3A_435 : vector<16x1xi32> to vector<16xi32>
    %gather3A_437 = tpu.dynamic_gather %masked_cumsum3A_426[%gather3A_436] in [0] : vector<16xi32>, vector<16xi32> -> vector<16xi32>
    %add3A_438 = arith.addi %add3A_415, %gather3A_437 : vector<16xi32>
    %get3A_439 = arith.constant 1 : i32
    %get3A_440 = arith.index_cast %get3A_439 : i32 to index
    %get3A_441 = arith.constant 48 : index
    %get3A_442 = tpu.vector_load %arg6[%get3A_440, %get3A_441] {strides = array<i32>} : memref<4x128xi32, #tpu.memory_space<vmem>>, vector<16xi32>,
    %gt3A_443 = arith.constant 0 : i32
    %gt3A_444 = vector.broadcast %gt3A_443 : i32 to vector<16xi32>
    %gt3A_445 = arith.cmpi sgt, %get3A_442, %gt3A_444 : vector<16xi32>
    %select_n3A_446 = arith.select %gt3A_445, %broadcast_in_dim3A_2, %broadcast_in_dim3A_0 : vector<16xi1>, vector<16xi32>
    %broadcast_in_dim3A_447 = arith.constant true
    %broadcast_in_dim3A_448 = vector.broadcast %broadcast_in_dim3A_447 : i1 to vector<16xi1>
    %masked_cumsum3A_449 = tpu.scan <sum>, %select_n3A_446 masked %broadcast_in_dim3A_448 : vector<16xi32>, vector<16xi1> -> vector<16xi32>
    %sub3A_450 = arith.subi %masked_cumsum3A_449, %select_n3A_446 : vector<16xi32>
    %add3A_451 = arith.addi %sub3A_450, %add3A_438 : vector<16xi32>
    %swap3A_452 = arith.constant 1 : i32
    %swap3A_453 = arith.index_cast %swap3A_452 : i32 to index
    %swap3A_454 = arith.constant 48 : index
    %swap3A_455 = tpu.vector_load %arg7[%swap3A_453, %swap3A_454] {strides = array<i32>} : memref<4x128xi32, #tpu.memory_space<vmem>>, vector<16xi32>,
    tpu.vector_store %arg7[%swap3A_453, %swap3A_454], %add3A_451 {strides = array<i32>} : memref<4x128xi32, #tpu.memory_space<vmem>>, vector<16xi32>,
    %broadcast_in_dim3A_456 = arith.constant 15 : i32
    %broadcast_in_dim3A_457 = vector.broadcast %broadcast_in_dim3A_456 : i32 to vector<16xi32>
    %broadcast_in_dim3A_458 = vector.shape_cast %broadcast_in_dim3A_457 : vector<16xi32> to vector<16x1xi32>
    %gather3A_459 = vector.shape_cast %broadcast_in_dim3A_458 : vector<16x1xi32> to vector<16xi32>
    %gather3A_460 = tpu.dynamic_gather %masked_cumsum3A_449[%gather3A_459] in [0] : vector<16xi32>, vector<16xi32> -> vector<16xi32>
    %add3A_461 = arith.addi %add3A_438, %gather3A_460 : vector<16xi32>
    %get3A_462 = arith.constant 1 : i32
    %get3A_463 = arith.index_cast %get3A_462 : i32 to index
    %get3A_464 = arith.constant 64 : index
    %get3A_465 = tpu.vector_load %arg6[%get3A_463, %get3A_464] {strides = array<i32>} : memref<4x128xi32, #tpu.memory_space<vmem>>, vector<16xi32>,
    %gt3A_466 = arith.constant 0 : i32
    %gt3A_467 = vector.broadcast %gt3A_466 : i32 to vector<16xi32>
    %gt3A_468 = arith.cmpi sgt, %get3A_465, %gt3A_467 : vector<16xi32>
    %select_n3A_469 = arith.select %gt3A_468, %broadcast_in_dim3A_2, %broadcast_in_dim3A_0 : vector<16xi1>, vector<16xi32>
    %broadcast_in_dim3A_470 = arith.constant true
    %broadcast_in_dim3A_471 = vector.broadcast %broadcast_in_dim3A_470 : i1 to vector<16xi1>
    %masked_cumsum3A_472 = tpu.scan <sum>, %select_n3A_469 masked %broadcast_in_dim3A_471 : vector<16xi32>, vector<16xi1> -> vector<16xi32>
    %sub3A_473 = arith.subi %masked_cumsum3A_472, %select_n3A_469 : vector<16xi32>
    %add3A_474 = arith.addi %sub3A_473, %add3A_461 : vector<16xi32>
    %swap3A_475 = arith.constant 1 : i32
    %swap3A_476 = arith.index_cast %swap3A_475 : i32 to index
    %swap3A_477 = arith.constant 64 : index
    %swap3A_478 = tpu.vector_load %arg7[%swap3A_476, %swap3A_477] {strides = array<i32>} : memref<4x128xi32, #tpu.memory_space<vmem>>, vector<16xi32>,
    tpu.vector_store %arg7[%swap3A_476, %swap3A_477], %add3A_474 {strides = array<i32>} : memref<4x128xi32, #tpu.memory_space<vmem>>, vector<16xi32>,
    %broadcast_in_dim3A_479 = arith.constant 15 : i32
    %broadcast_in_dim3A_480 = vector.broadcast %broadcast_in_dim3A_479 : i32 to vector<16xi32>
    %broadcast_in_dim3A_481 = vector.shape_cast %broadcast_in_dim3A_480 : vector<16xi32> to vector<16x1xi32>
    %gather3A_482 = vector.shape_cast %broadcast_in_dim3A_481 : vector<16x1xi32> to vector<16xi32>
    %gather3A_483 = tpu.dynamic_gather %masked_cumsum3A_472[%gather3A_482] in [0] : vector<16xi32>, vector<16xi32> -> vector<16xi32>
    %add3A_484 = arith.addi %add3A_461, %gather3A_483 : vector<16xi32>
    %get3A_485 = arith.constant 1 : i32
    %get3A_486 = arith.index_cast %get3A_485 : i32 to index
    %get3A_487 = arith.constant 80 : index
    %get3A_488 = tpu.vector_load %arg6[%get3A_486, %get3A_487] {strides = array<i32>} : memref<4x128xi32, #tpu.memory_space<vmem>>, vector<16xi32>,
    %gt3A_489 = arith.constant 0 : i32
    %gt3A_490 = vector.broadcast %gt3A_489 : i32 to vector<16xi32>
    %gt3A_491 = arith.cmpi sgt, %get3A_488, %gt3A_490 : vector<16xi32>
    %select_n3A_492 = arith.select %gt3A_491, %broadcast_in_dim3A_2, %broadcast_in_dim3A_0 : vector<16xi1>, vector<16xi32>
    %broadcast_in_dim3A_493 = arith.constant true
    %broadcast_in_dim3A_494 = vector.broadcast %broadcast_in_dim3A_493 : i1 to vector<16xi1>
    %masked_cumsum3A_495 = tpu.scan <sum>, %select_n3A_492 masked %broadcast_in_dim3A_494 : vector<16xi32>, vector<16xi1> -> vector<16xi32>
    %sub3A_496 = arith.subi %masked_cumsum3A_495, %select_n3A_492 : vector<16xi32>
    %add3A_497 = arith.addi %sub3A_496, %add3A_484 : vector<16xi32>
    %swap3A_498 = arith.constant 1 : i32
    %swap3A_499 = arith.index_cast %swap3A_498 : i32 to index
    %swap3A_500 = arith.constant 80 : index
    %swap3A_501 = tpu.vector_load %arg7[%swap3A_499, %swap3A_500] {strides = array<i32>} : memref<4x128xi32, #tpu.memory_space<vmem>>, vector<16xi32>,
    tpu.vector_store %arg7[%swap3A_499, %swap3A_500], %add3A_497 {strides = array<i32>} : memref<4x128xi32, #tpu.memory_space<vmem>>, vector<16xi32>,
    %broadcast_in_dim3A_502 = arith.constant 15 : i32
    %broadcast_in_dim3A_503 = vector.broadcast %broadcast_in_dim3A_502 : i32 to vector<16xi32>
    %broadcast_in_dim3A_504 = vector.shape_cast %broadcast_in_dim3A_503 : vector<16xi32> to vector<16x1xi32>
    %gather3A_505 = vector.shape_cast %broadcast_in_dim3A_504 : vector<16x1xi32> to vector<16xi32>
    %gather3A_506 = tpu.dynamic_gather %masked_cumsum3A_495[%gather3A_505] in [0] : vector<16xi32>, vector<16xi32> -> vector<16xi32>
    %add3A_507 = arith.addi %add3A_484, %gather3A_506 : vector<16xi32>
    %get3A_508 = arith.constant 1 : i32
    %get3A_509 = arith.index_cast %get3A_508 : i32 to index
    %get3A_510 = arith.constant 96 : index
    %get3A_511 = tpu.vector_load %arg6[%get3A_509, %get3A_510] {strides = array<i32>} : memref<4x128xi32, #tpu.memory_space<vmem>>, vector<16xi32>,
    %gt3A_512 = arith.constant 0 : i32
    %gt3A_513 = vector.broadcast %gt3A_512 : i32 to vector<16xi32>
    %gt3A_514 = arith.cmpi sgt, %get3A_511, %gt3A_513 : vector<16xi32>
    %select_n3A_515 = arith.select %gt3A_514, %broadcast_in_dim3A_2, %broadcast_in_dim3A_0 : vector<16xi1>, vector<16xi32>
    %broadcast_in_dim3A_516 = arith.constant true
    %broadcast_in_dim3A_517 = vector.broadcast %broadcast_in_dim3A_516 : i1 to vector<16xi1>
    %masked_cumsum3A_518 = tpu.scan <sum>, %select_n3A_515 masked %broadcast_in_dim3A_517 : vector<16xi32>, vector<16xi1> -> vector<16xi32>
    %sub3A_519 = arith.subi %masked_cumsum3A_518, %select_n3A_515 : vector<16xi32>
    %add3A_520 = arith.addi %sub3A_519, %add3A_507 : vector<16xi32>
    %swap3A_521 = arith.constant 1 : i32
    %swap3A_522 = arith.index_cast %swap3A_521 : i32 to index
    %swap3A_523 = arith.constant 96 : index
    %swap3A_524 = tpu.vector_load %arg7[%swap3A_522, %swap3A_523] {strides = array<i32>} : memref<4x128xi32, #tpu.memory_space<vmem>>, vector<16xi32>,
    tpu.vector_store %arg7[%swap3A_522, %swap3A_523], %add3A_520 {strides = array<i32>} : memref<4x128xi32, #tpu.memory_space<vmem>>, vector<16xi32>,
    %broadcast_in_dim3A_525 = arith.constant 15 : i32
    %broadcast_in_dim3A_526 = vector.broadcast %broadcast_in_dim3A_525 : i32 to vector<16xi32>
    %broadcast_in_dim3A_527 = vector.shape_cast %broadcast_in_dim3A_526 : vector<16xi32> to vector<16x1xi32>
    %gather3A_528 = vector.shape_cast %broadcast_in_dim3A_527 : vector<16x1xi32> to vector<16xi32>
    %gather3A_529 = tpu.dynamic_gather %masked_cumsum3A_518[%gather3A_528] in [0] : vector<16xi32>, vector<16xi32> -> vector<16xi32>
    %add3A_530 = arith.addi %add3A_507, %gather3A_529 : vector<16xi32>
    %get3A_531 = arith.constant 1 : i32
    %get3A_532 = arith.index_cast %get3A_531 : i32 to index
    %get3A_533 = arith.constant 112 : index
    %get3A_534 = tpu.vector_load %arg6[%get3A_532, %get3A_533] {strides = array<i32>} : memref<4x128xi32, #tpu.memory_space<vmem>>, vector<16xi32>,
    %gt3A_535 = arith.constant 0 : i32
    %gt3A_536 = vector.broadcast %gt3A_535 : i32 to vector<16xi32>
    %gt3A_537 = arith.cmpi sgt, %get3A_534, %gt3A_536 : vector<16xi32>
    %select_n3A_538 = arith.select %gt3A_537, %broadcast_in_dim3A_2, %broadcast_in_dim3A_0 : vector<16xi1>, vector<16xi32>
    %broadcast_in_dim3A_539 = arith.constant true
    %broadcast_in_dim3A_540 = vector.broadcast %broadcast_in_dim3A_539 : i1 to vector<16xi1>
    %masked_cumsum3A_541 = tpu.scan <sum>, %select_n3A_538 masked %broadcast_in_dim3A_540 : vector<16xi32>, vector<16xi1> -> vector<16xi32>
    %sub3A_542 = arith.subi %masked_cumsum3A_541, %select_n3A_538 : vector<16xi32>
    %add3A_543 = arith.addi %sub3A_542, %add3A_530 : vector<16xi32>
    %swap3A_544 = arith.constant 1 : i32
    %swap3A_545 = arith.index_cast %swap3A_544 : i32 to index
    %swap3A_546 = arith.constant 112 : index
    %swap3A_547 = tpu.vector_load %arg7[%swap3A_545, %swap3A_546] {strides = array<i32>} : memref<4x128xi32, #tpu.memory_space<vmem>>, vector<16xi32>,
    tpu.vector_store %arg7[%swap3A_545, %swap3A_546], %add3A_543 {strides = array<i32>} : memref<4x128xi32, #tpu.memory_space<vmem>>, vector<16xi32>,
    %broadcast_in_dim3A_548 = arith.constant 15 : i32
    %broadcast_in_dim3A_549 = vector.broadcast %broadcast_in_dim3A_548 : i32 to vector<16xi32>
    %broadcast_in_dim3A_550 = vector.shape_cast %broadcast_in_dim3A_549 : vector<16xi32> to vector<16x1xi32>
    %gather3A_551 = vector.shape_cast %broadcast_in_dim3A_550 : vector<16x1xi32> to vector<16xi32>
    %gather3A_552 = tpu.dynamic_gather %masked_cumsum3A_541[%gather3A_551] in [0] : vector<16xi32>, vector<16xi32> -> vector<16xi32>
    %add3A_553 = arith.addi %add3A_530, %gather3A_552 : vector<16xi32>
    %get3A_554 = arith.constant 2 : i32
    %get3A_555 = arith.index_cast %get3A_554 : i32 to index
    %get3A_556 = arith.constant 0 : index
    %get3A_557 = tpu.vector_load %arg6[%get3A_555, %get3A_556] {strides = array<i32>} : memref<4x128xi32, #tpu.memory_space<vmem>>, vector<16xi32>,
    %gt3A_558 = arith.constant 0 : i32
    %gt3A_559 = vector.broadcast %gt3A_558 : i32 to vector<16xi32>
    %gt3A_560 = arith.cmpi sgt, %get3A_557, %gt3A_559 : vector<16xi32>
    %select_n3A_561 = arith.select %gt3A_560, %broadcast_in_dim3A_2, %broadcast_in_dim3A_0 : vector<16xi1>, vector<16xi32>
    %broadcast_in_dim3A_562 = arith.constant true
    %broadcast_in_dim3A_563 = vector.broadcast %broadcast_in_dim3A_562 : i1 to vector<16xi1>
    %masked_cumsum3A_564 = tpu.scan <sum>, %select_n3A_561 masked %broadcast_in_dim3A_563 : vector<16xi32>, vector<16xi1> -> vector<16xi32>
    %sub3A_565 = arith.subi %masked_cumsum3A_564, %select_n3A_561 : vector<16xi32>
    %add3A_566 = arith.addi %sub3A_565, %add3A_553 : vector<16xi32>
    %swap3A_567 = arith.constant 2 : i32
    %swap3A_568 = arith.index_cast %swap3A_567 : i32 to index
    %swap3A_569 = arith.constant 0 : index
    %swap3A_570 = tpu.vector_load %arg7[%swap3A_568, %swap3A_569] {strides = array<i32>} : memref<4x128xi32, #tpu.memory_space<vmem>>, vector<16xi32>,
    tpu.vector_store %arg7[%swap3A_568, %swap3A_569], %add3A_566 {strides = array<i32>} : memref<4x128xi32, #tpu.memory_space<vmem>>, vector<16xi32>,
    %broadcast_in_dim3A_571 = arith.constant 15 : i32
    %broadcast_in_dim3A_572 = vector.broadcast %broadcast_in_dim3A_571 : i32 to vector<16xi32>
    %broadcast_in_dim3A_573 = vector.shape_cast %broadcast_in_dim3A_572 : vector<16xi32> to vector<16x1xi32>
    %gather3A_574 = vector.shape_cast %broadcast_in_dim3A_573 : vector<16x1xi32> to vector<16xi32>
    %gather3A_575 = tpu.dynamic_gather %masked_cumsum3A_564[%gather3A_574] in [0] : vector<16xi32>, vector<16xi32> -> vector<16xi32>
    %add3A_576 = arith.addi %add3A_553, %gather3A_575 : vector<16xi32>
    %get3A_577 = arith.constant 2 : i32
    %get3A_578 = arith.index_cast %get3A_577 : i32 to index
    %get3A_579 = arith.constant 16 : index
    %get3A_580 = tpu.vector_load %arg6[%get3A_578, %get3A_579] {strides = array<i32>} : memref<4x128xi32, #tpu.memory_space<vmem>>, vector<16xi32>,
    %gt3A_581 = arith.constant 0 : i32
    %gt3A_582 = vector.broadcast %gt3A_581 : i32 to vector<16xi32>
    %gt3A_583 = arith.cmpi sgt, %get3A_580, %gt3A_582 : vector<16xi32>
    %select_n3A_584 = arith.select %gt3A_583, %broadcast_in_dim3A_2, %broadcast_in_dim3A_0 : vector<16xi1>, vector<16xi32>
    %broadcast_in_dim3A_585 = arith.constant true
    %broadcast_in_dim3A_586 = vector.broadcast %broadcast_in_dim3A_585 : i1 to vector<16xi1>
    %masked_cumsum3A_587 = tpu.scan <sum>, %select_n3A_584 masked %broadcast_in_dim3A_586 : vector<16xi32>, vector<16xi1> -> vector<16xi32>
    %sub3A_588 = arith.subi %masked_cumsum3A_587, %select_n3A_584 : vector<16xi32>
    %add3A_589 = arith.addi %sub3A_588, %add3A_576 : vector<16xi32>
    %swap3A_590 = arith.constant 2 : i32
    %swap3A_591 = arith.index_cast %swap3A_590 : i32 to index
    %swap3A_592 = arith.constant 16 : index
    %swap3A_593 = tpu.vector_load %arg7[%swap3A_591, %swap3A_592] {strides = array<i32>} : memref<4x128xi32, #tpu.memory_space<vmem>>, vector<16xi32>,
    tpu.vector_store %arg7[%swap3A_591, %swap3A_592], %add3A_589 {strides = array<i32>} : memref<4x128xi32, #tpu.memory_space<vmem>>, vector<16xi32>,
    %broadcast_in_dim3A_594 = arith.constant 15 : i32
    %broadcast_in_dim3A_595 = vector.broadcast %broadcast_in_dim3A_594 : i32 to vector<16xi32>
    %broadcast_in_dim3A_596 = vector.shape_cast %broadcast_in_dim3A_595 : vector<16xi32> to vector<16x1xi32>
    %gather3A_597 = vector.shape_cast %broadcast_in_dim3A_596 : vector<16x1xi32> to vector<16xi32>
    %gather3A_598 = tpu.dynamic_gather %masked_cumsum3A_587[%gather3A_597] in [0] : vector<16xi32>, vector<16xi32> -> vector<16xi32>
    %add3A_599 = arith.addi %add3A_576, %gather3A_598 : vector<16xi32>
    %get3A_600 = arith.constant 2 : i32
    %get3A_601 = arith.index_cast %get3A_600 : i32 to index
    %get3A_602 = arith.constant 32 : index
    %get3A_603 = tpu.vector_load %arg6[%get3A_601, %get3A_602] {strides = array<i32>} : memref<4x128xi32, #tpu.memory_space<vmem>>, vector<16xi32>,
    %gt3A_604 = arith.constant 0 : i32
    %gt3A_605 = vector.broadcast %gt3A_604 : i32 to vector<16xi32>
    %gt3A_606 = arith.cmpi sgt, %get3A_603, %gt3A_605 : vector<16xi32>
    %select_n3A_607 = arith.select %gt3A_606, %broadcast_in_dim3A_2, %broadcast_in_dim3A_0 : vector<16xi1>, vector<16xi32>
    %broadcast_in_dim3A_608 = arith.constant true
    %broadcast_in_dim3A_609 = vector.broadcast %broadcast_in_dim3A_608 : i1 to vector<16xi1>
    %masked_cumsum3A_610 = tpu.scan <sum>, %select_n3A_607 masked %broadcast_in_dim3A_609 : vector<16xi32>, vector<16xi1> -> vector<16xi32>
    %sub3A_611 = arith.subi %masked_cumsum3A_610, %select_n3A_607 : vector<16xi32>
    %add3A_612 = arith.addi %sub3A_611, %add3A_599 : vector<16xi32>
    %swap3A_613 = arith.constant 2 : i32
    %swap3A_614 = arith.index_cast %swap3A_613 : i32 to index
    %swap3A_615 = arith.constant 32 : index
    %swap3A_616 = tpu.vector_load %arg7[%swap3A_614, %swap3A_615] {strides = array<i32>} : memref<4x128xi32, #tpu.memory_space<vmem>>, vector<16xi32>,
    tpu.vector_store %arg7[%swap3A_614, %swap3A_615], %add3A_612 {strides = array<i32>} : memref<4x128xi32, #tpu.memory_space<vmem>>, vector<16xi32>,
    %broadcast_in_dim3A_617 = arith.constant 15 : i32
    %broadcast_in_dim3A_618 = vector.broadcast %broadcast_in_dim3A_617 : i32 to vector<16xi32>
    %broadcast_in_dim3A_619 = vector.shape_cast %broadcast_in_dim3A_618 : vector<16xi32> to vector<16x1xi32>
    %gather3A_620 = vector.shape_cast %broadcast_in_dim3A_619 : vector<16x1xi32> to vector<16xi32>
    %gather3A_621 = tpu.dynamic_gather %masked_cumsum3A_610[%gather3A_620] in [0] : vector<16xi32>, vector<16xi32> -> vector<16xi32>
    %add3A_622 = arith.addi %add3A_599, %gather3A_621 : vector<16xi32>
    %get3A_623 = arith.constant 2 : i32
    %get3A_624 = arith.index_cast %get3A_623 : i32 to index
    %get3A_625 = arith.constant 48 : index
    %get3A_626 = tpu.vector_load %arg6[%get3A_624, %get3A_625] {strides = array<i32>} : memref<4x128xi32, #tpu.memory_space<vmem>>, vector<16xi32>,
    %gt3A_627 = arith.constant 0 : i32
    %gt3A_628 = vector.broadcast %gt3A_627 : i32 to vector<16xi32>
    %gt3A_629 = arith.cmpi sgt, %get3A_626, %gt3A_628 : vector<16xi32>
    %select_n3A_630 = arith.select %gt3A_629, %broadcast_in_dim3A_2, %broadcast_in_dim3A_0 : vector<16xi1>, vector<16xi32>
    %broadcast_in_dim3A_631 = arith.constant true
    %broadcast_in_dim3A_632 = vector.broadcast %broadcast_in_dim3A_631 : i1 to vector<16xi1>
    %masked_cumsum3A_633 = tpu.scan <sum>, %select_n3A_630 masked %broadcast_in_dim3A_632 : vector<16xi32>, vector<16xi1> -> vector<16xi32>
    %sub3A_634 = arith.subi %masked_cumsum3A_633, %select_n3A_630 : vector<16xi32>
    %add3A_635 = arith.addi %sub3A_634, %add3A_622 : vector<16xi32>
    %swap3A_636 = arith.constant 2 : i32
    %swap3A_637 = arith.index_cast %swap3A_636 : i32 to index
    %swap3A_638 = arith.constant 48 : index
    %swap3A_639 = tpu.vector_load %arg7[%swap3A_637, %swap3A_638] {strides = array<i32>} : memref<4x128xi32, #tpu.memory_space<vmem>>, vector<16xi32>,
    tpu.vector_store %arg7[%swap3A_637, %swap3A_638], %add3A_635 {strides = array<i32>} : memref<4x128xi32, #tpu.memory_space<vmem>>, vector<16xi32>,
    %broadcast_in_dim3A_640 = arith.constant 15 : i32
    %broadcast_in_dim3A_641 = vector.broadcast %broadcast_in_dim3A_640 : i32 to vector<16xi32>
    %broadcast_in_dim3A_642 = vector.shape_cast %broadcast_in_dim3A_641 : vector<16xi32> to vector<16x1xi32>
    %gather3A_643 = vector.shape_cast %broadcast_in_dim3A_642 : vector<16x1xi32> to vector<16xi32>
    %gather3A_644 = tpu.dynamic_gather %masked_cumsum3A_633[%gather3A_643] in [0] : vector<16xi32>, vector<16xi32> -> vector<16xi32>
    %add3A_645 = arith.addi %add3A_622, %gather3A_644 : vector<16xi32>
    %get3A_646 = arith.constant 2 : i32
    %get3A_647 = arith.index_cast %get3A_646 : i32 to index
    %get3A_648 = arith.constant 64 : index
    %get3A_649 = tpu.vector_load %arg6[%get3A_647, %get3A_648] {strides = array<i32>} : memref<4x128xi32, #tpu.memory_space<vmem>>, vector<16xi32>,
    %gt3A_650 = arith.constant 0 : i32
    %gt3A_651 = vector.broadcast %gt3A_650 : i32 to vector<16xi32>
    %gt3A_652 = arith.cmpi sgt, %get3A_649, %gt3A_651 : vector<16xi32>
    %select_n3A_653 = arith.select %gt3A_652, %broadcast_in_dim3A_2, %broadcast_in_dim3A_0 : vector<16xi1>, vector<16xi32>
    %broadcast_in_dim3A_654 = arith.constant true
    %broadcast_in_dim3A_655 = vector.broadcast %broadcast_in_dim3A_654 : i1 to vector<16xi1>
    %masked_cumsum3A_656 = tpu.scan <sum>, %select_n3A_653 masked %broadcast_in_dim3A_655 : vector<16xi32>, vector<16xi1> -> vector<16xi32>
    %sub3A_657 = arith.subi %masked_cumsum3A_656, %select_n3A_653 : vector<16xi32>
    %add3A_658 = arith.addi %sub3A_657, %add3A_645 : vector<16xi32>
    %swap3A_659 = arith.constant 2 : i32
    %swap3A_660 = arith.index_cast %swap3A_659 : i32 to index
    %swap3A_661 = arith.constant 64 : index
    %swap3A_662 = tpu.vector_load %arg7[%swap3A_660, %swap3A_661] {strides = array<i32>} : memref<4x128xi32, #tpu.memory_space<vmem>>, vector<16xi32>,
    tpu.vector_store %arg7[%swap3A_660, %swap3A_661], %add3A_658 {strides = array<i32>} : memref<4x128xi32, #tpu.memory_space<vmem>>, vector<16xi32>,
    %broadcast_in_dim3A_663 = arith.constant 15 : i32
    %broadcast_in_dim3A_664 = vector.broadcast %broadcast_in_dim3A_663 : i32 to vector<16xi32>
    %broadcast_in_dim3A_665 = vector.shape_cast %broadcast_in_dim3A_664 : vector<16xi32> to vector<16x1xi32>
    %gather3A_666 = vector.shape_cast %broadcast_in_dim3A_665 : vector<16x1xi32> to vector<16xi32>
    %gather3A_667 = tpu.dynamic_gather %masked_cumsum3A_656[%gather3A_666] in [0] : vector<16xi32>, vector<16xi32> -> vector<16xi32>
    %add3A_668 = arith.addi %add3A_645, %gather3A_667 : vector<16xi32>
    %get3A_669 = arith.constant 2 : i32
    %get3A_670 = arith.index_cast %get3A_669 : i32 to index
    %get3A_671 = arith.constant 80 : index
    %get3A_672 = tpu.vector_load %arg6[%get3A_670, %get3A_671] {strides = array<i32>} : memref<4x128xi32, #tpu.memory_space<vmem>>, vector<16xi32>,
    %gt3A_673 = arith.constant 0 : i32
    %gt3A_674 = vector.broadcast %gt3A_673 : i32 to vector<16xi32>
    %gt3A_675 = arith.cmpi sgt, %get3A_672, %gt3A_674 : vector<16xi32>
    %select_n3A_676 = arith.select %gt3A_675, %broadcast_in_dim3A_2, %broadcast_in_dim3A_0 : vector<16xi1>, vector<16xi32>
    %broadcast_in_dim3A_677 = arith.constant true
    %broadcast_in_dim3A_678 = vector.broadcast %broadcast_in_dim3A_677 : i1 to vector<16xi1>
    %masked_cumsum3A_679 = tpu.scan <sum>, %select_n3A_676 masked %broadcast_in_dim3A_678 : vector<16xi32>, vector<16xi1> -> vector<16xi32>
    %sub3A_680 = arith.subi %masked_cumsum3A_679, %select_n3A_676 : vector<16xi32>
    %add3A_681 = arith.addi %sub3A_680, %add3A_668 : vector<16xi32>
    %swap3A_682 = arith.constant 2 : i32
    %swap3A_683 = arith.index_cast %swap3A_682 : i32 to index
    %swap3A_684 = arith.constant 80 : index
    %swap3A_685 = tpu.vector_load %arg7[%swap3A_683, %swap3A_684] {strides = array<i32>} : memref<4x128xi32, #tpu.memory_space<vmem>>, vector<16xi32>,
    tpu.vector_store %arg7[%swap3A_683, %swap3A_684], %add3A_681 {strides = array<i32>} : memref<4x128xi32, #tpu.memory_space<vmem>>, vector<16xi32>,
    %broadcast_in_dim3A_686 = arith.constant 15 : i32
    %broadcast_in_dim3A_687 = vector.broadcast %broadcast_in_dim3A_686 : i32 to vector<16xi32>
    %broadcast_in_dim3A_688 = vector.shape_cast %broadcast_in_dim3A_687 : vector<16xi32> to vector<16x1xi32>
    %gather3A_689 = vector.shape_cast %broadcast_in_dim3A_688 : vector<16x1xi32> to vector<16xi32>
    %gather3A_690 = tpu.dynamic_gather %masked_cumsum3A_679[%gather3A_689] in [0] : vector<16xi32>, vector<16xi32> -> vector<16xi32>
    %add3A_691 = arith.addi %add3A_668, %gather3A_690 : vector<16xi32>
    %get3A_692 = arith.constant 2 : i32
    %get3A_693 = arith.index_cast %get3A_692 : i32 to index
    %get3A_694 = arith.constant 96 : index
    %get3A_695 = tpu.vector_load %arg6[%get3A_693, %get3A_694] {strides = array<i32>} : memref<4x128xi32, #tpu.memory_space<vmem>>, vector<16xi32>,
    %gt3A_696 = arith.constant 0 : i32
    %gt3A_697 = vector.broadcast %gt3A_696 : i32 to vector<16xi32>
    %gt3A_698 = arith.cmpi sgt, %get3A_695, %gt3A_697 : vector<16xi32>
    %select_n3A_699 = arith.select %gt3A_698, %broadcast_in_dim3A_2, %broadcast_in_dim3A_0 : vector<16xi1>, vector<16xi32>
    %broadcast_in_dim3A_700 = arith.constant true
    %broadcast_in_dim3A_701 = vector.broadcast %broadcast_in_dim3A_700 : i1 to vector<16xi1>
    %masked_cumsum3A_702 = tpu.scan <sum>, %select_n3A_699 masked %broadcast_in_dim3A_701 : vector<16xi32>, vector<16xi1> -> vector<16xi32>
    %sub3A_703 = arith.subi %masked_cumsum3A_702, %select_n3A_699 : vector<16xi32>
    %add3A_704 = arith.addi %sub3A_703, %add3A_691 : vector<16xi32>
    %swap3A_705 = arith.constant 2 : i32
    %swap3A_706 = arith.index_cast %swap3A_705 : i32 to index
    %swap3A_707 = arith.constant 96 : index
    %swap3A_708 = tpu.vector_load %arg7[%swap3A_706, %swap3A_707] {strides = array<i32>} : memref<4x128xi32, #tpu.memory_space<vmem>>, vector<16xi32>,
    tpu.vector_store %arg7[%swap3A_706, %swap3A_707], %add3A_704 {strides = array<i32>} : memref<4x128xi32, #tpu.memory_space<vmem>>, vector<16xi32>,
    %broadcast_in_dim3A_709 = arith.constant 15 : i32
    %broadcast_in_dim3A_710 = vector.broadcast %broadcast_in_dim3A_709 : i32 to vector<16xi32>
    %broadcast_in_dim3A_711 = vector.shape_cast %broadcast_in_dim3A_710 : vector<16xi32> to vector<16x1xi32>
    %gather3A_712 = vector.shape_cast %broadcast_in_dim3A_711 : vector<16x1xi32> to vector<16xi32>
    %gather3A_713 = tpu.dynamic_gather %masked_cumsum3A_702[%gather3A_712] in [0] : vector<16xi32>, vector<16xi32> -> vector<16xi32>
    %add3A_714 = arith.addi %add3A_691, %gather3A_713 : vector<16xi32>
    %get3A_715 = arith.constant 2 : i32
    %get3A_716 = arith.index_cast %get3A_715 : i32 to index
    %get3A_717 = arith.constant 112 : index
    %get3A_718 = tpu.vector_load %arg6[%get3A_716, %get3A_717] {strides = array<i32>} : memref<4x128xi32, #tpu.memory_space<vmem>>, vector<16xi32>,
    %gt3A_719 = arith.constant 0 : i32
    %gt3A_720 = vector.broadcast %gt3A_719 : i32 to vector<16xi32>
    %gt3A_721 = arith.cmpi sgt, %get3A_718, %gt3A_720 : vector<16xi32>
    %select_n3A_722 = arith.select %gt3A_721, %broadcast_in_dim3A_2, %broadcast_in_dim3A_0 : vector<16xi1>, vector<16xi32>
    %broadcast_in_dim3A_723 = arith.constant true
    %broadcast_in_dim3A_724 = vector.broadcast %broadcast_in_dim3A_723 : i1 to vector<16xi1>
    %masked_cumsum3A_725 = tpu.scan <sum>, %select_n3A_722 masked %broadcast_in_dim3A_724 : vector<16xi32>, vector<16xi1> -> vector<16xi32>
    %sub3A_726 = arith.subi %masked_cumsum3A_725, %select_n3A_722 : vector<16xi32>
    %add3A_727 = arith.addi %sub3A_726, %add3A_714 : vector<16xi32>
    %swap3A_728 = arith.constant 2 : i32
    %swap3A_729 = arith.index_cast %swap3A_728 : i32 to index
    %swap3A_730 = arith.constant 112 : index
    %swap3A_731 = tpu.vector_load %arg7[%swap3A_729, %swap3A_730] {strides = array<i32>} : memref<4x128xi32, #tpu.memory_space<vmem>>, vector<16xi32>,
    tpu.vector_store %arg7[%swap3A_729, %swap3A_730], %add3A_727 {strides = array<i32>} : memref<4x128xi32, #tpu.memory_space<vmem>>, vector<16xi32>,
    %broadcast_in_dim3A_732 = arith.constant 15 : i32
    %broadcast_in_dim3A_733 = vector.broadcast %broadcast_in_dim3A_732 : i32 to vector<16xi32>
    %broadcast_in_dim3A_734 = vector.shape_cast %broadcast_in_dim3A_733 : vector<16xi32> to vector<16x1xi32>
    %gather3A_735 = vector.shape_cast %broadcast_in_dim3A_734 : vector<16x1xi32> to vector<16xi32>
    %gather3A_736 = tpu.dynamic_gather %masked_cumsum3A_725[%gather3A_735] in [0] : vector<16xi32>, vector<16xi32> -> vector<16xi32>
    %add3A_737 = arith.addi %add3A_714, %gather3A_736 : vector<16xi32>
    %get3A_738 = arith.constant 3 : i32
    %get3A_739 = arith.index_cast %get3A_738 : i32 to index
    %get3A_740 = arith.constant 0 : index
    %get3A_741 = tpu.vector_load %arg6[%get3A_739, %get3A_740] {strides = array<i32>} : memref<4x128xi32, #tpu.memory_space<vmem>>, vector<16xi32>,
    %gt3A_742 = arith.constant 0 : i32
    %gt3A_743 = vector.broadcast %gt3A_742 : i32 to vector<16xi32>
    %gt3A_744 = arith.cmpi sgt, %get3A_741, %gt3A_743 : vector<16xi32>
    %select_n3A_745 = arith.select %gt3A_744, %broadcast_in_dim3A_2, %broadcast_in_dim3A_0 : vector<16xi1>, vector<16xi32>
    %broadcast_in_dim3A_746 = arith.constant true
    %broadcast_in_dim3A_747 = vector.broadcast %broadcast_in_dim3A_746 : i1 to vector<16xi1>
    %masked_cumsum3A_748 = tpu.scan <sum>, %select_n3A_745 masked %broadcast_in_dim3A_747 : vector<16xi32>, vector<16xi1> -> vector<16xi32>
    %sub3A_749 = arith.subi %masked_cumsum3A_748, %select_n3A_745 : vector<16xi32>
    %add3A_750 = arith.addi %sub3A_749, %add3A_737 : vector<16xi32>
    %swap3A_751 = arith.constant 3 : i32
    %swap3A_752 = arith.index_cast %swap3A_751 : i32 to index
    %swap3A_753 = arith.constant 0 : index
    %swap3A_754 = tpu.vector_load %arg7[%swap3A_752, %swap3A_753] {strides = array<i32>} : memref<4x128xi32, #tpu.memory_space<vmem>>, vector<16xi32>,
    tpu.vector_store %arg7[%swap3A_752, %swap3A_753], %add3A_750 {strides = array<i32>} : memref<4x128xi32, #tpu.memory_space<vmem>>, vector<16xi32>,
    %broadcast_in_dim3A_755 = arith.constant 15 : i32
    %broadcast_in_dim3A_756 = vector.broadcast %broadcast_in_dim3A_755 : i32 to vector<16xi32>
    %broadcast_in_dim3A_757 = vector.shape_cast %broadcast_in_dim3A_756 : vector<16xi32> to vector<16x1xi32>
    %gather3A_758 = vector.shape_cast %broadcast_in_dim3A_757 : vector<16x1xi32> to vector<16xi32>
    %gather3A_759 = tpu.dynamic_gather %masked_cumsum3A_748[%gather3A_758] in [0] : vector<16xi32>, vector<16xi32> -> vector<16xi32>
    %add3A_760 = arith.addi %add3A_737, %gather3A_759 : vector<16xi32>
    %get3A_761 = arith.constant 3 : i32
    %get3A_762 = arith.index_cast %get3A_761 : i32 to index
    %get3A_763 = arith.constant 16 : index
    %get3A_764 = tpu.vector_load %arg6[%get3A_762, %get3A_763] {strides = array<i32>} : memref<4x128xi32, #tpu.memory_space<vmem>>, vector<16xi32>,
    %gt3A_765 = arith.constant 0 : i32
    %gt3A_766 = vector.broadcast %gt3A_765 : i32 to vector<16xi32>
    %gt3A_767 = arith.cmpi sgt, %get3A_764, %gt3A_766 : vector<16xi32>
    %select_n3A_768 = arith.select %gt3A_767, %broadcast_in_dim3A_2, %broadcast_in_dim3A_0 : vector<16xi1>, vector<16xi32>
    %broadcast_in_dim3A_769 = arith.constant true
    %broadcast_in_dim3A_770 = vector.broadcast %broadcast_in_dim3A_769 : i1 to vector<16xi1>
    %masked_cumsum3A_771 = tpu.scan <sum>, %select_n3A_768 masked %broadcast_in_dim3A_770 : vector<16xi32>, vector<16xi1> -> vector<16xi32>
    %sub3A_772 = arith.subi %masked_cumsum3A_771, %select_n3A_768 : vector<16xi32>
    %add3A_773 = arith.addi %sub3A_772, %add3A_760 : vector<16xi32>
    %swap3A_774 = arith.constant 3 : i32
    %swap3A_775 = arith.index_cast %swap3A_774 : i32 to index
    %swap3A_776 = arith.constant 16 : index
    %swap3A_777 = tpu.vector_load %arg7[%swap3A_775, %swap3A_776] {strides = array<i32>} : memref<4x128xi32, #tpu.memory_space<vmem>>, vector<16xi32>,
    tpu.vector_store %arg7[%swap3A_775, %swap3A_776], %add3A_773 {strides = array<i32>} : memref<4x128xi32, #tpu.memory_space<vmem>>, vector<16xi32>,
    %broadcast_in_dim3A_778 = arith.constant 15 : i32
    %broadcast_in_dim3A_779 = vector.broadcast %broadcast_in_dim3A_778 : i32 to vector<16xi32>
    %broadcast_in_dim3A_780 = vector.shape_cast %broadcast_in_dim3A_779 : vector<16xi32> to vector<16x1xi32>
    %gather3A_781 = vector.shape_cast %broadcast_in_dim3A_780 : vector<16x1xi32> to vector<16xi32>
    %gather3A_782 = tpu.dynamic_gather %masked_cumsum3A_771[%gather3A_781] in [0] : vector<16xi32>, vector<16xi32> -> vector<16xi32>
    %add3A_783 = arith.addi %add3A_760, %gather3A_782 : vector<16xi32>
    %get3A_784 = arith.constant 3 : i32
    %get3A_785 = arith.index_cast %get3A_784 : i32 to index
    %get3A_786 = arith.constant 32 : index
    %get3A_787 = tpu.vector_load %arg6[%get3A_785, %get3A_786] {strides = array<i32>} : memref<4x128xi32, #tpu.memory_space<vmem>>, vector<16xi32>,
    %gt3A_788 = arith.constant 0 : i32
    %gt3A_789 = vector.broadcast %gt3A_788 : i32 to vector<16xi32>
    %gt3A_790 = arith.cmpi sgt, %get3A_787, %gt3A_789 : vector<16xi32>
    %select_n3A_791 = arith.select %gt3A_790, %broadcast_in_dim3A_2, %broadcast_in_dim3A_0 : vector<16xi1>, vector<16xi32>
    %broadcast_in_dim3A_792 = arith.constant true
    %broadcast_in_dim3A_793 = vector.broadcast %broadcast_in_dim3A_792 : i1 to vector<16xi1>
    %masked_cumsum3A_794 = tpu.scan <sum>, %select_n3A_791 masked %broadcast_in_dim3A_793 : vector<16xi32>, vector<16xi1> -> vector<16xi32>
    %sub3A_795 = arith.subi %masked_cumsum3A_794, %select_n3A_791 : vector<16xi32>
    %add3A_796 = arith.addi %sub3A_795, %add3A_783 : vector<16xi32>
    %swap3A_797 = arith.constant 3 : i32
    %swap3A_798 = arith.index_cast %swap3A_797 : i32 to index
    %swap3A_799 = arith.constant 32 : index
    %swap3A_800 = tpu.vector_load %arg7[%swap3A_798, %swap3A_799] {strides = array<i32>} : memref<4x128xi32, #tpu.memory_space<vmem>>, vector<16xi32>,
    tpu.vector_store %arg7[%swap3A_798, %swap3A_799], %add3A_796 {strides = array<i32>} : memref<4x128xi32, #tpu.memory_space<vmem>>, vector<16xi32>,
    %broadcast_in_dim3A_801 = arith.constant 15 : i32
    %broadcast_in_dim3A_802 = vector.broadcast %broadcast_in_dim3A_801 : i32 to vector<16xi32>
    %broadcast_in_dim3A_803 = vector.shape_cast %broadcast_in_dim3A_802 : vector<16xi32> to vector<16x1xi32>
    %gather3A_804 = vector.shape_cast %broadcast_in_dim3A_803 : vector<16x1xi32> to vector<16xi32>
    %gather3A_805 = tpu.dynamic_gather %masked_cumsum3A_794[%gather3A_804] in [0] : vector<16xi32>, vector<16xi32> -> vector<16xi32>
    %add3A_806 = arith.addi %add3A_783, %gather3A_805 : vector<16xi32>
    %get3A_807 = arith.constant 3 : i32
    %get3A_808 = arith.index_cast %get3A_807 : i32 to index
    %get3A_809 = arith.constant 48 : index
    %get3A_810 = tpu.vector_load %arg6[%get3A_808, %get3A_809] {strides = array<i32>} : memref<4x128xi32, #tpu.memory_space<vmem>>, vector<16xi32>,
    %gt3A_811 = arith.constant 0 : i32
    %gt3A_812 = vector.broadcast %gt3A_811 : i32 to vector<16xi32>
    %gt3A_813 = arith.cmpi sgt, %get3A_810, %gt3A_812 : vector<16xi32>
    %select_n3A_814 = arith.select %gt3A_813, %broadcast_in_dim3A_2, %broadcast_in_dim3A_0 : vector<16xi1>, vector<16xi32>
    %broadcast_in_dim3A_815 = arith.constant true
    %broadcast_in_dim3A_816 = vector.broadcast %broadcast_in_dim3A_815 : i1 to vector<16xi1>
    %masked_cumsum3A_817 = tpu.scan <sum>, %select_n3A_814 masked %broadcast_in_dim3A_816 : vector<16xi32>, vector<16xi1> -> vector<16xi32>
    %sub3A_818 = arith.subi %masked_cumsum3A_817, %select_n3A_814 : vector<16xi32>
    %add3A_819 = arith.addi %sub3A_818, %add3A_806 : vector<16xi32>
    %swap3A_820 = arith.constant 3 : i32
    %swap3A_821 = arith.index_cast %swap3A_820 : i32 to index
    %swap3A_822 = arith.constant 48 : index
    %swap3A_823 = tpu.vector_load %arg7[%swap3A_821, %swap3A_822] {strides = array<i32>} : memref<4x128xi32, #tpu.memory_space<vmem>>, vector<16xi32>,
    tpu.vector_store %arg7[%swap3A_821, %swap3A_822], %add3A_819 {strides = array<i32>} : memref<4x128xi32, #tpu.memory_space<vmem>>, vector<16xi32>,
    %broadcast_in_dim3A_824 = arith.constant 15 : i32
    %broadcast_in_dim3A_825 = vector.broadcast %broadcast_in_dim3A_824 : i32 to vector<16xi32>
    %broadcast_in_dim3A_826 = vector.shape_cast %broadcast_in_dim3A_825 : vector<16xi32> to vector<16x1xi32>
    %gather3A_827 = vector.shape_cast %broadcast_in_dim3A_826 : vector<16x1xi32> to vector<16xi32>
    %gather3A_828 = tpu.dynamic_gather %masked_cumsum3A_817[%gather3A_827] in [0] : vector<16xi32>, vector<16xi32> -> vector<16xi32>
    %add3A_829 = arith.addi %add3A_806, %gather3A_828 : vector<16xi32>
    %get3A_830 = arith.constant 3 : i32
    %get3A_831 = arith.index_cast %get3A_830 : i32 to index
    %get3A_832 = arith.constant 64 : index
    %get3A_833 = tpu.vector_load %arg6[%get3A_831, %get3A_832] {strides = array<i32>} : memref<4x128xi32, #tpu.memory_space<vmem>>, vector<16xi32>,
    %gt3A_834 = arith.constant 0 : i32
    %gt3A_835 = vector.broadcast %gt3A_834 : i32 to vector<16xi32>
    %gt3A_836 = arith.cmpi sgt, %get3A_833, %gt3A_835 : vector<16xi32>
    %select_n3A_837 = arith.select %gt3A_836, %broadcast_in_dim3A_2, %broadcast_in_dim3A_0 : vector<16xi1>, vector<16xi32>
    %broadcast_in_dim3A_838 = arith.constant true
    %broadcast_in_dim3A_839 = vector.broadcast %broadcast_in_dim3A_838 : i1 to vector<16xi1>
    %masked_cumsum3A_840 = tpu.scan <sum>, %select_n3A_837 masked %broadcast_in_dim3A_839 : vector<16xi32>, vector<16xi1> -> vector<16xi32>
    %sub3A_841 = arith.subi %masked_cumsum3A_840, %select_n3A_837 : vector<16xi32>
    %add3A_842 = arith.addi %sub3A_841, %add3A_829 : vector<16xi32>
    %swap3A_843 = arith.constant 3 : i32
    %swap3A_844 = arith.index_cast %swap3A_843 : i32 to index
    %swap3A_845 = arith.constant 64 : index
    %swap3A_846 = tpu.vector_load %arg7[%swap3A_844, %swap3A_845] {strides = array<i32>} : memref<4x128xi32, #tpu.memory_space<vmem>>, vector<16xi32>,
    tpu.vector_store %arg7[%swap3A_844, %swap3A_845], %add3A_842 {strides = array<i32>} : memref<4x128xi32, #tpu.memory_space<vmem>>, vector<16xi32>,
    %broadcast_in_dim3A_847 = arith.constant 15 : i32
    %broadcast_in_dim3A_848 = vector.broadcast %broadcast_in_dim3A_847 : i32 to vector<16xi32>
    %broadcast_in_dim3A_849 = vector.shape_cast %broadcast_in_dim3A_848 : vector<16xi32> to vector<16x1xi32>
    %gather3A_850 = vector.shape_cast %broadcast_in_dim3A_849 : vector<16x1xi32> to vector<16xi32>
    %gather3A_851 = tpu.dynamic_gather %masked_cumsum3A_840[%gather3A_850] in [0] : vector<16xi32>, vector<16xi32> -> vector<16xi32>
    %add3A_852 = arith.addi %add3A_829, %gather3A_851 : vector<16xi32>
    %get3A_853 = arith.constant 3 : i32
    %get3A_854 = arith.index_cast %get3A_853 : i32 to index
    %get3A_855 = arith.constant 80 : index
    %get3A_856 = tpu.vector_load %arg6[%get3A_854, %get3A_855] {strides = array<i32>} : memref<4x128xi32, #tpu.memory_space<vmem>>, vector<16xi32>,
    %gt3A_857 = arith.constant 0 : i32
    %gt3A_858 = vector.broadcast %gt3A_857 : i32 to vector<16xi32>
    %gt3A_859 = arith.cmpi sgt, %get3A_856, %gt3A_858 : vector<16xi32>
    %select_n3A_860 = arith.select %gt3A_859, %broadcast_in_dim3A_2, %broadcast_in_dim3A_0 : vector<16xi1>, vector<16xi32>
    %broadcast_in_dim3A_861 = arith.constant true
    %broadcast_in_dim3A_862 = vector.broadcast %broadcast_in_dim3A_861 : i1 to vector<16xi1>
    %masked_cumsum3A_863 = tpu.scan <sum>, %select_n3A_860 masked %broadcast_in_dim3A_862 : vector<16xi32>, vector<16xi1> -> vector<16xi32>
    %sub3A_864 = arith.subi %masked_cumsum3A_863, %select_n3A_860 : vector<16xi32>
    %add3A_865 = arith.addi %sub3A_864, %add3A_852 : vector<16xi32>
    %swap3A_866 = arith.constant 3 : i32
    %swap3A_867 = arith.index_cast %swap3A_866 : i32 to index
    %swap3A_868 = arith.constant 80 : index
    %swap3A_869 = tpu.vector_load %arg7[%swap3A_867, %swap3A_868] {strides = array<i32>} : memref<4x128xi32, #tpu.memory_space<vmem>>, vector<16xi32>,
    tpu.vector_store %arg7[%swap3A_867, %swap3A_868], %add3A_865 {strides = array<i32>} : memref<4x128xi32, #tpu.memory_space<vmem>>, vector<16xi32>,
    %broadcast_in_dim3A_870 = arith.constant 15 : i32
    %broadcast_in_dim3A_871 = vector.broadcast %broadcast_in_dim3A_870 : i32 to vector<16xi32>
    %broadcast_in_dim3A_872 = vector.shape_cast %broadcast_in_dim3A_871 : vector<16xi32> to vector<16x1xi32>
    %gather3A_873 = vector.shape_cast %broadcast_in_dim3A_872 : vector<16x1xi32> to vector<16xi32>
    %gather3A_874 = tpu.dynamic_gather %masked_cumsum3A_863[%gather3A_873] in [0] : vector<16xi32>, vector<16xi32> -> vector<16xi32>
    %add3A_875 = arith.addi %add3A_852, %gather3A_874 : vector<16xi32>
    %get3A_876 = arith.constant 3 : i32
    %get3A_877 = arith.index_cast %get3A_876 : i32 to index
    %get3A_878 = arith.constant 96 : index
    %get3A_879 = tpu.vector_load %arg6[%get3A_877, %get3A_878] {strides = array<i32>} : memref<4x128xi32, #tpu.memory_space<vmem>>, vector<16xi32>,
    %gt3A_880 = arith.constant 0 : i32
    %gt3A_881 = vector.broadcast %gt3A_880 : i32 to vector<16xi32>
    %gt3A_882 = arith.cmpi sgt, %get3A_879, %gt3A_881 : vector<16xi32>
    %select_n3A_883 = arith.select %gt3A_882, %broadcast_in_dim3A_2, %broadcast_in_dim3A_0 : vector<16xi1>, vector<16xi32>
    %broadcast_in_dim3A_884 = arith.constant true
    %broadcast_in_dim3A_885 = vector.broadcast %broadcast_in_dim3A_884 : i1 to vector<16xi1>
    %masked_cumsum3A_886 = tpu.scan <sum>, %select_n3A_883 masked %broadcast_in_dim3A_885 : vector<16xi32>, vector<16xi1> -> vector<16xi32>
    %sub3A_887 = arith.subi %masked_cumsum3A_886, %select_n3A_883 : vector<16xi32>
    %add3A_888 = arith.addi %sub3A_887, %add3A_875 : vector<16xi32>
    %swap3A_889 = arith.constant 3 : i32
    %swap3A_890 = arith.index_cast %swap3A_889 : i32 to index
    %swap3A_891 = arith.constant 96 : index
    %swap3A_892 = tpu.vector_load %arg7[%swap3A_890, %swap3A_891] {strides = array<i32>} : memref<4x128xi32, #tpu.memory_space<vmem>>, vector<16xi32>,
    tpu.vector_store %arg7[%swap3A_890, %swap3A_891], %add3A_888 {strides = array<i32>} : memref<4x128xi32, #tpu.memory_space<vmem>>, vector<16xi32>,
    %broadcast_in_dim3A_893 = arith.constant 15 : i32
    %broadcast_in_dim3A_894 = vector.broadcast %broadcast_in_dim3A_893 : i32 to vector<16xi32>
    %broadcast_in_dim3A_895 = vector.shape_cast %broadcast_in_dim3A_894 : vector<16xi32> to vector<16x1xi32>
    %gather3A_896 = vector.shape_cast %broadcast_in_dim3A_895 : vector<16x1xi32> to vector<16xi32>
    %gather3A_897 = tpu.dynamic_gather %masked_cumsum3A_886[%gather3A_896] in [0] : vector<16xi32>, vector<16xi32> -> vector<16xi32>
    %add3A_898 = arith.addi %add3A_875, %gather3A_897 : vector<16xi32>
    %get3A_899 = arith.constant 3 : i32
    %get3A_900 = arith.index_cast %get3A_899 : i32 to index
    %get3A_901 = arith.constant 112 : index
    %get3A_902 = tpu.vector_load %arg6[%get3A_900, %get3A_901] {strides = array<i32>} : memref<4x128xi32, #tpu.memory_space<vmem>>, vector<16xi32>,
    %gt3A_903 = arith.constant 0 : i32
    %gt3A_904 = vector.broadcast %gt3A_903 : i32 to vector<16xi32>
    %gt3A_905 = arith.cmpi sgt, %get3A_902, %gt3A_904 : vector<16xi32>
    %select_n3A_906 = arith.select %gt3A_905, %broadcast_in_dim3A_2, %broadcast_in_dim3A_0 : vector<16xi1>, vector<16xi32>
    %broadcast_in_dim3A_907 = arith.constant true
    %broadcast_in_dim3A_908 = vector.broadcast %broadcast_in_dim3A_907 : i1 to vector<16xi1>
    %masked_cumsum3A_909 = tpu.scan <sum>, %select_n3A_906 masked %broadcast_in_dim3A_908 : vector<16xi32>, vector<16xi1> -> vector<16xi32>
    %sub3A_910 = arith.subi %masked_cumsum3A_909, %select_n3A_906 : vector<16xi32>
    %add3A_911 = arith.addi %sub3A_910, %add3A_898 : vector<16xi32>
    %swap3A_912 = arith.constant 3 : i32
    %swap3A_913 = arith.index_cast %swap3A_912 : i32 to index
    %swap3A_914 = arith.constant 112 : index
    %swap3A_915 = tpu.vector_load %arg7[%swap3A_913, %swap3A_914] {strides = array<i32>} : memref<4x128xi32, #tpu.memory_space<vmem>>, vector<16xi32>,
    tpu.vector_store %arg7[%swap3A_913, %swap3A_914], %add3A_911 {strides = array<i32>} : memref<4x128xi32, #tpu.memory_space<vmem>>, vector<16xi32>,
    %broadcast_in_dim3A_916 = arith.constant 15 : i32
    %broadcast_in_dim3A_917 = vector.broadcast %broadcast_in_dim3A_916 : i32 to vector<16xi32>
    %broadcast_in_dim3A_918 = vector.shape_cast %broadcast_in_dim3A_917 : vector<16xi32> to vector<16x1xi32>
    %gather3A_919 = vector.shape_cast %broadcast_in_dim3A_918 : vector<16x1xi32> to vector<16xi32>
    %gather3A_920 = tpu.dynamic_gather %masked_cumsum3A_909[%gather3A_919] in [0] : vector<16xi32>, vector<16xi32> -> vector<16xi32>
    %add3A_921 = arith.addi %add3A_898, %gather3A_920 : vector<16xi32>
    %swap3A_922 = arith.constant 0 : index
    %swap3A_923 = tpu.vector_load %arg10[%swap3A_922] {strides = array<i32>} : memref<128xi32, #tpu.memory_space<vmem>>, vector<16xi32>,
    tpu.vector_store %arg10[%swap3A_922], %add3A_921 {strides = array<i32>} : memref<128xi32, #tpu.memory_space<vmem>>, vector<16xi32>,
    %swap3A_924 = arith.constant 16 : index
    %swap3A_925 = tpu.vector_load %arg10[%swap3A_924] {strides = array<i32>} : memref<128xi32, #tpu.memory_space<vmem>>, vector<16xi32>,
    tpu.vector_store %arg10[%swap3A_924], %add3A_921 {strides = array<i32>} : memref<128xi32, #tpu.memory_space<vmem>>, vector<16xi32>,
    %swap3A_926 = arith.constant 32 : index
    %swap3A_927 = tpu.vector_load %arg10[%swap3A_926] {strides = array<i32>} : memref<128xi32, #tpu.memory_space<vmem>>, vector<16xi32>,
    tpu.vector_store %arg10[%swap3A_926], %add3A_921 {strides = array<i32>} : memref<128xi32, #tpu.memory_space<vmem>>, vector<16xi32>,
    %swap3A_928 = arith.constant 48 : index
    %swap3A_929 = tpu.vector_load %arg10[%swap3A_928] {strides = array<i32>} : memref<128xi32, #tpu.memory_space<vmem>>, vector<16xi32>,
    tpu.vector_store %arg10[%swap3A_928], %add3A_921 {strides = array<i32>} : memref<128xi32, #tpu.memory_space<vmem>>, vector<16xi32>,
    %swap3A_930 = arith.constant 64 : index
    %swap3A_931 = tpu.vector_load %arg10[%swap3A_930] {strides = array<i32>} : memref<128xi32, #tpu.memory_space<vmem>>, vector<16xi32>,
    tpu.vector_store %arg10[%swap3A_930], %add3A_921 {strides = array<i32>} : memref<128xi32, #tpu.memory_space<vmem>>, vector<16xi32>,
    %swap3A_932 = arith.constant 80 : index
    %swap3A_933 = tpu.vector_load %arg10[%swap3A_932] {strides = array<i32>} : memref<128xi32, #tpu.memory_space<vmem>>, vector<16xi32>,
    tpu.vector_store %arg10[%swap3A_932], %add3A_921 {strides = array<i32>} : memref<128xi32, #tpu.memory_space<vmem>>, vector<16xi32>,
    %swap3A_934 = arith.constant 96 : index
    %swap3A_935 = tpu.vector_load %arg10[%swap3A_934] {strides = array<i32>} : memref<128xi32, #tpu.memory_space<vmem>>, vector<16xi32>,
    tpu.vector_store %arg10[%swap3A_934], %add3A_921 {strides = array<i32>} : memref<128xi32, #tpu.memory_space<vmem>>, vector<16xi32>,
    %swap3A_936 = arith.constant 112 : index
    %swap3A_937 = tpu.vector_load %arg10[%swap3A_936] {strides = array<i32>} : memref<128xi32, #tpu.memory_space<vmem>>, vector<16xi32>,
    tpu.vector_store %arg10[%swap3A_936], %add3A_921 {strides = array<i32>} : memref<128xi32, #tpu.memory_space<vmem>>, vector<16xi32>,
    "tpu.region"() ({
      %run_scoped3A = tpu.sem_alloc : memref<!tpu.dma_semaphore, #tpu.memory_space<semaphore_mem>>
      %dma_start3A = arith.constant 0 : i32
      %dma_start3A_1253 = tpu.memref_slice %arg17[%arg1, %dma_start3A] : memref<16x128xi32, #tpu.memory_space<vmem_shared>> -> memref<1x128xi32, #tpu.memory_space<vmem_shared>>
      %dma_start3A_1254 = tpu.memref_squeeze %dma_start3A_1253 : memref<1x128xi32, #tpu.memory_space<vmem_shared>> -> memref<128xi32, #tpu.memory_space<vmem_shared>>
      %dma_start3A_1255 = arith.constant 0 : i32
      %dma_start3A_1256 = tpu.memref_slice %arg17[%arg1, %dma_start3A_1255] : memref<16x128xi32, #tpu.memory_space<vmem_shared>> -> memref<1x128xi32, #tpu.memory_space<vmem_shared>>
      %dma_start3A_1257 = tpu.memref_squeeze %dma_start3A_1256 : memref<1x128xi32, #tpu.memory_space<vmem_shared>> -> memref<128xi32, #tpu.memory_space<vmem_shared>>
      tpu.enqueue_dma source(%arg10 : memref<128xi32, #tpu.memory_space<vmem>>) target(%dma_start3A_1257 : memref<128xi32, #tpu.memory_space<vmem_shared>>) target_semaphore(%run_scoped3A : memref<!tpu.dma_semaphore, #tpu.memory_space<semaphore_mem>>)
      %dma_wait3A = arith.constant 0 : i32
      %dma_wait3A_1258 = tpu.memref_slice %arg17[%arg1, %dma_wait3A] : memref<16x128xi32, #tpu.memory_space<vmem_shared>> -> memref<1x128xi32, #tpu.memory_space<vmem_shared>>
      %dma_wait3A_1259 = tpu.memref_squeeze %dma_wait3A_1258 : memref<1x128xi32, #tpu.memory_space<vmem_shared>> -> memref<128xi32, #tpu.memory_space<vmem_shared>>
      %dma_wait3A_1260 = arith.constant 0 : i32
      %dma_wait3A_1261 = tpu.memref_slice %arg17[%arg1, %dma_wait3A_1260] : memref<16x128xi32, #tpu.memory_space<vmem_shared>> -> memref<1x128xi32, #tpu.memory_space<vmem_shared>>
      %dma_wait3A_1262 = tpu.memref_squeeze %dma_wait3A_1261 : memref<1x128xi32, #tpu.memory_space<vmem_shared>> -> memref<128xi32, #tpu.memory_space<vmem_shared>>
      tpu.wait_dma2 semaphore(%run_scoped3A : memref<!tpu.dma_semaphore, #tpu.memory_space<semaphore_mem>>) src(%arg10 : memref<128xi32, #tpu.memory_space<vmem>>) dst(%dma_wait3A_1262 : memref<128xi32, #tpu.memory_space<vmem_shared>>)
      tpu.yield
    }) : () -> ()
    %barrier3A_938 = arith.constant 0 : index
    tpu.barrier barrier_id(%barrier3A_938)
    "tpu.region"() ({
      %run_scoped3A = tpu.sem_alloc : memref<!tpu.dma_semaphore, #tpu.memory_space<semaphore_mem>>
      tpu.enqueue_dma source(%arg17 : memref<16x128xi32, #tpu.memory_space<vmem_shared>>) target(%arg12 : memref<16x128xi32, #tpu.memory_space<vmem>>) target_semaphore(%run_scoped3A : memref<!tpu.dma_semaphore, #tpu.memory_space<semaphore_mem>>)
      tpu.wait_dma2 semaphore(%run_scoped3A : memref<!tpu.dma_semaphore, #tpu.memory_space<semaphore_mem>>) src(%arg17 : memref<16x128xi32, #tpu.memory_space<vmem_shared>>) dst(%arg12 : memref<16x128xi32, #tpu.memory_space<vmem>>)
      tpu.yield
    }) : () -> ()
    %gather3A_939 = tpu.vector_load_idx %arg12[%iota3A, %broadcast_in_dim3A_0] : memref<16x128xi32, #tpu.memory_space<vmem>>[vector<16xi32>, vector<16xi32>], vector<16xi32>,
    %broadcast_in_dim3A_940 = arith.constant true
    %broadcast_in_dim3A_941 = vector.broadcast %broadcast_in_dim3A_940 : i1 to vector<16xi1>
    %masked_cumsum3A_942 = tpu.scan <sum>, %gather3A_939 masked %broadcast_in_dim3A_941 : vector<16xi32>, vector<16xi1> -> vector<16xi32>
    %sub3A_943 = arith.subi %masked_cumsum3A_942, %gather3A_939 : vector<16xi32>
    %broadcast_in_dim3A_944 = vector.broadcast %arg1 : i32 to vector<16xi32>
    %broadcast_in_dim3A_945 = vector.shape_cast %broadcast_in_dim3A_944 : vector<16xi32> to vector<16x1xi32>
    %gather3A_946 = vector.shape_cast %broadcast_in_dim3A_945 : vector<16x1xi32> to vector<16xi32>
    %gather3A_947 = tpu.dynamic_gather %sub3A_943[%gather3A_946] in [0] : vector<16xi32>, vector<16xi32> -> vector<16xi32>
    %get3A_948 = arith.constant 0 : i32
    %get3A_949 = arith.index_cast %get3A_948 : i32 to index
    %get3A_950 = arith.constant 0 : index
    %get3A_951 = tpu.vector_load %arg7[%get3A_949, %get3A_950] {strides = array<i32>} : memref<4x128xi32, #tpu.memory_space<vmem>>, vector<16xi32>,
    %add3A_952 = arith.addi %get3A_951, %gather3A_947 : vector<16xi32>
    %swap3A_953 = arith.constant 0 : i32
    %swap3A_954 = arith.index_cast %swap3A_953 : i32 to index
    %swap3A_955 = arith.constant 0 : index
    %swap3A_956 = tpu.vector_load %arg7[%swap3A_954, %swap3A_955] {strides = array<i32>} : memref<4x128xi32, #tpu.memory_space<vmem>>, vector<16xi32>,
    tpu.vector_store %arg7[%swap3A_954, %swap3A_955], %add3A_952 {strides = array<i32>} : memref<4x128xi32, #tpu.memory_space<vmem>>, vector<16xi32>,
    %get3A_957 = arith.constant 0 : i32
    %get3A_958 = arith.index_cast %get3A_957 : i32 to index
    %get3A_959 = arith.constant 16 : index
    %get3A_960 = tpu.vector_load %arg7[%get3A_958, %get3A_959] {strides = array<i32>} : memref<4x128xi32, #tpu.memory_space<vmem>>, vector<16xi32>,
    %add3A_961 = arith.addi %get3A_960, %gather3A_947 : vector<16xi32>
    %swap3A_962 = arith.constant 0 : i32
    %swap3A_963 = arith.index_cast %swap3A_962 : i32 to index
    %swap3A_964 = arith.constant 16 : index
    %swap3A_965 = tpu.vector_load %arg7[%swap3A_963, %swap3A_964] {strides = array<i32>} : memref<4x128xi32, #tpu.memory_space<vmem>>, vector<16xi32>,
    tpu.vector_store %arg7[%swap3A_963, %swap3A_964], %add3A_961 {strides = array<i32>} : memref<4x128xi32, #tpu.memory_space<vmem>>, vector<16xi32>,
    %get3A_966 = arith.constant 0 : i32
    %get3A_967 = arith.index_cast %get3A_966 : i32 to index
    %get3A_968 = arith.constant 32 : index
    %get3A_969 = tpu.vector_load %arg7[%get3A_967, %get3A_968] {strides = array<i32>} : memref<4x128xi32, #tpu.memory_space<vmem>>, vector<16xi32>,
    %add3A_970 = arith.addi %get3A_969, %gather3A_947 : vector<16xi32>
    %swap3A_971 = arith.constant 0 : i32
    %swap3A_972 = arith.index_cast %swap3A_971 : i32 to index
    %swap3A_973 = arith.constant 32 : index
    %swap3A_974 = tpu.vector_load %arg7[%swap3A_972, %swap3A_973] {strides = array<i32>} : memref<4x128xi32, #tpu.memory_space<vmem>>, vector<16xi32>,
    tpu.vector_store %arg7[%swap3A_972, %swap3A_973], %add3A_970 {strides = array<i32>} : memref<4x128xi32, #tpu.memory_space<vmem>>, vector<16xi32>,
    %get3A_975 = arith.constant 0 : i32
    %get3A_976 = arith.index_cast %get3A_975 : i32 to index
    %get3A_977 = arith.constant 48 : index
    %get3A_978 = tpu.vector_load %arg7[%get3A_976, %get3A_977] {strides = array<i32>} : memref<4x128xi32, #tpu.memory_space<vmem>>, vector<16xi32>,
    %add3A_979 = arith.addi %get3A_978, %gather3A_947 : vector<16xi32>
    %swap3A_980 = arith.constant 0 : i32
    %swap3A_981 = arith.index_cast %swap3A_980 : i32 to index
    %swap3A_982 = arith.constant 48 : index
    %swap3A_983 = tpu.vector_load %arg7[%swap3A_981, %swap3A_982] {strides = array<i32>} : memref<4x128xi32, #tpu.memory_space<vmem>>, vector<16xi32>,
    tpu.vector_store %arg7[%swap3A_981, %swap3A_982], %add3A_979 {strides = array<i32>} : memref<4x128xi32, #tpu.memory_space<vmem>>, vector<16xi32>,
    %get3A_984 = arith.constant 0 : i32
    %get3A_985 = arith.index_cast %get3A_984 : i32 to index
    %get3A_986 = arith.constant 64 : index
    %get3A_987 = tpu.vector_load %arg7[%get3A_985, %get3A_986] {strides = array<i32>} : memref<4x128xi32, #tpu.memory_space<vmem>>, vector<16xi32>,
    %add3A_988 = arith.addi %get3A_987, %gather3A_947 : vector<16xi32>
    %swap3A_989 = arith.constant 0 : i32
    %swap3A_990 = arith.index_cast %swap3A_989 : i32 to index
    %swap3A_991 = arith.constant 64 : index
    %swap3A_992 = tpu.vector_load %arg7[%swap3A_990, %swap3A_991] {strides = array<i32>} : memref<4x128xi32, #tpu.memory_space<vmem>>, vector<16xi32>,
    tpu.vector_store %arg7[%swap3A_990, %swap3A_991], %add3A_988 {strides = array<i32>} : memref<4x128xi32, #tpu.memory_space<vmem>>, vector<16xi32>,
    %get3A_993 = arith.constant 0 : i32
    %get3A_994 = arith.index_cast %get3A_993 : i32 to index
    %get3A_995 = arith.constant 80 : index
    %get3A_996 = tpu.vector_load %arg7[%get3A_994, %get3A_995] {strides = array<i32>} : memref<4x128xi32, #tpu.memory_space<vmem>>, vector<16xi32>,
    %add3A_997 = arith.addi %get3A_996, %gather3A_947 : vector<16xi32>
    %swap3A_998 = arith.constant 0 : i32
    %swap3A_999 = arith.index_cast %swap3A_998 : i32 to index
    %swap3A_1000 = arith.constant 80 : index
    %swap3A_1001 = tpu.vector_load %arg7[%swap3A_999, %swap3A_1000] {strides = array<i32>} : memref<4x128xi32, #tpu.memory_space<vmem>>, vector<16xi32>,
    tpu.vector_store %arg7[%swap3A_999, %swap3A_1000], %add3A_997 {strides = array<i32>} : memref<4x128xi32, #tpu.memory_space<vmem>>, vector<16xi32>,
    %get3A_1002 = arith.constant 0 : i32
    %get3A_1003 = arith.index_cast %get3A_1002 : i32 to index
    %get3A_1004 = arith.constant 96 : index
    %get3A_1005 = tpu.vector_load %arg7[%get3A_1003, %get3A_1004] {strides = array<i32>} : memref<4x128xi32, #tpu.memory_space<vmem>>, vector<16xi32>,
    %add3A_1006 = arith.addi %get3A_1005, %gather3A_947 : vector<16xi32>
    %swap3A_1007 = arith.constant 0 : i32
    %swap3A_1008 = arith.index_cast %swap3A_1007 : i32 to index
    %swap3A_1009 = arith.constant 96 : index
    %swap3A_1010 = tpu.vector_load %arg7[%swap3A_1008, %swap3A_1009] {strides = array<i32>} : memref<4x128xi32, #tpu.memory_space<vmem>>, vector<16xi32>,
    tpu.vector_store %arg7[%swap3A_1008, %swap3A_1009], %add3A_1006 {strides = array<i32>} : memref<4x128xi32, #tpu.memory_space<vmem>>, vector<16xi32>,
    %get3A_1011 = arith.constant 0 : i32
    %get3A_1012 = arith.index_cast %get3A_1011 : i32 to index
    %get3A_1013 = arith.constant 112 : index
    %get3A_1014 = tpu.vector_load %arg7[%get3A_1012, %get3A_1013] {strides = array<i32>} : memref<4x128xi32, #tpu.memory_space<vmem>>, vector<16xi32>,
    %add3A_1015 = arith.addi %get3A_1014, %gather3A_947 : vector<16xi32>
    %swap3A_1016 = arith.constant 0 : i32
    %swap3A_1017 = arith.index_cast %swap3A_1016 : i32 to index
    %swap3A_1018 = arith.constant 112 : index
    %swap3A_1019 = tpu.vector_load %arg7[%swap3A_1017, %swap3A_1018] {strides = array<i32>} : memref<4x128xi32, #tpu.memory_space<vmem>>, vector<16xi32>,
    tpu.vector_store %arg7[%swap3A_1017, %swap3A_1018], %add3A_1015 {strides = array<i32>} : memref<4x128xi32, #tpu.memory_space<vmem>>, vector<16xi32>,
    %get3A_1020 = arith.constant 1 : i32
    %get3A_1021 = arith.index_cast %get3A_1020 : i32 to index
    %get3A_1022 = arith.constant 0 : index
    %get3A_1023 = tpu.vector_load %arg7[%get3A_1021, %get3A_1022] {strides = array<i32>} : memref<4x128xi32, #tpu.memory_space<vmem>>, vector<16xi32>,
    %add3A_1024 = arith.addi %get3A_1023, %gather3A_947 : vector<16xi32>
    %swap3A_1025 = arith.constant 1 : i32
    %swap3A_1026 = arith.index_cast %swap3A_1025 : i32 to index
    %swap3A_1027 = arith.constant 0 : index
    %swap3A_1028 = tpu.vector_load %arg7[%swap3A_1026, %swap3A_1027] {strides = array<i32>} : memref<4x128xi32, #tpu.memory_space<vmem>>, vector<16xi32>,
    tpu.vector_store %arg7[%swap3A_1026, %swap3A_1027], %add3A_1024 {strides = array<i32>} : memref<4x128xi32, #tpu.memory_space<vmem>>, vector<16xi32>,
    %get3A_1029 = arith.constant 1 : i32
    %get3A_1030 = arith.index_cast %get3A_1029 : i32 to index
    %get3A_1031 = arith.constant 16 : index
    %get3A_1032 = tpu.vector_load %arg7[%get3A_1030, %get3A_1031] {strides = array<i32>} : memref<4x128xi32, #tpu.memory_space<vmem>>, vector<16xi32>,
    %add3A_1033 = arith.addi %get3A_1032, %gather3A_947 : vector<16xi32>
    %swap3A_1034 = arith.constant 1 : i32
    %swap3A_1035 = arith.index_cast %swap3A_1034 : i32 to index
    %swap3A_1036 = arith.constant 16 : index
    %swap3A_1037 = tpu.vector_load %arg7[%swap3A_1035, %swap3A_1036] {strides = array<i32>} : memref<4x128xi32, #tpu.memory_space<vmem>>, vector<16xi32>,
    tpu.vector_store %arg7[%swap3A_1035, %swap3A_1036], %add3A_1033 {strides = array<i32>} : memref<4x128xi32, #tpu.memory_space<vmem>>, vector<16xi32>,
    %get3A_1038 = arith.constant 1 : i32
    %get3A_1039 = arith.index_cast %get3A_1038 : i32 to index
    %get3A_1040 = arith.constant 32 : index
    %get3A_1041 = tpu.vector_load %arg7[%get3A_1039, %get3A_1040] {strides = array<i32>} : memref<4x128xi32, #tpu.memory_space<vmem>>, vector<16xi32>,
    %add3A_1042 = arith.addi %get3A_1041, %gather3A_947 : vector<16xi32>
    %swap3A_1043 = arith.constant 1 : i32
    %swap3A_1044 = arith.index_cast %swap3A_1043 : i32 to index
    %swap3A_1045 = arith.constant 32 : index
    %swap3A_1046 = tpu.vector_load %arg7[%swap3A_1044, %swap3A_1045] {strides = array<i32>} : memref<4x128xi32, #tpu.memory_space<vmem>>, vector<16xi32>,
    tpu.vector_store %arg7[%swap3A_1044, %swap3A_1045], %add3A_1042 {strides = array<i32>} : memref<4x128xi32, #tpu.memory_space<vmem>>, vector<16xi32>,
    %get3A_1047 = arith.constant 1 : i32
    %get3A_1048 = arith.index_cast %get3A_1047 : i32 to index
    %get3A_1049 = arith.constant 48 : index
    %get3A_1050 = tpu.vector_load %arg7[%get3A_1048, %get3A_1049] {strides = array<i32>} : memref<4x128xi32, #tpu.memory_space<vmem>>, vector<16xi32>,
    %add3A_1051 = arith.addi %get3A_1050, %gather3A_947 : vector<16xi32>
    %swap3A_1052 = arith.constant 1 : i32
    %swap3A_1053 = arith.index_cast %swap3A_1052 : i32 to index
    %swap3A_1054 = arith.constant 48 : index
    %swap3A_1055 = tpu.vector_load %arg7[%swap3A_1053, %swap3A_1054] {strides = array<i32>} : memref<4x128xi32, #tpu.memory_space<vmem>>, vector<16xi32>,
    tpu.vector_store %arg7[%swap3A_1053, %swap3A_1054], %add3A_1051 {strides = array<i32>} : memref<4x128xi32, #tpu.memory_space<vmem>>, vector<16xi32>,
    %get3A_1056 = arith.constant 1 : i32
    %get3A_1057 = arith.index_cast %get3A_1056 : i32 to index
    %get3A_1058 = arith.constant 64 : index
    %get3A_1059 = tpu.vector_load %arg7[%get3A_1057, %get3A_1058] {strides = array<i32>} : memref<4x128xi32, #tpu.memory_space<vmem>>, vector<16xi32>,
    %add3A_1060 = arith.addi %get3A_1059, %gather3A_947 : vector<16xi32>
    %swap3A_1061 = arith.constant 1 : i32
    %swap3A_1062 = arith.index_cast %swap3A_1061 : i32 to index
    %swap3A_1063 = arith.constant 64 : index
    %swap3A_1064 = tpu.vector_load %arg7[%swap3A_1062, %swap3A_1063] {strides = array<i32>} : memref<4x128xi32, #tpu.memory_space<vmem>>, vector<16xi32>,
    tpu.vector_store %arg7[%swap3A_1062, %swap3A_1063], %add3A_1060 {strides = array<i32>} : memref<4x128xi32, #tpu.memory_space<vmem>>, vector<16xi32>,
    %get3A_1065 = arith.constant 1 : i32
    %get3A_1066 = arith.index_cast %get3A_1065 : i32 to index
    %get3A_1067 = arith.constant 80 : index
    %get3A_1068 = tpu.vector_load %arg7[%get3A_1066, %get3A_1067] {strides = array<i32>} : memref<4x128xi32, #tpu.memory_space<vmem>>, vector<16xi32>,
    %add3A_1069 = arith.addi %get3A_1068, %gather3A_947 : vector<16xi32>
    %swap3A_1070 = arith.constant 1 : i32
    %swap3A_1071 = arith.index_cast %swap3A_1070 : i32 to index
    %swap3A_1072 = arith.constant 80 : index
    %swap3A_1073 = tpu.vector_load %arg7[%swap3A_1071, %swap3A_1072] {strides = array<i32>} : memref<4x128xi32, #tpu.memory_space<vmem>>, vector<16xi32>,
    tpu.vector_store %arg7[%swap3A_1071, %swap3A_1072], %add3A_1069 {strides = array<i32>} : memref<4x128xi32, #tpu.memory_space<vmem>>, vector<16xi32>,
    %get3A_1074 = arith.constant 1 : i32
    %get3A_1075 = arith.index_cast %get3A_1074 : i32 to index
    %get3A_1076 = arith.constant 96 : index
    %get3A_1077 = tpu.vector_load %arg7[%get3A_1075, %get3A_1076] {strides = array<i32>} : memref<4x128xi32, #tpu.memory_space<vmem>>, vector<16xi32>,
    %add3A_1078 = arith.addi %get3A_1077, %gather3A_947 : vector<16xi32>
    %swap3A_1079 = arith.constant 1 : i32
    %swap3A_1080 = arith.index_cast %swap3A_1079 : i32 to index
    %swap3A_1081 = arith.constant 96 : index
    %swap3A_1082 = tpu.vector_load %arg7[%swap3A_1080, %swap3A_1081] {strides = array<i32>} : memref<4x128xi32, #tpu.memory_space<vmem>>, vector<16xi32>,
    tpu.vector_store %arg7[%swap3A_1080, %swap3A_1081], %add3A_1078 {strides = array<i32>} : memref<4x128xi32, #tpu.memory_space<vmem>>, vector<16xi32>,
    %get3A_1083 = arith.constant 1 : i32
    %get3A_1084 = arith.index_cast %get3A_1083 : i32 to index
    %get3A_1085 = arith.constant 112 : index
    %get3A_1086 = tpu.vector_load %arg7[%get3A_1084, %get3A_1085] {strides = array<i32>} : memref<4x128xi32, #tpu.memory_space<vmem>>, vector<16xi32>,
    %add3A_1087 = arith.addi %get3A_1086, %gather3A_947 : vector<16xi32>
    %swap3A_1088 = arith.constant 1 : i32
    %swap3A_1089 = arith.index_cast %swap3A_1088 : i32 to index
    %swap3A_1090 = arith.constant 112 : index
    %swap3A_1091 = tpu.vector_load %arg7[%swap3A_1089, %swap3A_1090] {strides = array<i32>} : memref<4x128xi32, #tpu.memory_space<vmem>>, vector<16xi32>,
    tpu.vector_store %arg7[%swap3A_1089, %swap3A_1090], %add3A_1087 {strides = array<i32>} : memref<4x128xi32, #tpu.memory_space<vmem>>, vector<16xi32>,
    %get3A_1092 = arith.constant 2 : i32
    %get3A_1093 = arith.index_cast %get3A_1092 : i32 to index
    %get3A_1094 = arith.constant 0 : index
    %get3A_1095 = tpu.vector_load %arg7[%get3A_1093, %get3A_1094] {strides = array<i32>} : memref<4x128xi32, #tpu.memory_space<vmem>>, vector<16xi32>,
    %add3A_1096 = arith.addi %get3A_1095, %gather3A_947 : vector<16xi32>
    %swap3A_1097 = arith.constant 2 : i32
    %swap3A_1098 = arith.index_cast %swap3A_1097 : i32 to index
    %swap3A_1099 = arith.constant 0 : index
    %swap3A_1100 = tpu.vector_load %arg7[%swap3A_1098, %swap3A_1099] {strides = array<i32>} : memref<4x128xi32, #tpu.memory_space<vmem>>, vector<16xi32>,
    tpu.vector_store %arg7[%swap3A_1098, %swap3A_1099], %add3A_1096 {strides = array<i32>} : memref<4x128xi32, #tpu.memory_space<vmem>>, vector<16xi32>,
    %get3A_1101 = arith.constant 2 : i32
    %get3A_1102 = arith.index_cast %get3A_1101 : i32 to index
    %get3A_1103 = arith.constant 16 : index
    %get3A_1104 = tpu.vector_load %arg7[%get3A_1102, %get3A_1103] {strides = array<i32>} : memref<4x128xi32, #tpu.memory_space<vmem>>, vector<16xi32>,
    %add3A_1105 = arith.addi %get3A_1104, %gather3A_947 : vector<16xi32>
    %swap3A_1106 = arith.constant 2 : i32
    %swap3A_1107 = arith.index_cast %swap3A_1106 : i32 to index
    %swap3A_1108 = arith.constant 16 : index
    %swap3A_1109 = tpu.vector_load %arg7[%swap3A_1107, %swap3A_1108] {strides = array<i32>} : memref<4x128xi32, #tpu.memory_space<vmem>>, vector<16xi32>,
    tpu.vector_store %arg7[%swap3A_1107, %swap3A_1108], %add3A_1105 {strides = array<i32>} : memref<4x128xi32, #tpu.memory_space<vmem>>, vector<16xi32>,
    %get3A_1110 = arith.constant 2 : i32
    %get3A_1111 = arith.index_cast %get3A_1110 : i32 to index
    %get3A_1112 = arith.constant 32 : index
    %get3A_1113 = tpu.vector_load %arg7[%get3A_1111, %get3A_1112] {strides = array<i32>} : memref<4x128xi32, #tpu.memory_space<vmem>>, vector<16xi32>,
    %add3A_1114 = arith.addi %get3A_1113, %gather3A_947 : vector<16xi32>
    %swap3A_1115 = arith.constant 2 : i32
    %swap3A_1116 = arith.index_cast %swap3A_1115 : i32 to index
    %swap3A_1117 = arith.constant 32 : index
    %swap3A_1118 = tpu.vector_load %arg7[%swap3A_1116, %swap3A_1117] {strides = array<i32>} : memref<4x128xi32, #tpu.memory_space<vmem>>, vector<16xi32>,
    tpu.vector_store %arg7[%swap3A_1116, %swap3A_1117], %add3A_1114 {strides = array<i32>} : memref<4x128xi32, #tpu.memory_space<vmem>>, vector<16xi32>,
    %get3A_1119 = arith.constant 2 : i32
    %get3A_1120 = arith.index_cast %get3A_1119 : i32 to index
    %get3A_1121 = arith.constant 48 : index
    %get3A_1122 = tpu.vector_load %arg7[%get3A_1120, %get3A_1121] {strides = array<i32>} : memref<4x128xi32, #tpu.memory_space<vmem>>, vector<16xi32>,
    %add3A_1123 = arith.addi %get3A_1122, %gather3A_947 : vector<16xi32>
    %swap3A_1124 = arith.constant 2 : i32
    %swap3A_1125 = arith.index_cast %swap3A_1124 : i32 to index
    %swap3A_1126 = arith.constant 48 : index
    %swap3A_1127 = tpu.vector_load %arg7[%swap3A_1125, %swap3A_1126] {strides = array<i32>} : memref<4x128xi32, #tpu.memory_space<vmem>>, vector<16xi32>,
    tpu.vector_store %arg7[%swap3A_1125, %swap3A_1126], %add3A_1123 {strides = array<i32>} : memref<4x128xi32, #tpu.memory_space<vmem>>, vector<16xi32>,
    %get3A_1128 = arith.constant 2 : i32
    %get3A_1129 = arith.index_cast %get3A_1128 : i32 to index
    %get3A_1130 = arith.constant 64 : index
    %get3A_1131 = tpu.vector_load %arg7[%get3A_1129, %get3A_1130] {strides = array<i32>} : memref<4x128xi32, #tpu.memory_space<vmem>>, vector<16xi32>,
    %add3A_1132 = arith.addi %get3A_1131, %gather3A_947 : vector<16xi32>
    %swap3A_1133 = arith.constant 2 : i32
    %swap3A_1134 = arith.index_cast %swap3A_1133 : i32 to index
    %swap3A_1135 = arith.constant 64 : index
    %swap3A_1136 = tpu.vector_load %arg7[%swap3A_1134, %swap3A_1135] {strides = array<i32>} : memref<4x128xi32, #tpu.memory_space<vmem>>, vector<16xi32>,
    tpu.vector_store %arg7[%swap3A_1134, %swap3A_1135], %add3A_1132 {strides = array<i32>} : memref<4x128xi32, #tpu.memory_space<vmem>>, vector<16xi32>,
    %get3A_1137 = arith.constant 2 : i32
    %get3A_1138 = arith.index_cast %get3A_1137 : i32 to index
    %get3A_1139 = arith.constant 80 : index
    %get3A_1140 = tpu.vector_load %arg7[%get3A_1138, %get3A_1139] {strides = array<i32>} : memref<4x128xi32, #tpu.memory_space<vmem>>, vector<16xi32>,
    %add3A_1141 = arith.addi %get3A_1140, %gather3A_947 : vector<16xi32>
    %swap3A_1142 = arith.constant 2 : i32
    %swap3A_1143 = arith.index_cast %swap3A_1142 : i32 to index
    %swap3A_1144 = arith.constant 80 : index
    %swap3A_1145 = tpu.vector_load %arg7[%swap3A_1143, %swap3A_1144] {strides = array<i32>} : memref<4x128xi32, #tpu.memory_space<vmem>>, vector<16xi32>,
    tpu.vector_store %arg7[%swap3A_1143, %swap3A_1144], %add3A_1141 {strides = array<i32>} : memref<4x128xi32, #tpu.memory_space<vmem>>, vector<16xi32>,
    %get3A_1146 = arith.constant 2 : i32
    %get3A_1147 = arith.index_cast %get3A_1146 : i32 to index
    %get3A_1148 = arith.constant 96 : index
    %get3A_1149 = tpu.vector_load %arg7[%get3A_1147, %get3A_1148] {strides = array<i32>} : memref<4x128xi32, #tpu.memory_space<vmem>>, vector<16xi32>,
    %add3A_1150 = arith.addi %get3A_1149, %gather3A_947 : vector<16xi32>
    %swap3A_1151 = arith.constant 2 : i32
    %swap3A_1152 = arith.index_cast %swap3A_1151 : i32 to index
    %swap3A_1153 = arith.constant 96 : index
    %swap3A_1154 = tpu.vector_load %arg7[%swap3A_1152, %swap3A_1153] {strides = array<i32>} : memref<4x128xi32, #tpu.memory_space<vmem>>, vector<16xi32>,
    tpu.vector_store %arg7[%swap3A_1152, %swap3A_1153], %add3A_1150 {strides = array<i32>} : memref<4x128xi32, #tpu.memory_space<vmem>>, vector<16xi32>,
    %get3A_1155 = arith.constant 2 : i32
    %get3A_1156 = arith.index_cast %get3A_1155 : i32 to index
    %get3A_1157 = arith.constant 112 : index
    %get3A_1158 = tpu.vector_load %arg7[%get3A_1156, %get3A_1157] {strides = array<i32>} : memref<4x128xi32, #tpu.memory_space<vmem>>, vector<16xi32>,
    %add3A_1159 = arith.addi %get3A_1158, %gather3A_947 : vector<16xi32>
    %swap3A_1160 = arith.constant 2 : i32
    %swap3A_1161 = arith.index_cast %swap3A_1160 : i32 to index
    %swap3A_1162 = arith.constant 112 : index
    %swap3A_1163 = tpu.vector_load %arg7[%swap3A_1161, %swap3A_1162] {strides = array<i32>} : memref<4x128xi32, #tpu.memory_space<vmem>>, vector<16xi32>,
    tpu.vector_store %arg7[%swap3A_1161, %swap3A_1162], %add3A_1159 {strides = array<i32>} : memref<4x128xi32, #tpu.memory_space<vmem>>, vector<16xi32>,
    %get3A_1164 = arith.constant 3 : i32
    %get3A_1165 = arith.index_cast %get3A_1164 : i32 to index
    %get3A_1166 = arith.constant 0 : index
    %get3A_1167 = tpu.vector_load %arg7[%get3A_1165, %get3A_1166] {strides = array<i32>} : memref<4x128xi32, #tpu.memory_space<vmem>>, vector<16xi32>,
    %add3A_1168 = arith.addi %get3A_1167, %gather3A_947 : vector<16xi32>
    %swap3A_1169 = arith.constant 3 : i32
    %swap3A_1170 = arith.index_cast %swap3A_1169 : i32 to index
    %swap3A_1171 = arith.constant 0 : index
    %swap3A_1172 = tpu.vector_load %arg7[%swap3A_1170, %swap3A_1171] {strides = array<i32>} : memref<4x128xi32, #tpu.memory_space<vmem>>, vector<16xi32>,
    tpu.vector_store %arg7[%swap3A_1170, %swap3A_1171], %add3A_1168 {strides = array<i32>} : memref<4x128xi32, #tpu.memory_space<vmem>>, vector<16xi32>,
    %get3A_1173 = arith.constant 3 : i32
    %get3A_1174 = arith.index_cast %get3A_1173 : i32 to index
    %get3A_1175 = arith.constant 16 : index
    %get3A_1176 = tpu.vector_load %arg7[%get3A_1174, %get3A_1175] {strides = array<i32>} : memref<4x128xi32, #tpu.memory_space<vmem>>, vector<16xi32>,
    %add3A_1177 = arith.addi %get3A_1176, %gather3A_947 : vector<16xi32>
    %swap3A_1178 = arith.constant 3 : i32
    %swap3A_1179 = arith.index_cast %swap3A_1178 : i32 to index
    %swap3A_1180 = arith.constant 16 : index
    %swap3A_1181 = tpu.vector_load %arg7[%swap3A_1179, %swap3A_1180] {strides = array<i32>} : memref<4x128xi32, #tpu.memory_space<vmem>>, vector<16xi32>,
    tpu.vector_store %arg7[%swap3A_1179, %swap3A_1180], %add3A_1177 {strides = array<i32>} : memref<4x128xi32, #tpu.memory_space<vmem>>, vector<16xi32>,
    %get3A_1182 = arith.constant 3 : i32
    %get3A_1183 = arith.index_cast %get3A_1182 : i32 to index
    %get3A_1184 = arith.constant 32 : index
    %get3A_1185 = tpu.vector_load %arg7[%get3A_1183, %get3A_1184] {strides = array<i32>} : memref<4x128xi32, #tpu.memory_space<vmem>>, vector<16xi32>,
    %add3A_1186 = arith.addi %get3A_1185, %gather3A_947 : vector<16xi32>
    %swap3A_1187 = arith.constant 3 : i32
    %swap3A_1188 = arith.index_cast %swap3A_1187 : i32 to index
    %swap3A_1189 = arith.constant 32 : index
    %swap3A_1190 = tpu.vector_load %arg7[%swap3A_1188, %swap3A_1189] {strides = array<i32>} : memref<4x128xi32, #tpu.memory_space<vmem>>, vector<16xi32>,
    tpu.vector_store %arg7[%swap3A_1188, %swap3A_1189], %add3A_1186 {strides = array<i32>} : memref<4x128xi32, #tpu.memory_space<vmem>>, vector<16xi32>,
    %get3A_1191 = arith.constant 3 : i32
    %get3A_1192 = arith.index_cast %get3A_1191 : i32 to index
    %get3A_1193 = arith.constant 48 : index
    %get3A_1194 = tpu.vector_load %arg7[%get3A_1192, %get3A_1193] {strides = array<i32>} : memref<4x128xi32, #tpu.memory_space<vmem>>, vector<16xi32>,
    %add3A_1195 = arith.addi %get3A_1194, %gather3A_947 : vector<16xi32>
    %swap3A_1196 = arith.constant 3 : i32
    %swap3A_1197 = arith.index_cast %swap3A_1196 : i32 to index
    %swap3A_1198 = arith.constant 48 : index
    %swap3A_1199 = tpu.vector_load %arg7[%swap3A_1197, %swap3A_1198] {strides = array<i32>} : memref<4x128xi32, #tpu.memory_space<vmem>>, vector<16xi32>,
    tpu.vector_store %arg7[%swap3A_1197, %swap3A_1198], %add3A_1195 {strides = array<i32>} : memref<4x128xi32, #tpu.memory_space<vmem>>, vector<16xi32>,
    %get3A_1200 = arith.constant 3 : i32
    %get3A_1201 = arith.index_cast %get3A_1200 : i32 to index
    %get3A_1202 = arith.constant 64 : index
    %get3A_1203 = tpu.vector_load %arg7[%get3A_1201, %get3A_1202] {strides = array<i32>} : memref<4x128xi32, #tpu.memory_space<vmem>>, vector<16xi32>,
    %add3A_1204 = arith.addi %get3A_1203, %gather3A_947 : vector<16xi32>
    %swap3A_1205 = arith.constant 3 : i32
    %swap3A_1206 = arith.index_cast %swap3A_1205 : i32 to index
    %swap3A_1207 = arith.constant 64 : index
    %swap3A_1208 = tpu.vector_load %arg7[%swap3A_1206, %swap3A_1207] {strides = array<i32>} : memref<4x128xi32, #tpu.memory_space<vmem>>, vector<16xi32>,
    tpu.vector_store %arg7[%swap3A_1206, %swap3A_1207], %add3A_1204 {strides = array<i32>} : memref<4x128xi32, #tpu.memory_space<vmem>>, vector<16xi32>,
    %get3A_1209 = arith.constant 3 : i32
    %get3A_1210 = arith.index_cast %get3A_1209 : i32 to index
    %get3A_1211 = arith.constant 80 : index
    %get3A_1212 = tpu.vector_load %arg7[%get3A_1210, %get3A_1211] {strides = array<i32>} : memref<4x128xi32, #tpu.memory_space<vmem>>, vector<16xi32>,
    %add3A_1213 = arith.addi %get3A_1212, %gather3A_947 : vector<16xi32>
    %swap3A_1214 = arith.constant 3 : i32
    %swap3A_1215 = arith.index_cast %swap3A_1214 : i32 to index
    %swap3A_1216 = arith.constant 80 : index
    %swap3A_1217 = tpu.vector_load %arg7[%swap3A_1215, %swap3A_1216] {strides = array<i32>} : memref<4x128xi32, #tpu.memory_space<vmem>>, vector<16xi32>,
    tpu.vector_store %arg7[%swap3A_1215, %swap3A_1216], %add3A_1213 {strides = array<i32>} : memref<4x128xi32, #tpu.memory_space<vmem>>, vector<16xi32>,
    %get3A_1218 = arith.constant 3 : i32
    %get3A_1219 = arith.index_cast %get3A_1218 : i32 to index
    %get3A_1220 = arith.constant 96 : index
    %get3A_1221 = tpu.vector_load %arg7[%get3A_1219, %get3A_1220] {strides = array<i32>} : memref<4x128xi32, #tpu.memory_space<vmem>>, vector<16xi32>,
    %add3A_1222 = arith.addi %get3A_1221, %gather3A_947 : vector<16xi32>
    %swap3A_1223 = arith.constant 3 : i32
    %swap3A_1224 = arith.index_cast %swap3A_1223 : i32 to index
    %swap3A_1225 = arith.constant 96 : index
    %swap3A_1226 = tpu.vector_load %arg7[%swap3A_1224, %swap3A_1225] {strides = array<i32>} : memref<4x128xi32, #tpu.memory_space<vmem>>, vector<16xi32>,
    tpu.vector_store %arg7[%swap3A_1224, %swap3A_1225], %add3A_1222 {strides = array<i32>} : memref<4x128xi32, #tpu.memory_space<vmem>>, vector<16xi32>,
    %get3A_1227 = arith.constant 3 : i32
    %get3A_1228 = arith.index_cast %get3A_1227 : i32 to index
    %get3A_1229 = arith.constant 112 : index
    %get3A_1230 = tpu.vector_load %arg7[%get3A_1228, %get3A_1229] {strides = array<i32>} : memref<4x128xi32, #tpu.memory_space<vmem>>, vector<16xi32>,
    %add3A_1231 = arith.addi %get3A_1230, %gather3A_947 : vector<16xi32>
    %swap3A_1232 = arith.constant 3 : i32
    %swap3A_1233 = arith.index_cast %swap3A_1232 : i32 to index
    %swap3A_1234 = arith.constant 112 : index
    %swap3A_1235 = tpu.vector_load %arg7[%swap3A_1233, %swap3A_1234] {strides = array<i32>} : memref<4x128xi32, #tpu.memory_space<vmem>>, vector<16xi32>,
    tpu.vector_store %arg7[%swap3A_1233, %swap3A_1234], %add3A_1231 {strides = array<i32>} : memref<4x128xi32, #tpu.memory_space<vmem>>, vector<16xi32>,
    %mul3A_1236 = arith.constant 4 : i32
    %mul3A_1237 = arith.muli %arg1, %mul3A_1236 : i32
    "tpu.region"() ({
      %run_scoped3A = tpu.sem_alloc : memref<!tpu.dma_semaphore, #tpu.memory_space<semaphore_mem>>
      %dma_start3A = arith.constant 0 : i32
      %dma_start3A_1253 = tpu.memref_slice %arg15[%mul3A_1237, %dma_start3A] : memref<64x128xi32, #tpu.memory_space<vmem_shared>> -> memref<4x128xi32, #tpu.memory_space<vmem_shared>>
      %dma_start3A_1254 = arith.constant 0 : i32
      %dma_start3A_1255 = tpu.memref_slice %arg15[%mul3A_1237, %dma_start3A_1254] : memref<64x128xi32, #tpu.memory_space<vmem_shared>> -> memref<4x128xi32, #tpu.memory_space<vmem_shared>>
      tpu.enqueue_dma source(%arg7 : memref<4x128xi32, #tpu.memory_space<vmem>>) target(%dma_start3A_1255 : memref<4x128xi32, #tpu.memory_space<vmem_shared>>) target_semaphore(%run_scoped3A : memref<!tpu.dma_semaphore, #tpu.memory_space<semaphore_mem>>)
      %dma_wait3A = arith.constant 0 : i32
      %dma_wait3A_1256 = tpu.memref_slice %arg15[%mul3A_1237, %dma_wait3A] : memref<64x128xi32, #tpu.memory_space<vmem_shared>> -> memref<4x128xi32, #tpu.memory_space<vmem_shared>>
      %dma_wait3A_1257 = arith.constant 0 : i32
      %dma_wait3A_1258 = tpu.memref_slice %arg15[%mul3A_1237, %dma_wait3A_1257] : memref<64x128xi32, #tpu.memory_space<vmem_shared>> -> memref<4x128xi32, #tpu.memory_space<vmem_shared>>
      tpu.wait_dma2 semaphore(%run_scoped3A : memref<!tpu.dma_semaphore, #tpu.memory_space<semaphore_mem>>) src(%arg7 : memref<4x128xi32, #tpu.memory_space<vmem>>) dst(%dma_wait3A_1258 : memref<4x128xi32, #tpu.memory_space<vmem_shared>>)
      tpu.yield
    }) : () -> ()
    %barrier3A_1238 = arith.constant 0 : index
    tpu.barrier barrier_id(%barrier3A_1238)
    "tpu.region"() ({
      %run_scoped3A = tpu.sem_alloc : memref<!tpu.dma_semaphore, #tpu.memory_space<semaphore_mem>>
      tpu.enqueue_dma source(%arg15 : memref<64x128xi32, #tpu.memory_space<vmem_shared>>) target(%arg8 : memref<64x128xi32, #tpu.memory_space<vmem>>) target_semaphore(%run_scoped3A : memref<!tpu.dma_semaphore, #tpu.memory_space<semaphore_mem>>)
      tpu.wait_dma2 semaphore(%run_scoped3A : memref<!tpu.dma_semaphore, #tpu.memory_space<semaphore_mem>>) src(%arg15 : memref<64x128xi32, #tpu.memory_space<vmem_shared>>) dst(%arg8 : memref<64x128xi32, #tpu.memory_space<vmem>>)
      tpu.yield
    }) : () -> ()
    %mul3A_1239 = arith.constant 2304 : i32
    %mul3A_1240 = arith.muli %arg0, %mul3A_1239 : i32
    %scan3A_1241 = arith.constant 0 : i32
    %scan3A_1242 = arith.constant 0 : i32
    %scan3A_1243 = arith.constant 144 : i32
    %scan3A_1244 = arith.addi %scan3A_1242, %scan3A_1243 : i32
    %scan3A_1245 = arith.constant 1 : i32
    %scan3A_1246 = scf.for %scan3A_1253 = %scan3A_1242 to %scan3A_1244 step %scan3A_1245 iter_args(%scan3A_1254 = %scan3A_1241) -> (i32)  : i32 {
      %mul3A_1255 = arith.constant 16 : i32
      %mul3A_1256 = arith.muli %scan3A_1253, %mul3A_1255 : i32
      %add3A_1257 = arith.addi %mul3A_1240, %mul3A_1256 : i32
      %get3A_1258 = arith.index_cast %add3A_1257 : i32 to index
      %get3A_1259 = tpu.vector_load %arg4[%get3A_1258] {strides = array<i32>} : memref<4608xi32, #tpu.memory_space<vmem>>, vector<16xi32>,
      %shift_right_arithmetic3A = arith.constant 7 : i32
      %shift_right_arithmetic3A_1260 = vector.broadcast %shift_right_arithmetic3A : i32 to vector<16xi32>
      %shift_right_arithmetic3A_1261 = arith.shrsi %get3A_1259, %shift_right_arithmetic3A_1260 : vector<16xi32>
      %and3A_1262 = arith.constant 127 : i32
      %and3A_1263 = vector.broadcast %and3A_1262 : i32 to vector<16xi32>
      %and3A_1264 = arith.andi %get3A_1259, %and3A_1263 : vector<16xi32>
      %gather3A_1265 = tpu.vector_load_idx %arg8[%shift_right_arithmetic3A_1261, %and3A_1264] : memref<64x128xi32, #tpu.memory_space<vmem>>[vector<16xi32>, vector<16xi32>], vector<16xi32>,
      %mul3A_1266 = arith.constant 16 : i32
      %mul3A_1267 = arith.muli %scan3A_1253, %mul3A_1266 : i32
      %swap3A_1268 = arith.index_cast %mul3A_1267 : i32 to index
      %swap3A_1269 = tpu.vector_load %arg9[%swap3A_1268] {strides = array<i32>} : memref<2304xi32, #tpu.memory_space<vmem>>, vector<16xi32>,
      tpu.vector_store %arg9[%swap3A_1268], %gather3A_1265 {strides = array<i32>} : memref<2304xi32, #tpu.memory_space<vmem>>, vector<16xi32>,
      %scan3A_1270 = arith.constant 0 : i32
      scf.yield %scan3A_1270 : i32
    }
    %scan3A_1247 = arith.constant 144 : i32
    %mul3A_1248 = arith.constant 2 : i32
    %mul3A_1249 = arith.muli %arg1, %mul3A_1248 : i32
    %add3A_1250 = arith.addi %mul3A_1249, %arg0 : i32
    %mul3A_1251 = arith.constant 2304 : i32
    %mul3A_1252 = arith.muli %add3A_1250, %mul3A_1251 : i32
    "tpu.region"() ({
      %run_scoped3A = tpu.sem_alloc : memref<!tpu.dma_semaphore, #tpu.memory_space<semaphore_mem>>
      %dma_start3A = tpu.memref_slice %arg3[%mul3A_1252] : memref<73728xi32, #tpu.memory_space<hbm>> -> memref<2304xi32, #tpu.memory_space<hbm>>
      %dma_start3A_1253 = tpu.memref_slice %arg3[%mul3A_1252] : memref<73728xi32, #tpu.memory_space<hbm>> -> memref<2304xi32, #tpu.memory_space<hbm>>
      tpu.enqueue_dma source(%arg9 : memref<2304xi32, #tpu.memory_space<vmem>>) target(%dma_start3A_1253 : memref<2304xi32, #tpu.memory_space<hbm>>) target_semaphore(%run_scoped3A : memref<!tpu.dma_semaphore, #tpu.memory_space<semaphore_mem>>)
      %dma_wait3A = tpu.memref_slice %arg3[%mul3A_1252] : memref<73728xi32, #tpu.memory_space<hbm>> -> memref<2304xi32, #tpu.memory_space<hbm>>
      %dma_wait3A_1254 = tpu.memref_slice %arg3[%mul3A_1252] : memref<73728xi32, #tpu.memory_space<hbm>> -> memref<2304xi32, #tpu.memory_space<hbm>>
      tpu.wait_dma2 semaphore(%run_scoped3A : memref<!tpu.dma_semaphore, #tpu.memory_space<semaphore_mem>>) src(%arg9 : memref<2304xi32, #tpu.memory_space<vmem>>) dst(%dma_wait3A_1254 : memref<2304xi32, #tpu.memory_space<hbm>>)
      tpu.yield
    }) : () -> ()
    return
  }
}

#map = affine_map<(d0, d1) -> (0, 0)>
#map1 = affine_map<(d0, d1) -> (0)>
#map2 = affine_map<(d0, d1) -> (0, 0, 0)>
module attributes {stable_mosaic.version = 14 : i64} {
  func.func @_k5_body(%arg0: i32, %arg1: i32, %arg2: memref<8192x128xf32, #tpu.memory_space<hbm>>, %arg3: memref<131072xi32, #tpu.memory_space<hbm>>, %arg4: memref<131072xi32, #tpu.memory_space<hbm>>, %arg5: memref<2x8192x128xf32, #tpu.memory_space<hbm>>, %arg6: memref<2x64x128xf32, #tpu.memory_space<hbm>>, %arg7: memref<128x128xf32, #tpu.memory_space<vmem>>, %arg8: memref<128xi32, #tpu.memory_space<vmem>>, %arg9: memref<128xi32, #tpu.memory_space<vmem>>, %arg10: memref<128xi32, #tpu.memory_space<vmem>>, %arg11: memref<128xi32, #tpu.memory_space<vmem>>, %arg12: memref<64x128xf32, #tpu.memory_space<vmem>>, %arg13: memref<128x128xf32, #tpu.memory_space<vmem>>, %arg14: memref<128x128xf32, #tpu.memory_space<vmem>>, %arg15: memref<64xi32, #tpu.memory_space<vmem>>, %arg16: memref<!tpu.dma_semaphore, #tpu.memory_space<semaphore_mem>>, %arg17: memref<8192x128xf32, #tpu.memory_space<vmem_shared>>, %arg18: memref<64x128xf32, #tpu.memory_space<vmem_shared>>) attributes {dimension_semantics = [#tpu.dimension_semantics<core_parallel>, #tpu.dimension_semantics<subcore_parallel>], iteration_bounds = array<i64: 2, 16>, scalar_prefetch = 0 : i64, scratch_operands = 12 : i64, tpu.core_type = #tpu.core_type<sc_vector_subcore>, window_params = [{transform_indices = #map}, {transform_indices = #map1}, {transform_indices = #map1}, {transform_indices = #map2}, {transform_indices = #map2}]} {
    %mul3A = arith.constant 2 : i32
    %mul3A_0 = arith.muli %arg1, %mul3A : i32
    %add3A = arith.addi %mul3A_0, %arg0 : i32
    %iota3A = tpu.iota {dimensions = array<i32: 0>} : vector<16xi32>
    %broadcast_in_dim3A = arith.constant 0.000000e+00 : f32
    %broadcast_in_dim3A_1 = vector.broadcast %broadcast_in_dim3A : f32 to vector<16xf32>
    %broadcast_in_dim3A_2 = arith.constant 1.000000e+00 : f32
    %broadcast_in_dim3A_3 = vector.broadcast %broadcast_in_dim3A_2 : f32 to vector<16xf32>
    %scan3A = arith.constant 0 : i32
    %scan3A_4 = arith.constant 0 : i32
    %scan3A_5 = arith.constant 128 : i32
    %scan3A_6 = arith.addi %scan3A_4, %scan3A_5 : i32
    %scan3A_7 = arith.constant 1 : i32
    %scan3A_8 = scf.for %scan3A_69 = %scan3A_4 to %scan3A_6 step %scan3A_7 iter_args(%scan3A_70 = %scan3A) -> (i32)  : i32 {
      %swap3A_71 = arith.index_cast %scan3A_69 : i32 to index
      %swap3A_72 = arith.constant 0 : index
      %swap3A_73 = tpu.vector_load %arg13[%swap3A_71, %swap3A_72] {strides = array<i32>} : memref<128x128xf32, #tpu.memory_space<vmem>>, vector<16xf32>,
      tpu.vector_store %arg13[%swap3A_71, %swap3A_72], %broadcast_in_dim3A_1 {strides = array<i32>} : memref<128x128xf32, #tpu.memory_space<vmem>>, vector<16xf32>,
      %swap3A_74 = arith.index_cast %scan3A_69 : i32 to index
      %swap3A_75 = arith.constant 16 : index
      %swap3A_76 = tpu.vector_load %arg13[%swap3A_74, %swap3A_75] {strides = array<i32>} : memref<128x128xf32, #tpu.memory_space<vmem>>, vector<16xf32>,
      tpu.vector_store %arg13[%swap3A_74, %swap3A_75], %broadcast_in_dim3A_1 {strides = array<i32>} : memref<128x128xf32, #tpu.memory_space<vmem>>, vector<16xf32>,
      %swap3A_77 = arith.index_cast %scan3A_69 : i32 to index
      %swap3A_78 = arith.constant 32 : index
      %swap3A_79 = tpu.vector_load %arg13[%swap3A_77, %swap3A_78] {strides = array<i32>} : memref<128x128xf32, #tpu.memory_space<vmem>>, vector<16xf32>,
      tpu.vector_store %arg13[%swap3A_77, %swap3A_78], %broadcast_in_dim3A_1 {strides = array<i32>} : memref<128x128xf32, #tpu.memory_space<vmem>>, vector<16xf32>,
      %swap3A_80 = arith.index_cast %scan3A_69 : i32 to index
      %swap3A_81 = arith.constant 48 : index
      %swap3A_82 = tpu.vector_load %arg13[%swap3A_80, %swap3A_81] {strides = array<i32>} : memref<128x128xf32, #tpu.memory_space<vmem>>, vector<16xf32>,
      tpu.vector_store %arg13[%swap3A_80, %swap3A_81], %broadcast_in_dim3A_1 {strides = array<i32>} : memref<128x128xf32, #tpu.memory_space<vmem>>, vector<16xf32>,
      %swap3A_83 = arith.index_cast %scan3A_69 : i32 to index
      %swap3A_84 = arith.constant 64 : index
      %swap3A_85 = tpu.vector_load %arg13[%swap3A_83, %swap3A_84] {strides = array<i32>} : memref<128x128xf32, #tpu.memory_space<vmem>>, vector<16xf32>,
      tpu.vector_store %arg13[%swap3A_83, %swap3A_84], %broadcast_in_dim3A_1 {strides = array<i32>} : memref<128x128xf32, #tpu.memory_space<vmem>>, vector<16xf32>,
      %swap3A_86 = arith.index_cast %scan3A_69 : i32 to index
      %swap3A_87 = arith.constant 80 : index
      %swap3A_88 = tpu.vector_load %arg13[%swap3A_86, %swap3A_87] {strides = array<i32>} : memref<128x128xf32, #tpu.memory_space<vmem>>, vector<16xf32>,
      tpu.vector_store %arg13[%swap3A_86, %swap3A_87], %broadcast_in_dim3A_1 {strides = array<i32>} : memref<128x128xf32, #tpu.memory_space<vmem>>, vector<16xf32>,
      %swap3A_89 = arith.index_cast %scan3A_69 : i32 to index
      %swap3A_90 = arith.constant 96 : index
      %swap3A_91 = tpu.vector_load %arg13[%swap3A_89, %swap3A_90] {strides = array<i32>} : memref<128x128xf32, #tpu.memory_space<vmem>>, vector<16xf32>,
      tpu.vector_store %arg13[%swap3A_89, %swap3A_90], %broadcast_in_dim3A_1 {strides = array<i32>} : memref<128x128xf32, #tpu.memory_space<vmem>>, vector<16xf32>,
      %swap3A_92 = arith.index_cast %scan3A_69 : i32 to index
      %swap3A_93 = arith.constant 112 : index
      %swap3A_94 = tpu.vector_load %arg13[%swap3A_92, %swap3A_93] {strides = array<i32>} : memref<128x128xf32, #tpu.memory_space<vmem>>, vector<16xf32>,
      tpu.vector_store %arg13[%swap3A_92, %swap3A_93], %broadcast_in_dim3A_1 {strides = array<i32>} : memref<128x128xf32, #tpu.memory_space<vmem>>, vector<16xf32>,
      %scan3A_95 = arith.constant 0 : i32
      scf.yield %scan3A_95 : i32
    }
    %scan3A_9 = arith.constant 128 : i32
    %scan3A_10 = arith.constant 0 : i32
    %scan3A_11 = arith.constant 0 : i32
    %scan3A_12 = arith.constant 64 : i32
    %scan3A_13 = arith.addi %scan3A_11, %scan3A_12 : i32
    %scan3A_14 = arith.constant 1 : i32
    %scan3A_15 = scf.for %scan3A_69 = %scan3A_11 to %scan3A_13 step %scan3A_14 iter_args(%scan3A_70 = %scan3A_10) -> (i32)  : i32 {
      %swap3A_71 = arith.index_cast %scan3A_69 : i32 to index
      %swap3A_72 = arith.constant 0 : index
      %swap3A_73 = tpu.vector_load %arg12[%swap3A_71, %swap3A_72] {strides = array<i32>} : memref<64x128xf32, #tpu.memory_space<vmem>>, vector<16xf32>,
      tpu.vector_store %arg12[%swap3A_71, %swap3A_72], %broadcast_in_dim3A_1 {strides = array<i32>} : memref<64x128xf32, #tpu.memory_space<vmem>>, vector<16xf32>,
      %swap3A_74 = arith.index_cast %scan3A_69 : i32 to index
      %swap3A_75 = arith.constant 16 : index
      %swap3A_76 = tpu.vector_load %arg12[%swap3A_74, %swap3A_75] {strides = array<i32>} : memref<64x128xf32, #tpu.memory_space<vmem>>, vector<16xf32>,
      tpu.vector_store %arg12[%swap3A_74, %swap3A_75], %broadcast_in_dim3A_1 {strides = array<i32>} : memref<64x128xf32, #tpu.memory_space<vmem>>, vector<16xf32>,
      %swap3A_77 = arith.index_cast %scan3A_69 : i32 to index
      %swap3A_78 = arith.constant 32 : index
      %swap3A_79 = tpu.vector_load %arg12[%swap3A_77, %swap3A_78] {strides = array<i32>} : memref<64x128xf32, #tpu.memory_space<vmem>>, vector<16xf32>,
      tpu.vector_store %arg12[%swap3A_77, %swap3A_78], %broadcast_in_dim3A_1 {strides = array<i32>} : memref<64x128xf32, #tpu.memory_space<vmem>>, vector<16xf32>,
      %swap3A_80 = arith.index_cast %scan3A_69 : i32 to index
      %swap3A_81 = arith.constant 48 : index
      %swap3A_82 = tpu.vector_load %arg12[%swap3A_80, %swap3A_81] {strides = array<i32>} : memref<64x128xf32, #tpu.memory_space<vmem>>, vector<16xf32>,
      tpu.vector_store %arg12[%swap3A_80, %swap3A_81], %broadcast_in_dim3A_1 {strides = array<i32>} : memref<64x128xf32, #tpu.memory_space<vmem>>, vector<16xf32>,
      %swap3A_83 = arith.index_cast %scan3A_69 : i32 to index
      %swap3A_84 = arith.constant 64 : index
      %swap3A_85 = tpu.vector_load %arg12[%swap3A_83, %swap3A_84] {strides = array<i32>} : memref<64x128xf32, #tpu.memory_space<vmem>>, vector<16xf32>,
      tpu.vector_store %arg12[%swap3A_83, %swap3A_84], %broadcast_in_dim3A_1 {strides = array<i32>} : memref<64x128xf32, #tpu.memory_space<vmem>>, vector<16xf32>,
      %swap3A_86 = arith.index_cast %scan3A_69 : i32 to index
      %swap3A_87 = arith.constant 80 : index
      %swap3A_88 = tpu.vector_load %arg12[%swap3A_86, %swap3A_87] {strides = array<i32>} : memref<64x128xf32, #tpu.memory_space<vmem>>, vector<16xf32>,
      tpu.vector_store %arg12[%swap3A_86, %swap3A_87], %broadcast_in_dim3A_1 {strides = array<i32>} : memref<64x128xf32, #tpu.memory_space<vmem>>, vector<16xf32>,
      %swap3A_89 = arith.index_cast %scan3A_69 : i32 to index
      %swap3A_90 = arith.constant 96 : index
      %swap3A_91 = tpu.vector_load %arg12[%swap3A_89, %swap3A_90] {strides = array<i32>} : memref<64x128xf32, #tpu.memory_space<vmem>>, vector<16xf32>,
      tpu.vector_store %arg12[%swap3A_89, %swap3A_90], %broadcast_in_dim3A_1 {strides = array<i32>} : memref<64x128xf32, #tpu.memory_space<vmem>>, vector<16xf32>,
      %swap3A_92 = arith.index_cast %scan3A_69 : i32 to index
      %swap3A_93 = arith.constant 112 : index
      %swap3A_94 = tpu.vector_load %arg12[%swap3A_92, %swap3A_93] {strides = array<i32>} : memref<64x128xf32, #tpu.memory_space<vmem>>, vector<16xf32>,
      tpu.vector_store %arg12[%swap3A_92, %swap3A_93], %broadcast_in_dim3A_1 {strides = array<i32>} : memref<64x128xf32, #tpu.memory_space<vmem>>, vector<16xf32>,
      %scan3A_95 = arith.constant 0 : i32
      scf.yield %scan3A_95 : i32
    }
    %scan3A_16 = arith.constant 64 : i32
    %scan3A_17 = arith.constant 0 : i32
    %scan3A_18 = arith.constant 0 : i32
    %scan3A_19 = arith.constant 4 : i32
    %scan3A_20 = arith.addi %scan3A_18, %scan3A_19 : i32
    %scan3A_21 = arith.constant 1 : i32
    %scan3A_22 = scf.for %scan3A_69 = %scan3A_18 to %scan3A_20 step %scan3A_21 iter_args(%scan3A_70 = %scan3A_17) -> (i32)  : i32 {
      %mul3A_71 = arith.constant 512 : i32
      %mul3A_72 = arith.muli %arg1, %mul3A_71 : i32
      %mul3A_73 = arith.constant 128 : i32
      %mul3A_74 = arith.muli %scan3A_69, %mul3A_73 : i32
      %add3A_75 = arith.addi %mul3A_72, %mul3A_74 : i32
      "tpu.region"() ({
        %run_scoped3A = tpu.sem_alloc : memref<!tpu.dma_semaphore, #tpu.memory_space<semaphore_mem>>
        %dma_start3A_77 = arith.constant 0 : i32
        %dma_start3A_78 = tpu.memref_slice %arg17[%add3A_75, %dma_start3A_77] : memref<8192x128xf32, #tpu.memory_space<vmem_shared>> -> memref<128x128xf32, #tpu.memory_space<vmem_shared>>
        %dma_start3A_79 = arith.constant 0 : i32
        %dma_start3A_80 = tpu.memref_slice %arg17[%add3A_75, %dma_start3A_79] : memref<8192x128xf32, #tpu.memory_space<vmem_shared>> -> memref<128x128xf32, #tpu.memory_space<vmem_shared>>
        tpu.enqueue_dma source(%arg13 : memref<128x128xf32, #tpu.memory_space<vmem>>) target(%dma_start3A_80 : memref<128x128xf32, #tpu.memory_space<vmem_shared>>) target_semaphore(%run_scoped3A : memref<!tpu.dma_semaphore, #tpu.memory_space<semaphore_mem>>)
        %dma_wait3A = arith.constant 0 : i32
        %dma_wait3A_81 = tpu.memref_slice %arg17[%add3A_75, %dma_wait3A] : memref<8192x128xf32, #tpu.memory_space<vmem_shared>> -> memref<128x128xf32, #tpu.memory_space<vmem_shared>>
        %dma_wait3A_82 = arith.constant 0 : i32
        %dma_wait3A_83 = tpu.memref_slice %arg17[%add3A_75, %dma_wait3A_82] : memref<8192x128xf32, #tpu.memory_space<vmem_shared>> -> memref<128x128xf32, #tpu.memory_space<vmem_shared>>
        tpu.wait_dma2 semaphore(%run_scoped3A : memref<!tpu.dma_semaphore, #tpu.memory_space<semaphore_mem>>) src(%arg13 : memref<128x128xf32, #tpu.memory_space<vmem>>) dst(%dma_wait3A_83 : memref<128x128xf32, #tpu.memory_space<vmem_shared>>)
        tpu.yield
      }) : () -> ()
      %scan3A_76 = arith.constant 0 : i32
      scf.yield %scan3A_76 : i32
    }
    %scan3A_23 = arith.constant 4 : i32
    %eq3A = arith.constant 0 : i32
    %eq3A_24 = arith.cmpi eq, %arg1, %eq3A : i32
    %convert_element_type3A = arith.extui %eq3A_24 : i1 to i32
    %cond3A = arith.constant 0 : i32
    %cond3A_25 = arith.cmpi ne, %convert_element_type3A, %cond3A : i32
    scf.if %cond3A_25 {
      "tpu.region"() ({
        %run_scoped3A = tpu.sem_alloc : memref<!tpu.dma_semaphore, #tpu.memory_space<semaphore_mem>>
        tpu.enqueue_dma source(%arg12 : memref<64x128xf32, #tpu.memory_space<vmem>>) target(%arg18 : memref<64x128xf32, #tpu.memory_space<vmem_shared>>) target_semaphore(%run_scoped3A : memref<!tpu.dma_semaphore, #tpu.memory_space<semaphore_mem>>)
        tpu.wait_dma2 semaphore(%run_scoped3A : memref<!tpu.dma_semaphore, #tpu.memory_space<semaphore_mem>>) src(%arg12 : memref<64x128xf32, #tpu.memory_space<vmem>>) dst(%arg18 : memref<64x128xf32, #tpu.memory_space<vmem_shared>>)
        tpu.yield
      }) : () -> ()
    } else {
    }
    %barrier3A = arith.constant 0 : index
    tpu.barrier barrier_id(%barrier3A)
    %add3A_26 = arith.constant 0 : i32
    %add3A_27 = vector.broadcast %add3A_26 : i32 to vector<16xi32>
    %add3A_28 = arith.addi %iota3A, %add3A_27 : vector<16xi32>
    %swap3A = arith.constant 0 : index
    %swap3A_29 = tpu.vector_load %arg15[%swap3A] {strides = array<i32>} : memref<64xi32, #tpu.memory_space<vmem>>, vector<16xi32>,
    tpu.vector_store %arg15[%swap3A], %add3A_28 {strides = array<i32>} : memref<64xi32, #tpu.memory_space<vmem>>, vector<16xi32>,
    %add3A_30 = arith.constant 16 : i32
    %add3A_31 = vector.broadcast %add3A_30 : i32 to vector<16xi32>
    %add3A_32 = arith.addi %iota3A, %add3A_31 : vector<16xi32>
    %swap3A_33 = arith.constant 16 : index
    %swap3A_34 = tpu.vector_load %arg15[%swap3A_33] {strides = array<i32>} : memref<64xi32, #tpu.memory_space<vmem>>, vector<16xi32>,
    tpu.vector_store %arg15[%swap3A_33], %add3A_32 {strides = array<i32>} : memref<64xi32, #tpu.memory_space<vmem>>, vector<16xi32>,
    %add3A_35 = arith.constant 32 : i32
    %add3A_36 = vector.broadcast %add3A_35 : i32 to vector<16xi32>
    %add3A_37 = arith.addi %iota3A, %add3A_36 : vector<16xi32>
    %swap3A_38 = arith.constant 32 : index
    %swap3A_39 = tpu.vector_load %arg15[%swap3A_38] {strides = array<i32>} : memref<64xi32, #tpu.memory_space<vmem>>, vector<16xi32>,
    tpu.vector_store %arg15[%swap3A_38], %add3A_37 {strides = array<i32>} : memref<64xi32, #tpu.memory_space<vmem>>, vector<16xi32>,
    %add3A_40 = arith.constant 48 : i32
    %add3A_41 = vector.broadcast %add3A_40 : i32 to vector<16xi32>
    %add3A_42 = arith.addi %iota3A, %add3A_41 : vector<16xi32>
    %swap3A_43 = arith.constant 48 : index
    %swap3A_44 = tpu.vector_load %arg15[%swap3A_43] {strides = array<i32>} : memref<64xi32, #tpu.memory_space<vmem>>, vector<16xi32>,
    tpu.vector_store %arg15[%swap3A_43], %add3A_42 {strides = array<i32>} : memref<64xi32, #tpu.memory_space<vmem>>, vector<16xi32>,
    %mul3A_45 = arith.constant 4096 : i32
    %mul3A_46 = arith.muli %add3A, %mul3A_45 : i32
    "tpu.region"() ({
      %run_scoped3A = tpu.sem_alloc : memref<!tpu.dma_semaphore, #tpu.memory_space<semaphore_mem>>
      %dma_start3A_69 = tpu.memref_slice %arg3[%mul3A_46] : memref<131072xi32, #tpu.memory_space<hbm>> -> memref<128xi32, #tpu.memory_space<hbm>>
      %dma_start3A_70 = tpu.memref_slice %arg3[%mul3A_46] : memref<131072xi32, #tpu.memory_space<hbm>> -> memref<128xi32, #tpu.memory_space<hbm>>
      tpu.enqueue_dma source(%dma_start3A_70 : memref<128xi32, #tpu.memory_space<hbm>>) target(%arg8 : memref<128xi32, #tpu.memory_space<vmem>>) target_semaphore(%run_scoped3A : memref<!tpu.dma_semaphore, #tpu.memory_space<semaphore_mem>>)
      %dma_wait3A = tpu.memref_slice %arg3[%mul3A_46] : memref<131072xi32, #tpu.memory_space<hbm>> -> memref<128xi32, #tpu.memory_space<hbm>>
      %dma_wait3A_71 = tpu.memref_slice %arg3[%mul3A_46] : memref<131072xi32, #tpu.memory_space<hbm>> -> memref<128xi32, #tpu.memory_space<hbm>>
      tpu.wait_dma2 semaphore(%run_scoped3A : memref<!tpu.dma_semaphore, #tpu.memory_space<semaphore_mem>>) src(%dma_wait3A_71 : memref<128xi32, #tpu.memory_space<hbm>>) dst(%arg8 : memref<128xi32, #tpu.memory_space<vmem>>)
      tpu.yield
    }) : () -> ()
    "tpu.region"() ({
      %run_scoped3A = tpu.sem_alloc : memref<!tpu.dma_semaphore, #tpu.memory_space<semaphore_mem>>
      %dma_start3A_69 = tpu.memref_slice %arg4[%mul3A_46] : memref<131072xi32, #tpu.memory_space<hbm>> -> memref<128xi32, #tpu.memory_space<hbm>>
      %dma_start3A_70 = tpu.memref_slice %arg4[%mul3A_46] : memref<131072xi32, #tpu.memory_space<hbm>> -> memref<128xi32, #tpu.memory_space<hbm>>
      tpu.enqueue_dma source(%dma_start3A_70 : memref<128xi32, #tpu.memory_space<hbm>>) target(%arg9 : memref<128xi32, #tpu.memory_space<vmem>>) target_semaphore(%run_scoped3A : memref<!tpu.dma_semaphore, #tpu.memory_space<semaphore_mem>>)
      %dma_wait3A = tpu.memref_slice %arg4[%mul3A_46] : memref<131072xi32, #tpu.memory_space<hbm>> -> memref<128xi32, #tpu.memory_space<hbm>>
      %dma_wait3A_71 = tpu.memref_slice %arg4[%mul3A_46] : memref<131072xi32, #tpu.memory_space<hbm>> -> memref<128xi32, #tpu.memory_space<hbm>>
      tpu.wait_dma2 semaphore(%run_scoped3A : memref<!tpu.dma_semaphore, #tpu.memory_space<semaphore_mem>>) src(%dma_wait3A_71 : memref<128xi32, #tpu.memory_space<hbm>>) dst(%arg9 : memref<128xi32, #tpu.memory_space<vmem>>)
      tpu.yield
    }) : () -> ()
    %dma_start3A = arith.constant 0 : i32
    %dma_start3A_47 = arith.constant 0 : i32
    %dma_start3A_48 = tpu.memref_slice %arg2[%dma_start3A, %dma_start3A_47] : memref<8192x128xf32, #tpu.memory_space<hbm>> -> memref<8192x128xf32, #tpu.memory_space<hbm>>
    tpu.enqueue_indirect_dma source(%dma_start3A_48 : memref<8192x128xf32, #tpu.memory_space<hbm>>) target(%arg7 : memref<128x128xf32, #tpu.memory_space<vmem>>) offsets(%arg8 : memref<128xi32, #tpu.memory_space<vmem>>) semaphore(%arg16 : memref<!tpu.dma_semaphore, #tpu.memory_space<semaphore_mem>>)
    %scan3A_49 = arith.constant 0 : i32
    %scan3A_50 = arith.constant 0 : i32
    %scan3A_51 = arith.constant 16 : i32
    %scan3A_52 = arith.addi %scan3A_50, %scan3A_51 : i32
    %scan3A_53 = arith.constant 1 : i32
    %scan3A_54 = scf.for %scan3A_69 = %scan3A_50 to %scan3A_52 step %scan3A_53 iter_args(%scan3A_70 = %scan3A_49) -> (i32)  : i32 {
      %mul3A_71 = arith.constant 2 : i32
      %mul3A_72 = arith.muli %mul3A_71, %scan3A_69 : i32
      %add3A_73 = arith.constant 1 : i32
      %add3A_74 = arith.addi %mul3A_72, %add3A_73 : i32
      %mul3A_75 = arith.constant 128 : i32
      %mul3A_76 = arith.muli %add3A_74, %mul3A_75 : i32
      %add3A_77 = arith.addi %mul3A_46, %mul3A_76 : i32
      "tpu.region"() ({
        %run_scoped3A = tpu.sem_alloc : memref<!tpu.dma_semaphore, #tpu.memory_space<semaphore_mem>>
        %dma_start3A_221 = tpu.memref_slice %arg3[%add3A_77] : memref<131072xi32, #tpu.memory_space<hbm>> -> memref<128xi32, #tpu.memory_space<hbm>>
        %dma_start3A_222 = tpu.memref_slice %arg3[%add3A_77] : memref<131072xi32, #tpu.memory_space<hbm>> -> memref<128xi32, #tpu.memory_space<hbm>>
        tpu.enqueue_dma source(%dma_start3A_222 : memref<128xi32, #tpu.memory_space<hbm>>) target(%arg10 : memref<128xi32, #tpu.memory_space<vmem>>) target_semaphore(%run_scoped3A : memref<!tpu.dma_semaphore, #tpu.memory_space<semaphore_mem>>)
        %dma_wait3A_223 = tpu.memref_slice %arg3[%add3A_77] : memref<131072xi32, #tpu.memory_space<hbm>> -> memref<128xi32, #tpu.memory_space<hbm>>
        %dma_wait3A_224 = tpu.memref_slice %arg3[%add3A_77] : memref<131072xi32, #tpu.memory_space<hbm>> -> memref<128xi32, #tpu.memory_space<hbm>>
        tpu.wait_dma2 semaphore(%run_scoped3A : memref<!tpu.dma_semaphore, #tpu.memory_space<semaphore_mem>>) src(%dma_wait3A_224 : memref<128xi32, #tpu.memory_space<hbm>>) dst(%arg10 : memref<128xi32, #tpu.memory_space<vmem>>)
        tpu.yield
      }) : () -> ()
      "tpu.region"() ({
        %run_scoped3A = tpu.sem_alloc : memref<!tpu.dma_semaphore, #tpu.memory_space<semaphore_mem>>
        %dma_start3A_221 = tpu.memref_slice %arg4[%add3A_77] : memref<131072xi32, #tpu.memory_space<hbm>> -> memref<128xi32, #tpu.memory_space<hbm>>
        %dma_start3A_222 = tpu.memref_slice %arg4[%add3A_77] : memref<131072xi32, #tpu.memory_space<hbm>> -> memref<128xi32, #tpu.memory_space<hbm>>
        tpu.enqueue_dma source(%dma_start3A_222 : memref<128xi32, #tpu.memory_space<hbm>>) target(%arg11 : memref<128xi32, #tpu.memory_space<vmem>>) target_semaphore(%run_scoped3A : memref<!tpu.dma_semaphore, #tpu.memory_space<semaphore_mem>>)
        %dma_wait3A_223 = tpu.memref_slice %arg4[%add3A_77] : memref<131072xi32, #tpu.memory_space<hbm>> -> memref<128xi32, #tpu.memory_space<hbm>>
        %dma_wait3A_224 = tpu.memref_slice %arg4[%add3A_77] : memref<131072xi32, #tpu.memory_space<hbm>> -> memref<128xi32, #tpu.memory_space<hbm>>
        tpu.wait_dma2 semaphore(%run_scoped3A : memref<!tpu.dma_semaphore, #tpu.memory_space<semaphore_mem>>) src(%dma_wait3A_224 : memref<128xi32, #tpu.memory_space<hbm>>) dst(%arg11 : memref<128xi32, #tpu.memory_space<vmem>>)
        tpu.yield
      }) : () -> ()
      %dma_wait3A = arith.constant 0 : i32
      %dma_wait3A_78 = arith.constant 0 : i32
      %dma_wait3A_79 = tpu.memref_slice %arg2[%dma_wait3A, %dma_wait3A_78] : memref<8192x128xf32, #tpu.memory_space<hbm>> -> memref<8192x128xf32, #tpu.memory_space<hbm>>
      tpu.wait_indirect_dma semaphore(%arg16 : memref<!tpu.dma_semaphore, #tpu.memory_space<semaphore_mem>>) src(%dma_wait3A_79 : memref<8192x128xf32, #tpu.memory_space<hbm>>) dst(%arg7 : memref<128x128xf32, #tpu.memory_space<vmem>>)
      %dma_start3A_80 = arith.constant 0 : i32
      %dma_start3A_81 = arith.constant 0 : i32
      %dma_start3A_82 = tpu.memref_slice %arg2[%dma_start3A_80, %dma_start3A_81] : memref<8192x128xf32, #tpu.memory_space<hbm>> -> memref<8192x128xf32, #tpu.memory_space<hbm>>
      tpu.enqueue_indirect_dma source(%dma_start3A_82 : memref<8192x128xf32, #tpu.memory_space<hbm>>) target(%arg13 : memref<128x128xf32, #tpu.memory_space<vmem>>) offsets(%arg10 : memref<128xi32, #tpu.memory_space<vmem>>) semaphore(%arg16 : memref<!tpu.dma_semaphore, #tpu.memory_space<semaphore_mem>>)
      "tpu.region"() ({
        %run_scoped3A = tpu.sem_alloc : memref<!tpu.dma_semaphore, #tpu.memory_space<semaphore_mem>>
        %dma_start3A_221 = arith.constant 0 : i32
        %dma_start3A_222 = arith.constant 0 : i32
        %dma_start3A_223 = tpu.memref_slice %arg17[%dma_start3A_221, %dma_start3A_222] : memref<8192x128xf32, #tpu.memory_space<vmem_shared>> -> memref<8192x128xf32, #tpu.memory_space<vmem_shared>>
        tpu.enqueue_indirect_dma source(%arg7 : memref<128x128xf32, #tpu.memory_space<vmem>>) target(%dma_start3A_223 : memref<8192x128xf32, #tpu.memory_space<vmem_shared>>) offsets(%arg9 : memref<128xi32, #tpu.memory_space<vmem>>) semaphore(%run_scoped3A : memref<!tpu.dma_semaphore, #tpu.memory_space<semaphore_mem>>) {add = true}
        %dma_wait3A_224 = arith.constant 0 : i32
        %dma_wait3A_225 = arith.constant 0 : i32
        %dma_wait3A_226 = tpu.memref_slice %arg17[%dma_wait3A_224, %dma_wait3A_225] : memref<8192x128xf32, #tpu.memory_space<vmem_shared>> -> memref<8192x128xf32, #tpu.memory_space<vmem_shared>>
        tpu.wait_indirect_dma semaphore(%run_scoped3A : memref<!tpu.dma_semaphore, #tpu.memory_space<semaphore_mem>>) src(%arg7 : memref<128x128xf32, #tpu.memory_space<vmem>>) dst(%dma_wait3A_226 : memref<8192x128xf32, #tpu.memory_space<vmem_shared>>)
        tpu.yield
      }) : () -> ()
      %get3A = arith.constant 0 : index
      %get3A_83 = tpu.vector_load %arg9[%get3A] {strides = array<i32>} : memref<128xi32, #tpu.memory_space<vmem>>, vector<16xi32>,
      %shift_right_arithmetic3A = arith.constant 7 : i32
      %shift_right_arithmetic3A_84 = vector.broadcast %shift_right_arithmetic3A : i32 to vector<16xi32>
      %shift_right_arithmetic3A_85 = arith.shrsi %get3A_83, %shift_right_arithmetic3A_84 : vector<16xi32>
      %and3A = arith.constant 127 : i32
      %and3A_86 = vector.broadcast %and3A : i32 to vector<16xi32>
      %and3A_87 = arith.andi %get3A_83, %and3A_86 : vector<16xi32>
      tpu.vector_store_idx %arg12[%shift_right_arithmetic3A_85, %and3A_87], %broadcast_in_dim3A_3 {add = true} : memref<64x128xf32, #tpu.memory_space<vmem>>[vector<16xi32>, vector<16xi32>], vector<16xf32>,
      %get3A_88 = arith.constant 16 : index
      %get3A_89 = tpu.vector_load %arg9[%get3A_88] {strides = array<i32>} : memref<128xi32, #tpu.memory_space<vmem>>, vector<16xi32>,
      %shift_right_arithmetic3A_90 = arith.constant 7 : i32
      %shift_right_arithmetic3A_91 = vector.broadcast %shift_right_arithmetic3A_90 : i32 to vector<16xi32>
      %shift_right_arithmetic3A_92 = arith.shrsi %get3A_89, %shift_right_arithmetic3A_91 : vector<16xi32>
      %and3A_93 = arith.constant 127 : i32
      %and3A_94 = vector.broadcast %and3A_93 : i32 to vector<16xi32>
      %and3A_95 = arith.andi %get3A_89, %and3A_94 : vector<16xi32>
      tpu.vector_store_idx %arg12[%shift_right_arithmetic3A_92, %and3A_95], %broadcast_in_dim3A_3 {add = true} : memref<64x128xf32, #tpu.memory_space<vmem>>[vector<16xi32>, vector<16xi32>], vector<16xf32>,
      %get3A_96 = arith.constant 32 : index
      %get3A_97 = tpu.vector_load %arg9[%get3A_96] {strides = array<i32>} : memref<128xi32, #tpu.memory_space<vmem>>, vector<16xi32>,
      %shift_right_arithmetic3A_98 = arith.constant 7 : i32
      %shift_right_arithmetic3A_99 = vector.broadcast %shift_right_arithmetic3A_98 : i32 to vector<16xi32>
      %shift_right_arithmetic3A_100 = arith.shrsi %get3A_97, %shift_right_arithmetic3A_99 : vector<16xi32>
      %and3A_101 = arith.constant 127 : i32
      %and3A_102 = vector.broadcast %and3A_101 : i32 to vector<16xi32>
      %and3A_103 = arith.andi %get3A_97, %and3A_102 : vector<16xi32>
      tpu.vector_store_idx %arg12[%shift_right_arithmetic3A_100, %and3A_103], %broadcast_in_dim3A_3 {add = true} : memref<64x128xf32, #tpu.memory_space<vmem>>[vector<16xi32>, vector<16xi32>], vector<16xf32>,
      %get3A_104 = arith.constant 48 : index
      %get3A_105 = tpu.vector_load %arg9[%get3A_104] {strides = array<i32>} : memref<128xi32, #tpu.memory_space<vmem>>, vector<16xi32>,
      %shift_right_arithmetic3A_106 = arith.constant 7 : i32
      %shift_right_arithmetic3A_107 = vector.broadcast %shift_right_arithmetic3A_106 : i32 to vector<16xi32>
      %shift_right_arithmetic3A_108 = arith.shrsi %get3A_105, %shift_right_arithmetic3A_107 : vector<16xi32>
      %and3A_109 = arith.constant 127 : i32
      %and3A_110 = vector.broadcast %and3A_109 : i32 to vector<16xi32>
      %and3A_111 = arith.andi %get3A_105, %and3A_110 : vector<16xi32>
      tpu.vector_store_idx %arg12[%shift_right_arithmetic3A_108, %and3A_111], %broadcast_in_dim3A_3 {add = true} : memref<64x128xf32, #tpu.memory_space<vmem>>[vector<16xi32>, vector<16xi32>], vector<16xf32>,
      %get3A_112 = arith.constant 64 : index
      %get3A_113 = tpu.vector_load %arg9[%get3A_112] {strides = array<i32>} : memref<128xi32, #tpu.memory_space<vmem>>, vector<16xi32>,
      %shift_right_arithmetic3A_114 = arith.constant 7 : i32
      %shift_right_arithmetic3A_115 = vector.broadcast %shift_right_arithmetic3A_114 : i32 to vector<16xi32>
      %shift_right_arithmetic3A_116 = arith.shrsi %get3A_113, %shift_right_arithmetic3A_115 : vector<16xi32>
      %and3A_117 = arith.constant 127 : i32
      %and3A_118 = vector.broadcast %and3A_117 : i32 to vector<16xi32>
      %and3A_119 = arith.andi %get3A_113, %and3A_118 : vector<16xi32>
      tpu.vector_store_idx %arg12[%shift_right_arithmetic3A_116, %and3A_119], %broadcast_in_dim3A_3 {add = true} : memref<64x128xf32, #tpu.memory_space<vmem>>[vector<16xi32>, vector<16xi32>], vector<16xf32>,
      %get3A_120 = arith.constant 80 : index
      %get3A_121 = tpu.vector_load %arg9[%get3A_120] {strides = array<i32>} : memref<128xi32, #tpu.memory_space<vmem>>, vector<16xi32>,
      %shift_right_arithmetic3A_122 = arith.constant 7 : i32
      %shift_right_arithmetic3A_123 = vector.broadcast %shift_right_arithmetic3A_122 : i32 to vector<16xi32>
      %shift_right_arithmetic3A_124 = arith.shrsi %get3A_121, %shift_right_arithmetic3A_123 : vector<16xi32>
      %and3A_125 = arith.constant 127 : i32
      %and3A_126 = vector.broadcast %and3A_125 : i32 to vector<16xi32>
      %and3A_127 = arith.andi %get3A_121, %and3A_126 : vector<16xi32>
      tpu.vector_store_idx %arg12[%shift_right_arithmetic3A_124, %and3A_127], %broadcast_in_dim3A_3 {add = true} : memref<64x128xf32, #tpu.memory_space<vmem>>[vector<16xi32>, vector<16xi32>], vector<16xf32>,
      %get3A_128 = arith.constant 96 : index
      %get3A_129 = tpu.vector_load %arg9[%get3A_128] {strides = array<i32>} : memref<128xi32, #tpu.memory_space<vmem>>, vector<16xi32>,
      %shift_right_arithmetic3A_130 = arith.constant 7 : i32
      %shift_right_arithmetic3A_131 = vector.broadcast %shift_right_arithmetic3A_130 : i32 to vector<16xi32>
      %shift_right_arithmetic3A_132 = arith.shrsi %get3A_129, %shift_right_arithmetic3A_131 : vector<16xi32>
      %and3A_133 = arith.constant 127 : i32
      %and3A_134 = vector.broadcast %and3A_133 : i32 to vector<16xi32>
      %and3A_135 = arith.andi %get3A_129, %and3A_134 : vector<16xi32>
      tpu.vector_store_idx %arg12[%shift_right_arithmetic3A_132, %and3A_135], %broadcast_in_dim3A_3 {add = true} : memref<64x128xf32, #tpu.memory_space<vmem>>[vector<16xi32>, vector<16xi32>], vector<16xf32>,
      %get3A_136 = arith.constant 112 : index
      %get3A_137 = tpu.vector_load %arg9[%get3A_136] {strides = array<i32>} : memref<128xi32, #tpu.memory_space<vmem>>, vector<16xi32>,
      %shift_right_arithmetic3A_138 = arith.constant 7 : i32
      %shift_right_arithmetic3A_139 = vector.broadcast %shift_right_arithmetic3A_138 : i32 to vector<16xi32>
      %shift_right_arithmetic3A_140 = arith.shrsi %get3A_137, %shift_right_arithmetic3A_139 : vector<16xi32>
      %and3A_141 = arith.constant 127 : i32
      %and3A_142 = vector.broadcast %and3A_141 : i32 to vector<16xi32>
      %and3A_143 = arith.andi %get3A_137, %and3A_142 : vector<16xi32>
      tpu.vector_store_idx %arg12[%shift_right_arithmetic3A_140, %and3A_143], %broadcast_in_dim3A_3 {add = true} : memref<64x128xf32, #tpu.memory_space<vmem>>[vector<16xi32>, vector<16xi32>], vector<16xf32>,
      %lt3A = arith.constant 15 : i32
      %lt3A_144 = arith.cmpi slt, %scan3A_69, %lt3A : i32
      %convert_element_type3A_145 = arith.extui %lt3A_144 : i1 to i32
      %cond3A_146 = arith.constant 0 : i32
      %cond3A_147 = arith.cmpi ne, %convert_element_type3A_145, %cond3A_146 : i32
      scf.if %cond3A_147 {
        %mul3A_221 = arith.constant 2 : i32
        %mul3A_222 = arith.muli %mul3A_221, %scan3A_69 : i32
        %add3A_223 = arith.constant 2 : i32
        %add3A_224 = arith.addi %mul3A_222, %add3A_223 : i32
        %mul3A_225 = arith.constant 128 : i32
        %mul3A_226 = arith.muli %add3A_224, %mul3A_225 : i32
        %add3A_227 = arith.addi %mul3A_46, %mul3A_226 : i32
        "tpu.region"() ({
          %run_scoped3A = tpu.sem_alloc : memref<!tpu.dma_semaphore, #tpu.memory_space<semaphore_mem>>
          %dma_start3A_228 = tpu.memref_slice %arg3[%add3A_227] : memref<131072xi32, #tpu.memory_space<hbm>> -> memref<128xi32, #tpu.memory_space<hbm>>
          %dma_start3A_229 = tpu.memref_slice %arg3[%add3A_227] : memref<131072xi32, #tpu.memory_space<hbm>> -> memref<128xi32, #tpu.memory_space<hbm>>
          tpu.enqueue_dma source(%dma_start3A_229 : memref<128xi32, #tpu.memory_space<hbm>>) target(%arg8 : memref<128xi32, #tpu.memory_space<vmem>>) target_semaphore(%run_scoped3A : memref<!tpu.dma_semaphore, #tpu.memory_space<semaphore_mem>>)
          %dma_wait3A_230 = tpu.memref_slice %arg3[%add3A_227] : memref<131072xi32, #tpu.memory_space<hbm>> -> memref<128xi32, #tpu.memory_space<hbm>>
          %dma_wait3A_231 = tpu.memref_slice %arg3[%add3A_227] : memref<131072xi32, #tpu.memory_space<hbm>> -> memref<128xi32, #tpu.memory_space<hbm>>
          tpu.wait_dma2 semaphore(%run_scoped3A : memref<!tpu.dma_semaphore, #tpu.memory_space<semaphore_mem>>) src(%dma_wait3A_231 : memref<128xi32, #tpu.memory_space<hbm>>) dst(%arg8 : memref<128xi32, #tpu.memory_space<vmem>>)
          tpu.yield
        }) : () -> ()
        "tpu.region"() ({
          %run_scoped3A = tpu.sem_alloc : memref<!tpu.dma_semaphore, #tpu.memory_space<semaphore_mem>>
          %dma_start3A_228 = tpu.memref_slice %arg4[%add3A_227] : memref<131072xi32, #tpu.memory_space<hbm>> -> memref<128xi32, #tpu.memory_space<hbm>>
          %dma_start3A_229 = tpu.memref_slice %arg4[%add3A_227] : memref<131072xi32, #tpu.memory_space<hbm>> -> memref<128xi32, #tpu.memory_space<hbm>>
          tpu.enqueue_dma source(%dma_start3A_229 : memref<128xi32, #tpu.memory_space<hbm>>) target(%arg9 : memref<128xi32, #tpu.memory_space<vmem>>) target_semaphore(%run_scoped3A : memref<!tpu.dma_semaphore, #tpu.memory_space<semaphore_mem>>)
          %dma_wait3A_230 = tpu.memref_slice %arg4[%add3A_227] : memref<131072xi32, #tpu.memory_space<hbm>> -> memref<128xi32, #tpu.memory_space<hbm>>
          %dma_wait3A_231 = tpu.memref_slice %arg4[%add3A_227] : memref<131072xi32, #tpu.memory_space<hbm>> -> memref<128xi32, #tpu.memory_space<hbm>>
          tpu.wait_dma2 semaphore(%run_scoped3A : memref<!tpu.dma_semaphore, #tpu.memory_space<semaphore_mem>>) src(%dma_wait3A_231 : memref<128xi32, #tpu.memory_space<hbm>>) dst(%arg9 : memref<128xi32, #tpu.memory_space<vmem>>)
          tpu.yield
        }) : () -> ()
      } else {
      }
      %dma_wait3A_148 = arith.constant 0 : i32
      %dma_wait3A_149 = arith.constant 0 : i32
      %dma_wait3A_150 = tpu.memref_slice %arg2[%dma_wait3A_148, %dma_wait3A_149] : memref<8192x128xf32, #tpu.memory_space<hbm>> -> memref<8192x128xf32, #tpu.memory_space<hbm>>
      tpu.wait_indirect_dma semaphore(%arg16 : memref<!tpu.dma_semaphore, #tpu.memory_space<semaphore_mem>>) src(%dma_wait3A_150 : memref<8192x128xf32, #tpu.memory_space<hbm>>) dst(%arg13 : memref<128x128xf32, #tpu.memory_space<vmem>>)
      %lt3A_151 = arith.constant 15 : i32
      %lt3A_152 = arith.cmpi slt, %scan3A_69, %lt3A_151 : i32
      %convert_element_type3A_153 = arith.extui %lt3A_152 : i1 to i32
      %cond3A_154 = arith.constant 0 : i32
      %cond3A_155 = arith.cmpi ne, %convert_element_type3A_153, %cond3A_154 : i32
      scf.if %cond3A_155 {
        %dma_start3A_221 = arith.constant 0 : i32
        %dma_start3A_222 = arith.constant 0 : i32
        %dma_start3A_223 = tpu.memref_slice %arg2[%dma_start3A_221, %dma_start3A_222] : memref<8192x128xf32, #tpu.memory_space<hbm>> -> memref<8192x128xf32, #tpu.memory_space<hbm>>
        tpu.enqueue_indirect_dma source(%dma_start3A_223 : memref<8192x128xf32, #tpu.memory_space<hbm>>) target(%arg7 : memref<128x128xf32, #tpu.memory_space<vmem>>) offsets(%arg8 : memref<128xi32, #tpu.memory_space<vmem>>) semaphore(%arg16 : memref<!tpu.dma_semaphore, #tpu.memory_space<semaphore_mem>>)
      } else {
      }
      "tpu.region"() ({
        %run_scoped3A = tpu.sem_alloc : memref<!tpu.dma_semaphore, #tpu.memory_space<semaphore_mem>>
        %dma_start3A_221 = arith.constant 0 : i32
        %dma_start3A_222 = arith.constant 0 : i32
        %dma_start3A_223 = tpu.memref_slice %arg17[%dma_start3A_221, %dma_start3A_222] : memref<8192x128xf32, #tpu.memory_space<vmem_shared>> -> memref<8192x128xf32, #tpu.memory_space<vmem_shared>>
        tpu.enqueue_indirect_dma source(%arg13 : memref<128x128xf32, #tpu.memory_space<vmem>>) target(%dma_start3A_223 : memref<8192x128xf32, #tpu.memory_space<vmem_shared>>) offsets(%arg11 : memref<128xi32, #tpu.memory_space<vmem>>) semaphore(%run_scoped3A : memref<!tpu.dma_semaphore, #tpu.memory_space<semaphore_mem>>) {add = true}
        %dma_wait3A_224 = arith.constant 0 : i32
        %dma_wait3A_225 = arith.constant 0 : i32
        %dma_wait3A_226 = tpu.memref_slice %arg17[%dma_wait3A_224, %dma_wait3A_225] : memref<8192x128xf32, #tpu.memory_space<vmem_shared>> -> memref<8192x128xf32, #tpu.memory_space<vmem_shared>>
        tpu.wait_indirect_dma semaphore(%run_scoped3A : memref<!tpu.dma_semaphore, #tpu.memory_space<semaphore_mem>>) src(%arg13 : memref<128x128xf32, #tpu.memory_space<vmem>>) dst(%dma_wait3A_226 : memref<8192x128xf32, #tpu.memory_space<vmem_shared>>)
        tpu.yield
      }) : () -> ()
      %get3A_156 = arith.constant 0 : index
      %get3A_157 = tpu.vector_load %arg11[%get3A_156] {strides = array<i32>} : memref<128xi32, #tpu.memory_space<vmem>>, vector<16xi32>,
      %shift_right_arithmetic3A_158 = arith.constant 7 : i32
      %shift_right_arithmetic3A_159 = vector.broadcast %shift_right_arithmetic3A_158 : i32 to vector<16xi32>
      %shift_right_arithmetic3A_160 = arith.shrsi %get3A_157, %shift_right_arithmetic3A_159 : vector<16xi32>
      %and3A_161 = arith.constant 127 : i32
      %and3A_162 = vector.broadcast %and3A_161 : i32 to vector<16xi32>
      %and3A_163 = arith.andi %get3A_157, %and3A_162 : vector<16xi32>
      tpu.vector_store_idx %arg12[%shift_right_arithmetic3A_160, %and3A_163], %broadcast_in_dim3A_3 {add = true} : memref<64x128xf32, #tpu.memory_space<vmem>>[vector<16xi32>, vector<16xi32>], vector<16xf32>,
      %get3A_164 = arith.constant 16 : index
      %get3A_165 = tpu.vector_load %arg11[%get3A_164] {strides = array<i32>} : memref<128xi32, #tpu.memory_space<vmem>>, vector<16xi32>,
      %shift_right_arithmetic3A_166 = arith.constant 7 : i32
      %shift_right_arithmetic3A_167 = vector.broadcast %shift_right_arithmetic3A_166 : i32 to vector<16xi32>
      %shift_right_arithmetic3A_168 = arith.shrsi %get3A_165, %shift_right_arithmetic3A_167 : vector<16xi32>
      %and3A_169 = arith.constant 127 : i32
      %and3A_170 = vector.broadcast %and3A_169 : i32 to vector<16xi32>
      %and3A_171 = arith.andi %get3A_165, %and3A_170 : vector<16xi32>
      tpu.vector_store_idx %arg12[%shift_right_arithmetic3A_168, %and3A_171], %broadcast_in_dim3A_3 {add = true} : memref<64x128xf32, #tpu.memory_space<vmem>>[vector<16xi32>, vector<16xi32>], vector<16xf32>,
      %get3A_172 = arith.constant 32 : index
      %get3A_173 = tpu.vector_load %arg11[%get3A_172] {strides = array<i32>} : memref<128xi32, #tpu.memory_space<vmem>>, vector<16xi32>,
      %shift_right_arithmetic3A_174 = arith.constant 7 : i32
      %shift_right_arithmetic3A_175 = vector.broadcast %shift_right_arithmetic3A_174 : i32 to vector<16xi32>
      %shift_right_arithmetic3A_176 = arith.shrsi %get3A_173, %shift_right_arithmetic3A_175 : vector<16xi32>
      %and3A_177 = arith.constant 127 : i32
      %and3A_178 = vector.broadcast %and3A_177 : i32 to vector<16xi32>
      %and3A_179 = arith.andi %get3A_173, %and3A_178 : vector<16xi32>
      tpu.vector_store_idx %arg12[%shift_right_arithmetic3A_176, %and3A_179], %broadcast_in_dim3A_3 {add = true} : memref<64x128xf32, #tpu.memory_space<vmem>>[vector<16xi32>, vector<16xi32>], vector<16xf32>,
      %get3A_180 = arith.constant 48 : index
      %get3A_181 = tpu.vector_load %arg11[%get3A_180] {strides = array<i32>} : memref<128xi32, #tpu.memory_space<vmem>>, vector<16xi32>,
      %shift_right_arithmetic3A_182 = arith.constant 7 : i32
      %shift_right_arithmetic3A_183 = vector.broadcast %shift_right_arithmetic3A_182 : i32 to vector<16xi32>
      %shift_right_arithmetic3A_184 = arith.shrsi %get3A_181, %shift_right_arithmetic3A_183 : vector<16xi32>
      %and3A_185 = arith.constant 127 : i32
      %and3A_186 = vector.broadcast %and3A_185 : i32 to vector<16xi32>
      %and3A_187 = arith.andi %get3A_181, %and3A_186 : vector<16xi32>
      tpu.vector_store_idx %arg12[%shift_right_arithmetic3A_184, %and3A_187], %broadcast_in_dim3A_3 {add = true} : memref<64x128xf32, #tpu.memory_space<vmem>>[vector<16xi32>, vector<16xi32>], vector<16xf32>,
      %get3A_188 = arith.constant 64 : index
      %get3A_189 = tpu.vector_load %arg11[%get3A_188] {strides = array<i32>} : memref<128xi32, #tpu.memory_space<vmem>>, vector<16xi32>,
      %shift_right_arithmetic3A_190 = arith.constant 7 : i32
      %shift_right_arithmetic3A_191 = vector.broadcast %shift_right_arithmetic3A_190 : i32 to vector<16xi32>
      %shift_right_arithmetic3A_192 = arith.shrsi %get3A_189, %shift_right_arithmetic3A_191 : vector<16xi32>
      %and3A_193 = arith.constant 127 : i32
      %and3A_194 = vector.broadcast %and3A_193 : i32 to vector<16xi32>
      %and3A_195 = arith.andi %get3A_189, %and3A_194 : vector<16xi32>
      tpu.vector_store_idx %arg12[%shift_right_arithmetic3A_192, %and3A_195], %broadcast_in_dim3A_3 {add = true} : memref<64x128xf32, #tpu.memory_space<vmem>>[vector<16xi32>, vector<16xi32>], vector<16xf32>,
      %get3A_196 = arith.constant 80 : index
      %get3A_197 = tpu.vector_load %arg11[%get3A_196] {strides = array<i32>} : memref<128xi32, #tpu.memory_space<vmem>>, vector<16xi32>,
      %shift_right_arithmetic3A_198 = arith.constant 7 : i32
      %shift_right_arithmetic3A_199 = vector.broadcast %shift_right_arithmetic3A_198 : i32 to vector<16xi32>
      %shift_right_arithmetic3A_200 = arith.shrsi %get3A_197, %shift_right_arithmetic3A_199 : vector<16xi32>
      %and3A_201 = arith.constant 127 : i32
      %and3A_202 = vector.broadcast %and3A_201 : i32 to vector<16xi32>
      %and3A_203 = arith.andi %get3A_197, %and3A_202 : vector<16xi32>
      tpu.vector_store_idx %arg12[%shift_right_arithmetic3A_200, %and3A_203], %broadcast_in_dim3A_3 {add = true} : memref<64x128xf32, #tpu.memory_space<vmem>>[vector<16xi32>, vector<16xi32>], vector<16xf32>,
      %get3A_204 = arith.constant 96 : index
      %get3A_205 = tpu.vector_load %arg11[%get3A_204] {strides = array<i32>} : memref<128xi32, #tpu.memory_space<vmem>>, vector<16xi32>,
      %shift_right_arithmetic3A_206 = arith.constant 7 : i32
      %shift_right_arithmetic3A_207 = vector.broadcast %shift_right_arithmetic3A_206 : i32 to vector<16xi32>
      %shift_right_arithmetic3A_208 = arith.shrsi %get3A_205, %shift_right_arithmetic3A_207 : vector<16xi32>
      %and3A_209 = arith.constant 127 : i32
      %and3A_210 = vector.broadcast %and3A_209 : i32 to vector<16xi32>
      %and3A_211 = arith.andi %get3A_205, %and3A_210 : vector<16xi32>
      tpu.vector_store_idx %arg12[%shift_right_arithmetic3A_208, %and3A_211], %broadcast_in_dim3A_3 {add = true} : memref<64x128xf32, #tpu.memory_space<vmem>>[vector<16xi32>, vector<16xi32>], vector<16xf32>,
      %get3A_212 = arith.constant 112 : index
      %get3A_213 = tpu.vector_load %arg11[%get3A_212] {strides = array<i32>} : memref<128xi32, #tpu.memory_space<vmem>>, vector<16xi32>,
      %shift_right_arithmetic3A_214 = arith.constant 7 : i32
      %shift_right_arithmetic3A_215 = vector.broadcast %shift_right_arithmetic3A_214 : i32 to vector<16xi32>
      %shift_right_arithmetic3A_216 = arith.shrsi %get3A_213, %shift_right_arithmetic3A_215 : vector<16xi32>
      %and3A_217 = arith.constant 127 : i32
      %and3A_218 = vector.broadcast %and3A_217 : i32 to vector<16xi32>
      %and3A_219 = arith.andi %get3A_213, %and3A_218 : vector<16xi32>
      tpu.vector_store_idx %arg12[%shift_right_arithmetic3A_216, %and3A_219], %broadcast_in_dim3A_3 {add = true} : memref<64x128xf32, #tpu.memory_space<vmem>>[vector<16xi32>, vector<16xi32>], vector<16xf32>,
      %scan3A_220 = arith.constant 0 : i32
      scf.yield %scan3A_220 : i32
    }
    %scan3A_55 = arith.constant 16 : i32
    "tpu.region"() ({
      %run_scoped3A = tpu.sem_alloc : memref<!tpu.dma_semaphore, #tpu.memory_space<semaphore_mem>>
      %dma_start3A_69 = arith.constant 0 : i32
      %dma_start3A_70 = arith.constant 0 : i32
      %dma_start3A_71 = tpu.memref_slice %arg18[%dma_start3A_69, %dma_start3A_70] : memref<64x128xf32, #tpu.memory_space<vmem_shared>> -> memref<64x128xf32, #tpu.memory_space<vmem_shared>>
      tpu.enqueue_indirect_dma source(%arg12 : memref<64x128xf32, #tpu.memory_space<vmem>>) target(%dma_start3A_71 : memref<64x128xf32, #tpu.memory_space<vmem_shared>>) offsets(%arg15 : memref<64xi32, #tpu.memory_space<vmem>>) semaphore(%run_scoped3A : memref<!tpu.dma_semaphore, #tpu.memory_space<semaphore_mem>>) {add = true}
      %dma_wait3A = arith.constant 0 : i32
      %dma_wait3A_72 = arith.constant 0 : i32
      %dma_wait3A_73 = tpu.memref_slice %arg18[%dma_wait3A, %dma_wait3A_72] : memref<64x128xf32, #tpu.memory_space<vmem_shared>> -> memref<64x128xf32, #tpu.memory_space<vmem_shared>>
      tpu.wait_indirect_dma semaphore(%run_scoped3A : memref<!tpu.dma_semaphore, #tpu.memory_space<semaphore_mem>>) src(%arg12 : memref<64x128xf32, #tpu.memory_space<vmem>>) dst(%dma_wait3A_73 : memref<64x128xf32, #tpu.memory_space<vmem_shared>>)
      tpu.yield
    }) : () -> ()
    %barrier3A_56 = arith.constant 0 : index
    tpu.barrier barrier_id(%barrier3A_56)
    %scan3A_57 = arith.constant 0 : i32
    %scan3A_58 = arith.constant 0 : i32
    %scan3A_59 = arith.constant 4 : i32
    %scan3A_60 = arith.addi %scan3A_58, %scan3A_59 : i32
    %scan3A_61 = arith.constant 1 : i32
    %scan3A_62 = scf.for %scan3A_69 = %scan3A_58 to %scan3A_60 step %scan3A_61 iter_args(%scan3A_70 = %scan3A_57) -> (i32)  : i32 {
      %mul3A_71 = arith.constant 512 : i32
      %mul3A_72 = arith.muli %arg1, %mul3A_71 : i32
      %mul3A_73 = arith.constant 128 : i32
      %mul3A_74 = arith.muli %scan3A_69, %mul3A_73 : i32
      %add3A_75 = arith.addi %mul3A_72, %mul3A_74 : i32
      "tpu.region"() ({
        %run_scoped3A = tpu.sem_alloc : memref<!tpu.dma_semaphore, #tpu.memory_space<semaphore_mem>>
        %dma_start3A_77 = arith.constant 0 : i32
        %dma_start3A_78 = tpu.memref_slice %arg17[%add3A_75, %dma_start3A_77] : memref<8192x128xf32, #tpu.memory_space<vmem_shared>> -> memref<128x128xf32, #tpu.memory_space<vmem_shared>>
        %dma_start3A_79 = arith.constant 0 : i32
        %dma_start3A_80 = tpu.memref_slice %arg17[%add3A_75, %dma_start3A_79] : memref<8192x128xf32, #tpu.memory_space<vmem_shared>> -> memref<128x128xf32, #tpu.memory_space<vmem_shared>>
        tpu.enqueue_dma source(%dma_start3A_80 : memref<128x128xf32, #tpu.memory_space<vmem_shared>>) target(%arg14 : memref<128x128xf32, #tpu.memory_space<vmem>>) target_semaphore(%run_scoped3A : memref<!tpu.dma_semaphore, #tpu.memory_space<semaphore_mem>>)
        %dma_wait3A = arith.constant 0 : i32
        %dma_wait3A_81 = tpu.memref_slice %arg17[%add3A_75, %dma_wait3A] : memref<8192x128xf32, #tpu.memory_space<vmem_shared>> -> memref<128x128xf32, #tpu.memory_space<vmem_shared>>
        %dma_wait3A_82 = arith.constant 0 : i32
        %dma_wait3A_83 = tpu.memref_slice %arg17[%add3A_75, %dma_wait3A_82] : memref<8192x128xf32, #tpu.memory_space<vmem_shared>> -> memref<128x128xf32, #tpu.memory_space<vmem_shared>>
        tpu.wait_dma2 semaphore(%run_scoped3A : memref<!tpu.dma_semaphore, #tpu.memory_space<semaphore_mem>>) src(%dma_wait3A_83 : memref<128x128xf32, #tpu.memory_space<vmem_shared>>) dst(%arg14 : memref<128x128xf32, #tpu.memory_space<vmem>>)
        tpu.yield
      }) : () -> ()
      "tpu.region"() ({
        %run_scoped3A = tpu.sem_alloc : memref<!tpu.dma_semaphore, #tpu.memory_space<semaphore_mem>>
        %dma_start3A_77 = arith.constant 0 : i32
        %dma_start3A_78 = tpu.memref_slice %arg5[%arg0, %add3A_75, %dma_start3A_77] : memref<2x8192x128xf32, #tpu.memory_space<hbm>> -> memref<1x128x128xf32, #tpu.memory_space<hbm>>
        %dma_start3A_79 = tpu.memref_squeeze %dma_start3A_78 : memref<1x128x128xf32, #tpu.memory_space<hbm>> -> memref<128x128xf32, #tpu.memory_space<hbm>>
        %dma_start3A_80 = arith.constant 0 : i32
        %dma_start3A_81 = tpu.memref_slice %arg5[%arg0, %add3A_75, %dma_start3A_80] : memref<2x8192x128xf32, #tpu.memory_space<hbm>> -> memref<1x128x128xf32, #tpu.memory_space<hbm>>
        %dma_start3A_82 = tpu.memref_squeeze %dma_start3A_81 : memref<1x128x128xf32, #tpu.memory_space<hbm>> -> memref<128x128xf32, #tpu.memory_space<hbm>>
        tpu.enqueue_dma source(%arg14 : memref<128x128xf32, #tpu.memory_space<vmem>>) target(%dma_start3A_82 : memref<128x128xf32, #tpu.memory_space<hbm>>) target_semaphore(%run_scoped3A : memref<!tpu.dma_semaphore, #tpu.memory_space<semaphore_mem>>)
        %dma_wait3A = arith.constant 0 : i32
        %dma_wait3A_83 = tpu.memref_slice %arg5[%arg0, %add3A_75, %dma_wait3A] : memref<2x8192x128xf32, #tpu.memory_space<hbm>> -> memref<1x128x128xf32, #tpu.memory_space<hbm>>
        %dma_wait3A_84 = tpu.memref_squeeze %dma_wait3A_83 : memref<1x128x128xf32, #tpu.memory_space<hbm>> -> memref<128x128xf32, #tpu.memory_space<hbm>>
        %dma_wait3A_85 = arith.constant 0 : i32
        %dma_wait3A_86 = tpu.memref_slice %arg5[%arg0, %add3A_75, %dma_wait3A_85] : memref<2x8192x128xf32, #tpu.memory_space<hbm>> -> memref<1x128x128xf32, #tpu.memory_space<hbm>>
        %dma_wait3A_87 = tpu.memref_squeeze %dma_wait3A_86 : memref<1x128x128xf32, #tpu.memory_space<hbm>> -> memref<128x128xf32, #tpu.memory_space<hbm>>
        tpu.wait_dma2 semaphore(%run_scoped3A : memref<!tpu.dma_semaphore, #tpu.memory_space<semaphore_mem>>) src(%arg14 : memref<128x128xf32, #tpu.memory_space<vmem>>) dst(%dma_wait3A_87 : memref<128x128xf32, #tpu.memory_space<hbm>>)
        tpu.yield
      }) : () -> ()
      %scan3A_76 = arith.constant 0 : i32
      scf.yield %scan3A_76 : i32
    }
    %scan3A_63 = arith.constant 4 : i32
    %eq3A_64 = arith.constant 0 : i32
    %eq3A_65 = arith.cmpi eq, %arg1, %eq3A_64 : i32
    %convert_element_type3A_66 = arith.extui %eq3A_65 : i1 to i32
    %cond3A_67 = arith.constant 0 : i32
    %cond3A_68 = arith.cmpi ne, %convert_element_type3A_66, %cond3A_67 : i32
    scf.if %cond3A_68 {
      "tpu.region"() ({
        %run_scoped3A = tpu.sem_alloc : memref<!tpu.dma_semaphore, #tpu.memory_space<semaphore_mem>>
        tpu.enqueue_dma source(%arg18 : memref<64x128xf32, #tpu.memory_space<vmem_shared>>) target(%arg12 : memref<64x128xf32, #tpu.memory_space<vmem>>) target_semaphore(%run_scoped3A : memref<!tpu.dma_semaphore, #tpu.memory_space<semaphore_mem>>)
        tpu.wait_dma2 semaphore(%run_scoped3A : memref<!tpu.dma_semaphore, #tpu.memory_space<semaphore_mem>>) src(%arg18 : memref<64x128xf32, #tpu.memory_space<vmem_shared>>) dst(%arg12 : memref<64x128xf32, #tpu.memory_space<vmem>>)
        tpu.yield
      }) : () -> ()
      "tpu.region"() ({
        %run_scoped3A = tpu.sem_alloc : memref<!tpu.dma_semaphore, #tpu.memory_space<semaphore_mem>>
        %dma_start3A_69 = arith.constant 0 : i32
        %dma_start3A_70 = arith.constant 0 : i32
        %dma_start3A_71 = tpu.memref_slice %arg6[%arg0, %dma_start3A_69, %dma_start3A_70] : memref<2x64x128xf32, #tpu.memory_space<hbm>> -> memref<1x64x128xf32, #tpu.memory_space<hbm>>
        %dma_start3A_72 = tpu.memref_squeeze %dma_start3A_71 : memref<1x64x128xf32, #tpu.memory_space<hbm>> -> memref<64x128xf32, #tpu.memory_space<hbm>>
        %dma_start3A_73 = arith.constant 0 : i32
        %dma_start3A_74 = arith.constant 0 : i32
        %dma_start3A_75 = tpu.memref_slice %arg6[%arg0, %dma_start3A_73, %dma_start3A_74] : memref<2x64x128xf32, #tpu.memory_space<hbm>> -> memref<1x64x128xf32, #tpu.memory_space<hbm>>
        %dma_start3A_76 = tpu.memref_squeeze %dma_start3A_75 : memref<1x64x128xf32, #tpu.memory_space<hbm>> -> memref<64x128xf32, #tpu.memory_space<hbm>>
        tpu.enqueue_dma source(%arg12 : memref<64x128xf32, #tpu.memory_space<vmem>>) target(%dma_start3A_76 : memref<64x128xf32, #tpu.memory_space<hbm>>) target_semaphore(%run_scoped3A : memref<!tpu.dma_semaphore, #tpu.memory_space<semaphore_mem>>)
        %dma_wait3A = arith.constant 0 : i32
        %dma_wait3A_77 = arith.constant 0 : i32
        %dma_wait3A_78 = tpu.memref_slice %arg6[%arg0, %dma_wait3A, %dma_wait3A_77] : memref<2x64x128xf32, #tpu.memory_space<hbm>> -> memref<1x64x128xf32, #tpu.memory_space<hbm>>
        %dma_wait3A_79 = tpu.memref_squeeze %dma_wait3A_78 : memref<1x64x128xf32, #tpu.memory_space<hbm>> -> memref<64x128xf32, #tpu.memory_space<hbm>>
        %dma_wait3A_80 = arith.constant 0 : i32
        %dma_wait3A_81 = arith.constant 0 : i32
        %dma_wait3A_82 = tpu.memref_slice %arg6[%arg0, %dma_wait3A_80, %dma_wait3A_81] : memref<2x64x128xf32, #tpu.memory_space<hbm>> -> memref<1x64x128xf32, #tpu.memory_space<hbm>>
        %dma_wait3A_83 = tpu.memref_squeeze %dma_wait3A_82 : memref<1x64x128xf32, #tpu.memory_space<hbm>> -> memref<64x128xf32, #tpu.memory_space<hbm>>
        tpu.wait_dma2 semaphore(%run_scoped3A : memref<!tpu.dma_semaphore, #tpu.memory_space<semaphore_mem>>) src(%arg12 : memref<64x128xf32, #tpu.memory_space<vmem>>) dst(%dma_wait3A_83 : memref<64x128xf32, #tpu.memory_space<hbm>>)
        tpu.yield
      }) : () -> ()
    } else {
    }
    return
  }
}

#map = affine_map<(d0, d1) -> (0, 0)>
#map1 = affine_map<(d0, d1) -> (0)>
#map2 = affine_map<(d0, d1) -> (0, 0, 0)>
module attributes {stable_mosaic.version = 14 : i64} {
  func.func @_k3_body(%arg0: i32, %arg1: i32, %arg2: memref<73728x128xf32, #tpu.memory_space<hbm>>, %arg3: memref<73728xi32, #tpu.memory_space<hbm>>, %arg4: memref<2x8192x128xf32, #tpu.memory_space<hbm>>, %arg5: memref<2x64x128xf32, #tpu.memory_space<hbm>>, %arg6: memref<128x128xf32, #tpu.memory_space<vmem>>, %arg7: memref<128xi32, #tpu.memory_space<vmem>>, %arg8: memref<128xi32, #tpu.memory_space<vmem>>, %arg9: memref<64x128xf32, #tpu.memory_space<vmem>>, %arg10: memref<128x128xf32, #tpu.memory_space<vmem>>, %arg11: memref<128x128xf32, #tpu.memory_space<vmem>>, %arg12: memref<64xi32, #tpu.memory_space<vmem>>, %arg13: memref<!tpu.dma_semaphore, #tpu.memory_space<semaphore_mem>>, %arg14: memref<8192x128xf32, #tpu.memory_space<vmem_shared>>, %arg15: memref<64x128xf32, #tpu.memory_space<vmem_shared>>) attributes {dimension_semantics = [#tpu.dimension_semantics<core_parallel>, #tpu.dimension_semantics<subcore_parallel>], iteration_bounds = array<i64: 2, 16>, scalar_prefetch = 0 : i64, scratch_operands = 10 : i64, tpu.core_type = #tpu.core_type<sc_vector_subcore>, window_params = [{transform_indices = #map}, {transform_indices = #map1}, {transform_indices = #map2}, {transform_indices = #map2}]} {
    %mul3A = arith.constant 2 : i32
    %mul3A_0 = arith.muli %arg1, %mul3A : i32
    %add3A = arith.addi %mul3A_0, %arg0 : i32
    %iota3A = tpu.iota {dimensions = array<i32: 0>} : vector<16xi32>
    %broadcast_in_dim3A = arith.constant 0.000000e+00 : f32
    %broadcast_in_dim3A_1 = vector.broadcast %broadcast_in_dim3A : f32 to vector<16xf32>
    %broadcast_in_dim3A_2 = arith.constant 1.000000e+00 : f32
    %broadcast_in_dim3A_3 = vector.broadcast %broadcast_in_dim3A_2 : f32 to vector<16xf32>
    %scan3A = arith.constant 0 : i32
    %scan3A_4 = arith.constant 0 : i32
    %scan3A_5 = arith.constant 128 : i32
    %scan3A_6 = arith.addi %scan3A_4, %scan3A_5 : i32
    %scan3A_7 = arith.constant 1 : i32
    %scan3A_8 = scf.for %scan3A_70 = %scan3A_4 to %scan3A_6 step %scan3A_7 iter_args(%scan3A_71 = %scan3A) -> (i32)  : i32 {
      %swap3A_72 = arith.index_cast %scan3A_70 : i32 to index
      %swap3A_73 = arith.constant 0 : index
      %swap3A_74 = tpu.vector_load %arg10[%swap3A_72, %swap3A_73] {strides = array<i32>} : memref<128x128xf32, #tpu.memory_space<vmem>>, vector<16xf32>,
      tpu.vector_store %arg10[%swap3A_72, %swap3A_73], %broadcast_in_dim3A_1 {strides = array<i32>} : memref<128x128xf32, #tpu.memory_space<vmem>>, vector<16xf32>,
      %swap3A_75 = arith.index_cast %scan3A_70 : i32 to index
      %swap3A_76 = arith.constant 16 : index
      %swap3A_77 = tpu.vector_load %arg10[%swap3A_75, %swap3A_76] {strides = array<i32>} : memref<128x128xf32, #tpu.memory_space<vmem>>, vector<16xf32>,
      tpu.vector_store %arg10[%swap3A_75, %swap3A_76], %broadcast_in_dim3A_1 {strides = array<i32>} : memref<128x128xf32, #tpu.memory_space<vmem>>, vector<16xf32>,
      %swap3A_78 = arith.index_cast %scan3A_70 : i32 to index
      %swap3A_79 = arith.constant 32 : index
      %swap3A_80 = tpu.vector_load %arg10[%swap3A_78, %swap3A_79] {strides = array<i32>} : memref<128x128xf32, #tpu.memory_space<vmem>>, vector<16xf32>,
      tpu.vector_store %arg10[%swap3A_78, %swap3A_79], %broadcast_in_dim3A_1 {strides = array<i32>} : memref<128x128xf32, #tpu.memory_space<vmem>>, vector<16xf32>,
      %swap3A_81 = arith.index_cast %scan3A_70 : i32 to index
      %swap3A_82 = arith.constant 48 : index
      %swap3A_83 = tpu.vector_load %arg10[%swap3A_81, %swap3A_82] {strides = array<i32>} : memref<128x128xf32, #tpu.memory_space<vmem>>, vector<16xf32>,
      tpu.vector_store %arg10[%swap3A_81, %swap3A_82], %broadcast_in_dim3A_1 {strides = array<i32>} : memref<128x128xf32, #tpu.memory_space<vmem>>, vector<16xf32>,
      %swap3A_84 = arith.index_cast %scan3A_70 : i32 to index
      %swap3A_85 = arith.constant 64 : index
      %swap3A_86 = tpu.vector_load %arg10[%swap3A_84, %swap3A_85] {strides = array<i32>} : memref<128x128xf32, #tpu.memory_space<vmem>>, vector<16xf32>,
      tpu.vector_store %arg10[%swap3A_84, %swap3A_85], %broadcast_in_dim3A_1 {strides = array<i32>} : memref<128x128xf32, #tpu.memory_space<vmem>>, vector<16xf32>,
      %swap3A_87 = arith.index_cast %scan3A_70 : i32 to index
      %swap3A_88 = arith.constant 80 : index
      %swap3A_89 = tpu.vector_load %arg10[%swap3A_87, %swap3A_88] {strides = array<i32>} : memref<128x128xf32, #tpu.memory_space<vmem>>, vector<16xf32>,
      tpu.vector_store %arg10[%swap3A_87, %swap3A_88], %broadcast_in_dim3A_1 {strides = array<i32>} : memref<128x128xf32, #tpu.memory_space<vmem>>, vector<16xf32>,
      %swap3A_90 = arith.index_cast %scan3A_70 : i32 to index
      %swap3A_91 = arith.constant 96 : index
      %swap3A_92 = tpu.vector_load %arg10[%swap3A_90, %swap3A_91] {strides = array<i32>} : memref<128x128xf32, #tpu.memory_space<vmem>>, vector<16xf32>,
      tpu.vector_store %arg10[%swap3A_90, %swap3A_91], %broadcast_in_dim3A_1 {strides = array<i32>} : memref<128x128xf32, #tpu.memory_space<vmem>>, vector<16xf32>,
      %swap3A_93 = arith.index_cast %scan3A_70 : i32 to index
      %swap3A_94 = arith.constant 112 : index
      %swap3A_95 = tpu.vector_load %arg10[%swap3A_93, %swap3A_94] {strides = array<i32>} : memref<128x128xf32, #tpu.memory_space<vmem>>, vector<16xf32>,
      tpu.vector_store %arg10[%swap3A_93, %swap3A_94], %broadcast_in_dim3A_1 {strides = array<i32>} : memref<128x128xf32, #tpu.memory_space<vmem>>, vector<16xf32>,
      %scan3A_96 = arith.constant 0 : i32
      scf.yield %scan3A_96 : i32
    }
    %scan3A_9 = arith.constant 128 : i32
    %scan3A_10 = arith.constant 0 : i32
    %scan3A_11 = arith.constant 0 : i32
    %scan3A_12 = arith.constant 64 : i32
    %scan3A_13 = arith.addi %scan3A_11, %scan3A_12 : i32
    %scan3A_14 = arith.constant 1 : i32
    %scan3A_15 = scf.for %scan3A_70 = %scan3A_11 to %scan3A_13 step %scan3A_14 iter_args(%scan3A_71 = %scan3A_10) -> (i32)  : i32 {
      %swap3A_72 = arith.index_cast %scan3A_70 : i32 to index
      %swap3A_73 = arith.constant 0 : index
      %swap3A_74 = tpu.vector_load %arg9[%swap3A_72, %swap3A_73] {strides = array<i32>} : memref<64x128xf32, #tpu.memory_space<vmem>>, vector<16xf32>,
      tpu.vector_store %arg9[%swap3A_72, %swap3A_73], %broadcast_in_dim3A_1 {strides = array<i32>} : memref<64x128xf32, #tpu.memory_space<vmem>>, vector<16xf32>,
      %swap3A_75 = arith.index_cast %scan3A_70 : i32 to index
      %swap3A_76 = arith.constant 16 : index
      %swap3A_77 = tpu.vector_load %arg9[%swap3A_75, %swap3A_76] {strides = array<i32>} : memref<64x128xf32, #tpu.memory_space<vmem>>, vector<16xf32>,
      tpu.vector_store %arg9[%swap3A_75, %swap3A_76], %broadcast_in_dim3A_1 {strides = array<i32>} : memref<64x128xf32, #tpu.memory_space<vmem>>, vector<16xf32>,
      %swap3A_78 = arith.index_cast %scan3A_70 : i32 to index
      %swap3A_79 = arith.constant 32 : index
      %swap3A_80 = tpu.vector_load %arg9[%swap3A_78, %swap3A_79] {strides = array<i32>} : memref<64x128xf32, #tpu.memory_space<vmem>>, vector<16xf32>,
      tpu.vector_store %arg9[%swap3A_78, %swap3A_79], %broadcast_in_dim3A_1 {strides = array<i32>} : memref<64x128xf32, #tpu.memory_space<vmem>>, vector<16xf32>,
      %swap3A_81 = arith.index_cast %scan3A_70 : i32 to index
      %swap3A_82 = arith.constant 48 : index
      %swap3A_83 = tpu.vector_load %arg9[%swap3A_81, %swap3A_82] {strides = array<i32>} : memref<64x128xf32, #tpu.memory_space<vmem>>, vector<16xf32>,
      tpu.vector_store %arg9[%swap3A_81, %swap3A_82], %broadcast_in_dim3A_1 {strides = array<i32>} : memref<64x128xf32, #tpu.memory_space<vmem>>, vector<16xf32>,
      %swap3A_84 = arith.index_cast %scan3A_70 : i32 to index
      %swap3A_85 = arith.constant 64 : index
      %swap3A_86 = tpu.vector_load %arg9[%swap3A_84, %swap3A_85] {strides = array<i32>} : memref<64x128xf32, #tpu.memory_space<vmem>>, vector<16xf32>,
      tpu.vector_store %arg9[%swap3A_84, %swap3A_85], %broadcast_in_dim3A_1 {strides = array<i32>} : memref<64x128xf32, #tpu.memory_space<vmem>>, vector<16xf32>,
      %swap3A_87 = arith.index_cast %scan3A_70 : i32 to index
      %swap3A_88 = arith.constant 80 : index
      %swap3A_89 = tpu.vector_load %arg9[%swap3A_87, %swap3A_88] {strides = array<i32>} : memref<64x128xf32, #tpu.memory_space<vmem>>, vector<16xf32>,
      tpu.vector_store %arg9[%swap3A_87, %swap3A_88], %broadcast_in_dim3A_1 {strides = array<i32>} : memref<64x128xf32, #tpu.memory_space<vmem>>, vector<16xf32>,
      %swap3A_90 = arith.index_cast %scan3A_70 : i32 to index
      %swap3A_91 = arith.constant 96 : index
      %swap3A_92 = tpu.vector_load %arg9[%swap3A_90, %swap3A_91] {strides = array<i32>} : memref<64x128xf32, #tpu.memory_space<vmem>>, vector<16xf32>,
      tpu.vector_store %arg9[%swap3A_90, %swap3A_91], %broadcast_in_dim3A_1 {strides = array<i32>} : memref<64x128xf32, #tpu.memory_space<vmem>>, vector<16xf32>,
      %swap3A_93 = arith.index_cast %scan3A_70 : i32 to index
      %swap3A_94 = arith.constant 112 : index
      %swap3A_95 = tpu.vector_load %arg9[%swap3A_93, %swap3A_94] {strides = array<i32>} : memref<64x128xf32, #tpu.memory_space<vmem>>, vector<16xf32>,
      tpu.vector_store %arg9[%swap3A_93, %swap3A_94], %broadcast_in_dim3A_1 {strides = array<i32>} : memref<64x128xf32, #tpu.memory_space<vmem>>, vector<16xf32>,
      %scan3A_96 = arith.constant 0 : i32
      scf.yield %scan3A_96 : i32
    }
    %scan3A_16 = arith.constant 64 : i32
    %scan3A_17 = arith.constant 0 : i32
    %scan3A_18 = arith.constant 0 : i32
    %scan3A_19 = arith.constant 4 : i32
    %scan3A_20 = arith.addi %scan3A_18, %scan3A_19 : i32
    %scan3A_21 = arith.constant 1 : i32
    %scan3A_22 = scf.for %scan3A_70 = %scan3A_18 to %scan3A_20 step %scan3A_21 iter_args(%scan3A_71 = %scan3A_17) -> (i32)  : i32 {
      %mul3A_72 = arith.constant 512 : i32
      %mul3A_73 = arith.muli %arg1, %mul3A_72 : i32
      %mul3A_74 = arith.constant 128 : i32
      %mul3A_75 = arith.muli %scan3A_70, %mul3A_74 : i32
      %add3A_76 = arith.addi %mul3A_73, %mul3A_75 : i32
      "tpu.region"() ({
        %run_scoped3A = tpu.sem_alloc : memref<!tpu.dma_semaphore, #tpu.memory_space<semaphore_mem>>
        %dma_start3A_78 = arith.constant 0 : i32
        %dma_start3A_79 = tpu.memref_slice %arg14[%add3A_76, %dma_start3A_78] : memref<8192x128xf32, #tpu.memory_space<vmem_shared>> -> memref<128x128xf32, #tpu.memory_space<vmem_shared>>
        %dma_start3A_80 = arith.constant 0 : i32
        %dma_start3A_81 = tpu.memref_slice %arg14[%add3A_76, %dma_start3A_80] : memref<8192x128xf32, #tpu.memory_space<vmem_shared>> -> memref<128x128xf32, #tpu.memory_space<vmem_shared>>
        tpu.enqueue_dma source(%arg10 : memref<128x128xf32, #tpu.memory_space<vmem>>) target(%dma_start3A_81 : memref<128x128xf32, #tpu.memory_space<vmem_shared>>) target_semaphore(%run_scoped3A : memref<!tpu.dma_semaphore, #tpu.memory_space<semaphore_mem>>)
        %dma_wait3A = arith.constant 0 : i32
        %dma_wait3A_82 = tpu.memref_slice %arg14[%add3A_76, %dma_wait3A] : memref<8192x128xf32, #tpu.memory_space<vmem_shared>> -> memref<128x128xf32, #tpu.memory_space<vmem_shared>>
        %dma_wait3A_83 = arith.constant 0 : i32
        %dma_wait3A_84 = tpu.memref_slice %arg14[%add3A_76, %dma_wait3A_83] : memref<8192x128xf32, #tpu.memory_space<vmem_shared>> -> memref<128x128xf32, #tpu.memory_space<vmem_shared>>
        tpu.wait_dma2 semaphore(%run_scoped3A : memref<!tpu.dma_semaphore, #tpu.memory_space<semaphore_mem>>) src(%arg10 : memref<128x128xf32, #tpu.memory_space<vmem>>) dst(%dma_wait3A_84 : memref<128x128xf32, #tpu.memory_space<vmem_shared>>)
        tpu.yield
      }) : () -> ()
      %scan3A_77 = arith.constant 0 : i32
      scf.yield %scan3A_77 : i32
    }
    %scan3A_23 = arith.constant 4 : i32
    %eq3A = arith.constant 0 : i32
    %eq3A_24 = arith.cmpi eq, %arg1, %eq3A : i32
    %convert_element_type3A = arith.extui %eq3A_24 : i1 to i32
    %cond3A = arith.constant 0 : i32
    %cond3A_25 = arith.cmpi ne, %convert_element_type3A, %cond3A : i32
    scf.if %cond3A_25 {
      "tpu.region"() ({
        %run_scoped3A = tpu.sem_alloc : memref<!tpu.dma_semaphore, #tpu.memory_space<semaphore_mem>>
        tpu.enqueue_dma source(%arg9 : memref<64x128xf32, #tpu.memory_space<vmem>>) target(%arg15 : memref<64x128xf32, #tpu.memory_space<vmem_shared>>) target_semaphore(%run_scoped3A : memref<!tpu.dma_semaphore, #tpu.memory_space<semaphore_mem>>)
        tpu.wait_dma2 semaphore(%run_scoped3A : memref<!tpu.dma_semaphore, #tpu.memory_space<semaphore_mem>>) src(%arg9 : memref<64x128xf32, #tpu.memory_space<vmem>>) dst(%arg15 : memref<64x128xf32, #tpu.memory_space<vmem_shared>>)
        tpu.yield
      }) : () -> ()
    } else {
    }
    %barrier3A = arith.constant 0 : index
    tpu.barrier barrier_id(%barrier3A)
    %add3A_26 = arith.constant 0 : i32
    %add3A_27 = vector.broadcast %add3A_26 : i32 to vector<16xi32>
    %add3A_28 = arith.addi %iota3A, %add3A_27 : vector<16xi32>
    %swap3A = arith.constant 0 : index
    %swap3A_29 = tpu.vector_load %arg12[%swap3A] {strides = array<i32>} : memref<64xi32, #tpu.memory_space<vmem>>, vector<16xi32>,
    tpu.vector_store %arg12[%swap3A], %add3A_28 {strides = array<i32>} : memref<64xi32, #tpu.memory_space<vmem>>, vector<16xi32>,
    %add3A_30 = arith.constant 16 : i32
    %add3A_31 = vector.broadcast %add3A_30 : i32 to vector<16xi32>
    %add3A_32 = arith.addi %iota3A, %add3A_31 : vector<16xi32>
    %swap3A_33 = arith.constant 16 : index
    %swap3A_34 = tpu.vector_load %arg12[%swap3A_33] {strides = array<i32>} : memref<64xi32, #tpu.memory_space<vmem>>, vector<16xi32>,
    tpu.vector_store %arg12[%swap3A_33], %add3A_32 {strides = array<i32>} : memref<64xi32, #tpu.memory_space<vmem>>, vector<16xi32>,
    %add3A_35 = arith.constant 32 : i32
    %add3A_36 = vector.broadcast %add3A_35 : i32 to vector<16xi32>
    %add3A_37 = arith.addi %iota3A, %add3A_36 : vector<16xi32>
    %swap3A_38 = arith.constant 32 : index
    %swap3A_39 = tpu.vector_load %arg12[%swap3A_38] {strides = array<i32>} : memref<64xi32, #tpu.memory_space<vmem>>, vector<16xi32>,
    tpu.vector_store %arg12[%swap3A_38], %add3A_37 {strides = array<i32>} : memref<64xi32, #tpu.memory_space<vmem>>, vector<16xi32>,
    %add3A_40 = arith.constant 48 : i32
    %add3A_41 = vector.broadcast %add3A_40 : i32 to vector<16xi32>
    %add3A_42 = arith.addi %iota3A, %add3A_41 : vector<16xi32>
    %swap3A_43 = arith.constant 48 : index
    %swap3A_44 = tpu.vector_load %arg12[%swap3A_43] {strides = array<i32>} : memref<64xi32, #tpu.memory_space<vmem>>, vector<16xi32>,
    tpu.vector_store %arg12[%swap3A_43], %add3A_42 {strides = array<i32>} : memref<64xi32, #tpu.memory_space<vmem>>, vector<16xi32>,
    %mul3A_45 = arith.constant 2304 : i32
    %mul3A_46 = arith.muli %add3A, %mul3A_45 : i32
    "tpu.region"() ({
      %run_scoped3A = tpu.sem_alloc : memref<!tpu.dma_semaphore, #tpu.memory_space<semaphore_mem>>
      %dma_start3A_70 = tpu.memref_slice %arg3[%mul3A_46] : memref<73728xi32, #tpu.memory_space<hbm>> -> memref<128xi32, #tpu.memory_space<hbm>>
      %dma_start3A_71 = tpu.memref_slice %arg3[%mul3A_46] : memref<73728xi32, #tpu.memory_space<hbm>> -> memref<128xi32, #tpu.memory_space<hbm>>
      tpu.enqueue_dma source(%dma_start3A_71 : memref<128xi32, #tpu.memory_space<hbm>>) target(%arg7 : memref<128xi32, #tpu.memory_space<vmem>>) target_semaphore(%run_scoped3A : memref<!tpu.dma_semaphore, #tpu.memory_space<semaphore_mem>>)
      %dma_wait3A = tpu.memref_slice %arg3[%mul3A_46] : memref<73728xi32, #tpu.memory_space<hbm>> -> memref<128xi32, #tpu.memory_space<hbm>>
      %dma_wait3A_72 = tpu.memref_slice %arg3[%mul3A_46] : memref<73728xi32, #tpu.memory_space<hbm>> -> memref<128xi32, #tpu.memory_space<hbm>>
      tpu.wait_dma2 semaphore(%run_scoped3A : memref<!tpu.dma_semaphore, #tpu.memory_space<semaphore_mem>>) src(%dma_wait3A_72 : memref<128xi32, #tpu.memory_space<hbm>>) dst(%arg7 : memref<128xi32, #tpu.memory_space<vmem>>)
      tpu.yield
    }) : () -> ()
    %dma_start3A = arith.constant 0 : i32
    %dma_start3A_47 = tpu.memref_slice %arg2[%mul3A_46, %dma_start3A] : memref<73728x128xf32, #tpu.memory_space<hbm>> -> memref<128x128xf32, #tpu.memory_space<hbm>>
    %dma_start3A_48 = arith.constant 0 : i32
    %dma_start3A_49 = tpu.memref_slice %arg2[%mul3A_46, %dma_start3A_48] : memref<73728x128xf32, #tpu.memory_space<hbm>> -> memref<128x128xf32, #tpu.memory_space<hbm>>
    tpu.enqueue_dma source(%dma_start3A_49 : memref<128x128xf32, #tpu.memory_space<hbm>>) target(%arg6 : memref<128x128xf32, #tpu.memory_space<vmem>>) target_semaphore(%arg13 : memref<!tpu.dma_semaphore, #tpu.memory_space<semaphore_mem>>)
    %scan3A_50 = arith.constant 0 : i32
    %scan3A_51 = arith.constant 0 : i32
    %scan3A_52 = arith.constant 9 : i32
    %scan3A_53 = arith.addi %scan3A_51, %scan3A_52 : i32
    %scan3A_54 = arith.constant 1 : i32
    %scan3A_55 = scf.for %scan3A_70 = %scan3A_51 to %scan3A_53 step %scan3A_54 iter_args(%scan3A_71 = %scan3A_50) -> (i32)  : i32 {
      %mul3A_72 = arith.constant 2 : i32
      %mul3A_73 = arith.muli %mul3A_72, %scan3A_70 : i32
      %add3A_74 = arith.constant 1 : i32
      %add3A_75 = arith.addi %mul3A_73, %add3A_74 : i32
      %mul3A_76 = arith.constant 128 : i32
      %mul3A_77 = arith.muli %add3A_75, %mul3A_76 : i32
      %add3A_78 = arith.addi %mul3A_46, %mul3A_77 : i32
      "tpu.region"() ({
        %run_scoped3A = tpu.sem_alloc : memref<!tpu.dma_semaphore, #tpu.memory_space<semaphore_mem>>
        %dma_start3A_225 = tpu.memref_slice %arg3[%add3A_78] : memref<73728xi32, #tpu.memory_space<hbm>> -> memref<128xi32, #tpu.memory_space<hbm>>
        %dma_start3A_226 = tpu.memref_slice %arg3[%add3A_78] : memref<73728xi32, #tpu.memory_space<hbm>> -> memref<128xi32, #tpu.memory_space<hbm>>
        tpu.enqueue_dma source(%dma_start3A_226 : memref<128xi32, #tpu.memory_space<hbm>>) target(%arg8 : memref<128xi32, #tpu.memory_space<vmem>>) target_semaphore(%run_scoped3A : memref<!tpu.dma_semaphore, #tpu.memory_space<semaphore_mem>>)
        %dma_wait3A_227 = tpu.memref_slice %arg3[%add3A_78] : memref<73728xi32, #tpu.memory_space<hbm>> -> memref<128xi32, #tpu.memory_space<hbm>>
        %dma_wait3A_228 = tpu.memref_slice %arg3[%add3A_78] : memref<73728xi32, #tpu.memory_space<hbm>> -> memref<128xi32, #tpu.memory_space<hbm>>
        tpu.wait_dma2 semaphore(%run_scoped3A : memref<!tpu.dma_semaphore, #tpu.memory_space<semaphore_mem>>) src(%dma_wait3A_228 : memref<128xi32, #tpu.memory_space<hbm>>) dst(%arg8 : memref<128xi32, #tpu.memory_space<vmem>>)
        tpu.yield
      }) : () -> ()
      %dma_wait3A = arith.constant 0 : i32
      %dma_wait3A_79 = tpu.memref_slice %arg2[%mul3A_46, %dma_wait3A] : memref<73728x128xf32, #tpu.memory_space<hbm>> -> memref<128x128xf32, #tpu.memory_space<hbm>>
      %dma_wait3A_80 = arith.constant 0 : i32
      %dma_wait3A_81 = tpu.memref_slice %arg2[%mul3A_46, %dma_wait3A_80] : memref<73728x128xf32, #tpu.memory_space<hbm>> -> memref<128x128xf32, #tpu.memory_space<hbm>>
      tpu.wait_dma2 semaphore(%arg13 : memref<!tpu.dma_semaphore, #tpu.memory_space<semaphore_mem>>) src(%dma_wait3A_81 : memref<128x128xf32, #tpu.memory_space<hbm>>) dst(%arg6 : memref<128x128xf32, #tpu.memory_space<vmem>>)
      %dma_start3A_82 = arith.constant 0 : i32
      %dma_start3A_83 = tpu.memref_slice %arg2[%add3A_78, %dma_start3A_82] : memref<73728x128xf32, #tpu.memory_space<hbm>> -> memref<128x128xf32, #tpu.memory_space<hbm>>
      %dma_start3A_84 = arith.constant 0 : i32
      %dma_start3A_85 = tpu.memref_slice %arg2[%add3A_78, %dma_start3A_84] : memref<73728x128xf32, #tpu.memory_space<hbm>> -> memref<128x128xf32, #tpu.memory_space<hbm>>
      tpu.enqueue_dma source(%dma_start3A_85 : memref<128x128xf32, #tpu.memory_space<hbm>>) target(%arg10 : memref<128x128xf32, #tpu.memory_space<vmem>>) target_semaphore(%arg13 : memref<!tpu.dma_semaphore, #tpu.memory_space<semaphore_mem>>)
      "tpu.region"() ({
        %run_scoped3A = tpu.sem_alloc : memref<!tpu.dma_semaphore, #tpu.memory_space<semaphore_mem>>
        %dma_start3A_225 = arith.constant 0 : i32
        %dma_start3A_226 = arith.constant 0 : i32
        %dma_start3A_227 = tpu.memref_slice %arg14[%dma_start3A_225, %dma_start3A_226] : memref<8192x128xf32, #tpu.memory_space<vmem_shared>> -> memref<8192x128xf32, #tpu.memory_space<vmem_shared>>
        tpu.enqueue_indirect_dma source(%arg6 : memref<128x128xf32, #tpu.memory_space<vmem>>) target(%dma_start3A_227 : memref<8192x128xf32, #tpu.memory_space<vmem_shared>>) offsets(%arg7 : memref<128xi32, #tpu.memory_space<vmem>>) semaphore(%run_scoped3A : memref<!tpu.dma_semaphore, #tpu.memory_space<semaphore_mem>>) {add = true}
        %dma_wait3A_228 = arith.constant 0 : i32
        %dma_wait3A_229 = arith.constant 0 : i32
        %dma_wait3A_230 = tpu.memref_slice %arg14[%dma_wait3A_228, %dma_wait3A_229] : memref<8192x128xf32, #tpu.memory_space<vmem_shared>> -> memref<8192x128xf32, #tpu.memory_space<vmem_shared>>
        tpu.wait_indirect_dma semaphore(%run_scoped3A : memref<!tpu.dma_semaphore, #tpu.memory_space<semaphore_mem>>) src(%arg6 : memref<128x128xf32, #tpu.memory_space<vmem>>) dst(%dma_wait3A_230 : memref<8192x128xf32, #tpu.memory_space<vmem_shared>>)
        tpu.yield
      }) : () -> ()
      %get3A = arith.constant 0 : index
      %get3A_86 = tpu.vector_load %arg7[%get3A] {strides = array<i32>} : memref<128xi32, #tpu.memory_space<vmem>>, vector<16xi32>,
      %shift_right_arithmetic3A = arith.constant 7 : i32
      %shift_right_arithmetic3A_87 = vector.broadcast %shift_right_arithmetic3A : i32 to vector<16xi32>
      %shift_right_arithmetic3A_88 = arith.shrsi %get3A_86, %shift_right_arithmetic3A_87 : vector<16xi32>
      %and3A = arith.constant 127 : i32
      %and3A_89 = vector.broadcast %and3A : i32 to vector<16xi32>
      %and3A_90 = arith.andi %get3A_86, %and3A_89 : vector<16xi32>
      tpu.vector_store_idx %arg9[%shift_right_arithmetic3A_88, %and3A_90], %broadcast_in_dim3A_3 {add = true} : memref<64x128xf32, #tpu.memory_space<vmem>>[vector<16xi32>, vector<16xi32>], vector<16xf32>,
      %get3A_91 = arith.constant 16 : index
      %get3A_92 = tpu.vector_load %arg7[%get3A_91] {strides = array<i32>} : memref<128xi32, #tpu.memory_space<vmem>>, vector<16xi32>,
      %shift_right_arithmetic3A_93 = arith.constant 7 : i32
      %shift_right_arithmetic3A_94 = vector.broadcast %shift_right_arithmetic3A_93 : i32 to vector<16xi32>
      %shift_right_arithmetic3A_95 = arith.shrsi %get3A_92, %shift_right_arithmetic3A_94 : vector<16xi32>
      %and3A_96 = arith.constant 127 : i32
      %and3A_97 = vector.broadcast %and3A_96 : i32 to vector<16xi32>
      %and3A_98 = arith.andi %get3A_92, %and3A_97 : vector<16xi32>
      tpu.vector_store_idx %arg9[%shift_right_arithmetic3A_95, %and3A_98], %broadcast_in_dim3A_3 {add = true} : memref<64x128xf32, #tpu.memory_space<vmem>>[vector<16xi32>, vector<16xi32>], vector<16xf32>,
      %get3A_99 = arith.constant 32 : index
      %get3A_100 = tpu.vector_load %arg7[%get3A_99] {strides = array<i32>} : memref<128xi32, #tpu.memory_space<vmem>>, vector<16xi32>,
      %shift_right_arithmetic3A_101 = arith.constant 7 : i32
      %shift_right_arithmetic3A_102 = vector.broadcast %shift_right_arithmetic3A_101 : i32 to vector<16xi32>
      %shift_right_arithmetic3A_103 = arith.shrsi %get3A_100, %shift_right_arithmetic3A_102 : vector<16xi32>
      %and3A_104 = arith.constant 127 : i32
      %and3A_105 = vector.broadcast %and3A_104 : i32 to vector<16xi32>
      %and3A_106 = arith.andi %get3A_100, %and3A_105 : vector<16xi32>
      tpu.vector_store_idx %arg9[%shift_right_arithmetic3A_103, %and3A_106], %broadcast_in_dim3A_3 {add = true} : memref<64x128xf32, #tpu.memory_space<vmem>>[vector<16xi32>, vector<16xi32>], vector<16xf32>,
      %get3A_107 = arith.constant 48 : index
      %get3A_108 = tpu.vector_load %arg7[%get3A_107] {strides = array<i32>} : memref<128xi32, #tpu.memory_space<vmem>>, vector<16xi32>,
      %shift_right_arithmetic3A_109 = arith.constant 7 : i32
      %shift_right_arithmetic3A_110 = vector.broadcast %shift_right_arithmetic3A_109 : i32 to vector<16xi32>
      %shift_right_arithmetic3A_111 = arith.shrsi %get3A_108, %shift_right_arithmetic3A_110 : vector<16xi32>
      %and3A_112 = arith.constant 127 : i32
      %and3A_113 = vector.broadcast %and3A_112 : i32 to vector<16xi32>
      %and3A_114 = arith.andi %get3A_108, %and3A_113 : vector<16xi32>
      tpu.vector_store_idx %arg9[%shift_right_arithmetic3A_111, %and3A_114], %broadcast_in_dim3A_3 {add = true} : memref<64x128xf32, #tpu.memory_space<vmem>>[vector<16xi32>, vector<16xi32>], vector<16xf32>,
      %get3A_115 = arith.constant 64 : index
      %get3A_116 = tpu.vector_load %arg7[%get3A_115] {strides = array<i32>} : memref<128xi32, #tpu.memory_space<vmem>>, vector<16xi32>,
      %shift_right_arithmetic3A_117 = arith.constant 7 : i32
      %shift_right_arithmetic3A_118 = vector.broadcast %shift_right_arithmetic3A_117 : i32 to vector<16xi32>
      %shift_right_arithmetic3A_119 = arith.shrsi %get3A_116, %shift_right_arithmetic3A_118 : vector<16xi32>
      %and3A_120 = arith.constant 127 : i32
      %and3A_121 = vector.broadcast %and3A_120 : i32 to vector<16xi32>
      %and3A_122 = arith.andi %get3A_116, %and3A_121 : vector<16xi32>
      tpu.vector_store_idx %arg9[%shift_right_arithmetic3A_119, %and3A_122], %broadcast_in_dim3A_3 {add = true} : memref<64x128xf32, #tpu.memory_space<vmem>>[vector<16xi32>, vector<16xi32>], vector<16xf32>,
      %get3A_123 = arith.constant 80 : index
      %get3A_124 = tpu.vector_load %arg7[%get3A_123] {strides = array<i32>} : memref<128xi32, #tpu.memory_space<vmem>>, vector<16xi32>,
      %shift_right_arithmetic3A_125 = arith.constant 7 : i32
      %shift_right_arithmetic3A_126 = vector.broadcast %shift_right_arithmetic3A_125 : i32 to vector<16xi32>
      %shift_right_arithmetic3A_127 = arith.shrsi %get3A_124, %shift_right_arithmetic3A_126 : vector<16xi32>
      %and3A_128 = arith.constant 127 : i32
      %and3A_129 = vector.broadcast %and3A_128 : i32 to vector<16xi32>
      %and3A_130 = arith.andi %get3A_124, %and3A_129 : vector<16xi32>
      tpu.vector_store_idx %arg9[%shift_right_arithmetic3A_127, %and3A_130], %broadcast_in_dim3A_3 {add = true} : memref<64x128xf32, #tpu.memory_space<vmem>>[vector<16xi32>, vector<16xi32>], vector<16xf32>,
      %get3A_131 = arith.constant 96 : index
      %get3A_132 = tpu.vector_load %arg7[%get3A_131] {strides = array<i32>} : memref<128xi32, #tpu.memory_space<vmem>>, vector<16xi32>,
      %shift_right_arithmetic3A_133 = arith.constant 7 : i32
      %shift_right_arithmetic3A_134 = vector.broadcast %shift_right_arithmetic3A_133 : i32 to vector<16xi32>
      %shift_right_arithmetic3A_135 = arith.shrsi %get3A_132, %shift_right_arithmetic3A_134 : vector<16xi32>
      %and3A_136 = arith.constant 127 : i32
      %and3A_137 = vector.broadcast %and3A_136 : i32 to vector<16xi32>
      %and3A_138 = arith.andi %get3A_132, %and3A_137 : vector<16xi32>
      tpu.vector_store_idx %arg9[%shift_right_arithmetic3A_135, %and3A_138], %broadcast_in_dim3A_3 {add = true} : memref<64x128xf32, #tpu.memory_space<vmem>>[vector<16xi32>, vector<16xi32>], vector<16xf32>,
      %get3A_139 = arith.constant 112 : index
      %get3A_140 = tpu.vector_load %arg7[%get3A_139] {strides = array<i32>} : memref<128xi32, #tpu.memory_space<vmem>>, vector<16xi32>,
      %shift_right_arithmetic3A_141 = arith.constant 7 : i32
      %shift_right_arithmetic3A_142 = vector.broadcast %shift_right_arithmetic3A_141 : i32 to vector<16xi32>
      %shift_right_arithmetic3A_143 = arith.shrsi %get3A_140, %shift_right_arithmetic3A_142 : vector<16xi32>
      %and3A_144 = arith.constant 127 : i32
      %and3A_145 = vector.broadcast %and3A_144 : i32 to vector<16xi32>
      %and3A_146 = arith.andi %get3A_140, %and3A_145 : vector<16xi32>
      tpu.vector_store_idx %arg9[%shift_right_arithmetic3A_143, %and3A_146], %broadcast_in_dim3A_3 {add = true} : memref<64x128xf32, #tpu.memory_space<vmem>>[vector<16xi32>, vector<16xi32>], vector<16xf32>,
      %lt3A = arith.constant 8 : i32
      %lt3A_147 = arith.cmpi slt, %scan3A_70, %lt3A : i32
      %convert_element_type3A_148 = arith.extui %lt3A_147 : i1 to i32
      %cond3A_149 = arith.constant 0 : i32
      %cond3A_150 = arith.cmpi ne, %convert_element_type3A_148, %cond3A_149 : i32
      scf.if %cond3A_150 {
        %mul3A_225 = arith.constant 2 : i32
        %mul3A_226 = arith.muli %mul3A_225, %scan3A_70 : i32
        %add3A_227 = arith.constant 2 : i32
        %add3A_228 = arith.addi %mul3A_226, %add3A_227 : i32
        %mul3A_229 = arith.constant 128 : i32
        %mul3A_230 = arith.muli %add3A_228, %mul3A_229 : i32
        %add3A_231 = arith.addi %mul3A_46, %mul3A_230 : i32
        "tpu.region"() ({
          %run_scoped3A = tpu.sem_alloc : memref<!tpu.dma_semaphore, #tpu.memory_space<semaphore_mem>>
          %dma_start3A_232 = tpu.memref_slice %arg3[%add3A_231] : memref<73728xi32, #tpu.memory_space<hbm>> -> memref<128xi32, #tpu.memory_space<hbm>>
          %dma_start3A_233 = tpu.memref_slice %arg3[%add3A_231] : memref<73728xi32, #tpu.memory_space<hbm>> -> memref<128xi32, #tpu.memory_space<hbm>>
          tpu.enqueue_dma source(%dma_start3A_233 : memref<128xi32, #tpu.memory_space<hbm>>) target(%arg7 : memref<128xi32, #tpu.memory_space<vmem>>) target_semaphore(%run_scoped3A : memref<!tpu.dma_semaphore, #tpu.memory_space<semaphore_mem>>)
          %dma_wait3A_234 = tpu.memref_slice %arg3[%add3A_231] : memref<73728xi32, #tpu.memory_space<hbm>> -> memref<128xi32, #tpu.memory_space<hbm>>
          %dma_wait3A_235 = tpu.memref_slice %arg3[%add3A_231] : memref<73728xi32, #tpu.memory_space<hbm>> -> memref<128xi32, #tpu.memory_space<hbm>>
          tpu.wait_dma2 semaphore(%run_scoped3A : memref<!tpu.dma_semaphore, #tpu.memory_space<semaphore_mem>>) src(%dma_wait3A_235 : memref<128xi32, #tpu.memory_space<hbm>>) dst(%arg7 : memref<128xi32, #tpu.memory_space<vmem>>)
          tpu.yield
        }) : () -> ()
      } else {
      }
      %dma_wait3A_151 = arith.constant 0 : i32
      %dma_wait3A_152 = tpu.memref_slice %arg2[%add3A_78, %dma_wait3A_151] : memref<73728x128xf32, #tpu.memory_space<hbm>> -> memref<128x128xf32, #tpu.memory_space<hbm>>
      %dma_wait3A_153 = arith.constant 0 : i32
      %dma_wait3A_154 = tpu.memref_slice %arg2[%add3A_78, %dma_wait3A_153] : memref<73728x128xf32, #tpu.memory_space<hbm>> -> memref<128x128xf32, #tpu.memory_space<hbm>>
      tpu.wait_dma2 semaphore(%arg13 : memref<!tpu.dma_semaphore, #tpu.memory_space<semaphore_mem>>) src(%dma_wait3A_154 : memref<128x128xf32, #tpu.memory_space<hbm>>) dst(%arg10 : memref<128x128xf32, #tpu.memory_space<vmem>>)
      %lt3A_155 = arith.constant 8 : i32
      %lt3A_156 = arith.cmpi slt, %scan3A_70, %lt3A_155 : i32
      %convert_element_type3A_157 = arith.extui %lt3A_156 : i1 to i32
      %cond3A_158 = arith.constant 0 : i32
      %cond3A_159 = arith.cmpi ne, %convert_element_type3A_157, %cond3A_158 : i32
      scf.if %cond3A_159 {
        %mul3A_225 = arith.constant 2 : i32
        %mul3A_226 = arith.muli %mul3A_225, %scan3A_70 : i32
        %add3A_227 = arith.constant 2 : i32
        %add3A_228 = arith.addi %mul3A_226, %add3A_227 : i32
        %mul3A_229 = arith.constant 128 : i32
        %mul3A_230 = arith.muli %add3A_228, %mul3A_229 : i32
        %add3A_231 = arith.addi %mul3A_46, %mul3A_230 : i32
        %dma_start3A_232 = arith.constant 0 : i32
        %dma_start3A_233 = tpu.memref_slice %arg2[%add3A_231, %dma_start3A_232] : memref<73728x128xf32, #tpu.memory_space<hbm>> -> memref<128x128xf32, #tpu.memory_space<hbm>>
        %dma_start3A_234 = arith.constant 0 : i32
        %dma_start3A_235 = tpu.memref_slice %arg2[%add3A_231, %dma_start3A_234] : memref<73728x128xf32, #tpu.memory_space<hbm>> -> memref<128x128xf32, #tpu.memory_space<hbm>>
        tpu.enqueue_dma source(%dma_start3A_235 : memref<128x128xf32, #tpu.memory_space<hbm>>) target(%arg6 : memref<128x128xf32, #tpu.memory_space<vmem>>) target_semaphore(%arg13 : memref<!tpu.dma_semaphore, #tpu.memory_space<semaphore_mem>>)
      } else {
      }
      "tpu.region"() ({
        %run_scoped3A = tpu.sem_alloc : memref<!tpu.dma_semaphore, #tpu.memory_space<semaphore_mem>>
        %dma_start3A_225 = arith.constant 0 : i32
        %dma_start3A_226 = arith.constant 0 : i32
        %dma_start3A_227 = tpu.memref_slice %arg14[%dma_start3A_225, %dma_start3A_226] : memref<8192x128xf32, #tpu.memory_space<vmem_shared>> -> memref<8192x128xf32, #tpu.memory_space<vmem_shared>>
        tpu.enqueue_indirect_dma source(%arg10 : memref<128x128xf32, #tpu.memory_space<vmem>>) target(%dma_start3A_227 : memref<8192x128xf32, #tpu.memory_space<vmem_shared>>) offsets(%arg8 : memref<128xi32, #tpu.memory_space<vmem>>) semaphore(%run_scoped3A : memref<!tpu.dma_semaphore, #tpu.memory_space<semaphore_mem>>) {add = true}
        %dma_wait3A_228 = arith.constant 0 : i32
        %dma_wait3A_229 = arith.constant 0 : i32
        %dma_wait3A_230 = tpu.memref_slice %arg14[%dma_wait3A_228, %dma_wait3A_229] : memref<8192x128xf32, #tpu.memory_space<vmem_shared>> -> memref<8192x128xf32, #tpu.memory_space<vmem_shared>>
        tpu.wait_indirect_dma semaphore(%run_scoped3A : memref<!tpu.dma_semaphore, #tpu.memory_space<semaphore_mem>>) src(%arg10 : memref<128x128xf32, #tpu.memory_space<vmem>>) dst(%dma_wait3A_230 : memref<8192x128xf32, #tpu.memory_space<vmem_shared>>)
        tpu.yield
      }) : () -> ()
      %get3A_160 = arith.constant 0 : index
      %get3A_161 = tpu.vector_load %arg8[%get3A_160] {strides = array<i32>} : memref<128xi32, #tpu.memory_space<vmem>>, vector<16xi32>,
      %shift_right_arithmetic3A_162 = arith.constant 7 : i32
      %shift_right_arithmetic3A_163 = vector.broadcast %shift_right_arithmetic3A_162 : i32 to vector<16xi32>
      %shift_right_arithmetic3A_164 = arith.shrsi %get3A_161, %shift_right_arithmetic3A_163 : vector<16xi32>
      %and3A_165 = arith.constant 127 : i32
      %and3A_166 = vector.broadcast %and3A_165 : i32 to vector<16xi32>
      %and3A_167 = arith.andi %get3A_161, %and3A_166 : vector<16xi32>
      tpu.vector_store_idx %arg9[%shift_right_arithmetic3A_164, %and3A_167], %broadcast_in_dim3A_3 {add = true} : memref<64x128xf32, #tpu.memory_space<vmem>>[vector<16xi32>, vector<16xi32>], vector<16xf32>,
      %get3A_168 = arith.constant 16 : index
      %get3A_169 = tpu.vector_load %arg8[%get3A_168] {strides = array<i32>} : memref<128xi32, #tpu.memory_space<vmem>>, vector<16xi32>,
      %shift_right_arithmetic3A_170 = arith.constant 7 : i32
      %shift_right_arithmetic3A_171 = vector.broadcast %shift_right_arithmetic3A_170 : i32 to vector<16xi32>
      %shift_right_arithmetic3A_172 = arith.shrsi %get3A_169, %shift_right_arithmetic3A_171 : vector<16xi32>
      %and3A_173 = arith.constant 127 : i32
      %and3A_174 = vector.broadcast %and3A_173 : i32 to vector<16xi32>
      %and3A_175 = arith.andi %get3A_169, %and3A_174 : vector<16xi32>
      tpu.vector_store_idx %arg9[%shift_right_arithmetic3A_172, %and3A_175], %broadcast_in_dim3A_3 {add = true} : memref<64x128xf32, #tpu.memory_space<vmem>>[vector<16xi32>, vector<16xi32>], vector<16xf32>,
      %get3A_176 = arith.constant 32 : index
      %get3A_177 = tpu.vector_load %arg8[%get3A_176] {strides = array<i32>} : memref<128xi32, #tpu.memory_space<vmem>>, vector<16xi32>,
      %shift_right_arithmetic3A_178 = arith.constant 7 : i32
      %shift_right_arithmetic3A_179 = vector.broadcast %shift_right_arithmetic3A_178 : i32 to vector<16xi32>
      %shift_right_arithmetic3A_180 = arith.shrsi %get3A_177, %shift_right_arithmetic3A_179 : vector<16xi32>
      %and3A_181 = arith.constant 127 : i32
      %and3A_182 = vector.broadcast %and3A_181 : i32 to vector<16xi32>
      %and3A_183 = arith.andi %get3A_177, %and3A_182 : vector<16xi32>
      tpu.vector_store_idx %arg9[%shift_right_arithmetic3A_180, %and3A_183], %broadcast_in_dim3A_3 {add = true} : memref<64x128xf32, #tpu.memory_space<vmem>>[vector<16xi32>, vector<16xi32>], vector<16xf32>,
      %get3A_184 = arith.constant 48 : index
      %get3A_185 = tpu.vector_load %arg8[%get3A_184] {strides = array<i32>} : memref<128xi32, #tpu.memory_space<vmem>>, vector<16xi32>,
      %shift_right_arithmetic3A_186 = arith.constant 7 : i32
      %shift_right_arithmetic3A_187 = vector.broadcast %shift_right_arithmetic3A_186 : i32 to vector<16xi32>
      %shift_right_arithmetic3A_188 = arith.shrsi %get3A_185, %shift_right_arithmetic3A_187 : vector<16xi32>
      %and3A_189 = arith.constant 127 : i32
      %and3A_190 = vector.broadcast %and3A_189 : i32 to vector<16xi32>
      %and3A_191 = arith.andi %get3A_185, %and3A_190 : vector<16xi32>
      tpu.vector_store_idx %arg9[%shift_right_arithmetic3A_188, %and3A_191], %broadcast_in_dim3A_3 {add = true} : memref<64x128xf32, #tpu.memory_space<vmem>>[vector<16xi32>, vector<16xi32>], vector<16xf32>,
      %get3A_192 = arith.constant 64 : index
      %get3A_193 = tpu.vector_load %arg8[%get3A_192] {strides = array<i32>} : memref<128xi32, #tpu.memory_space<vmem>>, vector<16xi32>,
      %shift_right_arithmetic3A_194 = arith.constant 7 : i32
      %shift_right_arithmetic3A_195 = vector.broadcast %shift_right_arithmetic3A_194 : i32 to vector<16xi32>
      %shift_right_arithmetic3A_196 = arith.shrsi %get3A_193, %shift_right_arithmetic3A_195 : vector<16xi32>
      %and3A_197 = arith.constant 127 : i32
      %and3A_198 = vector.broadcast %and3A_197 : i32 to vector<16xi32>
      %and3A_199 = arith.andi %get3A_193, %and3A_198 : vector<16xi32>
      tpu.vector_store_idx %arg9[%shift_right_arithmetic3A_196, %and3A_199], %broadcast_in_dim3A_3 {add = true} : memref<64x128xf32, #tpu.memory_space<vmem>>[vector<16xi32>, vector<16xi32>], vector<16xf32>,
      %get3A_200 = arith.constant 80 : index
      %get3A_201 = tpu.vector_load %arg8[%get3A_200] {strides = array<i32>} : memref<128xi32, #tpu.memory_space<vmem>>, vector<16xi32>,
      %shift_right_arithmetic3A_202 = arith.constant 7 : i32
      %shift_right_arithmetic3A_203 = vector.broadcast %shift_right_arithmetic3A_202 : i32 to vector<16xi32>
      %shift_right_arithmetic3A_204 = arith.shrsi %get3A_201, %shift_right_arithmetic3A_203 : vector<16xi32>
      %and3A_205 = arith.constant 127 : i32
      %and3A_206 = vector.broadcast %and3A_205 : i32 to vector<16xi32>
      %and3A_207 = arith.andi %get3A_201, %and3A_206 : vector<16xi32>
      tpu.vector_store_idx %arg9[%shift_right_arithmetic3A_204, %and3A_207], %broadcast_in_dim3A_3 {add = true} : memref<64x128xf32, #tpu.memory_space<vmem>>[vector<16xi32>, vector<16xi32>], vector<16xf32>,
      %get3A_208 = arith.constant 96 : index
      %get3A_209 = tpu.vector_load %arg8[%get3A_208] {strides = array<i32>} : memref<128xi32, #tpu.memory_space<vmem>>, vector<16xi32>,
      %shift_right_arithmetic3A_210 = arith.constant 7 : i32
      %shift_right_arithmetic3A_211 = vector.broadcast %shift_right_arithmetic3A_210 : i32 to vector<16xi32>
      %shift_right_arithmetic3A_212 = arith.shrsi %get3A_209, %shift_right_arithmetic3A_211 : vector<16xi32>
      %and3A_213 = arith.constant 127 : i32
      %and3A_214 = vector.broadcast %and3A_213 : i32 to vector<16xi32>
      %and3A_215 = arith.andi %get3A_209, %and3A_214 : vector<16xi32>
      tpu.vector_store_idx %arg9[%shift_right_arithmetic3A_212, %and3A_215], %broadcast_in_dim3A_3 {add = true} : memref<64x128xf32, #tpu.memory_space<vmem>>[vector<16xi32>, vector<16xi32>], vector<16xf32>,
      %get3A_216 = arith.constant 112 : index
      %get3A_217 = tpu.vector_load %arg8[%get3A_216] {strides = array<i32>} : memref<128xi32, #tpu.memory_space<vmem>>, vector<16xi32>,
      %shift_right_arithmetic3A_218 = arith.constant 7 : i32
      %shift_right_arithmetic3A_219 = vector.broadcast %shift_right_arithmetic3A_218 : i32 to vector<16xi32>
      %shift_right_arithmetic3A_220 = arith.shrsi %get3A_217, %shift_right_arithmetic3A_219 : vector<16xi32>
      %and3A_221 = arith.constant 127 : i32
      %and3A_222 = vector.broadcast %and3A_221 : i32 to vector<16xi32>
      %and3A_223 = arith.andi %get3A_217, %and3A_222 : vector<16xi32>
      tpu.vector_store_idx %arg9[%shift_right_arithmetic3A_220, %and3A_223], %broadcast_in_dim3A_3 {add = true} : memref<64x128xf32, #tpu.memory_space<vmem>>[vector<16xi32>, vector<16xi32>], vector<16xf32>,
      %scan3A_224 = arith.constant 0 : i32
      scf.yield %scan3A_224 : i32
    }
    %scan3A_56 = arith.constant 9 : i32
    "tpu.region"() ({
      %run_scoped3A = tpu.sem_alloc : memref<!tpu.dma_semaphore, #tpu.memory_space<semaphore_mem>>
      %dma_start3A_70 = arith.constant 0 : i32
      %dma_start3A_71 = arith.constant 0 : i32
      %dma_start3A_72 = tpu.memref_slice %arg15[%dma_start3A_70, %dma_start3A_71] : memref<64x128xf32, #tpu.memory_space<vmem_shared>> -> memref<64x128xf32, #tpu.memory_space<vmem_shared>>
      tpu.enqueue_indirect_dma source(%arg9 : memref<64x128xf32, #tpu.memory_space<vmem>>) target(%dma_start3A_72 : memref<64x128xf32, #tpu.memory_space<vmem_shared>>) offsets(%arg12 : memref<64xi32, #tpu.memory_space<vmem>>) semaphore(%run_scoped3A : memref<!tpu.dma_semaphore, #tpu.memory_space<semaphore_mem>>) {add = true}
      %dma_wait3A = arith.constant 0 : i32
      %dma_wait3A_73 = arith.constant 0 : i32
      %dma_wait3A_74 = tpu.memref_slice %arg15[%dma_wait3A, %dma_wait3A_73] : memref<64x128xf32, #tpu.memory_space<vmem_shared>> -> memref<64x128xf32, #tpu.memory_space<vmem_shared>>
      tpu.wait_indirect_dma semaphore(%run_scoped3A : memref<!tpu.dma_semaphore, #tpu.memory_space<semaphore_mem>>) src(%arg9 : memref<64x128xf32, #tpu.memory_space<vmem>>) dst(%dma_wait3A_74 : memref<64x128xf32, #tpu.memory_space<vmem_shared>>)
      tpu.yield
    }) : () -> ()
    %barrier3A_57 = arith.constant 0 : index
    tpu.barrier barrier_id(%barrier3A_57)
    %scan3A_58 = arith.constant 0 : i32
    %scan3A_59 = arith.constant 0 : i32
    %scan3A_60 = arith.constant 4 : i32
    %scan3A_61 = arith.addi %scan3A_59, %scan3A_60 : i32
    %scan3A_62 = arith.constant 1 : i32
    %scan3A_63 = scf.for %scan3A_70 = %scan3A_59 to %scan3A_61 step %scan3A_62 iter_args(%scan3A_71 = %scan3A_58) -> (i32)  : i32 {
      %mul3A_72 = arith.constant 512 : i32
      %mul3A_73 = arith.muli %arg1, %mul3A_72 : i32
      %mul3A_74 = arith.constant 128 : i32
      %mul3A_75 = arith.muli %scan3A_70, %mul3A_74 : i32
      %add3A_76 = arith.addi %mul3A_73, %mul3A_75 : i32
      "tpu.region"() ({
        %run_scoped3A = tpu.sem_alloc : memref<!tpu.dma_semaphore, #tpu.memory_space<semaphore_mem>>
        %dma_start3A_78 = arith.constant 0 : i32
        %dma_start3A_79 = tpu.memref_slice %arg14[%add3A_76, %dma_start3A_78] : memref<8192x128xf32, #tpu.memory_space<vmem_shared>> -> memref<128x128xf32, #tpu.memory_space<vmem_shared>>
        %dma_start3A_80 = arith.constant 0 : i32
        %dma_start3A_81 = tpu.memref_slice %arg14[%add3A_76, %dma_start3A_80] : memref<8192x128xf32, #tpu.memory_space<vmem_shared>> -> memref<128x128xf32, #tpu.memory_space<vmem_shared>>
        tpu.enqueue_dma source(%dma_start3A_81 : memref<128x128xf32, #tpu.memory_space<vmem_shared>>) target(%arg11 : memref<128x128xf32, #tpu.memory_space<vmem>>) target_semaphore(%run_scoped3A : memref<!tpu.dma_semaphore, #tpu.memory_space<semaphore_mem>>)
        %dma_wait3A = arith.constant 0 : i32
        %dma_wait3A_82 = tpu.memref_slice %arg14[%add3A_76, %dma_wait3A] : memref<8192x128xf32, #tpu.memory_space<vmem_shared>> -> memref<128x128xf32, #tpu.memory_space<vmem_shared>>
        %dma_wait3A_83 = arith.constant 0 : i32
        %dma_wait3A_84 = tpu.memref_slice %arg14[%add3A_76, %dma_wait3A_83] : memref<8192x128xf32, #tpu.memory_space<vmem_shared>> -> memref<128x128xf32, #tpu.memory_space<vmem_shared>>
        tpu.wait_dma2 semaphore(%run_scoped3A : memref<!tpu.dma_semaphore, #tpu.memory_space<semaphore_mem>>) src(%dma_wait3A_84 : memref<128x128xf32, #tpu.memory_space<vmem_shared>>) dst(%arg11 : memref<128x128xf32, #tpu.memory_space<vmem>>)
        tpu.yield
      }) : () -> ()
      "tpu.region"() ({
        %run_scoped3A = tpu.sem_alloc : memref<!tpu.dma_semaphore, #tpu.memory_space<semaphore_mem>>
        %dma_start3A_78 = arith.constant 0 : i32
        %dma_start3A_79 = tpu.memref_slice %arg4[%arg0, %add3A_76, %dma_start3A_78] : memref<2x8192x128xf32, #tpu.memory_space<hbm>> -> memref<1x128x128xf32, #tpu.memory_space<hbm>>
        %dma_start3A_80 = tpu.memref_squeeze %dma_start3A_79 : memref<1x128x128xf32, #tpu.memory_space<hbm>> -> memref<128x128xf32, #tpu.memory_space<hbm>>
        %dma_start3A_81 = arith.constant 0 : i32
        %dma_start3A_82 = tpu.memref_slice %arg4[%arg0, %add3A_76, %dma_start3A_81] : memref<2x8192x128xf32, #tpu.memory_space<hbm>> -> memref<1x128x128xf32, #tpu.memory_space<hbm>>
        %dma_start3A_83 = tpu.memref_squeeze %dma_start3A_82 : memref<1x128x128xf32, #tpu.memory_space<hbm>> -> memref<128x128xf32, #tpu.memory_space<hbm>>
        tpu.enqueue_dma source(%arg11 : memref<128x128xf32, #tpu.memory_space<vmem>>) target(%dma_start3A_83 : memref<128x128xf32, #tpu.memory_space<hbm>>) target_semaphore(%run_scoped3A : memref<!tpu.dma_semaphore, #tpu.memory_space<semaphore_mem>>)
        %dma_wait3A = arith.constant 0 : i32
        %dma_wait3A_84 = tpu.memref_slice %arg4[%arg0, %add3A_76, %dma_wait3A] : memref<2x8192x128xf32, #tpu.memory_space<hbm>> -> memref<1x128x128xf32, #tpu.memory_space<hbm>>
        %dma_wait3A_85 = tpu.memref_squeeze %dma_wait3A_84 : memref<1x128x128xf32, #tpu.memory_space<hbm>> -> memref<128x128xf32, #tpu.memory_space<hbm>>
        %dma_wait3A_86 = arith.constant 0 : i32
        %dma_wait3A_87 = tpu.memref_slice %arg4[%arg0, %add3A_76, %dma_wait3A_86] : memref<2x8192x128xf32, #tpu.memory_space<hbm>> -> memref<1x128x128xf32, #tpu.memory_space<hbm>>
        %dma_wait3A_88 = tpu.memref_squeeze %dma_wait3A_87 : memref<1x128x128xf32, #tpu.memory_space<hbm>> -> memref<128x128xf32, #tpu.memory_space<hbm>>
        tpu.wait_dma2 semaphore(%run_scoped3A : memref<!tpu.dma_semaphore, #tpu.memory_space<semaphore_mem>>) src(%arg11 : memref<128x128xf32, #tpu.memory_space<vmem>>) dst(%dma_wait3A_88 : memref<128x128xf32, #tpu.memory_space<hbm>>)
        tpu.yield
      }) : () -> ()
      %scan3A_77 = arith.constant 0 : i32
      scf.yield %scan3A_77 : i32
    }
    %scan3A_64 = arith.constant 4 : i32
    %eq3A_65 = arith.constant 0 : i32
    %eq3A_66 = arith.cmpi eq, %arg1, %eq3A_65 : i32
    %convert_element_type3A_67 = arith.extui %eq3A_66 : i1 to i32
    %cond3A_68 = arith.constant 0 : i32
    %cond3A_69 = arith.cmpi ne, %convert_element_type3A_67, %cond3A_68 : i32
    scf.if %cond3A_69 {
      "tpu.region"() ({
        %run_scoped3A = tpu.sem_alloc : memref<!tpu.dma_semaphore, #tpu.memory_space<semaphore_mem>>
        tpu.enqueue_dma source(%arg15 : memref<64x128xf32, #tpu.memory_space<vmem_shared>>) target(%arg9 : memref<64x128xf32, #tpu.memory_space<vmem>>) target_semaphore(%run_scoped3A : memref<!tpu.dma_semaphore, #tpu.memory_space<semaphore_mem>>)
        tpu.wait_dma2 semaphore(%run_scoped3A : memref<!tpu.dma_semaphore, #tpu.memory_space<semaphore_mem>>) src(%arg15 : memref<64x128xf32, #tpu.memory_space<vmem_shared>>) dst(%arg9 : memref<64x128xf32, #tpu.memory_space<vmem>>)
        tpu.yield
      }) : () -> ()
      "tpu.region"() ({
        %run_scoped3A = tpu.sem_alloc : memref<!tpu.dma_semaphore, #tpu.memory_space<semaphore_mem>>
        %dma_start3A_70 = arith.constant 0 : i32
        %dma_start3A_71 = arith.constant 0 : i32
        %dma_start3A_72 = tpu.memref_slice %arg5[%arg0, %dma_start3A_70, %dma_start3A_71] : memref<2x64x128xf32, #tpu.memory_space<hbm>> -> memref<1x64x128xf32, #tpu.memory_space<hbm>>
        %dma_start3A_73 = tpu.memref_squeeze %dma_start3A_72 : memref<1x64x128xf32, #tpu.memory_space<hbm>> -> memref<64x128xf32, #tpu.memory_space<hbm>>
        %dma_start3A_74 = arith.constant 0 : i32
        %dma_start3A_75 = arith.constant 0 : i32
        %dma_start3A_76 = tpu.memref_slice %arg5[%arg0, %dma_start3A_74, %dma_start3A_75] : memref<2x64x128xf32, #tpu.memory_space<hbm>> -> memref<1x64x128xf32, #tpu.memory_space<hbm>>
        %dma_start3A_77 = tpu.memref_squeeze %dma_start3A_76 : memref<1x64x128xf32, #tpu.memory_space<hbm>> -> memref<64x128xf32, #tpu.memory_space<hbm>>
        tpu.enqueue_dma source(%arg9 : memref<64x128xf32, #tpu.memory_space<vmem>>) target(%dma_start3A_77 : memref<64x128xf32, #tpu.memory_space<hbm>>) target_semaphore(%run_scoped3A : memref<!tpu.dma_semaphore, #tpu.memory_space<semaphore_mem>>)
        %dma_wait3A = arith.constant 0 : i32
        %dma_wait3A_78 = arith.constant 0 : i32
        %dma_wait3A_79 = tpu.memref_slice %arg5[%arg0, %dma_wait3A, %dma_wait3A_78] : memref<2x64x128xf32, #tpu.memory_space<hbm>> -> memref<1x64x128xf32, #tpu.memory_space<hbm>>
        %dma_wait3A_80 = tpu.memref_squeeze %dma_wait3A_79 : memref<1x64x128xf32, #tpu.memory_space<hbm>> -> memref<64x128xf32, #tpu.memory_space<hbm>>
        %dma_wait3A_81 = arith.constant 0 : i32
        %dma_wait3A_82 = arith.constant 0 : i32
        %dma_wait3A_83 = tpu.memref_slice %arg5[%arg0, %dma_wait3A_81, %dma_wait3A_82] : memref<2x64x128xf32, #tpu.memory_space<hbm>> -> memref<1x64x128xf32, #tpu.memory_space<hbm>>
        %dma_wait3A_84 = tpu.memref_squeeze %dma_wait3A_83 : memref<1x64x128xf32, #tpu.memory_space<hbm>> -> memref<64x128xf32, #tpu.memory_space<hbm>>
        tpu.wait_dma2 semaphore(%run_scoped3A : memref<!tpu.dma_semaphore, #tpu.memory_space<semaphore_mem>>) src(%arg9 : memref<64x128xf32, #tpu.memory_space<vmem>>) dst(%dma_wait3A_84 : memref<64x128xf32, #tpu.memory_space<hbm>>)
        tpu.yield
      }) : () -> ()
    } else {
    }
    return
  }
}

module attributes {stable_mosaic.version = 14 : i64} {
  func.func @_k1_body(%arg0: i32, %arg1: memref<2048x3xf32, #tpu.memory_space<vmem>>, %arg2: memref<3x128xf32, #tpu.memory_space<vmem>>, %arg3: memref<3x1xf32, #tpu.memory_space<vmem>>, %arg4: memref<2048x128xf32, #tpu.memory_space<vmem>>, %arg5: memref<2048x1xf32, #tpu.memory_space<vmem>>) attributes {dimension_semantics = [#tpu.dimension_semantics<arbitrary>], iteration_bounds = array<i64: 36>, scalar_prefetch = 0 : i64, scratch_operands = 0 : i64, tpu.core_type = #tpu.core_type<tc>, window_params = [{transform_indices = @transform_0, window_bounds = array<i64: 2048, 3>}, {pipeline_mode = #tpu.pipeline_mode<synchronous>, transform_indices = @transform_1, window_bounds = array<i64: 3, 128>}, {pipeline_mode = #tpu.pipeline_mode<synchronous>, transform_indices = @transform_2, window_bounds = array<i64: 3, 1>}, {transform_indices = @transform_3, window_bounds = array<i64: 2048, 128>}, {transform_indices = @transform_4, window_bounds = array<i64: 2048, 1>}]} {
    %get3A = arith.constant 0 : index
    %get3A_0 = arith.constant 0 : index
    %get3A_1 = vector.load %arg1[%get3A, %get3A_0] : memref<2048x3xf32, #tpu.memory_space<vmem>>, vector<2048x3xf32>
    %get3A_2 = arith.constant 0 : index
    %get3A_3 = arith.constant 0 : index
    %get3A_4 = vector.load %arg2[%get3A_2, %get3A_3] : memref<3x128xf32, #tpu.memory_space<vmem>>, vector<3x128xf32>
    %dot_general3A = arith.constant dense<0.000000e+00> : vector<2048x128xf32>
    %dot_general3A_5 = tpu.matmul %get3A_1, %get3A_4, %dot_general3A {dimension_numbers = #tpu.dot_dimension_numbers<[1], [0], [0], [1], [0, 0, 1, 1], [], []>, transpose_lhs_hint = false} : vector<2048x3xf32>, vector<3x128xf32>, vector<2048x128xf32> -> vector<2048x128xf32>
    %swap3A = arith.constant 0 : index
    %swap3A_6 = arith.constant 0 : index
    %swap3A_7 = vector.load %arg4[%swap3A, %swap3A_6] : memref<2048x128xf32, #tpu.memory_space<vmem>>, vector<2048x128xf32>
    tpu.vector_store %arg4[%swap3A, %swap3A_6], %dot_general3A_5 {strides = array<i32>} : memref<2048x128xf32, #tpu.memory_space<vmem>>, vector<2048x128xf32>,
    %get3A_8 = arith.constant 0 : index
    %get3A_9 = arith.constant 0 : index
    %get3A_10 = vector.load %arg3[%get3A_8, %get3A_9] : memref<3x1xf32, #tpu.memory_space<vmem>>, vector<3x1xf32>
    %dot_general3A_11 = arith.constant dense<0.000000e+00> : vector<2048x1xf32>
    %dot_general3A_12 = tpu.matmul %get3A_1, %get3A_10, %dot_general3A_11 {dimension_numbers = #tpu.dot_dimension_numbers<[1], [0], [0], [1], [0, 0, 1, 1], [], []>, transpose_lhs_hint = false} : vector<2048x3xf32>, vector<3x1xf32>, vector<2048x1xf32> -> vector<2048x1xf32>
    %swap3A_13 = arith.constant 0 : index
    %swap3A_14 = arith.constant 0 : index
    %swap3A_15 = vector.load %arg5[%swap3A_13, %swap3A_14] : memref<2048x1xf32, #tpu.memory_space<vmem>>, vector<2048x1xf32>
    tpu.vector_store %arg5[%swap3A_13, %swap3A_14], %dot_general3A_12 {strides = array<i32>} : memref<2048x1xf32, #tpu.memory_space<vmem>>, vector<2048x1xf32>,
    return
  }
  func.func @transform_0(%arg0: i32) -> (i32, i32) {
    %c0_i32 = arith.constant 0 : i32
    %c0_i32_0 = arith.constant 0 : i32
    return %arg0, %c0_i32 : i32, i32
  }
  func.func @transform_1(%arg0: i32) -> (i32, i32) {
    %c0_i32 = arith.constant 0 : i32
    %c0_i32_0 = arith.constant 0 : i32
    %c0_i32_1 = arith.constant 0 : i32
    return %c0_i32, %c0_i32_0 : i32, i32
  }
  func.func @transform_2(%arg0: i32) -> (i32, i32) {
    %c0_i32 = arith.constant 0 : i32
    %c0_i32_0 = arith.constant 0 : i32
    %c0_i32_1 = arith.constant 0 : i32
    return %c0_i32, %c0_i32_0 : i32, i32
  }
  func.func @transform_3(%arg0: i32) -> (i32, i32) {
    %c0_i32 = arith.constant 0 : i32
    %c0_i32_0 = arith.constant 0 : i32
    return %arg0, %c0_i32 : i32, i32
  }
  func.func @transform_4(%arg0: i32) -> (i32, i32) {
    %c0_i32 = arith.constant 0 : i32
    %c0_i32_0 = arith.constant 0 : i32
    return %arg0, %c0_i32 : i32, i32
  }
}

module attributes {stable_mosaic.version = 14 : i64} {
  func.func @_k4_body(%arg0: i32, %arg1: memref<2x256x128xf32, #tpu.memory_space<vmem>>, %arg2: memref<2x256x1xf32, #tpu.memory_space<vmem>>, %arg3: memref<256x128xf32, #tpu.memory_space<vmem>>) attributes {dimension_semantics = [#tpu.dimension_semantics<arbitrary>], iteration_bounds = array<i64: 32>, scalar_prefetch = 0 : i64, scratch_operands = 0 : i64, tpu.core_type = #tpu.core_type<tc>, window_params = [{transform_indices = @transform_0, window_bounds = array<i64: 2, 256, 128>}, {transform_indices = @transform_1, window_bounds = array<i64: 2, 256, 1>}, {transform_indices = @transform_2, window_bounds = array<i64: 256, 128>}]} {
    %get3A = arith.constant 0 : index
    %get3A_0 = arith.constant 0 : index
    %get3A_1 = arith.constant 0 : index
    %get3A_2 = vector.load %arg1[%get3A, %get3A_0, %get3A_1] : memref<2x256x128xf32, #tpu.memory_space<vmem>>, vector<1x256x128xf32>
    %get3A_3 = vector.shape_cast %get3A_2 : vector<1x256x128xf32> to vector<256x128xf32>
    %get3A_4 = arith.constant 1 : index
    %get3A_5 = arith.constant 0 : index
    %get3A_6 = arith.constant 0 : index
    %get3A_7 = vector.load %arg1[%get3A_4, %get3A_5, %get3A_6] : memref<2x256x128xf32, #tpu.memory_space<vmem>>, vector<1x256x128xf32>
    %get3A_8 = vector.shape_cast %get3A_7 : vector<1x256x128xf32> to vector<256x128xf32>
    %add3A = arith.addf %get3A_3, %get3A_8 : vector<256x128xf32>
    %get3A_9 = arith.constant 0 : index
    %get3A_10 = arith.constant 0 : index
    %get3A_11 = arith.constant 0 : index
    %get3A_12 = vector.load %arg2[%get3A_9, %get3A_10, %get3A_11] : memref<2x256x1xf32, #tpu.memory_space<vmem>>, vector<1x256x1xf32>
    %get3A_13 = vector.shape_cast %get3A_12 : vector<1x256x1xf32> to vector<256x1xf32>
    %get3A_14 = arith.constant 1 : index
    %get3A_15 = arith.constant 0 : index
    %get3A_16 = arith.constant 0 : index
    %get3A_17 = vector.load %arg2[%get3A_14, %get3A_15, %get3A_16] : memref<2x256x1xf32, #tpu.memory_space<vmem>>, vector<1x256x1xf32>
    %get3A_18 = vector.shape_cast %get3A_17 : vector<1x256x1xf32> to vector<256x1xf32>
    %add3A_19 = arith.addf %get3A_13, %get3A_18 : vector<256x1xf32>
    %max3A = arith.constant 1.000000e+00 : f32
    %max3A_20 = vector.broadcast %max3A : f32 to vector<256x1xf32>
    %max3A_21 = arith.maximumf %add3A_19, %max3A_20 : vector<256x1xf32>
    %div3A = vector.broadcast %max3A_21 : vector<256x1xf32> to vector<256x128xf32>
    %div3A_22 = arith.divf %add3A, %div3A : vector<256x128xf32>
    %swap3A = arith.constant 0 : index
    %swap3A_23 = arith.constant 0 : index
    %swap3A_24 = vector.load %arg3[%swap3A, %swap3A_23] : memref<256x128xf32, #tpu.memory_space<vmem>>, vector<256x128xf32>
    tpu.vector_store %arg3[%swap3A, %swap3A_23], %div3A_22 {strides = array<i32>} : memref<256x128xf32, #tpu.memory_space<vmem>>, vector<256x128xf32>,
    return
  }
  func.func @transform_0(%arg0: i32) -> (i32, i32, i32) {
    %c0_i32 = arith.constant 0 : i32
    %c0_i32_0 = arith.constant 0 : i32
    %c0_i32_1 = arith.constant 0 : i32
    return %c0_i32, %arg0, %c0_i32_0 : i32, i32, i32
  }
  func.func @transform_1(%arg0: i32) -> (i32, i32, i32) {
    %c0_i32 = arith.constant 0 : i32
    %c0_i32_0 = arith.constant 0 : i32
    %c0_i32_1 = arith.constant 0 : i32
    return %c0_i32, %arg0, %c0_i32_0 : i32, i32, i32
  }
  func.func @transform_2(%arg0: i32) -> (i32, i32) {
    %c0_i32 = arith.constant 0 : i32
    %c0_i32_0 = arith.constant 0 : i32
    return %arg0, %c0_i32 : i32, i32
  }
}

module attributes {stable_mosaic.version = 14 : i64} {
  func.func @_k6_body(%arg0: i32, %arg1: memref<2x256x128xf32, #tpu.memory_space<vmem>>, %arg2: memref<2x256x1xf32, #tpu.memory_space<vmem>>, %arg3: memref<256x128xf32, #tpu.memory_space<vmem>>, %arg4: memref<128x128xf32, #tpu.memory_space<vmem>>, %arg5: memref<256x128xf32, #tpu.memory_space<vmem>>) attributes {dimension_semantics = [#tpu.dimension_semantics<arbitrary>], iteration_bounds = array<i64: 32>, scalar_prefetch = 0 : i64, scratch_operands = 0 : i64, tpu.core_type = #tpu.core_type<tc>, window_params = [{transform_indices = @transform_0, window_bounds = array<i64: 2, 256, 128>}, {transform_indices = @transform_1, window_bounds = array<i64: 2, 256, 1>}, {transform_indices = @transform_2, window_bounds = array<i64: 256, 128>}, {pipeline_mode = #tpu.pipeline_mode<synchronous>, transform_indices = @transform_3, window_bounds = array<i64: 128, 128>}, {transform_indices = @transform_4, window_bounds = array<i64: 256, 128>}]} {
    %get3A = arith.constant 0 : index
    %get3A_0 = arith.constant 0 : index
    %get3A_1 = arith.constant 0 : index
    %get3A_2 = vector.load %arg1[%get3A, %get3A_0, %get3A_1] : memref<2x256x128xf32, #tpu.memory_space<vmem>>, vector<1x256x128xf32>
    %get3A_3 = vector.shape_cast %get3A_2 : vector<1x256x128xf32> to vector<256x128xf32>
    %get3A_4 = arith.constant 1 : index
    %get3A_5 = arith.constant 0 : index
    %get3A_6 = arith.constant 0 : index
    %get3A_7 = vector.load %arg1[%get3A_4, %get3A_5, %get3A_6] : memref<2x256x128xf32, #tpu.memory_space<vmem>>, vector<1x256x128xf32>
    %get3A_8 = vector.shape_cast %get3A_7 : vector<1x256x128xf32> to vector<256x128xf32>
    %add3A = arith.addf %get3A_3, %get3A_8 : vector<256x128xf32>
    %get3A_9 = arith.constant 0 : index
    %get3A_10 = arith.constant 0 : index
    %get3A_11 = arith.constant 0 : index
    %get3A_12 = vector.load %arg2[%get3A_9, %get3A_10, %get3A_11] : memref<2x256x1xf32, #tpu.memory_space<vmem>>, vector<1x256x1xf32>
    %get3A_13 = vector.shape_cast %get3A_12 : vector<1x256x1xf32> to vector<256x1xf32>
    %get3A_14 = arith.constant 1 : index
    %get3A_15 = arith.constant 0 : index
    %get3A_16 = arith.constant 0 : index
    %get3A_17 = vector.load %arg2[%get3A_14, %get3A_15, %get3A_16] : memref<2x256x1xf32, #tpu.memory_space<vmem>>, vector<1x256x1xf32>
    %get3A_18 = vector.shape_cast %get3A_17 : vector<1x256x1xf32> to vector<256x1xf32>
    %add3A_19 = arith.addf %get3A_13, %get3A_18 : vector<256x1xf32>
    %max3A = arith.constant 1.000000e+00 : f32
    %max3A_20 = vector.broadcast %max3A : f32 to vector<256x1xf32>
    %max3A_21 = arith.maximumf %add3A_19, %max3A_20 : vector<256x1xf32>
    %div3A = vector.broadcast %max3A_21 : vector<256x1xf32> to vector<256x128xf32>
    %div3A_22 = arith.divf %add3A, %div3A : vector<256x128xf32>
    %get3A_23 = arith.constant 0 : index
    %get3A_24 = arith.constant 0 : index
    %get3A_25 = vector.load %arg3[%get3A_23, %get3A_24] : memref<256x128xf32, #tpu.memory_space<vmem>>, vector<256x128xf32>
    %add3A_26 = arith.addf %div3A_22, %get3A_25 : vector<256x128xf32>
    %get3A_27 = arith.constant 0 : index
    %get3A_28 = arith.constant 0 : index
    %get3A_29 = vector.load %arg4[%get3A_27, %get3A_28] : memref<128x128xf32, #tpu.memory_space<vmem>>, vector<128x128xf32>
    %dot_general3A = arith.constant dense<0.000000e+00> : vector<256x128xf32>
    %dot_general3A_30 = tpu.matmul %add3A_26, %get3A_29, %dot_general3A {dimension_numbers = #tpu.dot_dimension_numbers<[1], [0], [0], [1], [0, 0, 1, 1], [], []>, transpose_lhs_hint = false} : vector<256x128xf32>, vector<128x128xf32>, vector<256x128xf32> -> vector<256x128xf32>
    %max3A_31 = arith.constant 0.000000e+00 : f32
    %max3A_32 = vector.broadcast %max3A_31 : f32 to vector<256x128xf32>
    %max3A_33 = arith.maximumf %dot_general3A_30, %max3A_32 : vector<256x128xf32>
    %swap3A = arith.constant 0 : index
    %swap3A_34 = arith.constant 0 : index
    %swap3A_35 = vector.load %arg5[%swap3A, %swap3A_34] : memref<256x128xf32, #tpu.memory_space<vmem>>, vector<256x128xf32>
    tpu.vector_store %arg5[%swap3A, %swap3A_34], %max3A_33 {strides = array<i32>} : memref<256x128xf32, #tpu.memory_space<vmem>>, vector<256x128xf32>,
    return
  }
  func.func @transform_0(%arg0: i32) -> (i32, i32, i32) {
    %c0_i32 = arith.constant 0 : i32
    %c0_i32_0 = arith.constant 0 : i32
    %c0_i32_1 = arith.constant 0 : i32
    return %c0_i32, %arg0, %c0_i32_0 : i32, i32, i32
  }
  func.func @transform_1(%arg0: i32) -> (i32, i32, i32) {
    %c0_i32 = arith.constant 0 : i32
    %c0_i32_0 = arith.constant 0 : i32
    %c0_i32_1 = arith.constant 0 : i32
    return %c0_i32, %arg0, %c0_i32_0 : i32, i32, i32
  }
  func.func @transform_2(%arg0: i32) -> (i32, i32) {
    %c0_i32 = arith.constant 0 : i32
    %c0_i32_0 = arith.constant 0 : i32
    return %arg0, %c0_i32 : i32, i32
  }
  func.func @transform_3(%arg0: i32) -> (i32, i32) {
    %c0_i32 = arith.constant 0 : i32
    %c0_i32_0 = arith.constant 0 : i32
    %c0_i32_1 = arith.constant 0 : i32
    return %c0_i32, %c0_i32_0 : i32, i32
  }
  func.func @transform_4(%arg0: i32) -> (i32, i32) {
    %c0_i32 = arith.constant 0 : i32
    %c0_i32_0 = arith.constant 0 : i32
    return %arg0, %c0_i32 : i32, i32
  }
}

</mosaic_0001>

<sc_bundles>
// kernel: kernel.11.cloned.1.call-start
scs
__scs_entry_jumppad:
0x0: {  	(pc) =	sbr.rel $0x88, $3  }
0x1: {  	(tag) =	ssettag $0x0;
	lr =	simm.s32 $0x1  }
0x2: {  	[smem:$0x3F9B] =	sst lr;
	_ =	strace $0xD0000000  }
0x3: {  	_ = 	snop  }
0x4: {  	_ = 	snop  }
0x5: {  	_ = 	snop  }
0x6: {  	_ = 	snop  }
0x7: {  	_ = 	snop  }
__scs_overlays_trampoline_lowered:
0x8: {  	[smem:$0x3FAA] =	sst s0  }
0x9: {  	[smem:$0x3FAB] =	sst s1  }
0xa: {  	[smem:$0x3FAC] =	sst s2  }
0xb: {  	[smem:$0x3FAD] =	sst s3  }
0xc: {  	[smem:$0x3FAE] =	sst s4  }
0xd: {  	[smem:$0x3FAF] =	sst s5  }
0xe: {  	[smem:$0x3FB0] =	sst s6  }
0xf: {  	[smem:$0x3FB1] =	sst s7  }
0x10: {  	[smem:$0x3FB2] =	sst s8  }
0x11: {  	[smem:$0x3FB3] =	sst s9;
	s0 =	simm.s32 @!p0 $0x0  }
0x12: {  	s1 =	sld [smem:$0x3F99];
	s0 =	simm.s32 @p0 $0x1  }
0x13: {  	[smem:$0x3FB4] =	sst s0;
	s0 =	simm.s32 @!p1 $0x0  }
0x14: {  	s2 =	sld [smem:$0x3F98];
	s0 =	simm.s32 @p1 $0x1  }
0x15: {  	[smem:$0x3FB5] =	sst s0;
	s0 =	simm.s32 @!p2 $0x0  }
0x16: {  	s3 =	sld [smem:$0x3FDB];
	s0 =	simm.s32 @p2 $0x1  }
0x17: {  	s4 =	simm.s32 $0x1BF5;
	[smem:$0x3FB7] =	sst s0  }
0x18: {  	s0 =	sld [smem:$0x3F9A];
	_ =	swait.ge [sflag:s4], $0x0  }
0x19: {  	s7 =	sld [smem:$0x3F9B]  }
0x1a: {  	s8 =	sadd.s32 $0xFFFFE003, lr  }
0x1b: {  	s9 =	sadd.s32 $0xFFFFFEF7, lr;
	s5 =	simm.s32 $0xFFFFFFFF;
	p2 =	slt.u32 s8, $0xFFFFF086  }
0x1c: {  	p1 =	slt.u32 s9, $0xF7A;
	s5 =	simm.s32 @!p2 $0x0  }
0x1d: {  	s5 =	simm.s32 @p1 $0x1;
	p0 =	seq.s32 s7, s2  }
0x1e: {  	s7 =	smul.u32 @!p0 $0xF7A, s2;
	p2 =	seq.s32 @!p0 s5, $0x0  }
0x1f: {  	s9 =	smul.u32 $0xF7A, s1;
	s8 =	simm.s32 @!p0 $0x1BF5;
	p2 =	por !p2, p0  }
0x20: {  	[sflag:s8] =	ssyncset.s32 @!p0 $0xFFFFF086;
	s6 =	sadd.s32 @!p0 s3, s7;
	s7 =	simm.s32 @!p0 $0x108  }
0x21: {  	s3 =	sadd.s32 s3, s9;
	s6 =	sadd.s32 @!p0 $0x88, s6;
	s7 =	simm.s32 @p2 $0x1082  }
0x22: {  	[simem:s7], [sflag:s8] =	dma.local @!p0 [hbm:s6], $0xF7A  }
0x23: {  	s9 =	sor.u32 $0xD0000000, s2;
	s6 =	simm.s32 $0x108;
	_ =	swait.ge @!p0 [sflag:s8], $0x0  }
0x24: {  	s3 =	sadd.s32 $0x88, s3;
	s6 =	simm.s32 @!p1 $0x1082;
	[sflag:s4] =	ssyncset.s32 $0xFFFFF086  }
0x25: {  	[simem:s6], [sflag:s4] =	dma.local [hbm:s3], $0xF7A  }
0x26: {  	[smem:$0x3F9B] =	sst s1;
	(tag) =	ssettag s2;
	_ =	strace s9  }
0x27: {  	s1 =	sld [smem:$0x3FAB]  }
0x28: {  	s2 =	sld [smem:$0x3FAC]  }
0x29: {  	s4 =	sld [smem:$0x3FAE]  }
0x2a: {  	p0 =	seq.s32 s5, $0x0;
	s5 =	sld [smem:$0x3FAF]  }
0x2b: {  	s6 =	sld [smem:$0x3FB0]  }
0x2c: {  	s7 =	sld [smem:$0x3FB1]  }
0x2d: {  	s3 =	simm.s32 $0x108;
	s8 =	sld [smem:$0x3FB2]  }
0x2e: {  	s3 =	simm.s32 @!p0 $0x1082;
	s9 =	sld [smem:$0x3FB3]  }
0x2f: {  	lr =	sadd.s32 s0, s3;
	s0 =	sld [smem:$0x3FAA]  }
0x30: {  	s3 =	sld [smem:$0x3FAD]  }
0x31: {  	[smem:$0x3FB6] =	sst s10  }
0x32: {  	s10 =	sld [smem:$0x3FB4];
	_ =	sdelay $0x3  }
0x33: {  	p0 =	seq.s32 s10, $0x1;
	s10 =	sld [smem:$0x3FB6];
	_ =	sdelay $0x3  }
0x34: {  	[smem:$0x3FB6] =	sst s10  }
0x35: {  	s10 =	sld [smem:$0x3FB5];
	_ =	sdelay $0x3  }
0x36: {  	p1 =	seq.s32 s10, $0x1;
	s10 =	sld [smem:$0x3FB6];
	_ =	sdelay $0x3  }
0x37: {  	[smem:$0x3FB6] =	sst s10  }
0x38: {  	s10 =	sld [smem:$0x3FB7]  }
0x39: {  	_ = 	snop;
	(pc) =	sbr.ind lr, $3  }
0x3a: {  	_ = 	snop  }
0x3b: {  	_ = 	snop  }
0x3c: {  	p2 =	seq.s32 s10, $0x1;
	s10 =	sld [smem:$0x3FB6]  }
0x3d: {  	_ =	shalt  }
0x3e: {  	_ =	shalt  }
0x3f: {  	_ =	shalt  }
0x40: {  	_ =	shalt  }
0x41: {  	_ =	shalt  }
0x42: {  	_ =	shalt  }
0x43: {  	_ =	shalt  }
0x44: {  	_ =	shalt  }
0x45: {  	_ =	shalt  }
0x46: {  	_ =	shalt  }
0x47: {  	_ =	shalt  }
0x48: {  	_ =	shalt  }
0x49: {  	_ =	shalt  }
0x4a: {  	_ =	shalt  }
0x4b: {  	_ =	shalt  }
0x4c: {  	_ =	shalt  }
0x4d: {  	_ =	shalt  }
0x4e: {  	_ =	shalt  }
0x4f: {  	_ =	shalt  }
0x50: {  	_ =	shalt  }
0x51: {  	_ =	shalt  }
0x52: {  	_ =	shalt  }
0x53: {  	_ =	shalt  }
0x54: {  	_ =	shalt  }
0x55: {  	_ =	shalt  }
0x56: {  	_ =	shalt  }
0x57: {  	_ =	shalt  }
0x58: {  	_ =	shalt  }
0x59: {  	_ =	shalt  }
0x5a: {  	_ =	shalt  }
0x5b: {  	_ =	shalt  }
0x5c: {  	_ =	shalt  }
0x5d: {  	_ =	shalt  }
0x5e: {  	_ =	shalt  }
0x5f: {  	_ =	shalt  }
0x60: {  	_ =	shalt  }
0x61: {  	_ =	shalt  }
0x62: {  	_ =	shalt  }
0x63: {  	_ =	shalt  }
0x64: {  	_ =	shalt  }
0x65: {  	_ =	shalt  }
0x66: {  	_ =	shalt  }
0x67: {  	_ =	shalt  }
0x68: {  	_ =	shalt  }
0x69: {  	_ =	shalt  }
0x6a: {  	_ =	shalt  }
0x6b: {  	_ =	shalt  }
0x6c: {  	_ =	shalt  }
0x6d: {  	_ =	shalt  }
0x6e: {  	_ =	shalt  }
0x6f: {  	_ =	shalt  }
0x70: {  	_ =	shalt  }
0x71: {  	_ =	shalt  }
0x72: {  	_ =	shalt  }
0x73: {  	_ =	shalt  }
0x74: {  	_ =	shalt  }
0x75: {  	_ =	shalt  }
0x76: {  	_ =	shalt  }
0x77: {  	_ =	shalt  }
0x78: {  	_ =	shalt  }
0x79: {  	_ =	shalt  }
0x7a: {  	_ =	shalt  }
0x7b: {  	_ =	shalt  }
0x7c: {  	_ =	shalt  }
0x7d: {  	_ =	shalt  }
0x7e: {  	_ =	shalt  }
0x7f: {  	_ =	shalt  }
0x80: {  	_ =	shalt  }
0x81: {  	_ =	shalt  }
0x82: {  	_ =	shalt  }
0x83: {  	_ =	shalt  }
0x84: {  	_ =	shalt  }
0x85: {  	_ =	shalt  }
0x86: {  	_ =	shalt  }
0x87: {  	_ =	shalt  }
.Lfunc_end0:
.L_simem_size_0:
called_computation.1_lowered:
.L_overlay_start_0:
0x88: {  	s2 =	sld [smem:$0x3FD9]  }
0x89: {  	s3 =	sld [smem:$0x3FFE];
	_ =	sdelay $0x1  }
0x8a: {  	s1 =	srdreg.scid  }
0x8b: {  	s0 =	sand.u32 $0x1, s1  }
0x8c: {  	s14 =	sshll.u32 s0, $0xA;
	s2 =	sadd.s32 s3, s2  }
0x8d: {  	s2 =	sadd.s32 s2, s14  }
0x8e: {  	[smem:$0x3FC2] =	sst s2  }
0x8f: {  	_ = 	snop  }
0x90: {  	s2 =	sld [smem:$0x3FD0];
	_ =	sdelay $0x2  }
0x91: {  	s15 =	simm.s32 $0xA;
	s4 =	simm.s32 $0x10  }
0x92: {  	[smem:s4], [sflag:s15] =	dma.local [hbm:s2], $0x1  }
0x93: {  	_ =	swait.eq [sflag:s15], $0x1  }
0x94: {  	[sflag:s15] =	ssyncset.done $0x0  }
0x95: {  	s16 =	sld [smem:$0x11];
	[sflag:s15] =	ssyncadd.s32 $0xFFFFFFFF  }
0x96: {  	s17 =	sld [smem:$0x12];
	(tm) =	ssettm $0x1  }
0x97: {  	s18 =	sld [smem:$0x3FFB];
	_ =	sdelay $0x3  }
0x98: {  	_ =	strace s18  }
0x99: {  	s4 =	sld [smem:$0x3FFC];
	_ =	sdelay $0x3  }
0x9a: {  	_ =	strace s4  }
0x9b: {  	s4 =	sld [smem:$0x3FFD];
	_ =	sdelay $0x3  }
0x9c: {  	_ =	strace s4  }
0x9d: {  	_ =	strace $0x8FFFFFFF  }
0x9e: {  	s19 =	sld [smem:$0x3FDB];
	_ =	sdelay $0x1  }
0x9f: {  	s5 =	simm.s32 $_scs_section_size  }
0xa0: {  	s6 =	simm.s32 $_size__tile_overlayer_lowered;
	s7 =	simm.s32 $_tile_overlayer_lowered  }
0xa1: {  	s22 =	simm.s32 $0x1BFF;
	s21 =	sshll.u32 s7, $0x1;
	s4 =	sadd.s32 s5, s19  }
0xa2: {  	s8 =	simm.s32 $0x0;
	s20 =	sshll.u32 s6, $0x1;
	s6 =	sadd.s32 s21, s4  }
0xa3: {  	[timem:s8], [sflag:s22] =	dma.local [hbm:s6], s20  }
0xa4: {  	_ =	swait.ge [sflag:s22], s20  }
0xa5: {  	s5 =	ssub.s32 $0x0, s20;
	[sflag:s22] =	ssyncset.done $0x0  }
0xa6: {  	[sflag:s22] =	ssyncadd.s32 s5;
	_ =	sdelay $0x1  }
0xa7: {  	s23 =	simm.s32 $0x1B8B  }
0xa8: {  	_ =	swait.ge [sflag:s23], $0x1  }
0xa9: {  	[sflag:s23] =	ssyncset.done $0x0  }
0xaa: {  	s25 =	simm.s32 $0x1B8E;
	s24 =	sld [smem:$0x3FFE];
	[sflag:s23] =	ssyncadd.s32 $0xFFFFFFFF  }
0xab: {  	s26 =	simm.s32 $execute0_lowered;
	[smem:$0x3FD2] =	sst s25  }
0xac: {  	s6 =	sshll.u32 s26, $0x1;
	_ =	strace $0x80000049;
	[dreg:$0x1] =	wrdreg $0xFFFFFFFF  }
0xad: {  	s28 =	simm.s32 $_size_execute0_lowered;
	s4 =	sadd.s32 s4, s6;
	[dreg:$0x0] =	wrdreg $0x0  }
0xae: {  	s6 =	sshll.u32 s28, $0x1;
	[dreg:$0x2] =	wrdreg s4  }
0xaf: {  	[dreg:$0x3] =	wrdreg s6  }
0xb0: {  	[dreg:$0x4] =	wrdreg $0xC0  }
0xb1: {  	_ =	task [dreg:s8], $0x5FFFF  }
0xb2: {  	[dreg:$0x1] =	wrdreg $0xFFFFFFFF  }
0xb3: {  	[dreg:$0x0] =	wrdreg $0x60  }
0xb4: {  	[dreg:$0x2] =	wrdreg s24  }
0xb5: {  	[dreg:$0x3] =	wrdreg s17  }
0xb6: {  	[dreg:$0x4] =	wrdreg s16  }
0xb7: {  	[dreg:$0x5] =	wrdreg $0xE1800  }
0xb8: {  	[dreg:$0x6] =	wrdreg $0x1E1800  }
0xb9: {  	[dreg:$0x7] =	wrdreg $0x9  }
0xba: {  	_ =	task.clear_ibuf [dreg:s8], $0x8FFFF;
	_ =	strace $0x90000049  }
0xbb: {  	s29 =	simm.s32 $0x9;
	_ =	strace $0x8000004B  }
0xbc: {  	_ =	swait.ge [sflag:s29], $0x1  }
0xbd: {  	[sflag:s29] =	ssyncadd.s32 $0xFFFFFFFF  }
0xbe: {  	_ =	strace $0x9000004B  }
0xbf: {  	_ =	sfence  }
0xc0: {  	s30 =	sld [smem:$0x0];
	_ =	sdelay $0x2  }
0xc1: {  	s31 =	sshll.u32 s1, $0xD;
	s1 =	sshrl.u32 s1, $0x2  }
0xc2: {  	s3 =	sand.u32 $0x4000, s31;
	s1 =	sadd.s32 s1, s30  }
0xc3: {  	s0 =	sor.u32 s3, s0;
	s1 =	sshll.u32 s1, $0x11  }
0xc4: {  	s0 =	sor.u32 s1, s0  }
0xc5: {  	s0 =	sadd.s32 $0x8F2B, s0  }
0xc6: {  	[sflag:s0] =	ssyncadd.remote.s32 $0x1  }
0xc7: {  	_ =	sfence.sel $0xFFFF  }
0xc8: {  	[dreg:$0x0] =	wrdreg $0xFFFFFFFF;
	(pc) =	sbr.abs _section_cstart, $3  }
0xc9: {  	[dreg:$0x1] =	wrdreg $0xFFFFFFFF  }
0xca: {  	_ =	task.clear_ibuf [dreg:s8], $0x2FFFF;
	_ =	strace $0x9FFFFFFF  }
0xcb: {  	(tm) =	ssettm $0x7FFFFFFF  }
tec
execute0_lowered:
.L_overlay_start_1:
0x0: {  	(tag) =	ssettag $0x1  }
0x1: {  	s0 =	rddreg [dreg:$0x0]  }
0x2: {  	s1 =	rddreg [dreg:$0x1]  }
0x3: {  	s6 =	rddreg [dreg:$0x2]  }
0x4: {  	s2 =	rddreg [dreg:$0x3]  }
0x5: {  	s3 =	rddreg [dreg:$0x4];
	s4 =	simm.s32 $0x0  }
0x6: {  	s5 =	srdreg.scid;
	s21 =	stileid.u32;
	s28 =	simm.s32 $0x1  }
0x7: {  	s29 =	simm.s32 $0x80;
	s30 =	simm.s32 $0x4100;
	s31 =	simm.s32 $0xA100  }
0x8: {  	[smem:$0x7FF] =	sst s4;
	s7 =	sand.u32 $0x1, s5;
	s15 =	sshll.u32 s21, $0x1  }
0x9: {  	s8 =	sadd.s32 $0x122400, s0;
	s17 =	sshll.u32 s21, $0x10;
	s25 =	sshll.u32 s21, $0xD  }
0xa: {  	p0 =	sne.s32 s21, $0x0;
	_ =	strace $0x8000004A;
	s5 =	sor.u32 s7, s15  }
0xb: {  	s9 =	sshll.u32 s7, $0x11;
	s10 =	ssub.s32 $0x2, s7;
	s20 =	sshll.u32 s7, $0xA  }
0xc: {  	s11 =	smul.u32 $0x900, s5;
	s0 =	sadd.s32 s9, s0;
	s16 =	sshrl.u32 s10, $0x1  }
0xd: {  	s12 =	smul.u32 $0x9000, s5;
	s5 =	sadd.s32 s17, s2;
	s6 =	sadd.s32 s6, s20  }
0xe: {  	s20 =	smul.u32 $0x900, s7;
	s9 =	ssub.s32 s10, s16;
	s16 =	sshll.u32 s21, $0x9  }
0xf: {  	s0 =	sadd.s32 $0x2400, s0;
	[dreg:$0x8] =	wrdreg s6;
	s23 =	sadd.s32 $0x4000, s5  }
0x10: {  	s24 =	sadd.s32 $0x8000, s5;
	s18 =	sshrl.u32 s11, $0x3;
	[dreg:$0xa] =	wrdreg s23  }
0x11: {  	s19 =	sadd.s32 s8, s12;
	s22 =	smax.u32 s9, $0x1;
	[dreg:$0xb] =	wrdreg s24  }
0x12: {  	s15 =	sor.u32 $0x80, s16;
	s12 =	sadd.s32 $0xC000, s5;
	s13 =	sadd.s32 s25, s0  }
0x13: {  	s17 =	sor.u32 $0x100, s16;
	s23 =	smul.u32 $0x12000, s21;
	[dreg:$0x7] =	wrdreg s19  }
0x14: {  	s24 =	smul.u32 $0x9000, s7;
	s10 =	sadd.s32 s1, s18;
	[dreg:$0x9] =	wrdreg s22  }
0x15: {  	s26 =	sshll.u32 s15, $0x7;
	s9 =	sshll.u32 s15, $0x4;
	s18 =	smul.u32 $0x1200, s21  }
0x16: {  	s19 =	sor.u32 $0x180, s16;
	[dreg:$0x6] =	wrdreg s10;
	s14 =	sadd.s32 s26, s2  }
0x17: {  	s15 =	sadd.s32 s9, s0;
	s10 =	sshll.u32 s17, $0x7;
	s17 =	sshll.u32 s17, $0x4  }
0x18: {  	s11 =	sshll.u32 s19, $0x7;
	s19 =	sshll.u32 s19, $0x4;
	s26 =	sadd.s32 s23, s8  }
0x19: {  	s23 =	simm.s32 $0x6100;
	s16 =	sadd.s32 s10, s2;
	s17 =	sadd.s32 s17, s0  }
0x1a: {  	s22 =	sadd.s32 s20, s18;
	s18 =	sadd.s32 s19, s0;
	s19 =	sadd.s32 s11, s2  }
0x1b: {  	s20 =	sadd.s32 s24, s26;
	s24 =	simm.s32 $0x2;
	s25 =	sor.u32 $0x80, s22  }
0x1c: {  	v0 =	vlaneseq.u32;
	v1 =	vimm.f32 $0.0e+00;
	v5 =	vimm.f32 $1.000000000e+00;
	s26 =	simm.s32 $0x4080;
	s0 =	simm.s32 $0x0;
	s7 =	sshrl.u32 s25, $0x3  }
0x1d: {  	v2 =	vor.u32 $0x10, v0;
	v3 =	vor.u32 $0x20, v0;
	v4 =	vor.u32 $0x30, v0;
	s8 =	sadd.s32 $0x100, s22;
	s25 =	simm.s32 $0x4000;
	s7 =	sadd.s32 s7, s1  }
.LBB2_1:
0x1e: {  	s6 =	simm.s32 $0x0;
	s21 =	simm.s32 $0x200  }
.LBB2_2:
0x1f: {  	p1 =	sne.s32 s21, $0xFE00;
	[tilespmem:s6+$0x6170] =	vst v1  }
0x20: {  	[tilespmem:s6+$0x6100] =	vst v1  }
0x21: {  	[tilespmem:s6+$0x6110] =	vst v1  }
.Ltmp0:
0x22: {  	[tilespmem:s6+$0x6120] =	vst v1;
	(pc) =	sbr.rel @p1 .LBB2_2-.Ltmp0, $4  }
0x23: {  	[tilespmem:s6+$0x6130] =	vst v1  }
0x24: {  	[tilespmem:s6+$0x6140] =	vst v1  }
0x25: {  	[tilespmem:s6+$0x6150] =	vst v1  }
0x26: {  	[tilespmem:s6+$0x6160] =	vst v1;
	s6 =	sshra.s32 s21, $0x2;
	s21 =	sadd.s32 $0x200, s21  }
0x27: {  	[tilespmem:s6+$0x6170] =	vst v1  }
0x28: {  	[tilespmem:s6+$0x6100] =	vst v1  }
0x29: {  	[tilespmem:s6+$0x6110] =	vst v1  }
0x2a: {  	[tilespmem:s6+$0x6120] =	vst v1  }
0x2b: {  	[tilespmem:s6+$0x6130] =	vst v1  }
0x2c: {  	[tilespmem:s6+$0x6140] =	vst v1  }
0x2d: {  	[tilespmem:s6+$0x6150] =	vst v1  }
0x2e: {  	[tilespmem:s6+$0x6160] =	vst v1;
	s6 =	simm.s32 $0x0;
	s21 =	simm.s32 $0x200  }
.LBB2_4:
0x2f: {  	p1 =	sne.s32 s21, $0x7E00;
	[tilespmem:s6+$0x4170] =	vst v1  }
0x30: {  	[tilespmem:s6+$0x4100] =	vst v1  }
0x31: {  	[tilespmem:s6+$0x4110] =	vst v1  }
.Ltmp1:
0x32: {  	[tilespmem:s6+$0x4120] =	vst v1;
	(pc) =	sbr.rel @p1 .LBB2_4-.Ltmp1, $4  }
0x33: {  	[tilespmem:s6+$0x4130] =	vst v1  }
0x34: {  	[tilespmem:s6+$0x4140] =	vst v1  }
0x35: {  	[tilespmem:s6+$0x4150] =	vst v1  }
0x36: {  	[tilespmem:s6+$0x4160] =	vst v1;
	s6 =	sshra.s32 s21, $0x2;
	s21 =	sadd.s32 $0x200, s21  }
0x37: {  	[tilespmem:s6+$0x4170] =	vst v1  }
0x38: {  	[tilespmem:s6+$0x4100] =	vst v1  }
0x39: {  	[tilespmem:s6+$0x4110] =	vst v1  }
0x3a: {  	[tilespmem:s6+$0x4120] =	vst v1  }
0x3b: {  	[tilespmem:s6+$0x4130] =	vst v1  }
0x3c: {  	[tilespmem:s6+$0x4140] =	vst v1  }
0x3d: {  	[tilespmem:s6+$0x4150] =	vst v1  }
0x3e: {  	[tilespmem:s6+$0x4160] =	vst v1  }
0x3f: {  	[spmem:s5] =	stream.linear.scatter [tilespmem:s23], [sflag:$0x2], $0x4000, $0x38;
	[tilespmem:$0x1E380] =	vst v63  }
0x40: {  	_ =	swait.ge [sflag:s24], $0x4000  }
0x41: {  	[sflag:s24] =	ssyncset.done $0x0  }
0x42: {  	s11 =	rddreg [dreg:$0xa];
	[sflag:s24] =	ssyncadd.s32 $0xFFFFC000  }
0x43: {  	[spmem:s11] =	stream.linear.scatter [tilespmem:s23], [sflag:$0x2], $0x4000, $0x38;
	[tilespmem:$0x1E380] =	vst v63  }
0x44: {  	_ =	swait.ge [sflag:s24], $0x4000  }
0x45: {  	[sflag:s24] =	ssyncset.done $0x0  }
0x46: {  	s21 =	rddreg [dreg:$0xb];
	[sflag:s24] =	ssyncadd.s32 $0xFFFFC000  }
0x47: {  	[spmem:s21] =	stream.linear.scatter [tilespmem:s23], [sflag:$0x2], $0x4000, $0x38;
	[tilespmem:$0x1E380] =	vst v63  }
0x48: {  	_ =	swait.ge [sflag:s24], $0x4000  }
0x49: {  	[sflag:s24] =	ssyncset.done $0x0  }
0x4a: {  	[sflag:s24] =	ssyncadd.s32 $0xFFFFC000  }
0x4b: {  	[spmem:s12] =	stream.linear.scatter [tilespmem:s23], [sflag:$0x2], $0x4000, $0x38;
	[tilespmem:$0x1E380] =	vst v63  }
0x4c: {  	_ =	swait.ge [sflag:s24], $0x4000  }
0x4d: {  	[sflag:s24] =	ssyncset.done $0x0  }
0x4e: {  	s6 =	simm.s32 @!p0 $0x4100;
	[sflag:s24] =	ssyncadd.s32 $0xFFFFC000  }
0x4f: {  	[spmem:s3] =	stream.linear.scatter @!p0 [tilespmem:s6], [sflag:$0x2], $0x2000, $0x38;
	[tilespmem:$0x1E380] =	vst v63  }
0x50: {  	s6 =	simm.s32 @!p0 $0x2  }
0x51: {  	_ =	swait.ge @!p0 [sflag:s6], $0x2000  }
0x52: {  	[sflag:s6] =	ssyncset.done @!p0 $0x0  }
0x53: {  	[sflag:s6] =	ssyncadd.s32 @!p0 $0xFFFFE000  }
0x54: {  	[bflag:$0x0] =	sbarrier.arrive $0xFFFF  }
0x55: {  	[tilespmem:$0xE100] =	vst v0  }
0x56: {  	[tilespmem:$0xE110] =	vst v2  }
0x57: {  	[tilespmem:$0xE120] =	vst v3  }
0x58: {  	s6 =	simm.s32 $0x0;
	[tilespmem:$0xE130] =	vst v4;
	s9 =	rddreg [dreg:$0x6]  }
0x59: {  	[tilespmem:s25], [sflag:$0x2] =	stream.linear.gather [hbm4b:s9+s6], $0x80, $0x38;
	[tilespmem:$0x1E380] =	vst v63  }
0x5a: {  	_ =	swait.ge [sflag:s24], $0x80  }
0x5b: {  	[sflag:s24] =	ssyncset.done $0x0  }
0x5c: {  	s22 =	rddreg [dreg:$0x7];
	[sflag:s24] =	ssyncadd.s32 $0xFFFFFF80  }
0x5d: {  	[tilespmem:s6], [sflag:$0x1] =	stream.linear.gather [hbm4b:s22+s6], $0x4000, $0x38;
	[tilespmem:$0x1E380] =	vst v63  }
0x5e: {  	s21 =	smov.u32 s8;
	s22 =	smov.u32 s7  }
.LBB2_6:
0x5f: {  	[tilespmem:s26], [sflag:$0x2] =	stream.linear.gather [hbm4b:s22+s4], $0x80, $0x38;
	[tilespmem:$0x1E380] =	vst v63  }
0x60: {  	_ =	swait.ge [sflag:s24], $0x80  }
0x61: {  	[sflag:s24] =	ssyncset.done $0x0  }
0x62: {  	[sflag:s24] =	ssyncadd.s32 $0xFFFFFF80  }
0x63: {  	_ =	swait.ge [sflag:s28], $0x4000  }
0x64: {  	s9 =	sadd.s32 s6, s20;
	[sflag:s28] =	ssyncset.done $0x0  }
0x65: {  	s9 =	sadd.s32 $0x800, s9;
	[sflag:s28] =	ssyncadd.s32 $0xFFFFC000  }
0x66: {  	[tilespmem:s23], [sflag:$0x1] =	stream.linear.gather [hbm4b:s9+s4], $0x4000, $0x38;
	[tilespmem:$0x1E380] =	vst v63  }
0x67: {  	_ = 	snop  }
0x68: {  	[spmem:s2] =	stream.indirect.scatter.add.f32 [tilespmem:s4], [sflag:$0x2], $0x80, s25, s29, $0xb8;
	[tilespmem:$0x1E380] =	vst v63  }
0x69: {  	_ =	swait.ge [sflag:s24], $0x4000  }
0x6a: {  	[sflag:s24] =	ssyncset.done $0x0  }
0x6b: {  	[sflag:s24] =	ssyncadd.s32 $0xFFFFC000  }
0x6c: {  	v6 =	vld [tilespmem:$0x4000];
	_ =	sdelay $0x7  }
0x6d: {  	[tilespmem:v6+s30+$0x0] =	vst.idx.add.f32.msk $0xffff, v5  }
0x6e: {  	v6 =	vld [tilespmem:$0x4010];
	_ =	sdelay $0x7  }
0x6f: {  	[tilespmem:v6+s30+$0x0] =	vst.idx.add.f32.msk $0xffff, v5  }
0x70: {  	v6 =	vld [tilespmem:$0x4020];
	_ =	sdelay $0x7  }
0x71: {  	[tilespmem:v6+s30+$0x0] =	vst.idx.add.f32.msk $0xffff, v5  }
0x72: {  	v6 =	vld [tilespmem:$0x4030];
	_ =	sdelay $0x7  }
0x73: {  	[tilespmem:v6+s30+$0x0] =	vst.idx.add.f32.msk $0xffff, v5  }
0x74: {  	v6 =	vld [tilespmem:$0x4040];
	_ =	sdelay $0x7  }
0x75: {  	[tilespmem:v6+s30+$0x0] =	vst.idx.add.f32.msk $0xffff, v5  }
0x76: {  	v6 =	vld [tilespmem:$0x4050];
	_ =	sdelay $0x7  }
0x77: {  	[tilespmem:v6+s30+$0x0] =	vst.idx.add.f32.msk $0xffff, v5  }
0x78: {  	v6 =	vld [tilespmem:$0x4060];
	_ =	sdelay $0x7  }
0x79: {  	[tilespmem:v6+s30+$0x0] =	vst.idx.add.f32.msk $0xffff, v5  }
0x7a: {  	v6 =	vld [tilespmem:$0x4070];
	_ =	sdelay $0x6  }
0x7b: {  	p1 =	seq.s32 s6, $0x8000  }
0x7c: {  	s9 =	simm.s32 @p1 $0x1;
	[tilespmem:v6+s30+$0x0] =	vst.idx.add.f32.msk $0xffff, v5  }
0x7d: {  	_ =	swait.ge @p1 [sflag:s9], $0x4000  }
0x7e: {  	[sflag:s9] =	ssyncset.done @p1 $0x0  }
0x7f: {  	[sflag:s9] =	ssyncadd.s32 @p1 $0xFFFFC000;
	s9 =	sshrl.u32 @!p1 s21, $0x3  }
0x80: {  	s10 =	simm.s32 @!p1 $0x0;
	s11 =	simm.s32 @!p1 $0x4000;
	s9 =	sadd.s32 @!p1 s1, s9  }
0x81: {  	[tilespmem:s11], [sflag:$0x2] =	stream.linear.gather @!p1 [hbm4b:s9+s10], $0x80, $0x38;
	[tilespmem:$0x1E380] =	vst v63  }
0x82: {  	s9 =	simm.s32 @!p1 $0x2  }
0x83: {  	_ =	swait.ge @!p1 [sflag:s9], $0x80  }
0x84: {  	[sflag:s9] =	ssyncset.done @!p1 $0x0  }
0x85: {  	[sflag:s9] =	ssyncadd.s32 @!p1 $0xFFFFFF80;
	s9 =	simm.s32 @!p1 $0x1  }
0x86: {  	_ =	swait.ge @!p1 [sflag:s9], $0x4000  }
0x87: {  	s11 =	sadd.s32 @!p1 s6, s20;
	[sflag:s9] =	ssyncset.done @!p1 $0x0  }
0x88: {  	[sflag:s9] =	ssyncadd.s32 @!p1 $0xFFFFC000;
	s9 =	sadd.s32 @!p1 $0x1000, s11  }
0x89: {  	[tilespmem:s10], [sflag:$0x1] =	stream.linear.gather @!p1 [hbm4b:s9+s10], $0x4000, $0x38;
	[tilespmem:$0x1E380] =	vst v63  }
0x8a: {  	_ = 	snop  }
0x8b: {  	[spmem:s2] =	stream.indirect.scatter.add.f32 [tilespmem:s23], [sflag:$0x2], $0x80, s26, s29, $0xb8;
	[tilespmem:$0x1E380] =	vst v63  }
0x8c: {  	_ =	swait.ge [sflag:s24], $0x4000  }
0x8d: {  	[sflag:s24] =	ssyncset.done $0x0  }
0x8e: {  	[sflag:s24] =	ssyncadd.s32 $0xFFFFC000  }
0x8f: {  	v6 =	vld [tilespmem:$0x4080];
	_ =	sdelay $0x7  }
0x90: {  	[tilespmem:v6+s30+$0x0] =	vst.idx.add.f32.msk $0xffff, v5  }
0x91: {  	v6 =	vld [tilespmem:$0x4090];
	_ =	sdelay $0x7  }
0x92: {  	[tilespmem:v6+s30+$0x0] =	vst.idx.add.f32.msk $0xffff, v5  }
0x93: {  	v6 =	vld [tilespmem:$0x40A0];
	_ =	sdelay $0x7  }
0x94: {  	[tilespmem:v6+s30+$0x0] =	vst.idx.add.f32.msk $0xffff, v5  }
0x95: {  	v6 =	vld [tilespmem:$0x40B0];
	_ =	sdelay $0x7  }
0x96: {  	[tilespmem:v6+s30+$0x0] =	vst.idx.add.f32.msk $0xffff, v5  }
0x97: {  	v6 =	vld [tilespmem:$0x40C0];
	_ =	sdelay $0x7  }
0x98: {  	[tilespmem:v6+s30+$0x0] =	vst.idx.add.f32.msk $0xffff, v5  }
0x99: {  	v6 =	vld [tilespmem:$0x40D0];
	_ =	sdelay $0x7  }
0x9a: {  	[tilespmem:v6+s30+$0x0] =	vst.idx.add.f32.msk $0xffff, v5  }
0x9b: {  	v6 =	vld [tilespmem:$0x40E0];
	_ =	sdelay $0x7  }
0x9c: {  	[tilespmem:v6+s30+$0x0] =	vst.idx.add.f32.msk $0xffff, v5  }
0x9d: {  	v6 =	vld [tilespmem:$0x40F0];
	_ =	sdelay $0x1  }
0x9e: {  	s6 =	sadd.s32 $0x1000, s6  }
0x9f: {  	p1 =	sne.s32 s6, $0x9000  }
.Ltmp2:
0xa0: {  	_ = 	snop;
	(pc) =	sbr.rel @p1 .LBB2_6-.Ltmp2, $2  }
0xa1: {  	_ =	sdelay $0x2  }
0xa2: {  	s22 =	sadd.s32 $0x20, s22;
	s21 =	sadd.s32 $0x100, s21;
	[tilespmem:v6+s30+$0x0] =	vst.idx.add.f32.msk $0xffff, v5  }
0xa3: {  	s6 =	simm.s32 $0x40;
	s9 =	simm.s32 $0xE100  }
0xa4: {  	[spmem:s3] =	stream.indirect.scatter.add.f32 [tilespmem:s30], [sflag:$0x2], $0x80, s9, s6, $0xb8;
	[tilespmem:$0x1E380] =	vst v63  }
0xa5: {  	_ =	swait.ge [sflag:s24], $0x2000  }
0xa6: {  	[sflag:s24] =	ssyncset.done $0x0  }
0xa7: {  	[sflag:s24] =	ssyncadd.s32 $0xFFFFE000  }
0xa8: {  	[bflag:$0x0] =	sbarrier.arrive $0xFFFF  }
0xa9: {  	[tilespmem:s31], [sflag:$0x2] =	stream.linear.gather [spmem:s5], $0x4000, $0x38;
	[tilespmem:$0x1E380] =	vst v63  }
0xaa: {  	_ =	swait.ge [sflag:s24], $0x4000  }
0xab: {  	[sflag:s24] =	ssyncset.done $0x0  }
0xac: {  	[sflag:s24] =	ssyncadd.s32 $0xFFFFC000  }
0xad: {  	[hbm4b:s13+s4] =	stream.linear.scatter [tilespmem:s31], [sflag:$0x2], $0x4000, $0x38;
	[tilespmem:$0x1E380] =	vst v63  }
0xae: {  	_ =	swait.ge [sflag:s24], $0x4000  }
0xaf: {  	[sflag:s24] =	ssyncset.done $0x0  }
0xb0: {  	[sflag:s24] =	ssyncadd.s32 $0xFFFFC000  }
0xb1: {  	[tilespmem:s31], [sflag:$0x2] =	stream.linear.gather [spmem:s14], $0x4000, $0x38;
	[tilespmem:$0x1E380] =	vst v63  }
0xb2: {  	_ =	swait.ge [sflag:s24], $0x4000  }
0xb3: {  	[sflag:s24] =	ssyncset.done $0x0  }
0xb4: {  	[sflag:s24] =	ssyncadd.s32 $0xFFFFC000  }
0xb5: {  	[hbm4b:s15+s4] =	stream.linear.scatter [tilespmem:s31], [sflag:$0x2], $0x4000, $0x38;
	[tilespmem:$0x1E380] =	vst v63  }
0xb6: {  	_ =	swait.ge [sflag:s24], $0x4000  }
0xb7: {  	[sflag:s24] =	ssyncset.done $0x0  }
0xb8: {  	[sflag:s24] =	ssyncadd.s32 $0xFFFFC000  }
0xb9: {  	[tilespmem:s31], [sflag:$0x2] =	stream.linear.gather [spmem:s16], $0x4000, $0x38;
	[tilespmem:$0x1E380] =	vst v63  }
0xba: {  	_ =	swait.ge [sflag:s24], $0x4000  }
0xbb: {  	[sflag:s24] =	ssyncset.done $0x0  }
0xbc: {  	[sflag:s24] =	ssyncadd.s32 $0xFFFFC000  }
0xbd: {  	[hbm4b:s17+s4] =	stream.linear.scatter [tilespmem:s31], [sflag:$0x2], $0x4000, $0x38;
	[tilespmem:$0x1E380] =	vst v63  }
0xbe: {  	_ =	swait.ge [sflag:s24], $0x4000  }
0xbf: {  	[sflag:s24] =	ssyncset.done $0x0  }
0xc0: {  	[sflag:s24] =	ssyncadd.s32 $0xFFFFC000  }
0xc1: {  	[tilespmem:s31], [sflag:$0x2] =	stream.linear.gather [spmem:s19], $0x4000, $0x38;
	[tilespmem:$0x1E380] =	vst v63  }
0xc2: {  	_ =	swait.ge [sflag:s24], $0x4000  }
0xc3: {  	[sflag:s24] =	ssyncset.done $0x0  }
0xc4: {  	[sflag:s24] =	ssyncadd.s32 $0xFFFFC000  }
0xc5: {  	[hbm4b:s18+s4] =	stream.linear.scatter [tilespmem:s31], [sflag:$0x2], $0x4000, $0x38;
	[tilespmem:$0x1E380] =	vst v63  }
0xc6: {  	_ =	swait.ge [sflag:s24], $0x4000  }
0xc7: {  	[sflag:s24] =	ssyncset.done $0x0  }
0xc8: {  	s6 =	simm.s32 @!p0 $0x4100;
	s9 =	simm.s32 @!p0 $0x2;
	[sflag:s24] =	ssyncadd.s32 $0xFFFFC000  }
0xc9: {  	[tilespmem:s6], [sflag:$0x2] =	stream.linear.gather @!p0 [spmem:s3], $0x2000, $0x38;
	[tilespmem:$0x1E380] =	vst v63  }
0xca: {  	_ =	swait.ge @!p0 [sflag:s9], $0x2000  }
0xcb: {  	[sflag:s9] =	ssyncset.done @!p0 $0x0  }
0xcc: {  	s10 =	simm.s32 @!p0 $0x0;
	s11 =	rddreg [dreg:$0x8];
	[sflag:s9] =	ssyncadd.s32 @!p0 $0xFFFFE000  }
0xcd: {  	[hbm4b:s11+s10] =	stream.linear.scatter @!p0 [tilespmem:s6], [sflag:$0x2], $0x2000, $0x38;
	[tilespmem:$0x1E380] =	vst v63  }
0xce: {  	_ =	swait.ge @!p0 [sflag:s9], $0x2000  }
0xcf: {  	s0 =	sadd.s32 $0x1, s0;
	s22 =	rddreg [dreg:$0x9]  }
0xd0: {  	p1 =	sne.s32 s0, s22  }
.Ltmp3:
0xd1: {  	_ = 	snop;
	(pc) =	sbr.rel @p1 .LBB2_1-.Ltmp3, $3  }
0xd2: {  	_ =	sdelay $0x1  }
0xd3: {  	[sflag:s9] =	ssyncset.done @!p0 $0x0  }
0xd4: {  	[sflag:s9] =	ssyncadd.s32 @!p0 $0xFFFFE000  }
0xd5: {  	_ =	sfence.sel $0x180000  }
0xd6: {  	[bflag:$0x0] =	sbarrier.arrive $0xFFFF  }
0xd7: {  	_ =	strace $0x9000004A  }
0xd8: {  	[bflag:$0x2] =	sbarrier.arrive $0xFFFF  }
0xd9: {  	s0 =	rddreg [dreg:$0x5]  }
0xda: {  	s0 =	sadd.s32 @!p0 $0x100000, s0  }
0xdb: {  	[sflag:s0] =	ssyncadd.tile.s32 @!p0 $0x1;
	_ =	shalt  }
.Lfunc_end2:
_tile_overlayer_lowered:
.L_overlay_start_2:
0xdc: {  	(tag) =	ssettag $0x2  }
0xdd: {  	s0 =	rddreg [dreg:$0x0];
	s2 =	stileid.u32  }
0xde: {  	s1 =	rddreg [dreg:$0x1];
	p0 =	sne.s32 s2, $0x0  }
0xdf: {  	s3 =	rddreg [dreg:$0x2];
	[bflag:$0x3] =	sbarrier.arrive $0xFFFF;
	s2 =	simm.s32 @!p0 $0x1C02  }
0xe0: {  	[timem:s3], [sflag:s2] =	dma.local @!p0 [hbm:s0], s1  }
0xe1: {  	s0 =	simm.s32 @!p0 $0x2  }
0xe2: {  	_ =	swait.ge @!p0 [sflag:s0], s1  }
0xe3: {  	s1 =	ssub.s32 @!p0 $0x0, s1;
	[sflag:s0] =	ssyncset.done @!p0 $0x0  }
0xe4: {  	[sflag:s0] =	ssyncadd.s32 @!p0 s1  }
0xe5: {  	[bflag:$0x3] =	sbarrier.arrive $0xFFFF  }
0xe6: {  	_ =	shalt  }

// kernel: kernel.14.cloned.1.call-start
scs
__scs_entry_jumppad:
0x0: {  	(pc) =	sbr.rel $0x88, $3  }
0x1: {  	(tag) =	ssettag $0x0;
	lr =	simm.s32 $0x1  }
0x2: {  	[smem:$0x3F9B] =	sst lr;
	_ =	strace $0xD0000000  }
0x3: {  	_ = 	snop  }
0x4: {  	_ = 	snop  }
0x5: {  	_ = 	snop  }
0x6: {  	_ = 	snop  }
0x7: {  	_ = 	snop  }
__scs_overlays_trampoline_lowered:
0x8: {  	[smem:$0x3FAA] =	sst s0  }
0x9: {  	[smem:$0x3FAB] =	sst s1  }
0xa: {  	[smem:$0x3FAC] =	sst s2  }
0xb: {  	[smem:$0x3FAD] =	sst s3  }
0xc: {  	[smem:$0x3FAE] =	sst s4  }
0xd: {  	[smem:$0x3FAF] =	sst s5  }
0xe: {  	[smem:$0x3FB0] =	sst s6  }
0xf: {  	[smem:$0x3FB1] =	sst s7  }
0x10: {  	[smem:$0x3FB2] =	sst s8  }
0x11: {  	[smem:$0x3FB3] =	sst s9;
	s0 =	simm.s32 @!p0 $0x0  }
0x12: {  	s1 =	sld [smem:$0x3F99];
	s0 =	simm.s32 @p0 $0x1  }
0x13: {  	[smem:$0x3FB4] =	sst s0;
	s0 =	simm.s32 @!p1 $0x0  }
0x14: {  	s2 =	sld [smem:$0x3F98];
	s0 =	simm.s32 @p1 $0x1  }
0x15: {  	[smem:$0x3FB5] =	sst s0;
	s0 =	simm.s32 @!p2 $0x0  }
0x16: {  	s3 =	sld [smem:$0x3FDB];
	s0 =	simm.s32 @p2 $0x1  }
0x17: {  	s4 =	simm.s32 $0x1BF5;
	[smem:$0x3FB7] =	sst s0  }
0x18: {  	s0 =	sld [smem:$0x3F9A];
	_ =	swait.ge [sflag:s4], $0x0  }
0x19: {  	s7 =	sld [smem:$0x3F9B]  }
0x1a: {  	s8 =	sadd.s32 $0xFFFFE003, lr  }
0x1b: {  	s9 =	sadd.s32 $0xFFFFFEF7, lr;
	s5 =	simm.s32 $0xFFFFFFFF;
	p2 =	slt.u32 s8, $0xFFFFF086  }
0x1c: {  	p1 =	slt.u32 s9, $0xF7A;
	s5 =	simm.s32 @!p2 $0x0  }
0x1d: {  	s5 =	simm.s32 @p1 $0x1;
	p0 =	seq.s32 s7, s2  }
0x1e: {  	s7 =	smul.u32 @!p0 $0xF7A, s2;
	p2 =	seq.s32 @!p0 s5, $0x0  }
0x1f: {  	s9 =	smul.u32 $0xF7A, s1;
	s8 =	simm.s32 @!p0 $0x1BF5;
	p2 =	por !p2, p0  }
0x20: {  	[sflag:s8] =	ssyncset.s32 @!p0 $0xFFFFF086;
	s6 =	sadd.s32 @!p0 s3, s7;
	s7 =	simm.s32 @!p0 $0x108  }
0x21: {  	s3 =	sadd.s32 s3, s9;
	s6 =	sadd.s32 @!p0 $0x88, s6;
	s7 =	simm.s32 @p2 $0x1082  }
0x22: {  	[simem:s7], [sflag:s8] =	dma.local @!p0 [hbm:s6], $0xF7A  }
0x23: {  	s9 =	sor.u32 $0xD0000000, s2;
	s6 =	simm.s32 $0x108;
	_ =	swait.ge @!p0 [sflag:s8], $0x0  }
0x24: {  	s3 =	sadd.s32 $0x88, s3;
	s6 =	simm.s32 @!p1 $0x1082;
	[sflag:s4] =	ssyncset.s32 $0xFFFFF086  }
0x25: {  	[simem:s6], [sflag:s4] =	dma.local [hbm:s3], $0xF7A  }
0x26: {  	[smem:$0x3F9B] =	sst s1;
	(tag) =	ssettag s2;
	_ =	strace s9  }
0x27: {  	s1 =	sld [smem:$0x3FAB]  }
0x28: {  	s2 =	sld [smem:$0x3FAC]  }
0x29: {  	s4 =	sld [smem:$0x3FAE]  }
0x2a: {  	p0 =	seq.s32 s5, $0x0;
	s5 =	sld [smem:$0x3FAF]  }
0x2b: {  	s6 =	sld [smem:$0x3FB0]  }
0x2c: {  	s7 =	sld [smem:$0x3FB1]  }
0x2d: {  	s3 =	simm.s32 $0x108;
	s8 =	sld [smem:$0x3FB2]  }
0x2e: {  	s3 =	simm.s32 @!p0 $0x1082;
	s9 =	sld [smem:$0x3FB3]  }
0x2f: {  	lr =	sadd.s32 s0, s3;
	s0 =	sld [smem:$0x3FAA]  }
0x30: {  	s3 =	sld [smem:$0x3FAD]  }
0x31: {  	[smem:$0x3FB6] =	sst s10  }
0x32: {  	s10 =	sld [smem:$0x3FB4];
	_ =	sdelay $0x3  }
0x33: {  	p0 =	seq.s32 s10, $0x1;
	s10 =	sld [smem:$0x3FB6];
	_ =	sdelay $0x3  }
0x34: {  	[smem:$0x3FB6] =	sst s10  }
0x35: {  	s10 =	sld [smem:$0x3FB5];
	_ =	sdelay $0x3  }
0x36: {  	p1 =	seq.s32 s10, $0x1;
	s10 =	sld [smem:$0x3FB6];
	_ =	sdelay $0x3  }
0x37: {  	[smem:$0x3FB6] =	sst s10  }
0x38: {  	s10 =	sld [smem:$0x3FB7]  }
0x39: {  	_ = 	snop;
	(pc) =	sbr.ind lr, $3  }
0x3a: {  	_ = 	snop  }
0x3b: {  	_ = 	snop  }
0x3c: {  	p2 =	seq.s32 s10, $0x1;
	s10 =	sld [smem:$0x3FB6]  }
0x3d: {  	_ =	shalt  }
0x3e: {  	_ =	shalt  }
0x3f: {  	_ =	shalt  }
0x40: {  	_ =	shalt  }
0x41: {  	_ =	shalt  }
0x42: {  	_ =	shalt  }
0x43: {  	_ =	shalt  }
0x44: {  	_ =	shalt  }
0x45: {  	_ =	shalt  }
0x46: {  	_ =	shalt  }
0x47: {  	_ =	shalt  }
0x48: {  	_ =	shalt  }
0x49: {  	_ =	shalt  }
0x4a: {  	_ =	shalt  }
0x4b: {  	_ =	shalt  }
0x4c: {  	_ =	shalt  }
0x4d: {  	_ =	shalt  }
0x4e: {  	_ =	shalt  }
0x4f: {  	_ =	shalt  }
0x50: {  	_ =	shalt  }
0x51: {  	_ =	shalt  }
0x52: {  	_ =	shalt  }
0x53: {  	_ =	shalt  }
0x54: {  	_ =	shalt  }
0x55: {  	_ =	shalt  }
0x56: {  	_ =	shalt  }
0x57: {  	_ =	shalt  }
0x58: {  	_ =	shalt  }
0x59: {  	_ =	shalt  }
0x5a: {  	_ =	shalt  }
0x5b: {  	_ =	shalt  }
0x5c: {  	_ =	shalt  }
0x5d: {  	_ =	shalt  }
0x5e: {  	_ =	shalt  }
0x5f: {  	_ =	shalt  }
0x60: {  	_ =	shalt  }
0x61: {  	_ =	shalt  }
0x62: {  	_ =	shalt  }
0x63: {  	_ =	shalt  }
0x64: {  	_ =	shalt  }
0x65: {  	_ =	shalt  }
0x66: {  	_ =	shalt  }
0x67: {  	_ =	shalt  }
0x68: {  	_ =	shalt  }
0x69: {  	_ =	shalt  }
0x6a: {  	_ =	shalt  }
0x6b: {  	_ =	shalt  }
0x6c: {  	_ =	shalt  }
0x6d: {  	_ =	shalt  }
0x6e: {  	_ =	shalt  }
0x6f: {  	_ =	shalt  }
0x70: {  	_ =	shalt  }
0x71: {  	_ =	shalt  }
0x72: {  	_ =	shalt  }
0x73: {  	_ =	shalt  }
0x74: {  	_ =	shalt  }
0x75: {  	_ =	shalt  }
0x76: {  	_ =	shalt  }
0x77: {  	_ =	shalt  }
0x78: {  	_ =	shalt  }
0x79: {  	_ =	shalt  }
0x7a: {  	_ =	shalt  }
0x7b: {  	_ =	shalt  }
0x7c: {  	_ =	shalt  }
0x7d: {  	_ =	shalt  }
0x7e: {  	_ =	shalt  }
0x7f: {  	_ =	shalt  }
0x80: {  	_ =	shalt  }
0x81: {  	_ =	shalt  }
0x82: {  	_ =	shalt  }
0x83: {  	_ =	shalt  }
0x84: {  	_ =	shalt  }
0x85: {  	_ =	shalt  }
0x86: {  	_ =	shalt  }
0x87: {  	_ =	shalt  }
.Lfunc_end0:
.L_simem_size_0:
called_computation.2_lowered:
.L_overlay_start_0:
0x88: {  	s2 =	sld [smem:$0x3FD9]  }
0x89: {  	s3 =	sld [smem:$0x3FFE];
	_ =	sdelay $0x1  }
0x8a: {  	s1 =	srdreg.scid  }
0x8b: {  	s0 =	sand.u32 $0x1, s1  }
0x8c: {  	s14 =	sshll.u32 s0, $0xA;
	s2 =	sadd.s32 s3, s2  }
0x8d: {  	s2 =	sadd.s32 s2, s14  }
0x8e: {  	[smem:$0x3FC2] =	sst s2  }
0x8f: {  	_ = 	snop  }
0x90: {  	s2 =	sld [smem:$0x3FD0];
	_ =	sdelay $0x2  }
0x91: {  	s15 =	simm.s32 $0xA;
	s4 =	simm.s32 $0x10  }
0x92: {  	[smem:s4], [sflag:s15] =	dma.local [hbm:s2], $0x1  }
0x93: {  	_ =	swait.eq [sflag:s15], $0x1  }
0x94: {  	[sflag:s15] =	ssyncset.done $0x0  }
0x95: {  	[sflag:s15] =	ssyncadd.s32 $0xFFFFFFFF  }
0x96: {  	s16 =	sld [smem:$0x10];
	(tm) =	ssettm $0x1  }
0x97: {  	s17 =	sld [smem:$0x3FFB];
	_ =	sdelay $0x3  }
0x98: {  	_ =	strace s17  }
0x99: {  	s3 =	sld [smem:$0x3FFC];
	_ =	sdelay $0x3  }
0x9a: {  	_ =	strace s3  }
0x9b: {  	s3 =	sld [smem:$0x3FFD];
	_ =	sdelay $0x3  }
0x9c: {  	_ =	strace s3  }
0x9d: {  	_ =	strace $0x8FFFFFFF  }
0x9e: {  	s18 =	sld [smem:$0x3FDB];
	_ =	sdelay $0x1  }
0x9f: {  	s19 =	simm.s32 $_scs_section_size  }
0xa0: {  	s5 =	simm.s32 $_size__tile_overlayer_lowered;
	s6 =	simm.s32 $_tile_overlayer_lowered  }
0xa1: {  	s22 =	simm.s32 $0x1BFF;
	s21 =	sshll.u32 s6, $0x1;
	s3 =	sadd.s32 s19, s18  }
0xa2: {  	s7 =	simm.s32 $0x0;
	s20 =	sshll.u32 s5, $0x1;
	s5 =	sadd.s32 s21, s3  }
0xa3: {  	[timem:s7], [sflag:s22] =	dma.local [hbm:s5], s20  }
0xa4: {  	_ =	swait.ge [sflag:s22], s20  }
0xa5: {  	s4 =	ssub.s32 $0x0, s20;
	[sflag:s22] =	ssyncset.done $0x0  }
0xa6: {  	[sflag:s22] =	ssyncadd.s32 s4;
	_ =	sdelay $0x1  }
0xa7: {  	s23 =	simm.s32 $0x1B8B  }
0xa8: {  	_ =	swait.ge [sflag:s23], $0x1  }
0xa9: {  	[sflag:s23] =	ssyncset.done $0x0  }
0xaa: {  	s25 =	simm.s32 $0x1B8E;
	s24 =	sld [smem:$0x3FFE];
	[sflag:s23] =	ssyncadd.s32 $0xFFFFFFFF  }
0xab: {  	s26 =	simm.s32 $execute0_lowered;
	[smem:$0x3FD2] =	sst s25  }
0xac: {  	s5 =	sshll.u32 s26, $0x1;
	_ =	strace $0x8000004C;
	[dreg:$0x1] =	wrdreg $0xFFFFFFFF  }
0xad: {  	s28 =	simm.s32 $_size_execute0_lowered;
	s3 =	sadd.s32 s3, s5;
	[dreg:$0x0] =	wrdreg $0x0  }
0xae: {  	s5 =	sshll.u32 s28, $0x1;
	[dreg:$0x2] =	wrdreg s3  }
0xaf: {  	[dreg:$0x3] =	wrdreg s5  }
0xb0: {  	[dreg:$0x4] =	wrdreg $0xC0  }
0xb1: {  	_ =	task [dreg:s7], $0x5FFFF  }
0xb2: {  	[dreg:$0x1] =	wrdreg $0xFFFFFFFF  }
0xb3: {  	[dreg:$0x0] =	wrdreg $0x60  }
0xb4: {  	[dreg:$0x2] =	wrdreg s16  }
0xb5: {  	[dreg:$0x3] =	wrdreg s24  }
0xb6: {  	[dreg:$0x4] =	wrdreg $0xE2800  }
0xb7: {  	[dreg:$0x5] =	wrdreg $0x1E2800  }
0xb8: {  	[dreg:$0x6] =	wrdreg $0x9  }
0xb9: {  	_ =	task.clear_ibuf [dreg:s7], $0x7FFFF;
	_ =	strace $0x9000004C  }
0xba: {  	s29 =	simm.s32 $0x9;
	_ =	strace $0x8000004E  }
0xbb: {  	_ =	swait.ge [sflag:s29], $0x1  }
0xbc: {  	[sflag:s29] =	ssyncadd.s32 $0xFFFFFFFF  }
0xbd: {  	_ =	strace $0x9000004E  }
0xbe: {  	_ =	sfence  }
0xbf: {  	s30 =	sld [smem:$0x0];
	_ =	sdelay $0x2  }
0xc0: {  	s31 =	sshll.u32 s1, $0xD;
	s1 =	sshrl.u32 s1, $0x2  }
0xc1: {  	s3 =	sand.u32 $0x4000, s31;
	s1 =	sadd.s32 s1, s30  }
0xc2: {  	s0 =	sor.u32 s3, s0;
	s1 =	sshll.u32 s1, $0x11  }
0xc3: {  	s0 =	sor.u32 s1, s0  }
0xc4: {  	s0 =	sadd.s32 $0x8F2B, s0  }
0xc5: {  	[sflag:s0] =	ssyncadd.remote.s32 $0x1  }
0xc6: {  	_ =	sfence.sel $0xFFFF  }
0xc7: {  	[dreg:$0x0] =	wrdreg $0xFFFFFFFF;
	(pc) =	sbr.abs _section_cstart, $3  }
0xc8: {  	[dreg:$0x1] =	wrdreg $0xFFFFFFFF  }
0xc9: {  	_ =	task.clear_ibuf [dreg:s7], $0x2FFFF;
	_ =	strace $0x9FFFFFFF  }
0xca: {  	(tm) =	ssettm $0x7FFFFFFF  }
0xcb: {  	_ =	shalt  }
tec
execute0_lowered:
.L_overlay_start_1:
0x0: {  	(tag) =	ssettag $0x1  }
0x1: {  	s1 =	rddreg [dreg:$0x0]  }
0x2: {  	s0 =	rddreg [dreg:$0x1]  }
0x3: {  	s2 =	rddreg [dreg:$0x2]  }
0x4: {  	s3 =	rddreg [dreg:$0x3]  }
0x5: {  	s4 =	simm.s32 $0x0;
	s5 =	srdreg.scid;
	s11 =	stileid.u32  }
0x6: {  	s28 =	simm.s32 $0x4080;
	s29 =	simm.s32 $0x80;
	s30 =	simm.s32 $0x4100  }
0x7: {  	s31 =	simm.s32 $0x4180;
	[smem:$0x7FF] =	sst s4;
	s8 =	sadd.s32 $0x46400, s0  }
0x8: {  	s5 =	sand.u32 $0x1, s5;
	s9 =	sadd.s32 $0x42400, s0;
	s12 =	sshll.u32 s11, $0xD  }
0x9: {  	s13 =	sshll.u32 s11, $0x10;
	s19 =	sshll.u32 s11, $0x9;
	p0 =	sne.s32 s11, $0x0  }
0xa: {  	_ =	strace $0x8000004D;
	s6 =	sshll.u32 s5, $0x11;
	s7 =	sshll.u32 s5, $0xA  }
0xb: {  	s25 =	ssub.s32 $0x2, s5;
	s5 =	sshll.u32 s5, $0xC;
	s20 =	sor.u32 $0x80, s19  }
0xc: {  	s22 =	sor.u32 $0x100, s19;
	s24 =	sor.u32 $0x180, s19;
	s10 =	sadd.s32 s6, s0  }
0xd: {  	s0 =	sadd.s32 s7, s0;
	s26 =	sshrl.u32 s25, $0x1;
	s18 =	sor.u32 s5, s12  }
0xe: {  	s5 =	sadd.s32 s13, s2;
	s21 =	sshll.u32 s20, $0x7;
	s23 =	sshll.u32 s22, $0x7  }
0xf: {  	s14 =	ssub.s32 s25, s26;
	s13 =	sshrl.u32 s18, $0x3;
	s10 =	sadd.s32 $0x4A400, s10  }
0x10: {  	s0 =	sadd.s32 $0x2400, s0;
	s16 =	sadd.s32 $0x4000, s5;
	s17 =	sadd.s32 $0x8000, s5  }
0x11: {  	s25 =	sshll.u32 s24, $0x7;
	s6 =	sadd.s32 s13, s8;
	[dreg:$0x5] =	wrdreg s0  }
0x12: {  	s7 =	sadd.s32 s13, s9;
	s15 =	smax.u32 s14, $0x1;
	[dreg:$0x7] =	wrdreg s16  }
0x13: {  	[dreg:$0x8] =	wrdreg s17;
	s13 =	sadd.s32 $0xC000, s5;
	s12 =	sadd.s32 s12, s10  }
0x14: {  	s0 =	sshll.u32 s20, $0x4;
	s20 =	sor.u32 $0x100, s18;
	[dreg:$0x6] =	wrdreg s15  }
0x15: {  	s18 =	sadd.s32 s25, s2;
	s25 =	simm.s32 $0x2;
	[dreg:$0x9] =	wrdreg s13  }
0x16: {  	[dreg:$0xa] =	wrdreg s12;
	s12 =	sadd.s32 s21, s2;
	s0 =	sadd.s32 s0, s10  }
0x17: {  	s26 =	sshrl.u32 s20, $0x3;
	s15 =	smov.u32 s6;
	s20 =	sadd.s32 $0x10, s6  }
0x18: {  	s16 =	smov.u32 s7;
	s21 =	sadd.s32 $0x10, s7;
	[dreg:$0xb] =	wrdreg s12  }
0x19: {  	[dreg:$0xc] =	wrdreg s0;
	s12 =	sshll.u32 s22, $0x4;
	s0 =	sadd.s32 s23, s2  }
0x1a: {  	s22 =	sadd.s32 s26, s9;
	s23 =	sadd.s32 s26, s8;
	s26 =	simm.s32 $0x4000  }
0x1b: {  	s8 =	simm.s32 $0x4200;
	s9 =	simm.s32 $0xA200;
	[dreg:$0xd] =	wrdreg s0  }
0x1c: {  	v0 =	vlaneseq.u32;
	v1 =	vimm.f32 $0.0e+00;
	v5 =	vimm.f32 $1.000000000e+00;
	s17 =	sadd.s32 s12, s10;
	s0 =	sshll.u32 s24, $0x4;
	s24 =	simm.s32 $0x6200  }
0x1d: {  	v2 =	vor.u32 $0x10, v0;
	v3 =	vor.u32 $0x20, v0;
	v4 =	vor.u32 $0x30, v0;
	s19 =	sadd.s32 s0, s10;
	s0 =	simm.s32 $0x1;
	s10 =	simm.s32 $0x0  }
.LBB2_1:
0x1e: {  	s11 =	simm.s32 $0x0;
	s12 =	simm.s32 $0x200  }
.LBB2_2:
0x1f: {  	p1 =	sne.s32 s12, $0xFE00;
	[tilespmem:s11+$0x6270] =	vst v1  }
0x20: {  	[tilespmem:s11+$0x6200] =	vst v1  }
0x21: {  	[tilespmem:s11+$0x6210] =	vst v1  }
.Ltmp0:
0x22: {  	[tilespmem:s11+$0x6220] =	vst v1;
	(pc) =	sbr.rel @p1 .LBB2_2-.Ltmp0, $4  }
0x23: {  	[tilespmem:s11+$0x6230] =	vst v1  }
0x24: {  	[tilespmem:s11+$0x6240] =	vst v1  }
0x25: {  	[tilespmem:s11+$0x6250] =	vst v1  }
0x26: {  	[tilespmem:s11+$0x6260] =	vst v1;
	s11 =	sshra.s32 s12, $0x2;
	s12 =	sadd.s32 $0x200, s12  }
0x27: {  	[tilespmem:s11+$0x6270] =	vst v1  }
0x28: {  	[tilespmem:s11+$0x6200] =	vst v1  }
0x29: {  	[tilespmem:s11+$0x6210] =	vst v1  }
0x2a: {  	[tilespmem:s11+$0x6220] =	vst v1  }
0x2b: {  	[tilespmem:s11+$0x6230] =	vst v1  }
0x2c: {  	[tilespmem:s11+$0x6240] =	vst v1  }
0x2d: {  	[tilespmem:s11+$0x6250] =	vst v1  }
0x2e: {  	[tilespmem:s11+$0x6260] =	vst v1;
	s11 =	simm.s32 $0x0;
	s12 =	simm.s32 $0x200  }
.LBB2_4:
0x2f: {  	p1 =	sne.s32 s12, $0x7E00;
	[tilespmem:s11+$0x4270] =	vst v1  }
0x30: {  	[tilespmem:s11+$0x4200] =	vst v1  }
0x31: {  	[tilespmem:s11+$0x4210] =	vst v1  }
.Ltmp1:
0x32: {  	[tilespmem:s11+$0x4220] =	vst v1;
	(pc) =	sbr.rel @p1 .LBB2_4-.Ltmp1, $4  }
0x33: {  	[tilespmem:s11+$0x4230] =	vst v1  }
0x34: {  	[tilespmem:s11+$0x4240] =	vst v1  }
0x35: {  	[tilespmem:s11+$0x4250] =	vst v1  }
0x36: {  	[tilespmem:s11+$0x4260] =	vst v1;
	s11 =	sshra.s32 s12, $0x2;
	s12 =	sadd.s32 $0x200, s12  }
0x37: {  	[tilespmem:s11+$0x4270] =	vst v1  }
0x38: {  	[tilespmem:s11+$0x4200] =	vst v1  }
0x39: {  	[tilespmem:s11+$0x4210] =	vst v1  }
0x3a: {  	[tilespmem:s11+$0x4220] =	vst v1  }
0x3b: {  	[tilespmem:s11+$0x4230] =	vst v1  }
0x3c: {  	[tilespmem:s11+$0x4240] =	vst v1  }
0x3d: {  	[tilespmem:s11+$0x4250] =	vst v1  }
0x3e: {  	[tilespmem:s11+$0x4260] =	vst v1  }
0x3f: {  	[spmem:s5] =	stream.linear.scatter [tilespmem:s24], [sflag:$0x2], $0x4000, $0x38;
	[tilespmem:$0x1E480] =	vst v63  }
0x40: {  	_ =	swait.ge [sflag:s25], $0x4000  }
0x41: {  	[sflag:s25] =	ssyncset.done $0x0  }
0x42: {  	s6 =	rddreg [dreg:$0x7];
	[sflag:s25] =	ssyncadd.s32 $0xFFFFC000  }
0x43: {  	[spmem:s6] =	stream.linear.scatter [tilespmem:s24], [sflag:$0x2], $0x4000, $0x38;
	[tilespmem:$0x1E480] =	vst v63  }
0x44: {  	_ =	swait.ge [sflag:s25], $0x4000  }
0x45: {  	[sflag:s25] =	ssyncset.done $0x0  }
0x46: {  	s13 =	rddreg [dreg:$0x8];
	[sflag:s25] =	ssyncadd.s32 $0xFFFFC000  }
0x47: {  	[spmem:s13] =	stream.linear.scatter [tilespmem:s24], [sflag:$0x2], $0x4000, $0x38;
	[tilespmem:$0x1E480] =	vst v63  }
0x48: {  	_ =	swait.ge [sflag:s25], $0x4000  }
0x49: {  	[sflag:s25] =	ssyncset.done $0x0  }
0x4a: {  	s14 =	rddreg [dreg:$0x9];
	[sflag:s25] =	ssyncadd.s32 $0xFFFFC000  }
0x4b: {  	[spmem:s14] =	stream.linear.scatter [tilespmem:s24], [sflag:$0x2], $0x4000, $0x38;
	[tilespmem:$0x1E480] =	vst v63  }
0x4c: {  	_ =	swait.ge [sflag:s25], $0x4000  }
0x4d: {  	[sflag:s25] =	ssyncset.done $0x0  }
0x4e: {  	s11 =	simm.s32 @!p0 $0x4200;
	[sflag:s25] =	ssyncadd.s32 $0xFFFFC000  }
0x4f: {  	[spmem:s3] =	stream.linear.scatter @!p0 [tilespmem:s11], [sflag:$0x2], $0x2000, $0x38;
	[tilespmem:$0x1E480] =	vst v63  }
0x50: {  	s11 =	simm.s32 @!p0 $0x2  }
0x51: {  	_ =	swait.ge @!p0 [sflag:s11], $0x2000  }
0x52: {  	[sflag:s11] =	ssyncset.done @!p0 $0x0  }
0x53: {  	[sflag:s11] =	ssyncadd.s32 @!p0 $0xFFFFE000  }
0x54: {  	[bflag:$0x0] =	sbarrier.arrive $0xFFFF  }
0x55: {  	[tilespmem:$0xE200] =	vst v0  }
0x56: {  	[tilespmem:$0xE210] =	vst v2  }
0x57: {  	[tilespmem:$0xE220] =	vst v3  }
0x58: {  	s11 =	simm.s32 $0x0;
	[tilespmem:$0xE230] =	vst v4  }
0x59: {  	[tilespmem:s26], [sflag:$0x2] =	stream.linear.gather [hbm4b:s15+s11], $0x80, $0x38;
	[tilespmem:$0x1E480] =	vst v63  }
0x5a: {  	_ =	swait.ge [sflag:s25], $0x80  }
0x5b: {  	[sflag:s25] =	ssyncset.done $0x0  }
0x5c: {  	[sflag:s25] =	ssyncadd.s32 $0xFFFFFF80  }
0x5d: {  	[tilespmem:s28], [sflag:$0x2] =	stream.linear.gather [hbm4b:s16+s11], $0x80, $0x38;
	[tilespmem:$0x1E480] =	vst v63  }
0x5e: {  	_ =	swait.ge [sflag:s25], $0x80  }
0x5f: {  	[sflag:s25] =	ssyncset.done $0x0  }
0x60: {  	[sflag:s25] =	ssyncadd.s32 $0xFFFFFF80  }
0x61: {  	[tilespmem:s11], [sflag:$0x1] =	stream.indirect.gather [hbm4b:s1+s29], $0x80, s26, s29, $0xb8;
	[tilespmem:$0x1E480] =	vst v63  }
.LBB2_6:
0x62: {  	s12 =	sadd.s32 s11, s20  }
0x63: {  	[tilespmem:s30], [sflag:$0x2] =	stream.linear.gather [hbm4b:s12+s4], $0x80, $0x38;
	[tilespmem:$0x1E480] =	vst v63  }
0x64: {  	_ =	swait.ge [sflag:s25], $0x80  }
0x65: {  	[sflag:s25] =	ssyncset.done $0x0  }
0x66: {  	s14 =	sadd.s32 s11, s21;
	[sflag:s25] =	ssyncadd.s32 $0xFFFFFF80  }
0x67: {  	[tilespmem:s31], [sflag:$0x2] =	stream.linear.gather [hbm4b:s14+s4], $0x80, $0x38;
	[tilespmem:$0x1E480] =	vst v63  }
0x68: {  	_ =	swait.ge [sflag:s25], $0x80  }
0x69: {  	[sflag:s25] =	ssyncset.done $0x0  }
0x6a: {  	[sflag:s25] =	ssyncadd.s32 $0xFFFFFF80  }
0x6b: {  	_ =	swait.ge [sflag:s0], $0x4000  }
0x6c: {  	[sflag:s0] =	ssyncset.done $0x0  }
0x6d: {  	[sflag:s0] =	ssyncadd.s32 $0xFFFFC000  }
0x6e: {  	[tilespmem:s24], [sflag:$0x1] =	stream.indirect.gather [hbm4b:s1+s29], $0x80, s30, s29, $0xb8;
	[tilespmem:$0x1E480] =	vst v63  }
0x6f: {  	_ = 	snop  }
0x70: {  	[spmem:s2] =	stream.indirect.scatter.add.f32 [tilespmem:s4], [sflag:$0x2], $0x80, s28, s29, $0xb8;
	[tilespmem:$0x1E480] =	vst v63  }
0x71: {  	_ =	swait.ge [sflag:s25], $0x4000  }
0x72: {  	[sflag:s25] =	ssyncset.done $0x0  }
0x73: {  	[sflag:s25] =	ssyncadd.s32 $0xFFFFC000  }
0x74: {  	v6 =	vld [tilespmem:$0x4080];
	_ =	sdelay $0x7  }
0x75: {  	[tilespmem:v6+s8+$0x0] =	vst.idx.add.f32.msk $0xffff, v5  }
0x76: {  	v6 =	vld [tilespmem:$0x4090];
	_ =	sdelay $0x7  }
0x77: {  	[tilespmem:v6+s8+$0x0] =	vst.idx.add.f32.msk $0xffff, v5  }
0x78: {  	v6 =	vld [tilespmem:$0x40A0];
	_ =	sdelay $0x7  }
0x79: {  	[tilespmem:v6+s8+$0x0] =	vst.idx.add.f32.msk $0xffff, v5  }
0x7a: {  	v6 =	vld [tilespmem:$0x40B0];
	_ =	sdelay $0x7  }
0x7b: {  	[tilespmem:v6+s8+$0x0] =	vst.idx.add.f32.msk $0xffff, v5  }
0x7c: {  	v6 =	vld [tilespmem:$0x40C0];
	_ =	sdelay $0x7  }
0x7d: {  	[tilespmem:v6+s8+$0x0] =	vst.idx.add.f32.msk $0xffff, v5  }
0x7e: {  	v6 =	vld [tilespmem:$0x40D0];
	_ =	sdelay $0x7  }
0x7f: {  	[tilespmem:v6+s8+$0x0] =	vst.idx.add.f32.msk $0xffff, v5  }
0x80: {  	v6 =	vld [tilespmem:$0x40E0];
	_ =	sdelay $0x7  }
0x81: {  	[tilespmem:v6+s8+$0x0] =	vst.idx.add.f32.msk $0xffff, v5  }
0x82: {  	v6 =	vld [tilespmem:$0x40F0];
	_ =	sdelay $0x6  }
0x83: {  	p1 =	seq.s32 s11, $0x1E0  }
0x84: {  	s12 =	simm.s32 @p1 $0x1;
	[tilespmem:v6+s8+$0x0] =	vst.idx.add.f32.msk $0xffff, v5  }
0x85: {  	_ =	swait.ge @p1 [sflag:s12], $0x4000  }
0x86: {  	s6 =	simm.s32 @!p1 $0x0;
	[sflag:s12] =	ssyncset.done @p1 $0x0  }
0x87: {  	s13 =	simm.s32 @!p1 $0x4000;
	[sflag:s12] =	ssyncadd.s32 @p1 $0xFFFFC000;
	s12 =	sadd.s32 @!p1 s11, s23  }
0x88: {  	[tilespmem:s13], [sflag:$0x2] =	stream.linear.gather @!p1 [hbm4b:s12+s6], $0x80, $0x38;
	[tilespmem:$0x1E480] =	vst v63  }
0x89: {  	s12 =	simm.s32 @!p1 $0x2  }
0x8a: {  	_ =	swait.ge @!p1 [sflag:s12], $0x80  }
0x8b: {  	[sflag:s12] =	ssyncset.done @!p1 $0x0  }
0x8c: {  	s7 =	sadd.s32 @!p1 s11, s22;
	s14 =	simm.s32 @!p1 $0x4080;
	[sflag:s12] =	ssyncadd.s32 @!p1 $0xFFFFFF80  }
0x8d: {  	[tilespmem:s14], [sflag:$0x2] =	stream.linear.gather @!p1 [hbm4b:s7+s6], $0x80, $0x38;
	[tilespmem:$0x1E480] =	vst v63  }
0x8e: {  	_ =	swait.ge @!p1 [sflag:s12], $0x80  }
0x8f: {  	[sflag:s12] =	ssyncset.done @!p1 $0x0  }
0x90: {  	s7 =	simm.s32 @!p1 $0x1;
	[sflag:s12] =	ssyncadd.s32 @!p1 $0xFFFFFF80  }
0x91: {  	_ =	swait.ge @!p1 [sflag:s7], $0x4000  }
0x92: {  	[sflag:s7] =	ssyncset.done @!p1 $0x0  }
0x93: {  	[sflag:s7] =	ssyncadd.s32 @!p1 $0xFFFFC000;
	s7 =	simm.s32 @!p1 $0x80  }
0x94: {  	[tilespmem:s6], [sflag:$0x1] =	stream.indirect.gather @!p1 [hbm4b:s1+s7], $0x80, s13, s7, $0xb8;
	[tilespmem:$0x1E480] =	vst v63  }
0x95: {  	_ = 	snop  }
0x96: {  	[spmem:s2] =	stream.indirect.scatter.add.f32 [tilespmem:s24], [sflag:$0x2], $0x80, s31, s29, $0xb8;
	[tilespmem:$0x1E480] =	vst v63  }
0x97: {  	_ =	swait.ge [sflag:s25], $0x4000  }
0x98: {  	[sflag:s25] =	ssyncset.done $0x0  }
0x99: {  	[sflag:s25] =	ssyncadd.s32 $0xFFFFC000  }
0x9a: {  	v6 =	vld [tilespmem:$0x4180];
	_ =	sdelay $0x7  }
0x9b: {  	[tilespmem:v6+s8+$0x0] =	vst.idx.add.f32.msk $0xffff, v5  }
0x9c: {  	v6 =	vld [tilespmem:$0x4190];
	_ =	sdelay $0x7  }
0x9d: {  	[tilespmem:v6+s8+$0x0] =	vst.idx.add.f32.msk $0xffff, v5  }
0x9e: {  	v6 =	vld [tilespmem:$0x41A0];
	_ =	sdelay $0x7  }
0x9f: {  	[tilespmem:v6+s8+$0x0] =	vst.idx.add.f32.msk $0xffff, v5  }
0xa0: {  	v6 =	vld [tilespmem:$0x41B0];
	_ =	sdelay $0x7  }
0xa1: {  	[tilespmem:v6+s8+$0x0] =	vst.idx.add.f32.msk $0xffff, v5  }
0xa2: {  	v6 =	vld [tilespmem:$0x41C0];
	_ =	sdelay $0x7  }
0xa3: {  	[tilespmem:v6+s8+$0x0] =	vst.idx.add.f32.msk $0xffff, v5  }
0xa4: {  	v6 =	vld [tilespmem:$0x41D0];
	_ =	sdelay $0x7  }
0xa5: {  	[tilespmem:v6+s8+$0x0] =	vst.idx.add.f32.msk $0xffff, v5  }
0xa6: {  	v6 =	vld [tilespmem:$0x41E0];
	_ =	sdelay $0x7  }
0xa7: {  	[tilespmem:v6+s8+$0x0] =	vst.idx.add.f32.msk $0xffff, v5  }
0xa8: {  	v6 =	vld [tilespmem:$0x41F0];
	_ =	sdelay $0x1  }
0xa9: {  	s11 =	sadd.s32 $0x20, s11  }
0xaa: {  	p1 =	sne.s32 s11, $0x200  }
.Ltmp2:
0xab: {  	_ = 	snop;
	(pc) =	sbr.rel @p1 .LBB2_6-.Ltmp2, $2  }
0xac: {  	_ =	sdelay $0x2  }
0xad: {  	[tilespmem:v6+s8+$0x0] =	vst.idx.add.f32.msk $0xffff, v5  }
0xae: {  	s6 =	simm.s32 $0x40;
	s7 =	simm.s32 $0xE200  }
0xaf: {  	[spmem:s3] =	stream.indirect.scatter.add.f32 [tilespmem:s8], [sflag:$0x2], $0x80, s7, s6, $0xb8;
	[tilespmem:$0x1E480] =	vst v63  }
0xb0: {  	_ =	swait.ge [sflag:s25], $0x2000  }
0xb1: {  	[sflag:s25] =	ssyncset.done $0x0  }
0xb2: {  	[sflag:s25] =	ssyncadd.s32 $0xFFFFE000  }
0xb3: {  	[bflag:$0x0] =	sbarrier.arrive $0xFFFF  }
0xb4: {  	[tilespmem:s9], [sflag:$0x2] =	stream.linear.gather [spmem:s5], $0x4000, $0x38;
	[tilespmem:$0x1E480] =	vst v63  }
0xb5: {  	_ =	swait.ge [sflag:s25], $0x4000  }
0xb6: {  	[sflag:s25] =	ssyncset.done $0x0  }
0xb7: {  	s7 =	rddreg [dreg:$0xa];
	[sflag:s25] =	ssyncadd.s32 $0xFFFFC000  }
0xb8: {  	[hbm4b:s7+s4] =	stream.linear.scatter [tilespmem:s9], [sflag:$0x2], $0x4000, $0x38;
	[tilespmem:$0x1E480] =	vst v63  }
0xb9: {  	_ =	swait.ge [sflag:s25], $0x4000  }
0xba: {  	[sflag:s25] =	ssyncset.done $0x0  }
0xbb: {  	s11 =	rddreg [dreg:$0xb];
	[sflag:s25] =	ssyncadd.s32 $0xFFFFC000  }
0xbc: {  	[tilespmem:s9], [sflag:$0x2] =	stream.linear.gather [spmem:s11], $0x4000, $0x38;
	[tilespmem:$0x1E480] =	vst v63  }
0xbd: {  	_ =	swait.ge [sflag:s25], $0x4000  }
0xbe: {  	[sflag:s25] =	ssyncset.done $0x0  }
0xbf: {  	s12 =	rddreg [dreg:$0xc];
	[sflag:s25] =	ssyncadd.s32 $0xFFFFC000  }
0xc0: {  	[hbm4b:s12+s4] =	stream.linear.scatter [tilespmem:s9], [sflag:$0x2], $0x4000, $0x38;
	[tilespmem:$0x1E480] =	vst v63  }
0xc1: {  	_ =	swait.ge [sflag:s25], $0x4000  }
0xc2: {  	[sflag:s25] =	ssyncset.done $0x0  }
0xc3: {  	s13 =	rddreg [dreg:$0xd];
	[sflag:s25] =	ssyncadd.s32 $0xFFFFC000  }
0xc4: {  	[tilespmem:s9], [sflag:$0x2] =	stream.linear.gather [spmem:s13], $0x4000, $0x38;
	[tilespmem:$0x1E480] =	vst v63  }
0xc5: {  	_ =	swait.ge [sflag:s25], $0x4000  }
0xc6: {  	[sflag:s25] =	ssyncset.done $0x0  }
0xc7: {  	[sflag:s25] =	ssyncadd.s32 $0xFFFFC000  }
0xc8: {  	[hbm4b:s17+s4] =	stream.linear.scatter [tilespmem:s9], [sflag:$0x2], $0x4000, $0x38;
	[tilespmem:$0x1E480] =	vst v63  }
0xc9: {  	_ =	swait.ge [sflag:s25], $0x4000  }
0xca: {  	[sflag:s25] =	ssyncset.done $0x0  }
0xcb: {  	[sflag:s25] =	ssyncadd.s32 $0xFFFFC000  }
0xcc: {  	[tilespmem:s9], [sflag:$0x2] =	stream.linear.gather [spmem:s18], $0x4000, $0x38;
	[tilespmem:$0x1E480] =	vst v63  }
0xcd: {  	_ =	swait.ge [sflag:s25], $0x4000  }
0xce: {  	[sflag:s25] =	ssyncset.done $0x0  }
0xcf: {  	[sflag:s25] =	ssyncadd.s32 $0xFFFFC000  }
0xd0: {  	[hbm4b:s19+s4] =	stream.linear.scatter [tilespmem:s9], [sflag:$0x2], $0x4000, $0x38;
	[tilespmem:$0x1E480] =	vst v63  }
0xd1: {  	_ =	swait.ge [sflag:s25], $0x4000  }
0xd2: {  	[sflag:s25] =	ssyncset.done $0x0  }
0xd3: {  	s6 =	simm.s32 @!p0 $0x4200;
	s7 =	simm.s32 @!p0 $0x2;
	[sflag:s25] =	ssyncadd.s32 $0xFFFFC000  }
0xd4: {  	[tilespmem:s6], [sflag:$0x2] =	stream.linear.gather @!p0 [spmem:s3], $0x2000, $0x38;
	[tilespmem:$0x1E480] =	vst v63  }
0xd5: {  	_ =	swait.ge @!p0 [sflag:s7], $0x2000  }
0xd6: {  	[sflag:s7] =	ssyncset.done @!p0 $0x0  }
0xd7: {  	s11 =	simm.s32 @!p0 $0x0;
	s12 =	rddreg [dreg:$0x5];
	[sflag:s7] =	ssyncadd.s32 @!p0 $0xFFFFE000  }
0xd8: {  	[hbm4b:s12+s11] =	stream.linear.scatter @!p0 [tilespmem:s6], [sflag:$0x2], $0x2000, $0x38;
	[tilespmem:$0x1E480] =	vst v63  }
0xd9: {  	_ =	swait.ge @!p0 [sflag:s7], $0x2000  }
0xda: {  	s10 =	sadd.s32 $0x1, s10;
	s14 =	rddreg [dreg:$0x6]  }
0xdb: {  	p1 =	sne.s32 s10, s14  }
.Ltmp3:
0xdc: {  	_ = 	snop;
	(pc) =	sbr.rel @p1 .LBB2_1-.Ltmp3, $3  }
0xdd: {  	_ =	sdelay $0x1  }
0xde: {  	[sflag:s7] =	ssyncset.done @!p0 $0x0  }
0xdf: {  	[sflag:s7] =	ssyncadd.s32 @!p0 $0xFFFFE000  }
0xe0: {  	_ =	sfence.sel $0x180000  }
0xe1: {  	[bflag:$0x0] =	sbarrier.arrive $0xFFFF  }
0xe2: {  	_ =	strace $0x9000004D  }
0xe3: {  	[bflag:$0x2] =	sbarrier.arrive $0xFFFF  }
0xe4: {  	s0 =	rddreg [dreg:$0x4]  }
0xe5: {  	s0 =	sadd.s32 @!p0 $0x100000, s0  }
0xe6: {  	[sflag:s0] =	ssyncadd.tile.s32 @!p0 $0x1;
	_ =	shalt  }
.Lfunc_end2:
_tile_overlayer_lowered:
.L_overlay_start_2:
0xe7: {  	(tag) =	ssettag $0x2  }
0xe8: {  	s0 =	rddreg [dreg:$0x0];
	s2 =	stileid.u32  }
0xe9: {  	s1 =	rddreg [dreg:$0x1];
	p0 =	sne.s32 s2, $0x0  }
0xea: {  	s3 =	rddreg [dreg:$0x2];
	[bflag:$0x3] =	sbarrier.arrive $0xFFFF;
	s2 =	simm.s32 @!p0 $0x1C02  }
0xeb: {  	[timem:s3], [sflag:s2] =	dma.local @!p0 [hbm:s0], s1  }
0xec: {  	s0 =	simm.s32 @!p0 $0x2  }
0xed: {  	_ =	swait.ge @!p0 [sflag:s0], s1  }
0xee: {  	s1 =	ssub.s32 @!p0 $0x0, s1;
	[sflag:s0] =	ssyncset.done @!p0 $0x0  }
0xef: {  	[sflag:s0] =	ssyncadd.s32 @!p0 s1  }
0xf0: {  	[bflag:$0x3] =	sbarrier.arrive $0xFFFF  }
0xf1: {  	_ =	shalt  }

// kernel: kernel.8.cloned.1.call-start
scs
__scs_entry_jumppad:
0x0: {  	(pc) =	sbr.rel $0x88, $3  }
0x1: {  	(tag) =	ssettag $0x0;
	lr =	simm.s32 $0x1  }
0x2: {  	[smem:$0x3F9B] =	sst lr;
	_ =	strace $0xD0000000  }
0x3: {  	_ = 	snop  }
0x4: {  	_ = 	snop  }
0x5: {  	_ = 	snop  }
0x6: {  	_ = 	snop  }
0x7: {  	_ = 	snop  }
__scs_overlays_trampoline_lowered:
0x8: {  	[smem:$0x3FAA] =	sst s0  }
0x9: {  	[smem:$0x3FAB] =	sst s1  }
0xa: {  	[smem:$0x3FAC] =	sst s2  }
0xb: {  	[smem:$0x3FAD] =	sst s3  }
0xc: {  	[smem:$0x3FAE] =	sst s4  }
0xd: {  	[smem:$0x3FAF] =	sst s5  }
0xe: {  	[smem:$0x3FB0] =	sst s6  }
0xf: {  	[smem:$0x3FB1] =	sst s7  }
0x10: {  	[smem:$0x3FB2] =	sst s8  }
0x11: {  	[smem:$0x3FB3] =	sst s9;
	s0 =	simm.s32 @!p0 $0x0  }
0x12: {  	s1 =	sld [smem:$0x3F99];
	s0 =	simm.s32 @p0 $0x1  }
0x13: {  	[smem:$0x3FB4] =	sst s0;
	s0 =	simm.s32 @!p1 $0x0  }
0x14: {  	s2 =	sld [smem:$0x3F98];
	s0 =	simm.s32 @p1 $0x1  }
0x15: {  	[smem:$0x3FB5] =	sst s0;
	s0 =	simm.s32 @!p2 $0x0  }
0x16: {  	s3 =	sld [smem:$0x3FDB];
	s0 =	simm.s32 @p2 $0x1  }
0x17: {  	s4 =	simm.s32 $0x1BF5;
	[smem:$0x3FB7] =	sst s0  }
0x18: {  	s0 =	sld [smem:$0x3F9A];
	_ =	swait.ge [sflag:s4], $0x0  }
0x19: {  	s7 =	sld [smem:$0x3F9B]  }
0x1a: {  	s8 =	sadd.s32 $0xFFFFE003, lr  }
0x1b: {  	s9 =	sadd.s32 $0xFFFFFEF7, lr;
	s5 =	simm.s32 $0xFFFFFFFF;
	p2 =	slt.u32 s8, $0xFFFFF086  }
0x1c: {  	p1 =	slt.u32 s9, $0xF7A;
	s5 =	simm.s32 @!p2 $0x0  }
0x1d: {  	s5 =	simm.s32 @p1 $0x1;
	p0 =	seq.s32 s7, s2  }
0x1e: {  	s7 =	smul.u32 @!p0 $0xF7A, s2;
	p2 =	seq.s32 @!p0 s5, $0x0  }
0x1f: {  	s9 =	smul.u32 $0xF7A, s1;
	s8 =	simm.s32 @!p0 $0x1BF5;
	p2 =	por !p2, p0  }
0x20: {  	[sflag:s8] =	ssyncset.s32 @!p0 $0xFFFFF086;
	s6 =	sadd.s32 @!p0 s3, s7;
	s7 =	simm.s32 @!p0 $0x108  }
0x21: {  	s3 =	sadd.s32 s3, s9;
	s6 =	sadd.s32 @!p0 $0x88, s6;
	s7 =	simm.s32 @p2 $0x1082  }
0x22: {  	[simem:s7], [sflag:s8] =	dma.local @!p0 [hbm:s6], $0xF7A  }
0x23: {  	s9 =	sor.u32 $0xD0000000, s2;
	s6 =	simm.s32 $0x108;
	_ =	swait.ge @!p0 [sflag:s8], $0x0  }
0x24: {  	s3 =	sadd.s32 $0x88, s3;
	s6 =	simm.s32 @!p1 $0x1082;
	[sflag:s4] =	ssyncset.s32 $0xFFFFF086  }
0x25: {  	[simem:s6], [sflag:s4] =	dma.local [hbm:s3], $0xF7A  }
0x26: {  	[smem:$0x3F9B] =	sst s1;
	(tag) =	ssettag s2;
	_ =	strace s9  }
0x27: {  	s1 =	sld [smem:$0x3FAB]  }
0x28: {  	s2 =	sld [smem:$0x3FAC]  }
0x29: {  	s4 =	sld [smem:$0x3FAE]  }
0x2a: {  	p0 =	seq.s32 s5, $0x0;
	s5 =	sld [smem:$0x3FAF]  }
0x2b: {  	s6 =	sld [smem:$0x3FB0]  }
0x2c: {  	s7 =	sld [smem:$0x3FB1]  }
0x2d: {  	s3 =	simm.s32 $0x108;
	s8 =	sld [smem:$0x3FB2]  }
0x2e: {  	s3 =	simm.s32 @!p0 $0x1082;
	s9 =	sld [smem:$0x3FB3]  }
0x2f: {  	lr =	sadd.s32 s0, s3;
	s0 =	sld [smem:$0x3FAA]  }
0x30: {  	s3 =	sld [smem:$0x3FAD]  }
0x31: {  	[smem:$0x3FB6] =	sst s10  }
0x32: {  	s10 =	sld [smem:$0x3FB4];
	_ =	sdelay $0x3  }
0x33: {  	p0 =	seq.s32 s10, $0x1;
	s10 =	sld [smem:$0x3FB6];
	_ =	sdelay $0x3  }
0x34: {  	[smem:$0x3FB6] =	sst s10  }
0x35: {  	s10 =	sld [smem:$0x3FB5];
	_ =	sdelay $0x3  }
0x36: {  	p1 =	seq.s32 s10, $0x1;
	s10 =	sld [smem:$0x3FB6];
	_ =	sdelay $0x3  }
0x37: {  	[smem:$0x3FB6] =	sst s10  }
0x38: {  	s10 =	sld [smem:$0x3FB7]  }
0x39: {  	_ = 	snop;
	(pc) =	sbr.ind lr, $3  }
0x3a: {  	_ = 	snop  }
0x3b: {  	_ = 	snop  }
0x3c: {  	p2 =	seq.s32 s10, $0x1;
	s10 =	sld [smem:$0x3FB6]  }
0x3d: {  	_ =	shalt  }
0x3e: {  	_ =	shalt  }
0x3f: {  	_ =	shalt  }
0x40: {  	_ =	shalt  }
0x41: {  	_ =	shalt  }
0x42: {  	_ =	shalt  }
0x43: {  	_ =	shalt  }
0x44: {  	_ =	shalt  }
0x45: {  	_ =	shalt  }
0x46: {  	_ =	shalt  }
0x47: {  	_ =	shalt  }
0x48: {  	_ =	shalt  }
0x49: {  	_ =	shalt  }
0x4a: {  	_ =	shalt  }
0x4b: {  	_ =	shalt  }
0x4c: {  	_ =	shalt  }
0x4d: {  	_ =	shalt  }
0x4e: {  	_ =	shalt  }
0x4f: {  	_ =	shalt  }
0x50: {  	_ =	shalt  }
0x51: {  	_ =	shalt  }
0x52: {  	_ =	shalt  }
0x53: {  	_ =	shalt  }
0x54: {  	_ =	shalt  }
0x55: {  	_ =	shalt  }
0x56: {  	_ =	shalt  }
0x57: {  	_ =	shalt  }
0x58: {  	_ =	shalt  }
0x59: {  	_ =	shalt  }
0x5a: {  	_ =	shalt  }
0x5b: {  	_ =	shalt  }
0x5c: {  	_ =	shalt  }
0x5d: {  	_ =	shalt  }
0x5e: {  	_ =	shalt  }
0x5f: {  	_ =	shalt  }
0x60: {  	_ =	shalt  }
0x61: {  	_ =	shalt  }
0x62: {  	_ =	shalt  }
0x63: {  	_ =	shalt  }
0x64: {  	_ =	shalt  }
0x65: {  	_ =	shalt  }
0x66: {  	_ =	shalt  }
0x67: {  	_ =	shalt  }
0x68: {  	_ =	shalt  }
0x69: {  	_ =	shalt  }
0x6a: {  	_ =	shalt  }
0x6b: {  	_ =	shalt  }
0x6c: {  	_ =	shalt  }
0x6d: {  	_ =	shalt  }
0x6e: {  	_ =	shalt  }
0x6f: {  	_ =	shalt  }
0x70: {  	_ =	shalt  }
0x71: {  	_ =	shalt  }
0x72: {  	_ =	shalt  }
0x73: {  	_ =	shalt  }
0x74: {  	_ =	shalt  }
0x75: {  	_ =	shalt  }
0x76: {  	_ =	shalt  }
0x77: {  	_ =	shalt  }
0x78: {  	_ =	shalt  }
0x79: {  	_ =	shalt  }
0x7a: {  	_ =	shalt  }
0x7b: {  	_ =	shalt  }
0x7c: {  	_ =	shalt  }
0x7d: {  	_ =	shalt  }
0x7e: {  	_ =	shalt  }
0x7f: {  	_ =	shalt  }
0x80: {  	_ =	shalt  }
0x81: {  	_ =	shalt  }
0x82: {  	_ =	shalt  }
0x83: {  	_ =	shalt  }
0x84: {  	_ =	shalt  }
0x85: {  	_ =	shalt  }
0x86: {  	_ =	shalt  }
0x87: {  	_ =	shalt  }
.Lfunc_end0:
.L_simem_size_0:
called_computation_lowered:
.L_overlay_start_0:
0x88: {  	s2 =	sld [smem:$0x3FD9]  }
0x89: {  	s3 =	sld [smem:$0x3FFE];
	_ =	sdelay $0x1  }
0x8a: {  	s1 =	srdreg.scid  }
0x8b: {  	s0 =	sand.u32 $0x1, s1  }
0x8c: {  	s15 =	sshll.u32 s0, $0xA;
	s2 =	sadd.s32 s3, s2  }
0x8d: {  	s2 =	sadd.s32 s2, s15  }
0x8e: {  	[smem:$0x3FC2] =	sst s2  }
0x8f: {  	_ = 	snop  }
0x90: {  	s2 =	sld [smem:$0x3FD0];
	_ =	sdelay $0x2  }
0x91: {  	s16 =	simm.s32 $0xA;
	s4 =	simm.s32 $0x10  }
0x92: {  	[smem:s4], [sflag:s16] =	dma.local [hbm:s2], $0x1  }
0x93: {  	_ =	swait.eq [sflag:s16], $0x1  }
0x94: {  	[sflag:s16] =	ssyncset.done $0x0  }
0x95: {  	s17 =	sld [smem:$0x11];
	[sflag:s16] =	ssyncadd.s32 $0xFFFFFFFF  }
0x96: {  	s18 =	sld [smem:$0x12];
	(tm) =	ssettm $0x1  }
0x97: {  	s19 =	sld [smem:$0x3FFB];
	_ =	sdelay $0x3  }
0x98: {  	_ =	strace s19  }
0x99: {  	s4 =	sld [smem:$0x3FFC];
	_ =	sdelay $0x3  }
0x9a: {  	_ =	strace s4  }
0x9b: {  	s4 =	sld [smem:$0x3FFD];
	_ =	sdelay $0x3  }
0x9c: {  	_ =	strace s4  }
0x9d: {  	_ =	strace $0x8FFFFFFF  }
0x9e: {  	s20 =	sld [smem:$0x3FDB];
	_ =	sdelay $0x1  }
0x9f: {  	s5 =	simm.s32 $_scs_section_size  }
0xa0: {  	s6 =	simm.s32 $_size__tile_overlayer_lowered;
	s7 =	simm.s32 $_tile_overlayer_lowered  }
0xa1: {  	s23 =	simm.s32 $0x1BFF;
	s22 =	sshll.u32 s7, $0x1;
	s4 =	sadd.s32 s5, s20  }
0xa2: {  	s8 =	simm.s32 $0x0;
	s21 =	sshll.u32 s6, $0x1;
	s6 =	sadd.s32 s22, s4  }
0xa3: {  	[timem:s8], [sflag:s23] =	dma.local [hbm:s6], s21  }
0xa4: {  	_ =	swait.ge [sflag:s23], s21  }
0xa5: {  	s5 =	ssub.s32 $0x0, s21;
	[sflag:s23] =	ssyncset.done $0x0  }
0xa6: {  	[sflag:s23] =	ssyncadd.s32 s5;
	_ =	sdelay $0x1  }
0xa7: {  	s24 =	simm.s32 $0x1B8B  }
0xa8: {  	_ =	swait.ge [sflag:s24], $0x1  }
0xa9: {  	[sflag:s24] =	ssyncset.done $0x0  }
0xaa: {  	s25 =	simm.s32 $0x1B8E;
	[sflag:s24] =	ssyncadd.s32 $0xFFFFFFFF  }
0xab: {  	s26 =	simm.s32 $execute0_lowered;
	[smem:$0x3FD2] =	sst s25  }
0xac: {  	s5 =	sshll.u32 s26, $0x1;
	_ =	strace $0x80000046;
	[dreg:$0x1] =	wrdreg $0xFFFFFFFF  }
0xad: {  	s28 =	simm.s32 $_size_execute0_lowered;
	s4 =	sadd.s32 s4, s5;
	[dreg:$0x0] =	wrdreg $0x0  }
0xae: {  	s5 =	sshll.u32 s28, $0x1;
	[dreg:$0x2] =	wrdreg s4  }
0xaf: {  	[dreg:$0x3] =	wrdreg s5  }
0xb0: {  	[dreg:$0x4] =	wrdreg $0xC0  }
0xb1: {  	_ =	task [dreg:s8], $0x5FFFF  }
0xb2: {  	[dreg:$0x1] =	wrdreg $0xFFFFFFFF  }
0xb3: {  	[dreg:$0x0] =	wrdreg $0x60  }
0xb4: {  	[dreg:$0x2] =	wrdreg s17  }
0xb5: {  	[dreg:$0x3] =	wrdreg s18  }
0xb6: {  	[dreg:$0x4] =	wrdreg $0x70000  }
0xb7: {  	[dreg:$0x5] =	wrdreg $0x72000  }
0xb8: {  	[dreg:$0x6] =	wrdreg $0x74000  }
0xb9: {  	[dreg:$0x7] =	wrdreg $0x74800  }
0xba: {  	[dreg:$0x8] =	wrdreg $0x9  }
0xbb: {  	_ =	task.clear_ibuf [dreg:s8], $0x9FFFF;
	_ =	strace $0x90000046  }
0xbc: {  	s29 =	simm.s32 $0x9;
	_ =	strace $0x80000048  }
0xbd: {  	_ =	swait.ge [sflag:s29], $0x1  }
0xbe: {  	[sflag:s29] =	ssyncadd.s32 $0xFFFFFFFF  }
0xbf: {  	_ =	strace $0x90000048  }
0xc0: {  	_ =	sfence  }
0xc1: {  	s30 =	sld [smem:$0x0];
	_ =	sdelay $0x2  }
0xc2: {  	s31 =	sshll.u32 s1, $0xD;
	s1 =	sshrl.u32 s1, $0x2  }
0xc3: {  	s3 =	sand.u32 $0x4000, s31;
	s1 =	sadd.s32 s1, s30  }
0xc4: {  	s0 =	sor.u32 s3, s0;
	s1 =	sshll.u32 s1, $0x11  }
0xc5: {  	s0 =	sor.u32 s1, s0  }
0xc6: {  	s0 =	sadd.s32 $0x8F2B, s0  }
0xc7: {  	[sflag:s0] =	ssyncadd.remote.s32 $0x1  }
0xc8: {  	_ =	sfence.sel $0xFFFF  }
0xc9: {  	[dreg:$0x0] =	wrdreg $0xFFFFFFFF;
	(pc) =	sbr.abs _section_cstart, $3  }
0xca: {  	[dreg:$0x1] =	wrdreg $0xFFFFFFFF  }
0xcb: {  	_ =	task.clear_ibuf [dreg:s8], $0x2FFFF;
	_ =	strace $0x9FFFFFFF  }
0xcc: {  	(tm) =	ssettm $0x7FFFFFFF  }
0xcd: {  	_ =	shalt  }
tec
execute0_lowered:
.L_overlay_start_1:
0x0: {  	(tag) =	ssettag $0x1  }
0x1: {  	s6 =	rddreg [dreg:$0x0]  }
0x2: {  	s12 =	rddreg [dreg:$0x1]  }
0x3: {  	s0 =	rddreg [dreg:$0x2]  }
0x4: {  	s1 =	rddreg [dreg:$0x3]  }
0x5: {  	v0 =	vimm.s32 $0xFEDCBA98;
	s2 =	rddreg [dreg:$0x4];
	s15 =	stileid.u32  }
0x6: {  	v1 =	vimm.s32 $0x76543210;
	s4 =	rddreg [dreg:$0x5];
	s7 =	srdreg.scid;
	v3 =	vimm.s32 $0xBA98FEDC;
	v4 =	vimm.s32 $0x32107654  }
0x7: {  	s3 =	rddreg [dreg:$0x6];
	s5 =	simm.s32 $0x0;
	v5 =	vimm.s32 $0xDCFE98BA;
	v6 =	vimm.s32 $0x54761032;
	s16 =	simm.s32 $0x5F80  }
0x8: {  	v7 =	vimm.s32 $0xEFCDAB89;
	v8 =	vimm.s32 $0x67452301;
	s17 =	simm.s32 $0x1200;
	s18 =	simm.s32 $0x40;
	s19 =	simm.s32 $0x6F80;
	v11 =	vimm.s32 $0x0  }
0x9: {  	s20 =	simm.s32 $0x3200;
	s21 =	simm.s32 $0x6780;
	s22 =	simm.s32 $0x3400;
	v12 =	vimm.s32 $0xF;
	v0 =	vunpack.c.l.s4.s8 v0;
	v1 =	vunpack.c.l.s4.s8 v1  }
0xa: {  	s23 =	simm.s32 $0x3600;
	s24 =	simm.s32 $0x5600;
	s25 =	simm.s32 $0x0;
	v3 =	vunpack.c.l.s4.s8 v3;
	v4 =	vunpack.c.l.s4.s8 v4;
	v5 =	vunpack.c.l.s4.s8 v5  }
0xb: {  	s8 =	sshrl.u32 s15, $0x1;
	s11 =	sand.u32 $0x1, s7;
	[smem:$0x7FF] =	sst s5;
	v6 =	vunpack.c.l.s4.s8 v6;
	v7 =	vunpack.c.l.s4.s8 v7;
	v8 =	vunpack.c.l.s4.s8 v8  }
0xc: {  	s29 =	smul.u32 $0x240, s15;
	s30 =	sshll.u32 s15, $0x1;
	s31 =	sshll.u32 s15, $0x7;
	v2 =	vunpack.c.0.s8.s32 v0;
	v0 =	vmov s8;
	v3 =	vunpack.c.0.s8.s32 v3  }
0xd: {  	s10 =	sshll.u32 s15, $0x9;
	p0 =	sne.s32 s15, $0x0;
	s7 =	ssub.s32 $0x2, s11;
	v4 =	vunpack.c.0.s8.s32 v4;
	v5 =	vunpack.c.0.s8.s32 v5;
	v6 =	vunpack.c.0.s8.s32 v6  }
0xe: {  	_ =	strace $0x80000047;
	s14 =	sor.u32 s11, s30;
	s11 =	smul.u32 $0x900, s11;
	v1 =	vunpack.c.0.s8.s32 v1;
	v7 =	vunpack.c.0.s8.s32 v7;
	v8 =	vunpack.c.0.s8.s32 v8  }
0xf: {  	s9 =	sshrl.u32 s7, $0x1;
	s6 =	sadd.s32 s6, s29;
	s14 =	smul.u32 $0x120, s14;
	v2 =	vand.u32 $0xF, v2;
	v3 =	vcombine.low v4, v3;
	v4 =	vcombine.low v6, v5  }
0x10: {  	s8 =	sadd.s32 s10, s0;
	s10 =	sadd.s32 s10, s1;
	s13 =	ssub.s32 s7, s9;
	v5 =	vcombine.low v8, v7;
	v6 =	vimm.s32 $0x1;
	v7 =	vlaneseq.u32  }
0x11: {  	s7 =	sadd.s32 s31, s2;
	s9 =	sadd.s32 s31, s4;
	s12 =	sadd.s32 s12, s14;
	v1 =	vcombine.low v2, v1;
	v2 =	vmov s15;
	v8 =	vor.u32 $0x10, v7  }
0x12: {  	s13 =	smax.u32 s13, $0x1;
	s14 =	simm.s32 $0x1;
	s15 =	simm.s32 $0x5F00;
	v9 =	vor.u32 $0x20, v7;
	v10 =	vor.u32 $0x30, v7;
	v13 =	vmul.u32 $0x80, v7  }
.LBB2_1:
0x13: {  	[tilespmem:s5], [sflag:$0x1] =	stream.linear.gather [hbm4b:s6+s5], $0x1200, $0x38;
	[tilespmem:$0x7500] =	vst v63  }
0x14: {  	_ =	swait.ge [sflag:s14], $0x1200  }
0x15: {  	[sflag:s14] =	ssyncset.done $0x0  }
0x16: {  	s26 =	simm.s32 $0x0;
	s28 =	simm.s32 $0x200;
	v14 =	vimm.s32 $0x0;
	[sflag:s14] =	ssyncadd.s32 $0xFFFFEE00  }
.LBB2_2:
0x17: {  	p1 =	sne.s32 s28, $0x7E00;
	[tilespmem:s26+$0x1270] =	vst v14  }
0x18: {  	[tilespmem:s26+$0x1200] =	vst v14  }
0x19: {  	[tilespmem:s26+$0x1210] =	vst v14  }
.Ltmp0:
0x1a: {  	[tilespmem:s26+$0x1220] =	vst v14;
	(pc) =	sbr.rel @p1 .LBB2_2-.Ltmp0, $4  }
0x1b: {  	[tilespmem:s26+$0x1230] =	vst v14  }
0x1c: {  	[tilespmem:s26+$0x1240] =	vst v14  }
0x1d: {  	[tilespmem:s26+$0x1250] =	vst v14  }
0x1e: {  	[tilespmem:s26+$0x1260] =	vst v14;
	v14 =	vimm.s32 $0x0;
	s26 =	sshra.s32 s28, $0x2;
	s28 =	sadd.s32 $0x200, s28  }
0x1f: {  	[tilespmem:s26+$0x1270] =	vst v14  }
0x20: {  	[tilespmem:s26+$0x1200] =	vst v14  }
0x21: {  	[tilespmem:s26+$0x1210] =	vst v14  }
0x22: {  	[tilespmem:s26+$0x1220] =	vst v14  }
0x23: {  	[tilespmem:s26+$0x1230] =	vst v14  }
0x24: {  	[tilespmem:s26+$0x1240] =	vst v14  }
0x25: {  	[tilespmem:s26+$0x1250] =	vst v14  }
0x26: {  	[tilespmem:s26+$0x1260] =	vst v14;
	s28 =	simm.s32 $0x0  }
0x27: {  	s26 =	simm.s32 $0x40;
	v15 =	vld [tilespmem:s28+$0x0]  }
.LBB2_4:
0x28: {  	p1 =	sne.s32 s26, $0x47C0  }
.Ltmp1:
0x29: {  	_ = 	snop;
	(pc) =	sbr.rel @p1 .LBB2_4-.Ltmp1, $3  }
0x2a: {  	_ =	sdelay $0x1  }
0x2b: {  	s28 =	sshra.s32 s26, $0x2;
	s26 =	sadd.s32 $0x40, s26;
	vm0 =	vgt.s32 v14, v15  }
0x2c: {  	v14 =	vsel vm0, v14, v15;
	v15 =	vld [tilespmem:s28+$0x0]  }
0x2d: {  	_ =	sdelay $0x3  }
0x2e: {  	vm0 =	vgt.s32 v14, v15  }
0x2f: {  	v14 =	vsel vm0, v14, v15  }
0x30: {  	[tilespmem:$0x5F00] =	vst v14  }
0x31: {  	[tilespmem:$0x5F10] =	vst v14  }
0x32: {  	[tilespmem:$0x5F20] =	vst v14  }
0x33: {  	[tilespmem:$0x5F30] =	vst v14  }
0x34: {  	[tilespmem:$0x5F40] =	vst v14  }
0x35: {  	[tilespmem:$0x5F50] =	vst v14  }
0x36: {  	[tilespmem:$0x5F60] =	vst v14  }
0x37: {  	[tilespmem:$0x5F70] =	vst v14  }
0x38: {  	[spmem:s7] =	stream.linear.scatter [tilespmem:s15], [sflag:$0x1], $0x80, $0x38;
	[tilespmem:$0x7500] =	vst v63  }
0x39: {  	_ =	swait.ge [sflag:s14], $0x80  }
0x3a: {  	[sflag:s14] =	ssyncset.done $0x0  }
0x3b: {  	s26 =	simm.s32 @!p0 $0x1200;
	[sflag:s14] =	ssyncadd.s32 $0xFFFFFF80  }
0x3c: {  	[spmem:s0] =	stream.linear.scatter @!p0 [tilespmem:s26], [sflag:$0x1], $0x2000, $0x38;
	[tilespmem:$0x7500] =	vst v63  }
0x3d: {  	s26 =	simm.s32 @!p0 $0x1  }
0x3e: {  	_ =	swait.ge @!p0 [sflag:s26], $0x2000  }
0x3f: {  	[sflag:s26] =	ssyncset.done @!p0 $0x0  }
0x40: {  	[sflag:s26] =	ssyncadd.s32 @!p0 $0xFFFFE000  }
0x41: {  	[bflag:$0x0] =	sbarrier.arrive $0xFFFF  }
0x42: {  	[tilespmem:s16], [sflag:$0x1] =	stream.linear.gather [spmem:s2], $0x800, $0x38;
	[tilespmem:$0x7500] =	vst v63  }
0x43: {  	_ =	swait.ge [sflag:s14], $0x800  }
0x44: {  	[sflag:s14] =	ssyncset.done $0x0  }
0x45: {  	[sflag:s14] =	ssyncadd.s32 $0xFFFFF800  }
0x46: {  	v14 =	vld [tilespmem:$0x5F80]  }
0x47: {  	v15 =	vld [tilespmem:$0x6000];
	_ =	sdelay $0x1  }
0x48: {  	v16 =	vld [tilespmem:$0x6080];
	_ =	sdelay $0x1  }
0x49: {  	v17 =	vld [tilespmem:$0x6100]  }
0x4a: {  	vm15 =	vgt.s32 v14, v15  }
0x4b: {  	v14 =	vsel vm15, v14, v15;
	v15 =	vld [tilespmem:$0x6180]  }
0x4c: {  	vm0 =	vgt.s32 v14, v16  }
0x4d: {  	v56 =	vld [tilespmem:$0x6200];
	v14 =	vsel vm0, v14, v16  }
0x4e: {  	vm0 =	vgt.s32 v14, v17  }
0x4f: {  	v57 =	vld [tilespmem:$0x6280];
	v14 =	vsel vm0, v14, v17  }
0x50: {  	vm0 =	vgt.s32 v14, v15  }
0x51: {  	v14 =	vsel vm0, v14, v15;
	v15 =	vld [tilespmem:$0x6300]  }
0x52: {  	vm0 =	vgt.s32 v14, v56  }
0x53: {  	v58 =	vld [tilespmem:$0x6380];
	v14 =	vsel vm0, v14, v56  }
0x54: {  	vm0 =	vgt.s32 v14, v57  }
0x55: {  	v59 =	vld [tilespmem:$0x6400];
	v14 =	vsel vm0, v14, v57  }
0x56: {  	vm0 =	vgt.s32 v14, v15  }
0x57: {  	v14 =	vsel vm0, v14, v15;
	v15 =	vld [tilespmem:$0x6480]  }
0x58: {  	vm0 =	vgt.s32 v14, v58  }
0x59: {  	v60 =	vld [tilespmem:$0x6500];
	v14 =	vsel vm0, v14, v58  }
0x5a: {  	vm0 =	vgt.s32 v14, v59  }
0x5b: {  	v61 =	vld [tilespmem:$0x6580];
	v14 =	vsel vm0, v14, v59  }
0x5c: {  	vm0 =	vgt.s32 v14, v15  }
0x5d: {  	v14 =	vsel vm0, v14, v15;
	v15 =	vld [tilespmem:$0x6600]  }
0x5e: {  	vm0 =	vgt.s32 v14, v60  }
0x5f: {  	v62 =	vld [tilespmem:$0x6680];
	v14 =	vsel vm0, v14, v60  }
0x60: {  	vm0 =	vgt.s32 v14, v61  }
0x61: {  	v63 =	vld [tilespmem:$0x6700];
	v14 =	vsel vm0, v14, v61  }
0x62: {  	vm0 =	vgt.s32 v14, v15  }
0x63: {  	v14 =	vsel vm0, v14, v15  }
0x64: {  	vm0 =	vgt.s32 v14, v62  }
0x65: {  	v14 =	vsel vm0, v14, v62  }
0x66: {  	vm0 =	vgt.s32 v14, v63  }
0x67: {  	v14 =	vsel vm0, v14, v63  }
0x68: {  	vm0 =	vgt.s32 v14, $0x0  }
0x69: {  	v14 =	vnsel vm0, $0x0, v14  }
0x6a: {  	v15 =	vperm.xlane v14, v1;
	_ =	sdelay $0x1  }
0x6b: {  	vm0 =	vgt.s32 v14, v15  }
0x6c: {  	v14 =	vsel vm0, v14, v15  }
0x6d: {  	v15 =	vperm.xlane v14, v3;
	_ =	sdelay $0x1  }
0x6e: {  	vm0 =	vgt.s32 v14, v15  }
0x6f: {  	v14 =	vsel vm0, v14, v15  }
0x70: {  	v15 =	vperm.xlane v14, v4;
	_ =	sdelay $0x1  }
0x71: {  	vm0 =	vgt.s32 v14, v15  }
0x72: {  	v14 =	vsel vm0, v14, v15  }
0x73: {  	v15 =	vperm.xlane v14, v5;
	_ =	sdelay $0x1  }
0x74: {  	vm0 =	vgt.s32 v14, v15  }
0x75: {  	v14 =	vsel vm0, v14, v15  }
0x76: {  	v14 =	vadd.s32 $0x1, v14  }
0x77: {  	s28 =	simm.s32 $0x40;
	s26 =	simm.s32 $0x0;
	v14 =	vmul.u32 v0, v14  }
.LBB2_6:
0x78: {  	p1 =	sne.s32 s28, $0x47C0;
	v15 =	vld [tilespmem:s26+$0x0];
	_ =	sdelay $0x4  }
0x79: {  	v15 =	vadd.s32 v14, v15  }
.Ltmp2:
0x7a: {  	(pc) =	sbr.rel @p1 .LBB2_6-.Ltmp2, $3  }
0x7b: {  	_ =	sdelay $0x1  }
0x7c: {  	[tilespmem:s26+$0x0] =	vst v15  }
0x7d: {  	s26 =	sshra.s32 s28, $0x2;
	s28 =	sadd.s32 $0x40, s28;
	[tilespmem:v15+s17+$0x0] =	vst.idx.add.s32.msk $0xffff, v6  }
0x7e: {  	v15 =	vld [tilespmem:s26+$0x0];
	_ =	sdelay $0x4  }
0x7f: {  	v14 =	vadd.s32 v14, v15;
	_ =	sdelay $0x3  }
0x80: {  	[tilespmem:s26+$0x0] =	vst v14  }
0x81: {  	[tilespmem:v14+s17+$0x0] =	vst.idx.add.s32.msk $0xffff, v6  }
0x82: {  	[tilespmem:$0x6F80] =	vst v7  }
0x83: {  	[tilespmem:$0x6F90] =	vst v8  }
0x84: {  	[tilespmem:$0x6FA0] =	vst v9  }
0x85: {  	[tilespmem:$0x6FB0] =	vst v10  }
0x86: {  	[spmem:s0] =	stream.indirect.scatter.add.s32 [tilespmem:s17], [sflag:$0x1], $0x80, s19, s18, $0xb8;
	[tilespmem:$0x7500] =	vst v63  }
0x87: {  	_ =	swait.ge [sflag:s14], $0x2000  }
0x88: {  	[sflag:s14] =	ssyncset.done $0x0  }
0x89: {  	[sflag:s14] =	ssyncadd.s32 $0xFFFFE000  }
0x8a: {  	[bflag:$0x0] =	sbarrier.arrive $0xFFFF  }
0x8b: {  	[tilespmem:s20], [sflag:$0x1] =	stream.linear.gather [spmem:s8], $0x200, $0x38;
	[tilespmem:$0x7500] =	vst v63  }
0x8c: {  	_ =	swait.ge [sflag:s14], $0x200  }
0x8d: {  	[sflag:s14] =	ssyncset.done $0x0  }
0x8e: {  	[sflag:s14] =	ssyncadd.s32 $0xFFFFFE00  }
0x8f: {  	v14 =	vld [tilespmem:$0x3200]  }
0x90: {  	v15 =	vld [tilespmem:$0x3210]  }
0x91: {  	v16 =	vld [tilespmem:$0x3220]  }
0x92: {  	v18 =	vld [tilespmem:$0x3240]  }
0x93: {  	v45 =	vld [tilespmem:$0x3260]  }
0x94: {  	v48 =	vld [tilespmem:$0x3270]  }
0x95: {  	v53 =	vld [tilespmem:$0x3280]  }
0x96: {  	v57 =	vld [tilespmem:$0x3290]  }
0x97: {  	v29 =	vld [tilespmem:$0x32A0]  }
0x98: {  	v37 =	vld [tilespmem:$0x32B0]  }
0x99: {  	v38 =	vld [tilespmem:$0x32C0]  }
0x9a: {  	v40 =	vld [tilespmem:$0x32D0]  }
0x9b: {  	vm0 =	vgt.s32 v14, $0x0;
	v14 =	vld [tilespmem:$0x3230]  }
0x9c: {  	vm12 =	vgt.s32 v15, $0x0;
	vm1 =	vgt.s32 v16, $0x0;
	v17 =	vsel vm0, $0x1, v11  }
0x9d: {  	vm3 =	vgt.s32 v18, $0x0;
	vm14 =	vgt.s32 v45, $0x0;
	v15 =	vsel vm12, $0x1, v11;
	(xrf0) =	vadd.scan.msk.s32 $0xffff, v17  }
0x9e: {  	vm15 =	vgt.s32 v48, $0x0;
	vm4 =	vgt.s32 v53, $0x0;
	vm5 =	vgt.s32 v57, $0x0;
	(xrf0) =	vadd.scan.msk.s32 $0xffff, v15;
	v15 =	vld [tilespmem:$0x3250]  }
0x9f: {  	vm6 =	vgt.s32 v29, $0x0;
	vm7 =	vgt.s32 v37, $0x0;
	vm8 =	vgt.s32 v38, $0x0  }
0xa0: {  	vm9 =	vgt.s32 v40, $0x0;
	v16 =	vsel vm1, $0x1, v11;
	vm2 =	vgt.s32 v14, $0x0  }
0xa1: {  	v46 =	vsel vm12, $0xFFFFFFFF, v11;
	v19 =	vsel vm3, $0x1, v11;
	v14 =	vsel vm2, $0x1, v11  }
0xa2: {  	v23 =	vsel vm3, $0xFFFFFFFF, v11;
	v51 =	vsel vm14, $0x1, v11;
	v56 =	vsel vm14, $0xFFFFFFFF, v11;
	(xrf0) =	vadd.scan.msk.s32 $0xffff, v16  }
0xa3: {  	v28 =	vsel vm15, $0x1, v11;
	v61 =	vsel vm15, $0xFFFFFFFF, v11;
	(xrf0) =	vadd.scan.msk.s32 $0xffff, v14;
	vm13 =	vgt.s32 v15, $0x0  }
0xa4: {  	v36 =	vsel vm4, $0x1, v11;
	v31 =	vsel vm4, $0xFFFFFFFF, v11;
	v14, _, _ =	vpop (xrf0);
	(xrf0) =	vadd.scan.msk.s32 $0xffff, v19;
	v47 =	vsel vm13, $0x1, v11  }
0xa5: {  	v39 =	vsel vm5, $0xFFFFFFFF, v11;
	v32 =	vsel vm5, $0x1, v11;
	v42 =	vsel vm6, $0x1, v11;
	v21, _, _ =	vpop (xrf0);
	(xrf0) =	vadd.scan.msk.s32 $0xffff, v47  }
0xa6: {  	v45 =	vsel vm6, $0xFFFFFFFF, v11;
	v48 =	vsel vm8, $0xFFFFFFFF, v11;
	v33 =	vsel vm8, $0x1, v11  }
0xa7: {  	v22 =	vsel vm2, $0xFFFFFFFF, v11;
	v15 =	vsel vm1, $0xFFFFFFFF, v11;
	v26 =	vsel vm13, $0xFFFFFFFF, v11;
	(xrf0) =	vadd.scan.msk.s32 $0xffff, v51  }
0xa8: {  	v20 =	vperm.xlane v14, v12;
	v14 =	vsub.s32 v14, v17;
	v24 =	vperm.xlane v21, v12;
	v25, _, _ =	vpop (xrf0)  }
0xa9: {  	v47 =	vld [tilespmem:$0x32E0];
	v51 =	vsel vm9, $0x1, v11;
	[tilespmem:$0x3400] =	vst v14;
	v14 =	vsel vm9, $0xFFFFFFFF, v11;
	v50 =	vperm.xlane v25, v12;
	v52, _, _ =	vpop (xrf0)  }
0xaa: {  	v18 =	vadd.s32 v46, v20;
	v49 =	vadd.s32 v20, v24;
	v54 =	vperm.xlane v52, v12;
	v55, _, _ =	vpop (xrf0)  }
0xab: {  	v46 =	vsel vm7, $0x1, v11;
	v16 =	vadd.s32 v49, v50;
	v58 =	vperm.xlane v55, v12;
	v27, _, _ =	vpop (xrf0);
	(xrf0) =	vadd.scan.msk.s32 $0xffff, v28  }
0xac: {  	v22 =	vadd.s32 v22, v16;
	v16 =	vadd.s32 v16, v54;
	v60 =	vperm.xlane v27, v12;
	(xrf0) =	vadd.scan.msk.s32 $0xffff, v36  }
0xad: {  	v17 =	vadd.s32 v21, v18;
	v59 =	vadd.s32 v23, v16;
	v63, _, _ =	vpop (xrf0);
	v16 =	vadd.s32 v16, v58;
	(xrf0) =	vadd.scan.msk.s32 $0xffff, v32  }
0xae: {  	v15 =	vadd.s32 v15, v49;
	vm10 =	vgt.s32 v47, $0x0;
	v62 =	vadd.s32 v16, v60  }
0xaf: {  	v18 =	vadd.s32 v52, v22;
	v30 =	vperm.xlane v63, v12;
	(xrf0) =	vadd.scan.msk.s32 $0xffff, v42;
	v22 =	vadd.s32 v56, v62;
	v56 =	vld [tilespmem:$0x32F0]  }
0xb0: {  	v15 =	vadd.s32 v25, v15;
	v28 =	vsel vm7, $0xFFFFFFFF, v11;
	v38 =	vsel vm10, $0xFFFFFFFF, v11;
	(xrf0) =	vadd.scan.msk.s32 $0xffff, v46;
	v46 =	vld [tilespmem:$0x3330]  }
0xb1: {  	v21 =	vadd.s32 v55, v59;
	v16 =	vadd.s32 v26, v16;
	v41 =	vadd.s32 v62, v30;
	v43, _, _ =	vpop (xrf0)  }
0xb2: {  	v20 =	vadd.s32 v61, v41;
	v22 =	vadd.s32 v63, v22;
	v63 =	vld [tilespmem:$0x3300];
	v44 =	vperm.xlane v43, v12;
	v49, _, _ =	vpop (xrf0)  }
0xb3: {  	v60 =	vsel vm10, $0x1, v11;
	v16 =	vadd.s32 v27, v16;
	v20 =	vadd.s32 v43, v20;
	v53, _, _ =	vpop (xrf0)  }
0xb4: {  	v50 =	vperm.xlane v49, v12;
	v26 =	vadd.s32 v41, v44;
	v54 =	vperm.xlane v53, v12  }
0xb5: {  	(xrf0) =	vadd.scan.msk.s32 $0xffff, v33;
	v55, _, _ =	vpop (xrf0);
	vm11 =	vgt.s32 v56, $0x0;
	vm15 =	vgt.s32 v46, $0x0;
	v52 =	vadd.s32 v31, v26  }
0xb6: {  	v43 =	vld [tilespmem:$0x3320];
	(xrf0) =	vadd.scan.msk.s32 $0xffff, v51;
	v26 =	vadd.s32 v26, v50;
	v57 =	vperm.xlane v55, v12;
	v40 =	vsel vm11, $0x1, v11  }
0xb7: {  	v62, _, _ =	vpop (xrf0);
	(xrf0) =	vadd.scan.msk.s32 $0xffff, v60;
	vm12 =	vgt.s32 v63, $0x0;
	v60 =	vsel vm15, $0x1, v11;
	v23 =	vadd.s32 v49, v52  }
0xb8: {  	[tilespmem:$0x3410] =	vst v17;
	v58 =	vadd.s32 v39, v26;
	v59 =	vadd.s32 v26, v54;
	v34 =	vperm.xlane v62, v12  }
0xb9: {  	[tilespmem:$0x3420] =	vst v15;
	v41 =	vld [tilespmem:$0x3310];
	v49 =	vsel vm12, $0x1, v11;
	v51 =	vsel vm12, $0xFFFFFFFF, v11;
	v17 =	vadd.s32 v53, v58  }
0xba: {  	[tilespmem:$0x3430] =	vst v18;
	v61 =	vadd.s32 v45, v59;
	v19 =	vadd.s32 v59, v57;
	v45 =	vsel vm11, $0xFFFFFFFF, v11  }
0xbb: {  	[tilespmem:$0x3440] =	vst v21;
	v50 =	vld [tilespmem:$0x3340];
	v35, _, _ =	vpop (xrf0);
	vm14 =	vgt.s32 v43, $0x0;
	v15 =	vadd.s32 v55, v61;
	v33 =	vadd.s32 v28, v19  }
0xbc: {  	[tilespmem:$0x3450] =	vst v16;
	v54 =	vld [tilespmem:$0x3350];
	v36 =	vperm.xlane v35, v12;
	v19 =	vadd.s32 v19, v34;
	v56 =	vsel vm14, $0xFFFFFFFF, v11  }
0xbd: {  	[tilespmem:$0x3460] =	vst v22;
	v57 =	vsel vm14, $0x1, v11;
	v61 =	vsel vm15, $0xFFFFFFFF, v11;
	v37, _, _ =	vpop (xrf0);
	v24 =	vadd.s32 v62, v33  }
0xbe: {  	[tilespmem:$0x3470] =	vst v20;
	v58 =	vld [tilespmem:$0x3360];
	v42 =	vadd.s32 v48, v19;
	vm13 =	vgt.s32 v41, $0x0;
	v39 =	vperm.xlane v37, v12  }
0xbf: {  	v34 =	vld [tilespmem:$0x3370];
	(xrf0) =	vadd.scan.msk.s32 $0xffff, v40;
	v18 =	vadd.s32 v19, v36;
	v25 =	vadd.s32 v35, v42;
	v52 =	vsel vm13, $0xFFFFFFFF, v11  }
0xc0: {  	(xrf0) =	vadd.scan.msk.s32 $0xffff, v49;
	v53 =	vsel vm13, $0x1, v11;
	vm4 =	vgt.s32 v50, $0x0;
	v14 =	vadd.s32 v14, v18  }
0xc1: {  	[tilespmem:$0x34A0] =	vst v15;
	v47, _, _ =	vpop (xrf0);
	v33 =	vsel vm4, $0x1, v11;
	v36 =	vsel vm4, $0xFFFFFFFF, v11;
	vm5 =	vgt.s32 v54, $0x0  }
0xc2: {  	(xrf0) =	vadd.scan.msk.s32 $0xffff, v53;
	v53 =	vld [tilespmem:$0x3390];
	v44 =	vadd.s32 v18, v39;
	v14 =	vadd.s32 v37, v14;
	v18 =	vperm.xlane v47, v12  }
0xc3: {  	(xrf0) =	vadd.scan.msk.s32 $0xffff, v57;
	v15 =	vsel vm5, $0xFFFFFFFF, v11;
	v19 =	vsel vm5, $0x1, v11;
	vm6 =	vgt.s32 v58, $0x0;
	v57 =	vld [tilespmem:$0x33A0]  }
0xc4: {  	[tilespmem:$0x3480] =	vst v23;
	v48 =	vadd.s32 v38, v44;
	v38 =	vsel vm6, $0x1, v11;
	vm7 =	vgt.s32 v34, $0x0  }
0xc5: {  	[tilespmem:$0x34C0] =	vst v25;
	v22 =	vadd.s32 v47, v48;
	v16 =	vadd.s32 v44, v18;
	v44 =	vsel vm6, $0xFFFFFFFF, v11;
	v55, _, _ =	vpop (xrf0)  }
0xc6: {  	v46 =	vsel vm7, $0x1, v11;
	v47 =	vld [tilespmem:$0x3380];
	v21 =	vadd.s32 v45, v16;
	(xrf0) =	vadd.scan.msk.s32 $0xffff, v60;
	v59 =	vperm.xlane v55, v12;
	v63, _, _ =	vpop (xrf0)  }
0xc7: {  	v60 =	vld [tilespmem:$0x33B0];
	v62 =	vadd.s32 v55, v21;
	(xrf0) =	vadd.scan.msk.s32 $0xffff, v33;
	vm9 =	vgt.s32 v53, $0x0;
	v35 =	vperm.xlane v63, v12  }
0xc8: {  	v37, _, _ =	vpop (xrf0);
	(xrf0) =	vadd.scan.msk.s32 $0xffff, v19;
	v25 =	vsel vm9, $0x1, v11;
	vm10 =	vgt.s32 v57, $0x0;
	v16 =	vadd.s32 v16, v59  }
0xc9: {  	v40 =	vperm.xlane v37, v12;
	v41, _, _ =	vpop (xrf0);
	(xrf0) =	vadd.scan.msk.s32 $0xffff, v38;
	v59 =	vsel vm7, $0xFFFFFFFF, v11;
	v38 =	vsel vm10, $0x1, v11  }
0xca: {  	[tilespmem:$0x3490] =	vst v17;
	v33 =	vld [tilespmem:$0x33D0];
	v20 =	vadd.s32 v51, v16;
	v16 =	vadd.s32 v16, v35;
	v42 =	vperm.xlane v41, v12  }
0xcb: {  	[tilespmem:$0x34F0] =	vst v62;
	v62 =	vld [tilespmem:$0x33C0];
	vm8 =	vgt.s32 v47, $0x0;
	v18 =	vadd.s32 v63, v20;
	v39 =	vadd.s32 v52, v16  }
0xcc: {  	[tilespmem:$0x34B0] =	vst v24;
	v16 =	vadd.s32 v16, v40;
	v35 =	vsel vm8, $0xFFFFFFFF, v11;
	vm11 =	vgt.s32 v60, $0x0  }
0xcd: {  	v43, _, _ =	vpop (xrf0);
	v20 =	vadd.s32 v37, v39;
	v48 =	vadd.s32 v56, v16;
	v16 =	vadd.s32 v16, v42;
	(xrf0) =	vadd.scan.msk.s32 $0xffff, v46  }
0xce: {  	[tilespmem:$0x34D0] =	vst v14;
	v37 =	vsel vm10, $0xFFFFFFFF, v11;
	v27 =	vsel vm11, $0xFFFFFFFF, v11;
	v39 =	vsel vm11, $0x1, v11  }
0xcf: {  	[tilespmem:$0x34E0] =	vst v22;
	vm13 =	vgt.s32 v33, $0x0;
	v45 =	vperm.xlane v43, v12;
	v14 =	vadd.s32 v61, v16  }
0xd0: {  	[tilespmem:$0x3500] =	vst v18;
	v49, _, _ =	vpop (xrf0);
	v21 =	vadd.s32 v41, v48;
	v61 =	vsel vm8, $0x1, v11;
	vm12 =	vgt.s32 v62, $0x0  }
0xd1: {  	[tilespmem:$0x3510] =	vst v20;
	v50 =	vperm.xlane v49, v12;
	v14 =	vadd.s32 v43, v14;
	v52, _, _ =	vpop (xrf0);
	v20 =	vsel vm12, $0xFFFFFFFF, v11  }
0xd2: {  	v41 =	vld [tilespmem:$0x33F0];
	[tilespmem:$0x3520] =	vst v21;
	v40 =	vsel vm12, $0x1, v11;
	v43 =	vsel vm13, $0xFFFFFFFF, v11;
	v16 =	vadd.s32 v16, v45;
	v56, _, _ =	vpop (xrf0)  }
0xd3: {  	v55 =	vperm.xlane v52, v12;
	[tilespmem:$0x3530] =	vst v14;
	v51 =	vadd.s32 v36, v16;
	v36 =	vld [tilespmem:$0x33E0];
	v32, _, _ =	vpop (xrf0);
	(xrf0) =	vadd.scan.msk.s32 $0xffff, v61  }
0xd4: {  	v14 =	vsel vm9, $0xFFFFFFFF, v11;
	v16 =	vadd.s32 v16, v50;
	v58 =	vperm.xlane v56, v12;
	(xrf0) =	vadd.scan.msk.s32 $0xffff, v25  }
0xd5: {  	v54 =	vadd.s32 v49, v51;
	v15 =	vadd.s32 v15, v16;
	v16 =	vadd.s32 v16, v55;
	(xrf0) =	vadd.scan.msk.s32 $0xffff, v38  }
0xd6: {  	v15 =	vadd.s32 v52, v15;
	v63 =	vadd.s32 v44, v16;
	v16 =	vadd.s32 v16, v58;
	(xrf0) =	vadd.scan.msk.s32 $0xffff, v39  }
0xd7: {  	v44 =	vsel vm13, $0x1, v11;
	vm15 =	vgt.s32 v41, $0x0;
	v34 =	vperm.xlane v32, v12;
	(xrf0) =	vadd.scan.msk.s32 $0xffff, v40  }
0xd8: {  	[tilespmem:$0x3540] =	vst v54;
	v22 =	vadd.s32 v56, v63;
	v54 =	vsel vm15, $0x1, v11;
	vm14 =	vgt.s32 v36, $0x0  }
0xd9: {  	v29 =	vsel vm15, $0xFFFFFFFF, v11;
	v21 =	vadd.s32 v16, v34;
	v47 =	vsel vm14, $0x1, v11;
	v42, _, _ =	vpop (xrf0);
	(xrf0) =	vadd.scan.msk.s32 $0xffff, v44  }
0xda: {  	v16 =	vadd.s32 v59, v16;
	v46 =	vadd.s32 v35, v21;
	v45 =	vperm.xlane v42, v12;
	v49, _, _ =	vpop (xrf0);
	(xrf0) =	vadd.scan.msk.s32 $0xffff, v47  }
0xdb: {  	[tilespmem:$0x3550] =	vst v15;
	v16 =	vadd.s32 v32, v16;
	v51 =	vsel vm14, $0xFFFFFFFF, v11;
	v50, _, _ =	vpop (xrf0);
	v15 =	vperm.xlane v49, v12  }
0xdc: {  	[tilespmem:$0x3560] =	vst v22;
	v48 =	vadd.s32 v42, v46;
	v21 =	vadd.s32 v21, v45;
	v52, _, _ =	vpop (xrf0);
	v53 =	vperm.xlane v50, v12  }
0xdd: {  	v14 =	vadd.s32 v14, v21;
	v15 =	vadd.s32 v21, v15;
	v55, _, _ =	vpop (xrf0);
	(xrf0) =	vadd.scan.msk.s32 $0xffff, v54;
	v56 =	vperm.xlane v52, v12  }
0xde: {  	[tilespmem:$0x3570] =	vst v16;
	v14 =	vadd.s32 v49, v14;
	v57 =	vadd.s32 v37, v15;
	v15 =	vadd.s32 v15, v53  }
0xdf: {  	[tilespmem:$0x3580] =	vst v48;
	v58 =	vperm.xlane v55, v12;
	v59, _, _ =	vpop (xrf0);
	v16 =	vadd.s32 v50, v57;
	v60 =	vadd.s32 v27, v15  }
0xe0: {  	v15 =	vadd.s32 v15, v56;
	[tilespmem:$0x3590] =	vst v14;
	v61, _, _ =	vpop (xrf0);
	v14 =	vadd.s32 v52, v60;
	v63 =	vperm.xlane v59, v12  }
0xe1: {  	v62 =	vadd.s32 v15, v58;
	[tilespmem:$0x35A0] =	vst v16;
	v15 =	vadd.s32 v20, v15;
	v27 =	vperm.xlane v61, v12  }
0xe2: {  	v26 =	vadd.s32 v43, v62;
	[tilespmem:$0x35B0] =	vst v14;
	v14 =	vadd.s32 v55, v15;
	v28 =	vadd.s32 v62, v63  }
0xe3: {  	v15 =	vadd.s32 v59, v26;
	[tilespmem:$0x35C0] =	vst v14;
	v14 =	vadd.s32 v51, v28;
	v16 =	vadd.s32 v28, v27;
	v30, _, _ =	vpop (xrf0)  }
0xe4: {  	[tilespmem:$0x35D0] =	vst v15;
	v14 =	vadd.s32 v61, v14;
	v15 =	vadd.s32 v29, v16;
	v31 =	vperm.xlane v30, v12  }
0xe5: {  	[tilespmem:$0x35E0] =	vst v14;
	v14 =	vadd.s32 v30, v15  }
0xe6: {  	[tilespmem:$0x35F0] =	vst v14;
	v14 =	vadd.s32 v16, v31  }
0xe7: {  	[tilespmem:$0x5F00] =	vst v14  }
0xe8: {  	[tilespmem:$0x5F10] =	vst v14  }
0xe9: {  	[tilespmem:$0x5F20] =	vst v14  }
0xea: {  	[tilespmem:$0x5F30] =	vst v14  }
0xeb: {  	[tilespmem:$0x5F40] =	vst v14  }
0xec: {  	[tilespmem:$0x5F50] =	vst v14  }
0xed: {  	[tilespmem:$0x5F60] =	vst v14  }
0xee: {  	[tilespmem:$0x5F70] =	vst v14  }
0xef: {  	[spmem:s9] =	stream.linear.scatter [tilespmem:s15], [sflag:$0x1], $0x80, $0x38;
	[tilespmem:$0x7500] =	vst v63  }
0xf0: {  	_ =	swait.ge [sflag:s14], $0x80  }
0xf1: {  	[sflag:s14] =	ssyncset.done $0x0  }
0xf2: {  	[sflag:s14] =	ssyncadd.s32 $0xFFFFFF80  }
0xf3: {  	[bflag:$0x0] =	sbarrier.arrive $0xFFFF  }
0xf4: {  	[tilespmem:s21], [sflag:$0x1] =	stream.linear.gather [spmem:s4], $0x800, $0x38;
	[tilespmem:$0x7500] =	vst v63  }
0xf5: {  	_ =	swait.ge [sflag:s14], $0x800  }
0xf6: {  	[sflag:s14] =	ssyncset.done $0x0  }
0xf7: {  	[sflag:s14] =	ssyncadd.s32 $0xFFFFF800  }
0xf8: {  	v14 =	vld.idx.msk [tilespmem:v13+s21+$0x0], $0xffff;
	_ =	sdelay $0x4  }
0xf9: {  	(xrf0) =	vadd.scan.msk.s32 $0xffff, v14;
	_ =	sdelay $0x4  }
0xfa: {  	v15 =	vld [tilespmem:$0x3400]  }
0xfb: {  	v33 =	vld [tilespmem:$0x3410];
	v32, _, _ =	vpop (xrf0)  }
0xfc: {  	v34 =	vld [tilespmem:$0x3420];
	v14 =	vsub.s32 v32, v14  }
0xfd: {  	v35 =	vld [tilespmem:$0x3430];
	v14 =	vperm.xlane v14, v2  }
0xfe: {  	v36 =	vld [tilespmem:$0x3440]  }
0xff: {  	v37 =	vld [tilespmem:$0x3450];
	v15 =	vadd.s32 v14, v15  }
0x100: {  	v38 =	vld [tilespmem:$0x3460];
	[tilespmem:$0x3400] =	vst v15;
	v15 =	vadd.s32 v14, v33  }
0x101: {  	v39 =	vld [tilespmem:$0x3470];
	[tilespmem:$0x3410] =	vst v15;
	v15 =	vadd.s32 v14, v34  }
0x102: {  	v40 =	vld [tilespmem:$0x3480];
	[tilespmem:$0x3420] =	vst v15;
	v15 =	vadd.s32 v14, v35  }
0x103: {  	v41 =	vld [tilespmem:$0x3490];
	[tilespmem:$0x3430] =	vst v15;
	v15 =	vadd.s32 v14, v36  }
0x104: {  	v42 =	vld [tilespmem:$0x34A0];
	[tilespmem:$0x3440] =	vst v15;
	v15 =	vadd.s32 v14, v37  }
0x105: {  	v43 =	vld [tilespmem:$0x34B0];
	[tilespmem:$0x3450] =	vst v15;
	v15 =	vadd.s32 v14, v38  }
0x106: {  	v44 =	vld [tilespmem:$0x34C0];
	[tilespmem:$0x3460] =	vst v15;
	v15 =	vadd.s32 v14, v39  }
0x107: {  	v45 =	vld [tilespmem:$0x34D0];
	[tilespmem:$0x3470] =	vst v15;
	v15 =	vadd.s32 v14, v40  }
0x108: {  	v46 =	vld [tilespmem:$0x34E0];
	[tilespmem:$0x3480] =	vst v15;
	v15 =	vadd.s32 v14, v41  }
0x109: {  	v47 =	vld [tilespmem:$0x34F0];
	[tilespmem:$0x3490] =	vst v15;
	v15 =	vadd.s32 v14, v42  }
0x10a: {  	v48 =	vld [tilespmem:$0x3500];
	[tilespmem:$0x34A0] =	vst v15;
	v15 =	vadd.s32 v14, v43  }
0x10b: {  	v49 =	vld [tilespmem:$0x3510];
	[tilespmem:$0x34B0] =	vst v15;
	v15 =	vadd.s32 v14, v44  }
0x10c: {  	v50 =	vld [tilespmem:$0x3520];
	[tilespmem:$0x34C0] =	vst v15;
	v15 =	vadd.s32 v14, v45  }
0x10d: {  	v51 =	vld [tilespmem:$0x3530];
	[tilespmem:$0x34D0] =	vst v15;
	v15 =	vadd.s32 v14, v46  }
0x10e: {  	v52 =	vld [tilespmem:$0x3540];
	[tilespmem:$0x34E0] =	vst v15;
	v15 =	vadd.s32 v14, v47  }
0x10f: {  	v53 =	vld [tilespmem:$0x3550];
	[tilespmem:$0x34F0] =	vst v15;
	v15 =	vadd.s32 v14, v48  }
0x110: {  	v54 =	vld [tilespmem:$0x3560];
	[tilespmem:$0x3500] =	vst v15;
	v15 =	vadd.s32 v14, v49  }
0x111: {  	v55 =	vld [tilespmem:$0x3570];
	[tilespmem:$0x3510] =	vst v15;
	v15 =	vadd.s32 v14, v50  }
0x112: {  	v56 =	vld [tilespmem:$0x3580];
	[tilespmem:$0x3520] =	vst v15;
	v15 =	vadd.s32 v14, v51  }
0x113: {  	v57 =	vld [tilespmem:$0x3590];
	[tilespmem:$0x3530] =	vst v15;
	v15 =	vadd.s32 v14, v52  }
0x114: {  	v58 =	vld [tilespmem:$0x35A0];
	[tilespmem:$0x3540] =	vst v15;
	v15 =	vadd.s32 v14, v53  }
0x115: {  	v59 =	vld [tilespmem:$0x35B0];
	[tilespmem:$0x3550] =	vst v15;
	v15 =	vadd.s32 v14, v54  }
0x116: {  	v60 =	vld [tilespmem:$0x35C0];
	[tilespmem:$0x3560] =	vst v15;
	v15 =	vadd.s32 v14, v55  }
0x117: {  	v61 =	vld [tilespmem:$0x35D0];
	[tilespmem:$0x3570] =	vst v15;
	v15 =	vadd.s32 v14, v56  }
0x118: {  	v62 =	vld [tilespmem:$0x35E0];
	[tilespmem:$0x3580] =	vst v15;
	v15 =	vadd.s32 v14, v57  }
0x119: {  	v63 =	vld [tilespmem:$0x35F0];
	[tilespmem:$0x3590] =	vst v15;
	v15 =	vadd.s32 v14, v58  }
0x11a: {  	[tilespmem:$0x35A0] =	vst v15;
	v15 =	vadd.s32 v14, v59  }
0x11b: {  	[tilespmem:$0x35B0] =	vst v15;
	v15 =	vadd.s32 v14, v60  }
0x11c: {  	[tilespmem:$0x35C0] =	vst v15;
	v15 =	vadd.s32 v14, v61  }
0x11d: {  	[tilespmem:$0x35D0] =	vst v15;
	v15 =	vadd.s32 v14, v62  }
0x11e: {  	v14 =	vadd.s32 v14, v63;
	[tilespmem:$0x35E0] =	vst v15  }
0x11f: {  	[tilespmem:$0x35F0] =	vst v14  }
0x120: {  	[spmem:s10] =	stream.linear.scatter [tilespmem:s22], [sflag:$0x1], $0x200, $0x38;
	[tilespmem:$0x7500] =	vst v63  }
0x121: {  	_ =	swait.ge [sflag:s14], $0x200  }
0x122: {  	[sflag:s14] =	ssyncset.done $0x0  }
0x123: {  	[sflag:s14] =	ssyncadd.s32 $0xFFFFFE00  }
0x124: {  	[bflag:$0x0] =	sbarrier.arrive $0xFFFF  }
0x125: {  	[tilespmem:s23], [sflag:$0x1] =	stream.linear.gather [spmem:s1], $0x2000, $0x38;
	[tilespmem:$0x7500] =	vst v63  }
0x126: {  	s31 =	simm.s32 $0x0;
	s28 =	sadd.s32 $0x0, s11;
	_ =	swait.ge [sflag:s14], $0x2000  }
0x127: {  	s28 =	sand.u32 $0x1F80, s28;
	s26 =	sand.u32 $0x70, s31;
	[sflag:s14] =	ssyncset.done $0x0  }
0x128: {  	s26 =	sor.u32 s26, s28;
	[sflag:s14] =	ssyncadd.s32 $0xFFFFE000  }
0x129: {  	v14 =	vld [tilespmem:s26+$0x0];
	_ =	sdelay $0x7  }
0x12a: {  	v14 =	vld.idx.msk [tilespmem:v14+s23+$0x0], $0xffff;
	_ =	sdelay $0x1  }
0x12b: {  	s30 =	sadd.s32 $0x10, s11  }
0x12c: {  	s29 =	simm.s32 $0x20;
	s28 =	simm.s32 $0x10;
	s26 =	simm.s32 $0x5600  }
.LBB2_8:
0x12d: {  	p1 =	sne.s32 s29, $0x8F0;
	s30 =	sand.u32 $0x1F80, s30;
	s28 =	sand.u32 $0x70, s28  }
0x12e: {  	s30 =	sor.u32 s28, s30;
	[tilespmem:s26+$0x0] =	vst v14;
	s28 =	smov.u32 s29  }
0x12f: {  	v14 =	vld [tilespmem:s30+$0x0];
	_ =	sdelay $0x7  }
.Ltmp3:
0x130: {  	v14 =	vld.idx.msk [tilespmem:v14+s23+$0x0], $0xffff;
	(pc) =	sbr.rel @p1 .LBB2_8-.Ltmp3, $2  }
0x131: {  	_ =	sdelay $0x2  }
0x132: {  	s29 =	sadd.s32 $0x10, s29;
	s26 =	sadd.s32 $0x10, s26;
	s30 =	sadd.s32 s28, s11  }
0x133: {  	s29 =	sand.u32 $0x1F80, s30;
	s28 =	sand.u32 $0x70, s28  }
0x134: {  	[tilespmem:s26+$0x0] =	vst v14;
	s28 =	sor.u32 s28, s29  }
0x135: {  	v14 =	vld [tilespmem:s28+$0x0];
	_ =	sdelay $0x7  }
0x136: {  	v14 =	vld.idx.msk [tilespmem:v14+s23+$0x0], $0xffff;
	_ =	sdelay $0x2  }
0x137: {  	s25 =	sadd.s32 $0x1, s25  }
0x138: {  	s31 =	sadd.s32 $0x10, s26;
	p1 =	sne.s32 s25, s13  }
.Ltmp4:
0x139: {  	[tilespmem:s31+$0x0] =	vst v14;
	(pc) =	sbr.rel @p1 .LBB2_1-.Ltmp4, $4  }
0x13a: {  	[hbm4b:s12+s5] =	stream.linear.scatter [tilespmem:s24], [sflag:$0x1], $0x900, $0x38;
	[tilespmem:$0x7500] =	vst v63  }
0x13b: {  	_ =	swait.ge [sflag:s14], $0x900  }
0x13c: {  	[sflag:s14] =	ssyncset.done $0x0  }
0x13d: {  	[sflag:s14] =	ssyncadd.s32 $0xFFFFF700  }
0x13e: {  	_ =	sfence.sel $0x180000  }
0x13f: {  	[bflag:$0x0] =	sbarrier.arrive $0xFFFF  }
0x140: {  	_ =	strace $0x90000047  }
0x141: {  	s0 =	sadd.s32 @!p0 $0x100000, s3;
	[bflag:$0x2] =	sbarrier.arrive $0xFFFF  }
0x142: {  	[sflag:s0] =	ssyncadd.tile.s32 @!p0 $0x1;
	_ =	shalt  }
.Lfunc_end2:
_tile_overlayer_lowered:
.L_overlay_start_2:
0x143: {  	(tag) =	ssettag $0x2  }
0x144: {  	s0 =	rddreg [dreg:$0x0];
	s2 =	stileid.u32  }
0x145: {  	s1 =	rddreg [dreg:$0x1];
	p0 =	sne.s32 s2, $0x0  }
0x146: {  	s3 =	rddreg [dreg:$0x2];
	[bflag:$0x3] =	sbarrier.arrive $0xFFFF;
	s2 =	simm.s32 @!p0 $0x1C01  }
0x147: {  	[timem:s3], [sflag:s2] =	dma.local @!p0 [hbm:s0], s1  }
0x148: {  	s0 =	simm.s32 @!p0 $0x1  }
0x149: {  	_ =	swait.ge @!p0 [sflag:s0], s1  }
0x14a: {  	s1 =	ssub.s32 @!p0 $0x0, s1;
	[sflag:s0] =	ssyncset.done @!p0 $0x0  }
0x14b: {  	[sflag:s0] =	ssyncadd.s32 @!p0 s1  }
0x14c: {  	[bflag:$0x3] =	sbarrier.arrive $0xFFFF  }
0x14d: {  	_ =	shalt  }

</sc_bundles>
